<compile_context>
chip_gen: v7x
topology: tpu7x:2x2x1
jax: 0.10.2.dev20260603
libtpu: 0.0.44.dev20260713+nightly
codegen_flags: <defaults>
</compile_context>

<pallas_src>
import jax
import jax.numpy as jnp
from jax import lax
from jax.experimental import pallas as pl
from jax.experimental.pallas import tpu as pltpu
from jax.experimental.pallas import tpu_sc as plsc

N_NODES = 10000
N_EDGES = 320000
D_IN = 128
N_HEADS = 8
UNITS = 16
HU = N_HEADS * UNITS
AW = HU + 16

CHUNK = 100
N_CHUNKS = N_EDGES // CHUNK
NW = 32
NBASE = N_CHUNKS // NW
NQUAD = NBASE // 4
TGO = 112
IW = 2 * TGO
HC = CHUNK // 2
N_GROUPS = N_NODES // 16


def _k1_body(x_ref, w_ref, at_ref, as_ref, xpa_ref, ftt_ref, mf_ref):
    i = pl.program_id(0)
    xb = x_ref[...]
    xp = jnp.dot(xb, w_ref[...], preferred_element_type=jnp.float32,
                 precision=lax.Precision.HIGHEST)
    ftt_ref[...] = jnp.dot(xp, at_ref[...], preferred_element_type=jnp.float32,
                           precision=lax.Precision.HIGHEST)
    fss = jnp.dot(xp, as_ref[...], preferred_element_type=jnp.float32,
                  precision=lax.Precision.HIGHEST)
    xpa_ref[...] = jnp.concatenate([xp, fss], axis=1)
    bm = jnp.max(fss, axis=0, keepdims=True)

    @pl.when(i == 0)
    def _():
        mf_ref[...] = bm

    @pl.when(i > 0)
    def _():
        mf_ref[...] = jnp.maximum(mf_ref[...], bm)


def _k1(x, w, a_t, a_s):
    blk = 10000
    grid = N_NODES // blk
    return pl.pallas_call(
        _k1_body,
        grid=(grid,),
        in_specs=[
            pl.BlockSpec((blk, D_IN), lambda i: (i, 0)),
            pl.BlockSpec((D_IN, HU), lambda i: (0, 0)),
            pl.BlockSpec((D_IN, 16), lambda i: (0, 0)),
            pl.BlockSpec((D_IN, 16), lambda i: (0, 0)),
        ],
        out_specs=[
            pl.BlockSpec((blk, AW), lambda i: (i, 0)),
            pl.BlockSpec((blk, 16), lambda i: (i, 0)),
            pl.BlockSpec((1, 16), lambda i: (0, 0)),
        ],
        out_shape=[
            jax.ShapeDtypeStruct((N_NODES, AW), jnp.float32),
            jax.ShapeDtypeStruct((N_NODES, 16), jnp.float32),
            jax.ShapeDtypeStruct((1, 16), jnp.float32),
        ],
    )(x, w, a_t, a_s)


def _k2_body(stc_h, ftt_h, xpa_h, mfs_h,
             acc_o,
             ia0, ia1, ib0, ib1, xpbufa, xpbufb, tbufa, tbufb,
             tixa0, tixa1, tixb0, tixb1,
             mfs_v, nacc,
             sga, sgb, ssa, ssb, sia0, sia1, sib0, sib1):
    cid = lax.axis_index("c")
    sid = lax.axis_index("s")
    wid = sid * 2 + cid

    zer = jnp.zeros((16,), jnp.float32)

    def zb(k, c):
        xpbufa[k // 9, pl.ds((k % 9) * 16, 16)] = zer
        return c
    lax.fori_loop(0, 16 * 9, zb, 0)

    n_my_g = (N_GROUPS - sid + 15) // 16

    def zg(k, c):
        r0 = (sid + k * 16) * 16
        pltpu.sync_copy(xpbufa.at[pl.ds(0, 16)], nacc.at[pl.ds(r0, 16)])
        return c
    lax.fori_loop(0, n_my_g, zg, 0)
    plsc.subcore_barrier()

    pltpu.sync_copy(mfs_h, mfs_v)
    mfs = mfs_v[:]
    hidx = [jnp.full((16,), h, jnp.int32) for h in range(N_HEADS)]

    gdn = lax.GatherDimensionNumbers(
        offset_dims=(), collapsed_slice_dims=(0,), start_index_map=(0,))

    def take16(vec, idx):
        return lax.gather(
            vec, idx[:, None], gdn, (1,),
            mode=lax.GatherScatterMode.PROMISE_IN_BOUNDS)

    seta = (xpbufa, tbufa, tixa0, tixa1, sga, ssa)
    setb = (xpbufb, tbufb, tixb0, tixb1, sgb, ssb)

    def idx_dma(c, ibuf, isem):
        return pltpu.make_async_copy(stc_h.at[wid + c * NW], ibuf, isem)

    def g_descs(bufs, ibuf):
        xpbuf, tbuf, _, _, sg, _ = bufs
        return (
            pltpu.make_async_copy(xpa_h.at[ibuf.at[pl.ds(0, CHUNK)]],
                                  xpbuf, sg),
            pltpu.make_async_copy(ftt_h.at[ibuf.at[pl.ds(TGO, CHUNK)]],
                                  tbuf, sg),
        )

    def s_descs(bufs):
        xpbuf, _, tix0, tix1, _, ss = bufs
        return (
            pltpu.make_async_copy(xpbuf.at[pl.ds(0, HC)], nacc.at[tix0], ss),
            pltpu.make_async_copy(xpbuf.at[pl.ds(HC, HC)], nacc.at[tix1], ss),
        )

    def prefetch(bufs, ibuf, isem, first=False):
        _, _, tix0, tix1, _, _ = bufs
        if not first:
            for d in s_descs(bufs):
                d.wait()
        idx_dma(0, ibuf, isem).wait()
        for k in range(3):
            tix0[pl.ds(k * 16, 16)] = ibuf[pl.ds(TGO + k * 16, 16)]
            tix1[pl.ds(k * 16, 16)] = ibuf[pl.ds(TGO + HC + k * 16, 16)]
        tix0[pl.ds(HC - 16, 16)] = ibuf[pl.ds(TGO + HC - 16, 16)]
        tix1[pl.ds(HC - 16, 16)] = ibuf[pl.ds(TGO + CHUNK - 16, 16)]
        for d in g_descs(bufs, ibuf):
            d.start()

    def process(bufs, ibuf, refill_c, isem):
        xpbuf, tbuf, tix0, tix1, sg, ss = bufs
        for d in g_descs(bufs, ibuf):
            d.wait()

        @pl.when(refill_c < NBASE)
        def _():
            idx_dma(refill_c, ibuf, isem).start()

        def edge_work(e):
            rt = tbuf[e, :]
            rs = xpbuf[e, pl.ds(HU, 16)]
            s = rt + rs
            s = jnp.maximum(s, 0.2 * s)
            cm = rt + mfs
            cm = jnp.maximum(cm, 0.2 * cm)
            p = jnp.exp(s - cm)
            xpbuf[e, pl.ds(HU, 16)] = p
            for h in range(N_HEADS):
                wv = take16(p, hidx[h])
                xv = xpbuf[e, pl.ds(h * UNITS, UNITS)]
                xpbuf[e, pl.ds(h * UNITS, UNITS)] = xv * wv

        plsc.parallel_loop(0, HC, unroll=2)(edge_work)
        pltpu.async_copy(xpbuf.at[pl.ds(0, HC)], nacc.at[tix0], ss, add=True)
        plsc.parallel_loop(HC, CHUNK, unroll=2)(edge_work)
        pltpu.async_copy(xpbuf.at[pl.ds(HC, HC)], nacc.at[tix1], ss, add=True)

    idx_dma(0, ia0, sia0).start()
    idx_dma(1, ib0, sib0).start()
    idx_dma(2, ia1, sia1).start()
    idx_dma(3, ib1, sib1).start()
    prefetch(seta, ia0, sia0, first=True)
    prefetch(setb, ib0, sib0, first=True)

    def quad_body(k, cc):
        c = 4 * k
        process(seta, ia0, c + 4, sia0)
        prefetch(seta, ia1, sia1)
        process(setb, ib0, c + 5, sib0)
        prefetch(setb, ib1, sib1)
        process(seta, ia1, c + 6, sia1)

        @pl.when(c + 4 < NBASE)
        def _():
            prefetch(seta, ia0, sia0)
        process(setb, ib1, c + 7, sib1)

        @pl.when(c + 5 < NBASE)
        def _():
            prefetch(setb, ib0, sib0)
        return cc
    lax.fori_loop(0, NQUAD, quad_body, 0)

    for d in s_descs(seta) + s_descs(setb):
        d.wait()

    plsc.subcore_barrier()

    def dg(k, c):
        r0 = (sid + k * 16) * 16
        pltpu.sync_copy(nacc.at[pl.ds(r0, 16)], acc_o.at[cid, pl.ds(r0, 16)])
        return c
    lax.fori_loop(0, n_my_g, dg, 0)


def _k2(stc, ftt, xpa, mfs):
    mesh = plsc.VectorSubcoreMesh(core_axis_name="c", subcore_axis_name="s")
    f = pl.kernel(
        _k2_body,
        mesh=mesh,
        out_type=jax.ShapeDtypeStruct((2, N_NODES, AW), jnp.float32),
        scratch_types=[
            pltpu.VMEM((IW,), jnp.int32),
            pltpu.VMEM((IW,), jnp.int32),
            pltpu.VMEM((IW,), jnp.int32),
            pltpu.VMEM((IW,), jnp.int32),
            pltpu.VMEM((CHUNK, AW), jnp.float32),
            pltpu.VMEM((CHUNK, AW), jnp.float32),
            pltpu.VMEM((CHUNK, 16), jnp.float32),
            pltpu.VMEM((CHUNK, 16), jnp.float32),
            pltpu.VMEM((HC,), jnp.int32),
            pltpu.VMEM((HC,), jnp.int32),
            pltpu.VMEM((HC,), jnp.int32),
            pltpu.VMEM((HC,), jnp.int32),
            pltpu.VMEM((16,), jnp.float32),
            pltpu.VMEM_SHARED((N_NODES, AW), jnp.float32),
            pltpu.SemaphoreType.DMA,
            pltpu.SemaphoreType.DMA,
            pltpu.SemaphoreType.DMA,
            pltpu.SemaphoreType.DMA,
            pltpu.SemaphoreType.DMA,
            pltpu.SemaphoreType.DMA,
            pltpu.SemaphoreType.DMA,
            pltpu.SemaphoreType.DMA,
        ],
        compiler_params=pltpu.CompilerParams(use_tc_tiling_on_sc=False),
    )
    return f(stc, ftt, xpa, mfs)


def _k3_body(a0, a1, r_ref, b_ref, o_ref):
    asum = a0[...] + a1[...]
    n = asum[:, :HU]
    z = asum[:, HU:]
    zfull = jnp.dot(z, r_ref[...], preferred_element_type=jnp.float32,
                    precision=lax.Precision.HIGHEST) + 1e-7
    v = n / zfull + b_ref[...]
    o_ref[...] = jnp.where(v > 0, v, jnp.exp(jnp.minimum(v, 0.0)) - 1.0)


def _k3(a0, a1, r, bias2d):
    blk = 10000
    grid = N_NODES // blk
    return pl.pallas_call(
        _k3_body,
        grid=(grid,),
        in_specs=[
            pl.BlockSpec((blk, AW), lambda i: (i, 0)),
            pl.BlockSpec((blk, AW), lambda i: (i, 0)),
            pl.BlockSpec((16, HU), lambda i: (0, 0)),
            pl.BlockSpec((1, HU), lambda i: (0, 0)),
        ],
        out_specs=pl.BlockSpec((blk, HU), lambda i: (i, 0)),
        out_shape=jax.ShapeDtypeStruct((N_NODES, HU), jnp.float32),
    )(a0, a1, r, bias2d)


def kernel(x, edges, training, kernel, kernel_attention1, kernel_attention2,
           bias):
    del training
    sources = edges[:, 0].astype(jnp.int32)
    targets = edges[:, 1].astype(jnp.int32)
    pad = jnp.zeros((N_CHUNKS, TGO - CHUNK), jnp.int32)
    stc = jnp.concatenate(
        [sources.reshape(N_CHUNKS, CHUNK), pad,
         targets.reshape(N_CHUNKS, CHUNK), pad], axis=1)

    eye = jnp.eye(N_HEADS, dtype=jnp.float32)
    a1 = (kernel_attention1.reshape(N_HEADS, UNITS)[:, :, None]
          * eye[:, None, :]).reshape(HU, N_HEADS)
    a2 = (kernel_attention2.reshape(N_HEADS, UNITS)[:, :, None]
          * eye[:, None, :]).reshape(HU, N_HEADS)
    a_t = jnp.concatenate([a1, a1], axis=1)
    a_s = jnp.concatenate([a2, a2], axis=1)

    xpa, ftt, mfs2d = _k1(x, kernel, a_t, a_s)

    acc_p = _k2(stc, ftt, xpa, mfs2d.reshape(16))

    r = (jnp.arange(HU)[None, :] // UNITS
         == jnp.arange(16)[:, None]).astype(jnp.float32)
    out = _k3(acc_p[0], acc_p[1], r, bias.reshape(1, HU))
    return out

# --- scband reference (transcript-rebuilt; emitter-appended) ---
"""Pipeline reference for scband-multi-head-graph-attention-75874892251862 (READ-ONLY COPY).

The authoritative reference and input builder live on the scoring server;
editing this copy changes nothing except your own understanding.
"""

import jax, jax.numpy as jnp
import numpy as np

N_NODES = 10000
N_EDGES = 320000
D_IN = 128
N_HEADS = 8
UNITS = 16


def setup_inputs(seed: int = 0) -> dict:
    key = jax.random.key(seed)
    k1, k2, k3, k4, k5 = jax.random.split(key, 5)
    x = jax.random.normal(k1, (N_NODES, D_IN), dtype=jnp.float32)
    edges = jax.random.randint(k2, (N_EDGES, 2), 0, N_NODES)
    # learned parameters (glorot-normal-ish init)
    kernel = jax.random.normal(k3, (D_IN, UNITS * N_HEADS), dtype=jnp.float32) * (2.0 / (D_IN + UNITS * N_HEADS)) ** 0.5
    kernel_attention1 = jax.random.normal(k4, (1, N_HEADS, UNITS), dtype=jnp.float32) * (2.0 / (1 + UNITS)) ** 0.5
    kernel_attention2 = jax.random.normal(k5, (1, N_HEADS, UNITS), dtype=jnp.float32) * (2.0 / (1 + UNITS)) ** 0.5
    bias = jnp.zeros((UNITS * N_HEADS,), dtype=jnp.float32)
    return {
        "x": x,
        "edges": edges,
        "training": False,
        "kernel": kernel,
        "kernel_attention1": kernel_attention1,
        "kernel_attention2": kernel_attention2,
        "bias": bias,
    }


def reference(x, edges, training, kernel, kernel_attention1, kernel_attention2, bias):
    # MultiHeadGraphAttention forward (use_v2=False, dropout_rate=0, merge_type='concat',
    # residual=False, use_bias=True, activation=elu). `training` is ignored since dropout=0.
    targets = edges[:, 1]
    sources = edges[:, 0]
    n_nodes = x.shape[-2]

    xp = jnp.tensordot(x, kernel, axes=1)               # [N, H*U]
    xp = jnp.reshape(xp, (-1, N_HEADS, UNITS))          # [N, H, U]
    xbias = xp  # v1 path: no attention bias

    f_t = jnp.sum(xbias * kernel_attention1, axis=-1)   # [N, H]
    f_s = jnp.sum(xbias * kernel_attention2, axis=-1)   # [N, H]
    f_t = jnp.take(f_t, targets, axis=0)                # [E, H]
    f_s = jnp.take(f_s, sources, axis=0)                # [E, H]
    scores = jax.nn.leaky_relu(f_t + f_s, negative_slope=0.2)  # keras default slope 0.2

    seg_max = jax.ops.segment_max(scores, targets, num_segments=n_nodes)
    scores = jnp.exp(scores - jnp.take(seg_max, targets, axis=0))
    seg_sum = jax.ops.segment_sum(scores, targets, num_segments=n_nodes) + 1e-07
    scores = scores / jnp.take(seg_sum, targets, axis=0)
    scores = scores[..., None]                          # [E, H, 1]

    out = scores * jnp.take(xp, sources, axis=0)        # [E, H, U]
    out = jax.ops.segment_sum(out, targets, num_segments=n_nodes)  # [N, H, U]
    out = jnp.reshape(out, (-1, N_HEADS * UNITS))       # concat merge

    out = out + bias
    return jax.nn.elu(out)

if __name__ == "__main__":
    import jax
    _d = setup_inputs()
    print(jax.jit(kernel)(*tuple(_d.values())))

</pallas_src>

<mosaic_0001>
#map = affine_map<(d0, d1) -> (0, 0)>
#map1 = affine_map<(d0, d1) -> (0)>
#map2 = affine_map<(d0, d1) -> (0, 0, 0)>
module attributes {stable_mosaic.version = 14 : i64} {
  func.func @_k2_body(%arg0: i32, %arg1: i32, %arg2: memref<3200x224xi32, #tpu.memory_space<hbm>>, %arg3: memref<10000x16xf32, #tpu.memory_space<hbm>>, %arg4: memref<10000x144xf32, #tpu.memory_space<hbm>>, %arg5: memref<16xf32, #tpu.memory_space<hbm>>, %arg6: memref<2x10000x144xf32, #tpu.memory_space<hbm>>, %arg7: memref<224xi32, #tpu.memory_space<vmem>>, %arg8: memref<224xi32, #tpu.memory_space<vmem>>, %arg9: memref<224xi32, #tpu.memory_space<vmem>>, %arg10: memref<224xi32, #tpu.memory_space<vmem>>, %arg11: memref<100x144xf32, #tpu.memory_space<vmem>>, %arg12: memref<100x144xf32, #tpu.memory_space<vmem>>, %arg13: memref<100x16xf32, #tpu.memory_space<vmem>>, %arg14: memref<100x16xf32, #tpu.memory_space<vmem>>, %arg15: memref<50xi32, #tpu.memory_space<vmem>>, %arg16: memref<50xi32, #tpu.memory_space<vmem>>, %arg17: memref<50xi32, #tpu.memory_space<vmem>>, %arg18: memref<50xi32, #tpu.memory_space<vmem>>, %arg19: memref<16xf32, #tpu.memory_space<vmem>>, %arg20: memref<10000x144xf32, #tpu.memory_space<vmem_shared>>, %arg21: memref<!tpu.dma_semaphore, #tpu.memory_space<semaphore_mem>>, %arg22: memref<!tpu.dma_semaphore, #tpu.memory_space<semaphore_mem>>, %arg23: memref<!tpu.dma_semaphore, #tpu.memory_space<semaphore_mem>>, %arg24: memref<!tpu.dma_semaphore, #tpu.memory_space<semaphore_mem>>, %arg25: memref<!tpu.dma_semaphore, #tpu.memory_space<semaphore_mem>>, %arg26: memref<!tpu.dma_semaphore, #tpu.memory_space<semaphore_mem>>, %arg27: memref<!tpu.dma_semaphore, #tpu.memory_space<semaphore_mem>>, %arg28: memref<!tpu.dma_semaphore, #tpu.memory_space<semaphore_mem>>) attributes {dimension_semantics = [#tpu.dimension_semantics<core_parallel>, #tpu.dimension_semantics<subcore_parallel>], iteration_bounds = array<i64: 2, 16>, scalar_prefetch = 0 : i64, scratch_operands = 22 : i64, tpu.core_type = #tpu.core_type<sc_vector_subcore>, window_params = [{transform_indices = #map}, {transform_indices = #map}, {transform_indices = #map}, {transform_indices = #map1}, {transform_indices = #map2}]} {
    %mul3A = arith.constant 2 : i32
    %mul3A_0 = arith.muli %arg1, %mul3A : i32
    %add3A = arith.addi %mul3A_0, %arg0 : i32
    %broadcast_in_dim3A = arith.constant 0.000000e+00 : f32
    %broadcast_in_dim3A_1 = vector.broadcast %broadcast_in_dim3A : f32 to vector<16xf32>
    %scan3A = arith.constant 0 : i32
    %scan3A_2 = arith.constant 0 : i32
    %scan3A_3 = arith.constant 144 : i32
    %scan3A_4 = arith.addi %scan3A_2, %scan3A_3 : i32
    %scan3A_5 = arith.constant 1 : i32
    scf.for %scan3A_272 = %scan3A_2 to %scan3A_4 step %scan3A_5  : i32 {
      %jit3A_273 = arith.constant 9 : i32
      %div3A_274 = arith.divsi %scan3A_272, %jit3A_273 : i32
      %sign3A_275 = arith.constant 0 : i32
      %sign3A_276 = arith.cmpi sgt, %scan3A_272, %sign3A_275 : i32
      %sign3A_277 = arith.extui %sign3A_276 : i1 to i32
      %sign3A_278 = arith.constant 0 : i32
      %sign3A_279 = arith.cmpi slt, %scan3A_272, %sign3A_278 : i32
      %sign3A_280 = arith.extui %sign3A_279 : i1 to i32
      %sign3A_281 = arith.subi %sign3A_277, %sign3A_280 : i32
      %sign3A_282 = arith.constant 0 : i32
      %sign3A_283 = arith.cmpi sgt, %jit3A_273, %sign3A_282 : i32
      %sign3A_284 = arith.extui %sign3A_283 : i1 to i32
      %sign3A_285 = arith.constant 0 : i32
      %sign3A_286 = arith.cmpi slt, %jit3A_273, %sign3A_285 : i32
      %sign3A_287 = arith.extui %sign3A_286 : i1 to i32
      %sign3A_288 = arith.subi %sign3A_284, %sign3A_287 : i32
      %ne3A_289 = arith.cmpi ne, %sign3A_281, %sign3A_288 : i32
      %rem3A_290 = arith.remsi %scan3A_272, %jit3A_273 : i32
      %ne3A_291 = arith.constant 0 : i32
      %ne3A_292 = arith.cmpi ne, %rem3A_290, %ne3A_291 : i32
      %and3A_293 = arith.andi %ne3A_289, %ne3A_292 : i1
      %sub3A_294 = arith.constant 1 : i32
      %sub3A_295 = arith.subi %div3A_274, %sub3A_294 : i32
      %select_n3A_296 = arith.select %and3A_293, %sub3A_295, %div3A_274 : i32
      %jit3A_297 = arith.constant 9 : i32
      %eq3A = arith.constant 0 : i32
      %eq3A_298 = arith.cmpi eq, %jit3A_297, %eq3A : i32
      %jit3A_299 = arith.constant 1 : i32
      %select_n3A_300 = arith.select %eq3A_298, %jit3A_299, %jit3A_297 : i32
      %rem3A_301 = arith.remsi %scan3A_272, %select_n3A_300 : i32
      %ne3A_302 = arith.constant 0 : i32
      %ne3A_303 = arith.cmpi ne, %rem3A_301, %ne3A_302 : i32
      %lt3A = arith.constant 0 : i32
      %lt3A_304 = arith.cmpi slt, %rem3A_301, %lt3A : i32
      %lt3A_305 = arith.constant 0 : i32
      %lt3A_306 = arith.cmpi slt, %select_n3A_300, %lt3A_305 : i32
      %ne3A_307 = arith.xori %lt3A_304, %lt3A_306 : i1
      %and3A_308 = arith.andi %ne3A_307, %ne3A_303 : i1
      %add3A_309 = arith.addi %rem3A_301, %select_n3A_300 : i32
      %select_n3A_310 = arith.select %and3A_308, %add3A_309, %rem3A_301 : i32
      %mul3A_311 = arith.constant 16 : i32
      %mul3A_312 = arith.muli %select_n3A_310, %mul3A_311 : i32
      %swap3A_313 = arith.index_cast %select_n3A_296 : i32 to index
      %swap3A_314 = arith.index_cast %mul3A_312 : i32 to index
      %swap3A_315 = tpu.vector_load %arg11[%swap3A_313, %swap3A_314] {strides = array<i32>} : memref<100x144xf32, #tpu.memory_space<vmem>>, vector<1x16xf32>,
      %swap3A_316 = vector.shape_cast %swap3A_315 : vector<1x16xf32> to vector<16xf32>
      %swap3A_317 = vector.shape_cast %broadcast_in_dim3A_1 : vector<16xf32> to vector<1x16xf32>
      tpu.vector_store %arg11[%swap3A_313, %swap3A_314], %swap3A_317 {strides = array<i32>} : memref<100x144xf32, #tpu.memory_space<vmem>>, vector<1x16xf32>,
    }
    %scan3A_6 = arith.constant 144 : i32
    %sub3A = arith.constant 625 : i32
    %sub3A_7 = arith.subi %sub3A, %arg1 : i32
    %add3A_8 = arith.constant 15 : i32
    %add3A_9 = arith.addi %sub3A_7, %add3A_8 : i32
    %jit3A = arith.constant 16 : i32
    %div3A = arith.divsi %add3A_9, %jit3A : i32
    %sign3A = arith.constant 0 : i32
    %sign3A_10 = arith.cmpi sgt, %add3A_9, %sign3A : i32
    %sign3A_11 = arith.extui %sign3A_10 : i1 to i32
    %sign3A_12 = arith.constant 0 : i32
    %sign3A_13 = arith.cmpi slt, %add3A_9, %sign3A_12 : i32
    %sign3A_14 = arith.extui %sign3A_13 : i1 to i32
    %sign3A_15 = arith.subi %sign3A_11, %sign3A_14 : i32
    %sign3A_16 = arith.constant 0 : i32
    %sign3A_17 = arith.cmpi sgt, %jit3A, %sign3A_16 : i32
    %sign3A_18 = arith.extui %sign3A_17 : i1 to i32
    %sign3A_19 = arith.constant 0 : i32
    %sign3A_20 = arith.cmpi slt, %jit3A, %sign3A_19 : i32
    %sign3A_21 = arith.extui %sign3A_20 : i1 to i32
    %sign3A_22 = arith.subi %sign3A_18, %sign3A_21 : i32
    %ne3A = arith.cmpi ne, %sign3A_15, %sign3A_22 : i32
    %rem3A = arith.remsi %add3A_9, %jit3A : i32
    %ne3A_23 = arith.constant 0 : i32
    %ne3A_24 = arith.cmpi ne, %rem3A, %ne3A_23 : i32
    %and3A = arith.andi %ne3A, %ne3A_24 : i1
    %sub3A_25 = arith.constant 1 : i32
    %sub3A_26 = arith.subi %div3A, %sub3A_25 : i32
    %select_n3A = arith.select %and3A, %sub3A_26, %div3A : i32
    %while3A = arith.constant 0 : i32
    %while3A_27 = arith.constant 0 : i32
    %while3A_28 = arith.subi %select_n3A, %while3A_27 : i32
    %while3A_29 = arith.addi %while3A_27, %while3A_28 : i32
    %while3A_30 = arith.constant 1 : i32
    %while3A_31 = arith.divsi %while3A_28, %while3A_30 : i32
    %while3A_32 = arith.muli %while3A_31, %while3A_30 : i32
    %while3A_33 = arith.addi %while3A_27, %while3A_32 : i32
    %while3A_34 = arith.constant 1 : i32
    scf.for %while3A_272 = %while3A_27 to %while3A_33 step %while3A_34  : i32 {
      %mul3A_273 = arith.constant 16 : i32
      %mul3A_274 = arith.muli %while3A_272, %mul3A_273 : i32
      %add3A_275 = arith.addi %arg1, %mul3A_274 : i32
      %mul3A_276 = arith.constant 16 : i32
      %mul3A_277 = arith.muli %add3A_275, %mul3A_276 : i32
      "tpu.region"() ({
        %run_scoped3A = tpu.sem_alloc : memref<!tpu.dma_semaphore, #tpu.memory_space<semaphore_mem>>
        %dma_start3A_278 = arith.constant 0 : i32
        %dma_start3A_279 = arith.constant 0 : i32
        %dma_start3A_280 = tpu.memref_slice %arg11[%dma_start3A_278, %dma_start3A_279] : memref<100x144xf32, #tpu.memory_space<vmem>> -> memref<16x144xf32, #tpu.memory_space<vmem>>
        %dma_start3A_281 = arith.constant 0 : i32
        %dma_start3A_282 = tpu.memref_slice %arg20[%mul3A_277, %dma_start3A_281] : memref<10000x144xf32, #tpu.memory_space<vmem_shared>> -> memref<16x144xf32, #tpu.memory_space<vmem_shared>>
        %dma_start3A_283 = arith.constant 0 : i32
        %dma_start3A_284 = tpu.memref_slice %arg20[%mul3A_277, %dma_start3A_283] : memref<10000x144xf32, #tpu.memory_space<vmem_shared>> -> memref<16x144xf32, #tpu.memory_space<vmem_shared>>
        %dma_start3A_285 = arith.constant 0 : i32
        %dma_start3A_286 = arith.constant 0 : i32
        %dma_start3A_287 = tpu.memref_slice %arg11[%dma_start3A_285, %dma_start3A_286] : memref<100x144xf32, #tpu.memory_space<vmem>> -> memref<16x144xf32, #tpu.memory_space<vmem>>
        tpu.enqueue_dma source(%dma_start3A_287 : memref<16x144xf32, #tpu.memory_space<vmem>>) target(%dma_start3A_284 : memref<16x144xf32, #tpu.memory_space<vmem_shared>>) target_semaphore(%run_scoped3A : memref<!tpu.dma_semaphore, #tpu.memory_space<semaphore_mem>>)
        %dma_wait3A_288 = arith.constant 0 : i32
        %dma_wait3A_289 = arith.constant 0 : i32
        %dma_wait3A_290 = tpu.memref_slice %arg11[%dma_wait3A_288, %dma_wait3A_289] : memref<100x144xf32, #tpu.memory_space<vmem>> -> memref<16x144xf32, #tpu.memory_space<vmem>>
        %dma_wait3A_291 = arith.constant 0 : i32
        %dma_wait3A_292 = tpu.memref_slice %arg20[%mul3A_277, %dma_wait3A_291] : memref<10000x144xf32, #tpu.memory_space<vmem_shared>> -> memref<16x144xf32, #tpu.memory_space<vmem_shared>>
        %dma_wait3A_293 = arith.constant 0 : i32
        %dma_wait3A_294 = tpu.memref_slice %arg20[%mul3A_277, %dma_wait3A_293] : memref<10000x144xf32, #tpu.memory_space<vmem_shared>> -> memref<16x144xf32, #tpu.memory_space<vmem_shared>>
        %dma_wait3A_295 = arith.constant 0 : i32
        %dma_wait3A_296 = arith.constant 0 : i32
        %dma_wait3A_297 = tpu.memref_slice %arg11[%dma_wait3A_295, %dma_wait3A_296] : memref<100x144xf32, #tpu.memory_space<vmem>> -> memref<16x144xf32, #tpu.memory_space<vmem>>
        tpu.wait_dma2 semaphore(%run_scoped3A : memref<!tpu.dma_semaphore, #tpu.memory_space<semaphore_mem>>) src(%dma_wait3A_297 : memref<16x144xf32, #tpu.memory_space<vmem>>) dst(%dma_wait3A_294 : memref<16x144xf32, #tpu.memory_space<vmem_shared>>)
        tpu.yield
      }) : () -> ()
    }
    %while3A_35 = arith.constant 1 : i32
    scf.for %while3A_272 = %while3A_33 to %while3A_29 step %while3A_35  : i32 {
      %mul3A_273 = arith.constant 16 : i32
      %mul3A_274 = arith.muli %while3A_272, %mul3A_273 : i32
      %add3A_275 = arith.addi %arg1, %mul3A_274 : i32
      %mul3A_276 = arith.constant 16 : i32
      %mul3A_277 = arith.muli %add3A_275, %mul3A_276 : i32
      "tpu.region"() ({
        %run_scoped3A = tpu.sem_alloc : memref<!tpu.dma_semaphore, #tpu.memory_space<semaphore_mem>>
        %dma_start3A_278 = arith.constant 0 : i32
        %dma_start3A_279 = arith.constant 0 : i32
        %dma_start3A_280 = tpu.memref_slice %arg11[%dma_start3A_278, %dma_start3A_279] : memref<100x144xf32, #tpu.memory_space<vmem>> -> memref<16x144xf32, #tpu.memory_space<vmem>>
        %dma_start3A_281 = arith.constant 0 : i32
        %dma_start3A_282 = tpu.memref_slice %arg20[%mul3A_277, %dma_start3A_281] : memref<10000x144xf32, #tpu.memory_space<vmem_shared>> -> memref<16x144xf32, #tpu.memory_space<vmem_shared>>
        %dma_start3A_283 = arith.constant 0 : i32
        %dma_start3A_284 = tpu.memref_slice %arg20[%mul3A_277, %dma_start3A_283] : memref<10000x144xf32, #tpu.memory_space<vmem_shared>> -> memref<16x144xf32, #tpu.memory_space<vmem_shared>>
        %dma_start3A_285 = arith.constant 0 : i32
        %dma_start3A_286 = arith.constant 0 : i32
        %dma_start3A_287 = tpu.memref_slice %arg11[%dma_start3A_285, %dma_start3A_286] : memref<100x144xf32, #tpu.memory_space<vmem>> -> memref<16x144xf32, #tpu.memory_space<vmem>>
        tpu.enqueue_dma source(%dma_start3A_287 : memref<16x144xf32, #tpu.memory_space<vmem>>) target(%dma_start3A_284 : memref<16x144xf32, #tpu.memory_space<vmem_shared>>) target_semaphore(%run_scoped3A : memref<!tpu.dma_semaphore, #tpu.memory_space<semaphore_mem>>)
        %dma_wait3A_288 = arith.constant 0 : i32
        %dma_wait3A_289 = arith.constant 0 : i32
        %dma_wait3A_290 = tpu.memref_slice %arg11[%dma_wait3A_288, %dma_wait3A_289] : memref<100x144xf32, #tpu.memory_space<vmem>> -> memref<16x144xf32, #tpu.memory_space<vmem>>
        %dma_wait3A_291 = arith.constant 0 : i32
        %dma_wait3A_292 = tpu.memref_slice %arg20[%mul3A_277, %dma_wait3A_291] : memref<10000x144xf32, #tpu.memory_space<vmem_shared>> -> memref<16x144xf32, #tpu.memory_space<vmem_shared>>
        %dma_wait3A_293 = arith.constant 0 : i32
        %dma_wait3A_294 = tpu.memref_slice %arg20[%mul3A_277, %dma_wait3A_293] : memref<10000x144xf32, #tpu.memory_space<vmem_shared>> -> memref<16x144xf32, #tpu.memory_space<vmem_shared>>
        %dma_wait3A_295 = arith.constant 0 : i32
        %dma_wait3A_296 = arith.constant 0 : i32
        %dma_wait3A_297 = tpu.memref_slice %arg11[%dma_wait3A_295, %dma_wait3A_296] : memref<100x144xf32, #tpu.memory_space<vmem>> -> memref<16x144xf32, #tpu.memory_space<vmem>>
        tpu.wait_dma2 semaphore(%run_scoped3A : memref<!tpu.dma_semaphore, #tpu.memory_space<semaphore_mem>>) src(%dma_wait3A_297 : memref<16x144xf32, #tpu.memory_space<vmem>>) dst(%dma_wait3A_294 : memref<16x144xf32, #tpu.memory_space<vmem_shared>>)
        tpu.yield
      }) : () -> ()
    }
    %barrier3A = arith.constant 0 : index
    tpu.barrier barrier_id(%barrier3A)
    "tpu.region"() ({
      %run_scoped3A = tpu.sem_alloc : memref<!tpu.dma_semaphore, #tpu.memory_space<semaphore_mem>>
      tpu.enqueue_dma source(%arg5 : memref<16xf32, #tpu.memory_space<hbm>>) target(%arg19 : memref<16xf32, #tpu.memory_space<vmem>>) target_semaphore(%run_scoped3A : memref<!tpu.dma_semaphore, #tpu.memory_space<semaphore_mem>>)
      tpu.wait_dma2 semaphore(%run_scoped3A : memref<!tpu.dma_semaphore, #tpu.memory_space<semaphore_mem>>) src(%arg5 : memref<16xf32, #tpu.memory_space<hbm>>) dst(%arg19 : memref<16xf32, #tpu.memory_space<vmem>>)
      tpu.yield
    }) : () -> ()
    %get3A = arith.constant 0 : index
    %get3A_36 = tpu.vector_load %arg19[%get3A] {strides = array<i32>} : memref<16xf32, #tpu.memory_space<vmem>>, vector<16xf32>,
    %get3A_37 = vector.shape_cast %get3A_36 : vector<16xf32> to vector<16xf32>
    %broadcast_in_dim3A_38 = arith.constant 0 : i32
    %broadcast_in_dim3A_39 = vector.broadcast %broadcast_in_dim3A_38 : i32 to vector<16xi32>
    %broadcast_in_dim3A_40 = arith.constant 1 : i32
    %broadcast_in_dim3A_41 = vector.broadcast %broadcast_in_dim3A_40 : i32 to vector<16xi32>
    %broadcast_in_dim3A_42 = arith.constant 2 : i32
    %broadcast_in_dim3A_43 = vector.broadcast %broadcast_in_dim3A_42 : i32 to vector<16xi32>
    %broadcast_in_dim3A_44 = arith.constant 3 : i32
    %broadcast_in_dim3A_45 = vector.broadcast %broadcast_in_dim3A_44 : i32 to vector<16xi32>
    %broadcast_in_dim3A_46 = arith.constant 4 : i32
    %broadcast_in_dim3A_47 = vector.broadcast %broadcast_in_dim3A_46 : i32 to vector<16xi32>
    %broadcast_in_dim3A_48 = arith.constant 5 : i32
    %broadcast_in_dim3A_49 = vector.broadcast %broadcast_in_dim3A_48 : i32 to vector<16xi32>
    %broadcast_in_dim3A_50 = arith.constant 6 : i32
    %broadcast_in_dim3A_51 = vector.broadcast %broadcast_in_dim3A_50 : i32 to vector<16xi32>
    %broadcast_in_dim3A_52 = arith.constant 7 : i32
    %broadcast_in_dim3A_53 = vector.broadcast %broadcast_in_dim3A_52 : i32 to vector<16xi32>
    %add3A_54 = arith.constant 0 : i32
    %add3A_55 = arith.addi %add3A, %add3A_54 : i32
    %dma_start3A = arith.constant 0 : i32
    %dma_start3A_56 = tpu.memref_slice %arg2[%add3A_55, %dma_start3A] : memref<3200x224xi32, #tpu.memory_space<hbm>> -> memref<1x224xi32, #tpu.memory_space<hbm>>
    %dma_start3A_57 = tpu.memref_squeeze %dma_start3A_56 : memref<1x224xi32, #tpu.memory_space<hbm>> -> memref<224xi32, #tpu.memory_space<hbm>>
    %dma_start3A_58 = arith.constant 0 : i32
    %dma_start3A_59 = tpu.memref_slice %arg2[%add3A_55, %dma_start3A_58] : memref<3200x224xi32, #tpu.memory_space<hbm>> -> memref<1x224xi32, #tpu.memory_space<hbm>>
    %dma_start3A_60 = tpu.memref_squeeze %dma_start3A_59 : memref<1x224xi32, #tpu.memory_space<hbm>> -> memref<224xi32, #tpu.memory_space<hbm>>
    tpu.enqueue_dma source(%dma_start3A_60 : memref<224xi32, #tpu.memory_space<hbm>>) target(%arg7 : memref<224xi32, #tpu.memory_space<vmem>>) target_semaphore(%arg25 : memref<!tpu.dma_semaphore, #tpu.memory_space<semaphore_mem>>)
    %add3A_61 = arith.constant 32 : i32
    %add3A_62 = arith.addi %add3A, %add3A_61 : i32
    %dma_start3A_63 = arith.constant 0 : i32
    %dma_start3A_64 = tpu.memref_slice %arg2[%add3A_62, %dma_start3A_63] : memref<3200x224xi32, #tpu.memory_space<hbm>> -> memref<1x224xi32, #tpu.memory_space<hbm>>
    %dma_start3A_65 = tpu.memref_squeeze %dma_start3A_64 : memref<1x224xi32, #tpu.memory_space<hbm>> -> memref<224xi32, #tpu.memory_space<hbm>>
    %dma_start3A_66 = arith.constant 0 : i32
    %dma_start3A_67 = tpu.memref_slice %arg2[%add3A_62, %dma_start3A_66] : memref<3200x224xi32, #tpu.memory_space<hbm>> -> memref<1x224xi32, #tpu.memory_space<hbm>>
    %dma_start3A_68 = tpu.memref_squeeze %dma_start3A_67 : memref<1x224xi32, #tpu.memory_space<hbm>> -> memref<224xi32, #tpu.memory_space<hbm>>
    tpu.enqueue_dma source(%dma_start3A_68 : memref<224xi32, #tpu.memory_space<hbm>>) target(%arg9 : memref<224xi32, #tpu.memory_space<vmem>>) target_semaphore(%arg27 : memref<!tpu.dma_semaphore, #tpu.memory_space<semaphore_mem>>)
    %add3A_69 = arith.constant 64 : i32
    %add3A_70 = arith.addi %add3A, %add3A_69 : i32
    %dma_start3A_71 = arith.constant 0 : i32
    %dma_start3A_72 = tpu.memref_slice %arg2[%add3A_70, %dma_start3A_71] : memref<3200x224xi32, #tpu.memory_space<hbm>> -> memref<1x224xi32, #tpu.memory_space<hbm>>
    %dma_start3A_73 = tpu.memref_squeeze %dma_start3A_72 : memref<1x224xi32, #tpu.memory_space<hbm>> -> memref<224xi32, #tpu.memory_space<hbm>>
    %dma_start3A_74 = arith.constant 0 : i32
    %dma_start3A_75 = tpu.memref_slice %arg2[%add3A_70, %dma_start3A_74] : memref<3200x224xi32, #tpu.memory_space<hbm>> -> memref<1x224xi32, #tpu.memory_space<hbm>>
    %dma_start3A_76 = tpu.memref_squeeze %dma_start3A_75 : memref<1x224xi32, #tpu.memory_space<hbm>> -> memref<224xi32, #tpu.memory_space<hbm>>
    tpu.enqueue_dma source(%dma_start3A_76 : memref<224xi32, #tpu.memory_space<hbm>>) target(%arg8 : memref<224xi32, #tpu.memory_space<vmem>>) target_semaphore(%arg26 : memref<!tpu.dma_semaphore, #tpu.memory_space<semaphore_mem>>)
    %add3A_77 = arith.constant 96 : i32
    %add3A_78 = arith.addi %add3A, %add3A_77 : i32
    %dma_start3A_79 = arith.constant 0 : i32
    %dma_start3A_80 = tpu.memref_slice %arg2[%add3A_78, %dma_start3A_79] : memref<3200x224xi32, #tpu.memory_space<hbm>> -> memref<1x224xi32, #tpu.memory_space<hbm>>
    %dma_start3A_81 = tpu.memref_squeeze %dma_start3A_80 : memref<1x224xi32, #tpu.memory_space<hbm>> -> memref<224xi32, #tpu.memory_space<hbm>>
    %dma_start3A_82 = arith.constant 0 : i32
    %dma_start3A_83 = tpu.memref_slice %arg2[%add3A_78, %dma_start3A_82] : memref<3200x224xi32, #tpu.memory_space<hbm>> -> memref<1x224xi32, #tpu.memory_space<hbm>>
    %dma_start3A_84 = tpu.memref_squeeze %dma_start3A_83 : memref<1x224xi32, #tpu.memory_space<hbm>> -> memref<224xi32, #tpu.memory_space<hbm>>
    tpu.enqueue_dma source(%dma_start3A_84 : memref<224xi32, #tpu.memory_space<hbm>>) target(%arg10 : memref<224xi32, #tpu.memory_space<vmem>>) target_semaphore(%arg28 : memref<!tpu.dma_semaphore, #tpu.memory_space<semaphore_mem>>)
    %add3A_85 = arith.constant 0 : i32
    %add3A_86 = arith.addi %add3A, %add3A_85 : i32
    %dma_wait3A = arith.constant 0 : i32
    %dma_wait3A_87 = tpu.memref_slice %arg2[%add3A_86, %dma_wait3A] : memref<3200x224xi32, #tpu.memory_space<hbm>> -> memref<1x224xi32, #tpu.memory_space<hbm>>
    %dma_wait3A_88 = tpu.memref_squeeze %dma_wait3A_87 : memref<1x224xi32, #tpu.memory_space<hbm>> -> memref<224xi32, #tpu.memory_space<hbm>>
    %dma_wait3A_89 = arith.constant 0 : i32
    %dma_wait3A_90 = tpu.memref_slice %arg2[%add3A_86, %dma_wait3A_89] : memref<3200x224xi32, #tpu.memory_space<hbm>> -> memref<1x224xi32, #tpu.memory_space<hbm>>
    %dma_wait3A_91 = tpu.memref_squeeze %dma_wait3A_90 : memref<1x224xi32, #tpu.memory_space<hbm>> -> memref<224xi32, #tpu.memory_space<hbm>>
    tpu.wait_dma2 semaphore(%arg25 : memref<!tpu.dma_semaphore, #tpu.memory_space<semaphore_mem>>) src(%dma_wait3A_91 : memref<224xi32, #tpu.memory_space<hbm>>) dst(%arg7 : memref<224xi32, #tpu.memory_space<vmem>>)
    %get3A_92 = arith.constant 112 : index
    %get3A_93 = tpu.vector_load %arg7[%get3A_92] {strides = array<i32>} : memref<224xi32, #tpu.memory_space<vmem>>, vector<16xi32>,
    %get3A_94 = vector.shape_cast %get3A_93 : vector<16xi32> to vector<16xi32>
    %swap3A = arith.constant 0 : index
    %swap3A_95 = tpu.vector_load %arg15[%swap3A] {strides = array<i32>} : memref<50xi32, #tpu.memory_space<vmem>>, vector<16xi32>,
    %swap3A_96 = vector.shape_cast %swap3A_95 : vector<16xi32> to vector<16xi32>
    %swap3A_97 = vector.shape_cast %get3A_94 : vector<16xi32> to vector<16xi32>
    tpu.vector_store %arg15[%swap3A], %swap3A_97 {strides = array<i32>} : memref<50xi32, #tpu.memory_space<vmem>>, vector<16xi32>,
    %get3A_98 = arith.constant 162 : index
    %get3A_99 = tpu.vector_load %arg7[%get3A_98] {strides = array<i32>} : memref<224xi32, #tpu.memory_space<vmem>>, vector<16xi32>,
    %get3A_100 = vector.shape_cast %get3A_99 : vector<16xi32> to vector<16xi32>
    %swap3A_101 = arith.constant 0 : index
    %swap3A_102 = tpu.vector_load %arg16[%swap3A_101] {strides = array<i32>} : memref<50xi32, #tpu.memory_space<vmem>>, vector<16xi32>,
    %swap3A_103 = vector.shape_cast %swap3A_102 : vector<16xi32> to vector<16xi32>
    %swap3A_104 = vector.shape_cast %get3A_100 : vector<16xi32> to vector<16xi32>
    tpu.vector_store %arg16[%swap3A_101], %swap3A_104 {strides = array<i32>} : memref<50xi32, #tpu.memory_space<vmem>>, vector<16xi32>,
    %get3A_105 = arith.constant 128 : index
    %get3A_106 = tpu.vector_load %arg7[%get3A_105] {strides = array<i32>} : memref<224xi32, #tpu.memory_space<vmem>>, vector<16xi32>,
    %get3A_107 = vector.shape_cast %get3A_106 : vector<16xi32> to vector<16xi32>
    %swap3A_108 = arith.constant 16 : index
    %swap3A_109 = tpu.vector_load %arg15[%swap3A_108] {strides = array<i32>} : memref<50xi32, #tpu.memory_space<vmem>>, vector<16xi32>,
    %swap3A_110 = vector.shape_cast %swap3A_109 : vector<16xi32> to vector<16xi32>
    %swap3A_111 = vector.shape_cast %get3A_107 : vector<16xi32> to vector<16xi32>
    tpu.vector_store %arg15[%swap3A_108], %swap3A_111 {strides = array<i32>} : memref<50xi32, #tpu.memory_space<vmem>>, vector<16xi32>,
    %get3A_112 = arith.constant 178 : index
    %get3A_113 = tpu.vector_load %arg7[%get3A_112] {strides = array<i32>} : memref<224xi32, #tpu.memory_space<vmem>>, vector<16xi32>,
    %get3A_114 = vector.shape_cast %get3A_113 : vector<16xi32> to vector<16xi32>
    %swap3A_115 = arith.constant 16 : index
    %swap3A_116 = tpu.vector_load %arg16[%swap3A_115] {strides = array<i32>} : memref<50xi32, #tpu.memory_space<vmem>>, vector<16xi32>,
    %swap3A_117 = vector.shape_cast %swap3A_116 : vector<16xi32> to vector<16xi32>
    %swap3A_118 = vector.shape_cast %get3A_114 : vector<16xi32> to vector<16xi32>
    tpu.vector_store %arg16[%swap3A_115], %swap3A_118 {strides = array<i32>} : memref<50xi32, #tpu.memory_space<vmem>>, vector<16xi32>,
    %get3A_119 = arith.constant 144 : index
    %get3A_120 = tpu.vector_load %arg7[%get3A_119] {strides = array<i32>} : memref<224xi32, #tpu.memory_space<vmem>>, vector<16xi32>,
    %get3A_121 = vector.shape_cast %get3A_120 : vector<16xi32> to vector<16xi32>
    %swap3A_122 = arith.constant 32 : index
    %swap3A_123 = tpu.vector_load %arg15[%swap3A_122] {strides = array<i32>} : memref<50xi32, #tpu.memory_space<vmem>>, vector<16xi32>,
    %swap3A_124 = vector.shape_cast %swap3A_123 : vector<16xi32> to vector<16xi32>
    %swap3A_125 = vector.shape_cast %get3A_121 : vector<16xi32> to vector<16xi32>
    tpu.vector_store %arg15[%swap3A_122], %swap3A_125 {strides = array<i32>} : memref<50xi32, #tpu.memory_space<vmem>>, vector<16xi32>,
    %get3A_126 = arith.constant 194 : index
    %get3A_127 = tpu.vector_load %arg7[%get3A_126] {strides = array<i32>} : memref<224xi32, #tpu.memory_space<vmem>>, vector<16xi32>,
    %get3A_128 = vector.shape_cast %get3A_127 : vector<16xi32> to vector<16xi32>
    %swap3A_129 = arith.constant 32 : index
    %swap3A_130 = tpu.vector_load %arg16[%swap3A_129] {strides = array<i32>} : memref<50xi32, #tpu.memory_space<vmem>>, vector<16xi32>,
    %swap3A_131 = vector.shape_cast %swap3A_130 : vector<16xi32> to vector<16xi32>
    %swap3A_132 = vector.shape_cast %get3A_128 : vector<16xi32> to vector<16xi32>
    tpu.vector_store %arg16[%swap3A_129], %swap3A_132 {strides = array<i32>} : memref<50xi32, #tpu.memory_space<vmem>>, vector<16xi32>,
    %get3A_133 = arith.constant 146 : index
    %get3A_134 = tpu.vector_load %arg7[%get3A_133] {strides = array<i32>} : memref<224xi32, #tpu.memory_space<vmem>>, vector<16xi32>,
    %get3A_135 = vector.shape_cast %get3A_134 : vector<16xi32> to vector<16xi32>
    %swap3A_136 = arith.constant 34 : index
    %swap3A_137 = tpu.vector_load %arg15[%swap3A_136] {strides = array<i32>} : memref<50xi32, #tpu.memory_space<vmem>>, vector<16xi32>,
    %swap3A_138 = vector.shape_cast %swap3A_137 : vector<16xi32> to vector<16xi32>
    %swap3A_139 = vector.shape_cast %get3A_135 : vector<16xi32> to vector<16xi32>
    tpu.vector_store %arg15[%swap3A_136], %swap3A_139 {strides = array<i32>} : memref<50xi32, #tpu.memory_space<vmem>>, vector<16xi32>,
    %get3A_140 = arith.constant 196 : index
    %get3A_141 = tpu.vector_load %arg7[%get3A_140] {strides = array<i32>} : memref<224xi32, #tpu.memory_space<vmem>>, vector<16xi32>,
    %get3A_142 = vector.shape_cast %get3A_141 : vector<16xi32> to vector<16xi32>
    %swap3A_143 = arith.constant 34 : index
    %swap3A_144 = tpu.vector_load %arg16[%swap3A_143] {strides = array<i32>} : memref<50xi32, #tpu.memory_space<vmem>>, vector<16xi32>,
    %swap3A_145 = vector.shape_cast %swap3A_144 : vector<16xi32> to vector<16xi32>
    %swap3A_146 = vector.shape_cast %get3A_142 : vector<16xi32> to vector<16xi32>
    tpu.vector_store %arg16[%swap3A_143], %swap3A_146 {strides = array<i32>} : memref<50xi32, #tpu.memory_space<vmem>>, vector<16xi32>,
    %dma_start3A_147 = arith.constant 0 : i32
    %dma_start3A_148 = tpu.memref_slice %arg7[%dma_start3A_147] : memref<224xi32, #tpu.memory_space<vmem>> -> memref<100xi32, #tpu.memory_space<vmem>>
    %dma_start3A_149 = arith.constant 0 : i32
    %dma_start3A_150 = arith.constant 0 : i32
    %dma_start3A_151 = tpu.memref_slice %arg4[%dma_start3A_149, %dma_start3A_150] : memref<10000x144xf32, #tpu.memory_space<hbm>> -> memref<10000x144xf32, #tpu.memory_space<hbm>>
    tpu.enqueue_indirect_dma source(%dma_start3A_151 : memref<10000x144xf32, #tpu.memory_space<hbm>>) target(%arg11 : memref<100x144xf32, #tpu.memory_space<vmem>>) offsets(%dma_start3A_148 : memref<100xi32, #tpu.memory_space<vmem>>) semaphore(%arg21 : memref<!tpu.dma_semaphore, #tpu.memory_space<semaphore_mem>>)
    %dma_start3A_152 = arith.constant 112 : i32
    %dma_start3A_153 = tpu.memref_slice %arg7[%dma_start3A_152] : memref<224xi32, #tpu.memory_space<vmem>> -> memref<100xi32, #tpu.memory_space<vmem>>
    %dma_start3A_154 = arith.constant 0 : i32
    %dma_start3A_155 = arith.constant 0 : i32
    %dma_start3A_156 = tpu.memref_slice %arg3[%dma_start3A_154, %dma_start3A_155] : memref<10000x16xf32, #tpu.memory_space<hbm>> -> memref<10000x16xf32, #tpu.memory_space<hbm>>
    tpu.enqueue_indirect_dma source(%dma_start3A_156 : memref<10000x16xf32, #tpu.memory_space<hbm>>) target(%arg13 : memref<100x16xf32, #tpu.memory_space<vmem>>) offsets(%dma_start3A_153 : memref<100xi32, #tpu.memory_space<vmem>>) semaphore(%arg21 : memref<!tpu.dma_semaphore, #tpu.memory_space<semaphore_mem>>)
    %add3A_157 = arith.constant 0 : i32
    %add3A_158 = arith.addi %add3A, %add3A_157 : i32
    %dma_wait3A_159 = arith.constant 0 : i32
    %dma_wait3A_160 = tpu.memref_slice %arg2[%add3A_158, %dma_wait3A_159] : memref<3200x224xi32, #tpu.memory_space<hbm>> -> memref<1x224xi32, #tpu.memory_space<hbm>>
    %dma_wait3A_161 = tpu.memref_squeeze %dma_wait3A_160 : memref<1x224xi32, #tpu.memory_space<hbm>> -> memref<224xi32, #tpu.memory_space<hbm>>
    %dma_wait3A_162 = arith.constant 0 : i32
    %dma_wait3A_163 = tpu.memref_slice %arg2[%add3A_158, %dma_wait3A_162] : memref<3200x224xi32, #tpu.memory_space<hbm>> -> memref<1x224xi32, #tpu.memory_space<hbm>>
    %dma_wait3A_164 = tpu.memref_squeeze %dma_wait3A_163 : memref<1x224xi32, #tpu.memory_space<hbm>> -> memref<224xi32, #tpu.memory_space<hbm>>
    tpu.wait_dma2 semaphore(%arg27 : memref<!tpu.dma_semaphore, #tpu.memory_space<semaphore_mem>>) src(%dma_wait3A_164 : memref<224xi32, #tpu.memory_space<hbm>>) dst(%arg9 : memref<224xi32, #tpu.memory_space<vmem>>)
    %get3A_165 = arith.constant 112 : index
    %get3A_166 = tpu.vector_load %arg9[%get3A_165] {strides = array<i32>} : memref<224xi32, #tpu.memory_space<vmem>>, vector<16xi32>,
    %get3A_167 = vector.shape_cast %get3A_166 : vector<16xi32> to vector<16xi32>
    %swap3A_168 = arith.constant 0 : index
    %swap3A_169 = tpu.vector_load %arg17[%swap3A_168] {strides = array<i32>} : memref<50xi32, #tpu.memory_space<vmem>>, vector<16xi32>,
    %swap3A_170 = vector.shape_cast %swap3A_169 : vector<16xi32> to vector<16xi32>
    %swap3A_171 = vector.shape_cast %get3A_167 : vector<16xi32> to vector<16xi32>
    tpu.vector_store %arg17[%swap3A_168], %swap3A_171 {strides = array<i32>} : memref<50xi32, #tpu.memory_space<vmem>>, vector<16xi32>,
    %get3A_172 = arith.constant 162 : index
    %get3A_173 = tpu.vector_load %arg9[%get3A_172] {strides = array<i32>} : memref<224xi32, #tpu.memory_space<vmem>>, vector<16xi32>,
    %get3A_174 = vector.shape_cast %get3A_173 : vector<16xi32> to vector<16xi32>
    %swap3A_175 = arith.constant 0 : index
    %swap3A_176 = tpu.vector_load %arg18[%swap3A_175] {strides = array<i32>} : memref<50xi32, #tpu.memory_space<vmem>>, vector<16xi32>,
    %swap3A_177 = vector.shape_cast %swap3A_176 : vector<16xi32> to vector<16xi32>
    %swap3A_178 = vector.shape_cast %get3A_174 : vector<16xi32> to vector<16xi32>
    tpu.vector_store %arg18[%swap3A_175], %swap3A_178 {strides = array<i32>} : memref<50xi32, #tpu.memory_space<vmem>>, vector<16xi32>,
    %get3A_179 = arith.constant 128 : index
    %get3A_180 = tpu.vector_load %arg9[%get3A_179] {strides = array<i32>} : memref<224xi32, #tpu.memory_space<vmem>>, vector<16xi32>,
    %get3A_181 = vector.shape_cast %get3A_180 : vector<16xi32> to vector<16xi32>
    %swap3A_182 = arith.constant 16 : index
    %swap3A_183 = tpu.vector_load %arg17[%swap3A_182] {strides = array<i32>} : memref<50xi32, #tpu.memory_space<vmem>>, vector<16xi32>,
    %swap3A_184 = vector.shape_cast %swap3A_183 : vector<16xi32> to vector<16xi32>
    %swap3A_185 = vector.shape_cast %get3A_181 : vector<16xi32> to vector<16xi32>
    tpu.vector_store %arg17[%swap3A_182], %swap3A_185 {strides = array<i32>} : memref<50xi32, #tpu.memory_space<vmem>>, vector<16xi32>,
    %get3A_186 = arith.constant 178 : index
    %get3A_187 = tpu.vector_load %arg9[%get3A_186] {strides = array<i32>} : memref<224xi32, #tpu.memory_space<vmem>>, vector<16xi32>,
    %get3A_188 = vector.shape_cast %get3A_187 : vector<16xi32> to vector<16xi32>
    %swap3A_189 = arith.constant 16 : index
    %swap3A_190 = tpu.vector_load %arg18[%swap3A_189] {strides = array<i32>} : memref<50xi32, #tpu.memory_space<vmem>>, vector<16xi32>,
    %swap3A_191 = vector.shape_cast %swap3A_190 : vector<16xi32> to vector<16xi32>
    %swap3A_192 = vector.shape_cast %get3A_188 : vector<16xi32> to vector<16xi32>
    tpu.vector_store %arg18[%swap3A_189], %swap3A_192 {strides = array<i32>} : memref<50xi32, #tpu.memory_space<vmem>>, vector<16xi32>,
    %get3A_193 = arith.constant 144 : index
    %get3A_194 = tpu.vector_load %arg9[%get3A_193] {strides = array<i32>} : memref<224xi32, #tpu.memory_space<vmem>>, vector<16xi32>,
    %get3A_195 = vector.shape_cast %get3A_194 : vector<16xi32> to vector<16xi32>
    %swap3A_196 = arith.constant 32 : index
    %swap3A_197 = tpu.vector_load %arg17[%swap3A_196] {strides = array<i32>} : memref<50xi32, #tpu.memory_space<vmem>>, vector<16xi32>,
    %swap3A_198 = vector.shape_cast %swap3A_197 : vector<16xi32> to vector<16xi32>
    %swap3A_199 = vector.shape_cast %get3A_195 : vector<16xi32> to vector<16xi32>
    tpu.vector_store %arg17[%swap3A_196], %swap3A_199 {strides = array<i32>} : memref<50xi32, #tpu.memory_space<vmem>>, vector<16xi32>,
    %get3A_200 = arith.constant 194 : index
    %get3A_201 = tpu.vector_load %arg9[%get3A_200] {strides = array<i32>} : memref<224xi32, #tpu.memory_space<vmem>>, vector<16xi32>,
    %get3A_202 = vector.shape_cast %get3A_201 : vector<16xi32> to vector<16xi32>
    %swap3A_203 = arith.constant 32 : index
    %swap3A_204 = tpu.vector_load %arg18[%swap3A_203] {strides = array<i32>} : memref<50xi32, #tpu.memory_space<vmem>>, vector<16xi32>,
    %swap3A_205 = vector.shape_cast %swap3A_204 : vector<16xi32> to vector<16xi32>
    %swap3A_206 = vector.shape_cast %get3A_202 : vector<16xi32> to vector<16xi32>
    tpu.vector_store %arg18[%swap3A_203], %swap3A_206 {strides = array<i32>} : memref<50xi32, #tpu.memory_space<vmem>>, vector<16xi32>,
    %get3A_207 = arith.constant 146 : index
    %get3A_208 = tpu.vector_load %arg9[%get3A_207] {strides = array<i32>} : memref<224xi32, #tpu.memory_space<vmem>>, vector<16xi32>,
    %get3A_209 = vector.shape_cast %get3A_208 : vector<16xi32> to vector<16xi32>
    %swap3A_210 = arith.constant 34 : index
    %swap3A_211 = tpu.vector_load %arg17[%swap3A_210] {strides = array<i32>} : memref<50xi32, #tpu.memory_space<vmem>>, vector<16xi32>,
    %swap3A_212 = vector.shape_cast %swap3A_211 : vector<16xi32> to vector<16xi32>
    %swap3A_213 = vector.shape_cast %get3A_209 : vector<16xi32> to vector<16xi32>
    tpu.vector_store %arg17[%swap3A_210], %swap3A_213 {strides = array<i32>} : memref<50xi32, #tpu.memory_space<vmem>>, vector<16xi32>,
    %get3A_214 = arith.constant 196 : index
    %get3A_215 = tpu.vector_load %arg9[%get3A_214] {strides = array<i32>} : memref<224xi32, #tpu.memory_space<vmem>>, vector<16xi32>,
    %get3A_216 = vector.shape_cast %get3A_215 : vector<16xi32> to vector<16xi32>
    %swap3A_217 = arith.constant 34 : index
    %swap3A_218 = tpu.vector_load %arg18[%swap3A_217] {strides = array<i32>} : memref<50xi32, #tpu.memory_space<vmem>>, vector<16xi32>,
    %swap3A_219 = vector.shape_cast %swap3A_218 : vector<16xi32> to vector<16xi32>
    %swap3A_220 = vector.shape_cast %get3A_216 : vector<16xi32> to vector<16xi32>
    tpu.vector_store %arg18[%swap3A_217], %swap3A_220 {strides = array<i32>} : memref<50xi32, #tpu.memory_space<vmem>>, vector<16xi32>,
    %dma_start3A_221 = arith.constant 0 : i32
    %dma_start3A_222 = tpu.memref_slice %arg9[%dma_start3A_221] : memref<224xi32, #tpu.memory_space<vmem>> -> memref<100xi32, #tpu.memory_space<vmem>>
    %dma_start3A_223 = arith.constant 0 : i32
    %dma_start3A_224 = arith.constant 0 : i32
    %dma_start3A_225 = tpu.memref_slice %arg4[%dma_start3A_223, %dma_start3A_224] : memref<10000x144xf32, #tpu.memory_space<hbm>> -> memref<10000x144xf32, #tpu.memory_space<hbm>>
    tpu.enqueue_indirect_dma source(%dma_start3A_225 : memref<10000x144xf32, #tpu.memory_space<hbm>>) target(%arg12 : memref<100x144xf32, #tpu.memory_space<vmem>>) offsets(%dma_start3A_222 : memref<100xi32, #tpu.memory_space<vmem>>) semaphore(%arg22 : memref<!tpu.dma_semaphore, #tpu.memory_space<semaphore_mem>>)
    %dma_start3A_226 = arith.constant 112 : i32
    %dma_start3A_227 = tpu.memref_slice %arg9[%dma_start3A_226] : memref<224xi32, #tpu.memory_space<vmem>> -> memref<100xi32, #tpu.memory_space<vmem>>
    %dma_start3A_228 = arith.constant 0 : i32
    %dma_start3A_229 = arith.constant 0 : i32
    %dma_start3A_230 = tpu.memref_slice %arg3[%dma_start3A_228, %dma_start3A_229] : memref<10000x16xf32, #tpu.memory_space<hbm>> -> memref<10000x16xf32, #tpu.memory_space<hbm>>
    tpu.enqueue_indirect_dma source(%dma_start3A_230 : memref<10000x16xf32, #tpu.memory_space<hbm>>) target(%arg14 : memref<100x16xf32, #tpu.memory_space<vmem>>) offsets(%dma_start3A_227 : memref<100xi32, #tpu.memory_space<vmem>>) semaphore(%arg22 : memref<!tpu.dma_semaphore, #tpu.memory_space<semaphore_mem>>)
    %scan3A_231 = arith.constant 0 : i32
    %scan3A_232 = arith.constant 0 : i32
    %scan3A_233 = arith.constant 25 : i32
    %scan3A_234 = arith.addi %scan3A_232, %scan3A_233 : i32
    %scan3A_235 = arith.constant 1 : i32
    scf.for %scan3A_272 = %scan3A_232 to %scan3A_234 step %scan3A_235  : i32 {
      %mul3A_273 = arith.constant 4 : i32
      %mul3A_274 = arith.muli %mul3A_273, %scan3A_272 : i32
      %add3A_275 = arith.constant 4 : i32
      %add3A_276 = arith.addi %mul3A_274, %add3A_275 : i32
      %dma_wait3A_277 = arith.constant 0 : i32
      %dma_wait3A_278 = tpu.memref_slice %arg7[%dma_wait3A_277] : memref<224xi32, #tpu.memory_space<vmem>> -> memref<100xi32, #tpu.memory_space<vmem>>
      %dma_wait3A_279 = arith.constant 0 : i32
      %dma_wait3A_280 = arith.constant 0 : i32
      %dma_wait3A_281 = tpu.memref_slice %arg4[%dma_wait3A_279, %dma_wait3A_280] : memref<10000x144xf32, #tpu.memory_space<hbm>> -> memref<10000x144xf32, #tpu.memory_space<hbm>>
      tpu.wait_indirect_dma semaphore(%arg21 : memref<!tpu.dma_semaphore, #tpu.memory_space<semaphore_mem>>) src(%dma_wait3A_281 : memref<10000x144xf32, #tpu.memory_space<hbm>>) dst(%arg11 : memref<100x144xf32, #tpu.memory_space<vmem>>)
      %dma_wait3A_282 = arith.constant 112 : i32
      %dma_wait3A_283 = tpu.memref_slice %arg7[%dma_wait3A_282] : memref<224xi32, #tpu.memory_space<vmem>> -> memref<100xi32, #tpu.memory_space<vmem>>
      %dma_wait3A_284 = arith.constant 0 : i32
      %dma_wait3A_285 = arith.constant 0 : i32
      %dma_wait3A_286 = tpu.memref_slice %arg3[%dma_wait3A_284, %dma_wait3A_285] : memref<10000x16xf32, #tpu.memory_space<hbm>> -> memref<10000x16xf32, #tpu.memory_space<hbm>>
      tpu.wait_indirect_dma semaphore(%arg21 : memref<!tpu.dma_semaphore, #tpu.memory_space<semaphore_mem>>) src(%dma_wait3A_286 : memref<10000x16xf32, #tpu.memory_space<hbm>>) dst(%arg13 : memref<100x16xf32, #tpu.memory_space<vmem>>)
      %lt3A = arith.constant 100 : i32
      %lt3A_287 = arith.cmpi slt, %add3A_276, %lt3A : i32
      %convert_element_type3A = arith.extui %lt3A_287 : i1 to i32
      %cond3A = arith.constant 0 : i32
      %cond3A_288 = arith.cmpi ne, %convert_element_type3A, %cond3A : i32
      scf.if %cond3A_288 {
        %mul3A_597 = arith.constant 32 : i32
        %mul3A_598 = arith.muli %add3A_276, %mul3A_597 : i32
        %add3A_599 = arith.addi %add3A, %mul3A_598 : i32
        %dma_start3A_600 = arith.constant 0 : i32
        %dma_start3A_601 = tpu.memref_slice %arg2[%add3A_599, %dma_start3A_600] : memref<3200x224xi32, #tpu.memory_space<hbm>> -> memref<1x224xi32, #tpu.memory_space<hbm>>
        %dma_start3A_602 = tpu.memref_squeeze %dma_start3A_601 : memref<1x224xi32, #tpu.memory_space<hbm>> -> memref<224xi32, #tpu.memory_space<hbm>>
        %dma_start3A_603 = arith.constant 0 : i32
        %dma_start3A_604 = tpu.memref_slice %arg2[%add3A_599, %dma_start3A_603] : memref<3200x224xi32, #tpu.memory_space<hbm>> -> memref<1x224xi32, #tpu.memory_space<hbm>>
        %dma_start3A_605 = tpu.memref_squeeze %dma_start3A_604 : memref<1x224xi32, #tpu.memory_space<hbm>> -> memref<224xi32, #tpu.memory_space<hbm>>
        tpu.enqueue_dma source(%dma_start3A_605 : memref<224xi32, #tpu.memory_space<hbm>>) target(%arg7 : memref<224xi32, #tpu.memory_space<vmem>>) target_semaphore(%arg25 : memref<!tpu.dma_semaphore, #tpu.memory_space<semaphore_mem>>)
      } else {
      }
      %parallel_loop3A = arith.constant 0 : i32
      %parallel_loop3A_289 = arith.constant 50 : i32
      %parallel_loop3A_290 = arith.constant 1 : i32
      scf.for %parallel_loop3A_597 = %parallel_loop3A to %parallel_loop3A_289 step %parallel_loop3A_290  : i32 {
        %parallel_loop3A_598 = arith.index_cast %parallel_loop3A_597 : i32 to index
        %parallel_loop3A_599 = arith.constant 0 : index
        %parallel_loop3A_600 = tpu.vector_load %arg13[%parallel_loop3A_598, %parallel_loop3A_599] {strides = array<i32>} : memref<100x16xf32, #tpu.memory_space<vmem>>, vector<1x16xf32>,
        %parallel_loop3A_601 = vector.shape_cast %parallel_loop3A_600 : vector<1x16xf32> to vector<16xf32>
        %parallel_loop3A_602 = arith.index_cast %parallel_loop3A_597 : i32 to index
        %parallel_loop3A_603 = arith.constant 128 : index
        %parallel_loop3A_604 = tpu.vector_load %arg11[%parallel_loop3A_602, %parallel_loop3A_603] {strides = array<i32>} : memref<100x144xf32, #tpu.memory_space<vmem>>, vector<1x16xf32>,
        %parallel_loop3A_605 = vector.shape_cast %parallel_loop3A_604 : vector<1x16xf32> to vector<16xf32>
        %parallel_loop3A_606 = arith.addf %parallel_loop3A_601, %parallel_loop3A_605 : vector<16xf32>
        %parallel_loop3A_607 = arith.constant 2.000000e-01 : f32
        %parallel_loop3A_608 = vector.broadcast %parallel_loop3A_607 : f32 to vector<16xf32>
        %parallel_loop3A_609 = arith.mulf %parallel_loop3A_608, %parallel_loop3A_606 : vector<16xf32>
        %parallel_loop3A_610 = arith.maximumf %parallel_loop3A_606, %parallel_loop3A_609 : vector<16xf32>
        %parallel_loop3A_611 = arith.addf %parallel_loop3A_601, %get3A_37 : vector<16xf32>
        %parallel_loop3A_612 = arith.constant 2.000000e-01 : f32
        %parallel_loop3A_613 = vector.broadcast %parallel_loop3A_612 : f32 to vector<16xf32>
        %parallel_loop3A_614 = arith.mulf %parallel_loop3A_613, %parallel_loop3A_611 : vector<16xf32>
        %parallel_loop3A_615 = arith.maximumf %parallel_loop3A_611, %parallel_loop3A_614 : vector<16xf32>
        %parallel_loop3A_616 = arith.subf %parallel_loop3A_610, %parallel_loop3A_615 : vector<16xf32>
        %parallel_loop3A_617 = math.exp %parallel_loop3A_616 : vector<16xf32>
        %parallel_loop3A_618 = arith.index_cast %parallel_loop3A_597 : i32 to index
        %parallel_loop3A_619 = arith.constant 128 : index
        %parallel_loop3A_620 = tpu.vector_load %arg11[%parallel_loop3A_618, %parallel_loop3A_619] {strides = array<i32>} : memref<100x144xf32, #tpu.memory_space<vmem>>, vector<1x16xf32>,
        %parallel_loop3A_621 = vector.shape_cast %parallel_loop3A_620 : vector<1x16xf32> to vector<16xf32>
        %parallel_loop3A_622 = vector.shape_cast %parallel_loop3A_617 : vector<16xf32> to vector<1x16xf32>
        tpu.vector_store %arg11[%parallel_loop3A_618, %parallel_loop3A_619], %parallel_loop3A_622 {strides = array<i32>} : memref<100x144xf32, #tpu.memory_space<vmem>>, vector<1x16xf32>,
        %parallel_loop3A_623 = vector.shape_cast %broadcast_in_dim3A_39 : vector<16xi32> to vector<16x1xi32>
        %parallel_loop3A_624 = vector.shape_cast %parallel_loop3A_623 : vector<16x1xi32> to vector<16xi32>
        %parallel_loop3A_625 = tpu.dynamic_gather %parallel_loop3A_617[%parallel_loop3A_624] in [0] : vector<16xf32>, vector<16xi32> -> vector<16xf32>
        %parallel_loop3A_626 = arith.index_cast %parallel_loop3A_597 : i32 to index
        %parallel_loop3A_627 = arith.constant 0 : index
        %parallel_loop3A_628 = tpu.vector_load %arg11[%parallel_loop3A_626, %parallel_loop3A_627] {strides = array<i32>} : memref<100x144xf32, #tpu.memory_space<vmem>>, vector<1x16xf32>,
        %parallel_loop3A_629 = vector.shape_cast %parallel_loop3A_628 : vector<1x16xf32> to vector<16xf32>
        %parallel_loop3A_630 = arith.mulf %parallel_loop3A_629, %parallel_loop3A_625 : vector<16xf32>
        %parallel_loop3A_631 = arith.index_cast %parallel_loop3A_597 : i32 to index
        %parallel_loop3A_632 = arith.constant 0 : index
        %parallel_loop3A_633 = tpu.vector_load %arg11[%parallel_loop3A_631, %parallel_loop3A_632] {strides = array<i32>} : memref<100x144xf32, #tpu.memory_space<vmem>>, vector<1x16xf32>,
        %parallel_loop3A_634 = vector.shape_cast %parallel_loop3A_633 : vector<1x16xf32> to vector<16xf32>
        %parallel_loop3A_635 = vector.shape_cast %parallel_loop3A_630 : vector<16xf32> to vector<1x16xf32>
        tpu.vector_store %arg11[%parallel_loop3A_631, %parallel_loop3A_632], %parallel_loop3A_635 {strides = array<i32>} : memref<100x144xf32, #tpu.memory_space<vmem>>, vector<1x16xf32>,
        %parallel_loop3A_636 = vector.shape_cast %broadcast_in_dim3A_41 : vector<16xi32> to vector<16x1xi32>
        %parallel_loop3A_637 = vector.shape_cast %parallel_loop3A_636 : vector<16x1xi32> to vector<16xi32>
        %parallel_loop3A_638 = tpu.dynamic_gather %parallel_loop3A_617[%parallel_loop3A_637] in [0] : vector<16xf32>, vector<16xi32> -> vector<16xf32>
        %parallel_loop3A_639 = arith.index_cast %parallel_loop3A_597 : i32 to index
        %parallel_loop3A_640 = arith.constant 16 : index
        %parallel_loop3A_641 = tpu.vector_load %arg11[%parallel_loop3A_639, %parallel_loop3A_640] {strides = array<i32>} : memref<100x144xf32, #tpu.memory_space<vmem>>, vector<1x16xf32>,
        %parallel_loop3A_642 = vector.shape_cast %parallel_loop3A_641 : vector<1x16xf32> to vector<16xf32>
        %parallel_loop3A_643 = arith.mulf %parallel_loop3A_642, %parallel_loop3A_638 : vector<16xf32>
        %parallel_loop3A_644 = arith.index_cast %parallel_loop3A_597 : i32 to index
        %parallel_loop3A_645 = arith.constant 16 : index
        %parallel_loop3A_646 = tpu.vector_load %arg11[%parallel_loop3A_644, %parallel_loop3A_645] {strides = array<i32>} : memref<100x144xf32, #tpu.memory_space<vmem>>, vector<1x16xf32>,
        %parallel_loop3A_647 = vector.shape_cast %parallel_loop3A_646 : vector<1x16xf32> to vector<16xf32>
        %parallel_loop3A_648 = vector.shape_cast %parallel_loop3A_643 : vector<16xf32> to vector<1x16xf32>
        tpu.vector_store %arg11[%parallel_loop3A_644, %parallel_loop3A_645], %parallel_loop3A_648 {strides = array<i32>} : memref<100x144xf32, #tpu.memory_space<vmem>>, vector<1x16xf32>,
        %parallel_loop3A_649 = vector.shape_cast %broadcast_in_dim3A_43 : vector<16xi32> to vector<16x1xi32>
        %parallel_loop3A_650 = vector.shape_cast %parallel_loop3A_649 : vector<16x1xi32> to vector<16xi32>
        %parallel_loop3A_651 = tpu.dynamic_gather %parallel_loop3A_617[%parallel_loop3A_650] in [0] : vector<16xf32>, vector<16xi32> -> vector<16xf32>
        %parallel_loop3A_652 = arith.index_cast %parallel_loop3A_597 : i32 to index
        %parallel_loop3A_653 = arith.constant 32 : index
        %parallel_loop3A_654 = tpu.vector_load %arg11[%parallel_loop3A_652, %parallel_loop3A_653] {strides = array<i32>} : memref<100x144xf32, #tpu.memory_space<vmem>>, vector<1x16xf32>,
        %parallel_loop3A_655 = vector.shape_cast %parallel_loop3A_654 : vector<1x16xf32> to vector<16xf32>
        %parallel_loop3A_656 = arith.mulf %parallel_loop3A_655, %parallel_loop3A_651 : vector<16xf32>
        %parallel_loop3A_657 = arith.index_cast %parallel_loop3A_597 : i32 to index
        %parallel_loop3A_658 = arith.constant 32 : index
        %parallel_loop3A_659 = tpu.vector_load %arg11[%parallel_loop3A_657, %parallel_loop3A_658] {strides = array<i32>} : memref<100x144xf32, #tpu.memory_space<vmem>>, vector<1x16xf32>,
        %parallel_loop3A_660 = vector.shape_cast %parallel_loop3A_659 : vector<1x16xf32> to vector<16xf32>
        %parallel_loop3A_661 = vector.shape_cast %parallel_loop3A_656 : vector<16xf32> to vector<1x16xf32>
        tpu.vector_store %arg11[%parallel_loop3A_657, %parallel_loop3A_658], %parallel_loop3A_661 {strides = array<i32>} : memref<100x144xf32, #tpu.memory_space<vmem>>, vector<1x16xf32>,
        %parallel_loop3A_662 = vector.shape_cast %broadcast_in_dim3A_45 : vector<16xi32> to vector<16x1xi32>
        %parallel_loop3A_663 = vector.shape_cast %parallel_loop3A_662 : vector<16x1xi32> to vector<16xi32>
        %parallel_loop3A_664 = tpu.dynamic_gather %parallel_loop3A_617[%parallel_loop3A_663] in [0] : vector<16xf32>, vector<16xi32> -> vector<16xf32>
        %parallel_loop3A_665 = arith.index_cast %parallel_loop3A_597 : i32 to index
        %parallel_loop3A_666 = arith.constant 48 : index
        %parallel_loop3A_667 = tpu.vector_load %arg11[%parallel_loop3A_665, %parallel_loop3A_666] {strides = array<i32>} : memref<100x144xf32, #tpu.memory_space<vmem>>, vector<1x16xf32>,
        %parallel_loop3A_668 = vector.shape_cast %parallel_loop3A_667 : vector<1x16xf32> to vector<16xf32>
        %parallel_loop3A_669 = arith.mulf %parallel_loop3A_668, %parallel_loop3A_664 : vector<16xf32>
        %parallel_loop3A_670 = arith.index_cast %parallel_loop3A_597 : i32 to index
        %parallel_loop3A_671 = arith.constant 48 : index
        %parallel_loop3A_672 = tpu.vector_load %arg11[%parallel_loop3A_670, %parallel_loop3A_671] {strides = array<i32>} : memref<100x144xf32, #tpu.memory_space<vmem>>, vector<1x16xf32>,
        %parallel_loop3A_673 = vector.shape_cast %parallel_loop3A_672 : vector<1x16xf32> to vector<16xf32>
        %parallel_loop3A_674 = vector.shape_cast %parallel_loop3A_669 : vector<16xf32> to vector<1x16xf32>
        tpu.vector_store %arg11[%parallel_loop3A_670, %parallel_loop3A_671], %parallel_loop3A_674 {strides = array<i32>} : memref<100x144xf32, #tpu.memory_space<vmem>>, vector<1x16xf32>,
        %parallel_loop3A_675 = vector.shape_cast %broadcast_in_dim3A_47 : vector<16xi32> to vector<16x1xi32>
        %parallel_loop3A_676 = vector.shape_cast %parallel_loop3A_675 : vector<16x1xi32> to vector<16xi32>
        %parallel_loop3A_677 = tpu.dynamic_gather %parallel_loop3A_617[%parallel_loop3A_676] in [0] : vector<16xf32>, vector<16xi32> -> vector<16xf32>
        %parallel_loop3A_678 = arith.index_cast %parallel_loop3A_597 : i32 to index
        %parallel_loop3A_679 = arith.constant 64 : index
        %parallel_loop3A_680 = tpu.vector_load %arg11[%parallel_loop3A_678, %parallel_loop3A_679] {strides = array<i32>} : memref<100x144xf32, #tpu.memory_space<vmem>>, vector<1x16xf32>,
        %parallel_loop3A_681 = vector.shape_cast %parallel_loop3A_680 : vector<1x16xf32> to vector<16xf32>
        %parallel_loop3A_682 = arith.mulf %parallel_loop3A_681, %parallel_loop3A_677 : vector<16xf32>
        %parallel_loop3A_683 = arith.index_cast %parallel_loop3A_597 : i32 to index
        %parallel_loop3A_684 = arith.constant 64 : index
        %parallel_loop3A_685 = tpu.vector_load %arg11[%parallel_loop3A_683, %parallel_loop3A_684] {strides = array<i32>} : memref<100x144xf32, #tpu.memory_space<vmem>>, vector<1x16xf32>,
        %parallel_loop3A_686 = vector.shape_cast %parallel_loop3A_685 : vector<1x16xf32> to vector<16xf32>
        %parallel_loop3A_687 = vector.shape_cast %parallel_loop3A_682 : vector<16xf32> to vector<1x16xf32>
        tpu.vector_store %arg11[%parallel_loop3A_683, %parallel_loop3A_684], %parallel_loop3A_687 {strides = array<i32>} : memref<100x144xf32, #tpu.memory_space<vmem>>, vector<1x16xf32>,
        %parallel_loop3A_688 = vector.shape_cast %broadcast_in_dim3A_49 : vector<16xi32> to vector<16x1xi32>
        %parallel_loop3A_689 = vector.shape_cast %parallel_loop3A_688 : vector<16x1xi32> to vector<16xi32>
        %parallel_loop3A_690 = tpu.dynamic_gather %parallel_loop3A_617[%parallel_loop3A_689] in [0] : vector<16xf32>, vector<16xi32> -> vector<16xf32>
        %parallel_loop3A_691 = arith.index_cast %parallel_loop3A_597 : i32 to index
        %parallel_loop3A_692 = arith.constant 80 : index
        %parallel_loop3A_693 = tpu.vector_load %arg11[%parallel_loop3A_691, %parallel_loop3A_692] {strides = array<i32>} : memref<100x144xf32, #tpu.memory_space<vmem>>, vector<1x16xf32>,
        %parallel_loop3A_694 = vector.shape_cast %parallel_loop3A_693 : vector<1x16xf32> to vector<16xf32>
        %parallel_loop3A_695 = arith.mulf %parallel_loop3A_694, %parallel_loop3A_690 : vector<16xf32>
        %parallel_loop3A_696 = arith.index_cast %parallel_loop3A_597 : i32 to index
        %parallel_loop3A_697 = arith.constant 80 : index
        %parallel_loop3A_698 = tpu.vector_load %arg11[%parallel_loop3A_696, %parallel_loop3A_697] {strides = array<i32>} : memref<100x144xf32, #tpu.memory_space<vmem>>, vector<1x16xf32>,
        %parallel_loop3A_699 = vector.shape_cast %parallel_loop3A_698 : vector<1x16xf32> to vector<16xf32>
        %parallel_loop3A_700 = vector.shape_cast %parallel_loop3A_695 : vector<16xf32> to vector<1x16xf32>
        tpu.vector_store %arg11[%parallel_loop3A_696, %parallel_loop3A_697], %parallel_loop3A_700 {strides = array<i32>} : memref<100x144xf32, #tpu.memory_space<vmem>>, vector<1x16xf32>,
        %parallel_loop3A_701 = vector.shape_cast %broadcast_in_dim3A_51 : vector<16xi32> to vector<16x1xi32>
        %parallel_loop3A_702 = vector.shape_cast %parallel_loop3A_701 : vector<16x1xi32> to vector<16xi32>
        %parallel_loop3A_703 = tpu.dynamic_gather %parallel_loop3A_617[%parallel_loop3A_702] in [0] : vector<16xf32>, vector<16xi32> -> vector<16xf32>
        %parallel_loop3A_704 = arith.index_cast %parallel_loop3A_597 : i32 to index
        %parallel_loop3A_705 = arith.constant 96 : index
        %parallel_loop3A_706 = tpu.vector_load %arg11[%parallel_loop3A_704, %parallel_loop3A_705] {strides = array<i32>} : memref<100x144xf32, #tpu.memory_space<vmem>>, vector<1x16xf32>,
        %parallel_loop3A_707 = vector.shape_cast %parallel_loop3A_706 : vector<1x16xf32> to vector<16xf32>
        %parallel_loop3A_708 = arith.mulf %parallel_loop3A_707, %parallel_loop3A_703 : vector<16xf32>
        %parallel_loop3A_709 = arith.index_cast %parallel_loop3A_597 : i32 to index
        %parallel_loop3A_710 = arith.constant 96 : index
        %parallel_loop3A_711 = tpu.vector_load %arg11[%parallel_loop3A_709, %parallel_loop3A_710] {strides = array<i32>} : memref<100x144xf32, #tpu.memory_space<vmem>>, vector<1x16xf32>,
        %parallel_loop3A_712 = vector.shape_cast %parallel_loop3A_711 : vector<1x16xf32> to vector<16xf32>
        %parallel_loop3A_713 = vector.shape_cast %parallel_loop3A_708 : vector<16xf32> to vector<1x16xf32>
        tpu.vector_store %arg11[%parallel_loop3A_709, %parallel_loop3A_710], %parallel_loop3A_713 {strides = array<i32>} : memref<100x144xf32, #tpu.memory_space<vmem>>, vector<1x16xf32>,
        %parallel_loop3A_714 = vector.shape_cast %broadcast_in_dim3A_53 : vector<16xi32> to vector<16x1xi32>
        %parallel_loop3A_715 = vector.shape_cast %parallel_loop3A_714 : vector<16x1xi32> to vector<16xi32>
        %parallel_loop3A_716 = tpu.dynamic_gather %parallel_loop3A_617[%parallel_loop3A_715] in [0] : vector<16xf32>, vector<16xi32> -> vector<16xf32>
        %parallel_loop3A_717 = arith.index_cast %parallel_loop3A_597 : i32 to index
        %parallel_loop3A_718 = arith.constant 112 : index
        %parallel_loop3A_719 = tpu.vector_load %arg11[%parallel_loop3A_717, %parallel_loop3A_718] {strides = array<i32>} : memref<100x144xf32, #tpu.memory_space<vmem>>, vector<1x16xf32>,
        %parallel_loop3A_720 = vector.shape_cast %parallel_loop3A_719 : vector<1x16xf32> to vector<16xf32>
        %parallel_loop3A_721 = arith.mulf %parallel_loop3A_720, %parallel_loop3A_716 : vector<16xf32>
        %parallel_loop3A_722 = arith.index_cast %parallel_loop3A_597 : i32 to index
        %parallel_loop3A_723 = arith.constant 112 : index
        %parallel_loop3A_724 = tpu.vector_load %arg11[%parallel_loop3A_722, %parallel_loop3A_723] {strides = array<i32>} : memref<100x144xf32, #tpu.memory_space<vmem>>, vector<1x16xf32>,
        %parallel_loop3A_725 = vector.shape_cast %parallel_loop3A_724 : vector<1x16xf32> to vector<16xf32>
        %parallel_loop3A_726 = vector.shape_cast %parallel_loop3A_721 : vector<16xf32> to vector<1x16xf32>
        tpu.vector_store %arg11[%parallel_loop3A_722, %parallel_loop3A_723], %parallel_loop3A_726 {strides = array<i32>} : memref<100x144xf32, #tpu.memory_space<vmem>>, vector<1x16xf32>,
      } {sc.loop_unroll_factor = 2 : i64, sc.parallel_access}
      %dma_start3A_291 = arith.constant 0 : i32
      %dma_start3A_292 = arith.constant 0 : i32
      %dma_start3A_293 = tpu.memref_slice %arg11[%dma_start3A_291, %dma_start3A_292] : memref<100x144xf32, #tpu.memory_space<vmem>> -> memref<50x144xf32, #tpu.memory_space<vmem>>
      %dma_start3A_294 = arith.constant 0 : i32
      %dma_start3A_295 = arith.constant 0 : i32
      %dma_start3A_296 = tpu.memref_slice %arg20[%dma_start3A_294, %dma_start3A_295] : memref<10000x144xf32, #tpu.memory_space<vmem_shared>> -> memref<10000x144xf32, #tpu.memory_space<vmem_shared>>
      tpu.enqueue_indirect_dma source(%dma_start3A_293 : memref<50x144xf32, #tpu.memory_space<vmem>>) target(%dma_start3A_296 : memref<10000x144xf32, #tpu.memory_space<vmem_shared>>) offsets(%arg15 : memref<50xi32, #tpu.memory_space<vmem>>) semaphore(%arg23 : memref<!tpu.dma_semaphore, #tpu.memory_space<semaphore_mem>>) {add = true}
      %parallel_loop3A_297 = arith.constant 50 : i32
      %parallel_loop3A_298 = arith.constant 100 : i32
      %parallel_loop3A_299 = arith.constant 1 : i32
      scf.for %parallel_loop3A_597 = %parallel_loop3A_297 to %parallel_loop3A_298 step %parallel_loop3A_299  : i32 {
        %parallel_loop3A_598 = arith.index_cast %parallel_loop3A_597 : i32 to index
        %parallel_loop3A_599 = arith.constant 0 : index
        %parallel_loop3A_600 = tpu.vector_load %arg13[%parallel_loop3A_598, %parallel_loop3A_599] {strides = array<i32>} : memref<100x16xf32, #tpu.memory_space<vmem>>, vector<1x16xf32>,
        %parallel_loop3A_601 = vector.shape_cast %parallel_loop3A_600 : vector<1x16xf32> to vector<16xf32>
        %parallel_loop3A_602 = arith.index_cast %parallel_loop3A_597 : i32 to index
        %parallel_loop3A_603 = arith.constant 128 : index
        %parallel_loop3A_604 = tpu.vector_load %arg11[%parallel_loop3A_602, %parallel_loop3A_603] {strides = array<i32>} : memref<100x144xf32, #tpu.memory_space<vmem>>, vector<1x16xf32>,
        %parallel_loop3A_605 = vector.shape_cast %parallel_loop3A_604 : vector<1x16xf32> to vector<16xf32>
        %parallel_loop3A_606 = arith.addf %parallel_loop3A_601, %parallel_loop3A_605 : vector<16xf32>
        %parallel_loop3A_607 = arith.constant 2.000000e-01 : f32
        %parallel_loop3A_608 = vector.broadcast %parallel_loop3A_607 : f32 to vector<16xf32>
        %parallel_loop3A_609 = arith.mulf %parallel_loop3A_608, %parallel_loop3A_606 : vector<16xf32>
        %parallel_loop3A_610 = arith.maximumf %parallel_loop3A_606, %parallel_loop3A_609 : vector<16xf32>
        %parallel_loop3A_611 = arith.addf %parallel_loop3A_601, %get3A_37 : vector<16xf32>
        %parallel_loop3A_612 = arith.constant 2.000000e-01 : f32
        %parallel_loop3A_613 = vector.broadcast %parallel_loop3A_612 : f32 to vector<16xf32>
        %parallel_loop3A_614 = arith.mulf %parallel_loop3A_613, %parallel_loop3A_611 : vector<16xf32>
        %parallel_loop3A_615 = arith.maximumf %parallel_loop3A_611, %parallel_loop3A_614 : vector<16xf32>
        %parallel_loop3A_616 = arith.subf %parallel_loop3A_610, %parallel_loop3A_615 : vector<16xf32>
        %parallel_loop3A_617 = math.exp %parallel_loop3A_616 : vector<16xf32>
        %parallel_loop3A_618 = arith.index_cast %parallel_loop3A_597 : i32 to index
        %parallel_loop3A_619 = arith.constant 128 : index
        %parallel_loop3A_620 = tpu.vector_load %arg11[%parallel_loop3A_618, %parallel_loop3A_619] {strides = array<i32>} : memref<100x144xf32, #tpu.memory_space<vmem>>, vector<1x16xf32>,
        %parallel_loop3A_621 = vector.shape_cast %parallel_loop3A_620 : vector<1x16xf32> to vector<16xf32>
        %parallel_loop3A_622 = vector.shape_cast %parallel_loop3A_617 : vector<16xf32> to vector<1x16xf32>
        tpu.vector_store %arg11[%parallel_loop3A_618, %parallel_loop3A_619], %parallel_loop3A_622 {strides = array<i32>} : memref<100x144xf32, #tpu.memory_space<vmem>>, vector<1x16xf32>,
        %parallel_loop3A_623 = vector.shape_cast %broadcast_in_dim3A_39 : vector<16xi32> to vector<16x1xi32>
        %parallel_loop3A_624 = vector.shape_cast %parallel_loop3A_623 : vector<16x1xi32> to vector<16xi32>
        %parallel_loop3A_625 = tpu.dynamic_gather %parallel_loop3A_617[%parallel_loop3A_624] in [0] : vector<16xf32>, vector<16xi32> -> vector<16xf32>
        %parallel_loop3A_626 = arith.index_cast %parallel_loop3A_597 : i32 to index
        %parallel_loop3A_627 = arith.constant 0 : index
        %parallel_loop3A_628 = tpu.vector_load %arg11[%parallel_loop3A_626, %parallel_loop3A_627] {strides = array<i32>} : memref<100x144xf32, #tpu.memory_space<vmem>>, vector<1x16xf32>,
        %parallel_loop3A_629 = vector.shape_cast %parallel_loop3A_628 : vector<1x16xf32> to vector<16xf32>
        %parallel_loop3A_630 = arith.mulf %parallel_loop3A_629, %parallel_loop3A_625 : vector<16xf32>
        %parallel_loop3A_631 = arith.index_cast %parallel_loop3A_597 : i32 to index
        %parallel_loop3A_632 = arith.constant 0 : index
        %parallel_loop3A_633 = tpu.vector_load %arg11[%parallel_loop3A_631, %parallel_loop3A_632] {strides = array<i32>} : memref<100x144xf32, #tpu.memory_space<vmem>>, vector<1x16xf32>,
        %parallel_loop3A_634 = vector.shape_cast %parallel_loop3A_633 : vector<1x16xf32> to vector<16xf32>
        %parallel_loop3A_635 = vector.shape_cast %parallel_loop3A_630 : vector<16xf32> to vector<1x16xf32>
        tpu.vector_store %arg11[%parallel_loop3A_631, %parallel_loop3A_632], %parallel_loop3A_635 {strides = array<i32>} : memref<100x144xf32, #tpu.memory_space<vmem>>, vector<1x16xf32>,
        %parallel_loop3A_636 = vector.shape_cast %broadcast_in_dim3A_41 : vector<16xi32> to vector<16x1xi32>
        %parallel_loop3A_637 = vector.shape_cast %parallel_loop3A_636 : vector<16x1xi32> to vector<16xi32>
        %parallel_loop3A_638 = tpu.dynamic_gather %parallel_loop3A_617[%parallel_loop3A_637] in [0] : vector<16xf32>, vector<16xi32> -> vector<16xf32>
        %parallel_loop3A_639 = arith.index_cast %parallel_loop3A_597 : i32 to index
        %parallel_loop3A_640 = arith.constant 16 : index
        %parallel_loop3A_641 = tpu.vector_load %arg11[%parallel_loop3A_639, %parallel_loop3A_640] {strides = array<i32>} : memref<100x144xf32, #tpu.memory_space<vmem>>, vector<1x16xf32>,
        %parallel_loop3A_642 = vector.shape_cast %parallel_loop3A_641 : vector<1x16xf32> to vector<16xf32>
        %parallel_loop3A_643 = arith.mulf %parallel_loop3A_642, %parallel_loop3A_638 : vector<16xf32>
        %parallel_loop3A_644 = arith.index_cast %parallel_loop3A_597 : i32 to index
        %parallel_loop3A_645 = arith.constant 16 : index
        %parallel_loop3A_646 = tpu.vector_load %arg11[%parallel_loop3A_644, %parallel_loop3A_645] {strides = array<i32>} : memref<100x144xf32, #tpu.memory_space<vmem>>, vector<1x16xf32>,
        %parallel_loop3A_647 = vector.shape_cast %parallel_loop3A_646 : vector<1x16xf32> to vector<16xf32>
        %parallel_loop3A_648 = vector.shape_cast %parallel_loop3A_643 : vector<16xf32> to vector<1x16xf32>
        tpu.vector_store %arg11[%parallel_loop3A_644, %parallel_loop3A_645], %parallel_loop3A_648 {strides = array<i32>} : memref<100x144xf32, #tpu.memory_space<vmem>>, vector<1x16xf32>,
        %parallel_loop3A_649 = vector.shape_cast %broadcast_in_dim3A_43 : vector<16xi32> to vector<16x1xi32>
        %parallel_loop3A_650 = vector.shape_cast %parallel_loop3A_649 : vector<16x1xi32> to vector<16xi32>
        %parallel_loop3A_651 = tpu.dynamic_gather %parallel_loop3A_617[%parallel_loop3A_650] in [0] : vector<16xf32>, vector<16xi32> -> vector<16xf32>
        %parallel_loop3A_652 = arith.index_cast %parallel_loop3A_597 : i32 to index
        %parallel_loop3A_653 = arith.constant 32 : index
        %parallel_loop3A_654 = tpu.vector_load %arg11[%parallel_loop3A_652, %parallel_loop3A_653] {strides = array<i32>} : memref<100x144xf32, #tpu.memory_space<vmem>>, vector<1x16xf32>,
        %parallel_loop3A_655 = vector.shape_cast %parallel_loop3A_654 : vector<1x16xf32> to vector<16xf32>
        %parallel_loop3A_656 = arith.mulf %parallel_loop3A_655, %parallel_loop3A_651 : vector<16xf32>
        %parallel_loop3A_657 = arith.index_cast %parallel_loop3A_597 : i32 to index
        %parallel_loop3A_658 = arith.constant 32 : index
        %parallel_loop3A_659 = tpu.vector_load %arg11[%parallel_loop3A_657, %parallel_loop3A_658] {strides = array<i32>} : memref<100x144xf32, #tpu.memory_space<vmem>>, vector<1x16xf32>,
        %parallel_loop3A_660 = vector.shape_cast %parallel_loop3A_659 : vector<1x16xf32> to vector<16xf32>
        %parallel_loop3A_661 = vector.shape_cast %parallel_loop3A_656 : vector<16xf32> to vector<1x16xf32>
        tpu.vector_store %arg11[%parallel_loop3A_657, %parallel_loop3A_658], %parallel_loop3A_661 {strides = array<i32>} : memref<100x144xf32, #tpu.memory_space<vmem>>, vector<1x16xf32>,
        %parallel_loop3A_662 = vector.shape_cast %broadcast_in_dim3A_45 : vector<16xi32> to vector<16x1xi32>
        %parallel_loop3A_663 = vector.shape_cast %parallel_loop3A_662 : vector<16x1xi32> to vector<16xi32>
        %parallel_loop3A_664 = tpu.dynamic_gather %parallel_loop3A_617[%parallel_loop3A_663] in [0] : vector<16xf32>, vector<16xi32> -> vector<16xf32>
        %parallel_loop3A_665 = arith.index_cast %parallel_loop3A_597 : i32 to index
        %parallel_loop3A_666 = arith.constant 48 : index
        %parallel_loop3A_667 = tpu.vector_load %arg11[%parallel_loop3A_665, %parallel_loop3A_666] {strides = array<i32>} : memref<100x144xf32, #tpu.memory_space<vmem>>, vector<1x16xf32>,
        %parallel_loop3A_668 = vector.shape_cast %parallel_loop3A_667 : vector<1x16xf32> to vector<16xf32>
        %parallel_loop3A_669 = arith.mulf %parallel_loop3A_668, %parallel_loop3A_664 : vector<16xf32>
        %parallel_loop3A_670 = arith.index_cast %parallel_loop3A_597 : i32 to index
        %parallel_loop3A_671 = arith.constant 48 : index
        %parallel_loop3A_672 = tpu.vector_load %arg11[%parallel_loop3A_670, %parallel_loop3A_671] {strides = array<i32>} : memref<100x144xf32, #tpu.memory_space<vmem>>, vector<1x16xf32>,
        %parallel_loop3A_673 = vector.shape_cast %parallel_loop3A_672 : vector<1x16xf32> to vector<16xf32>
        %parallel_loop3A_674 = vector.shape_cast %parallel_loop3A_669 : vector<16xf32> to vector<1x16xf32>
        tpu.vector_store %arg11[%parallel_loop3A_670, %parallel_loop3A_671], %parallel_loop3A_674 {strides = array<i32>} : memref<100x144xf32, #tpu.memory_space<vmem>>, vector<1x16xf32>,
        %parallel_loop3A_675 = vector.shape_cast %broadcast_in_dim3A_47 : vector<16xi32> to vector<16x1xi32>
        %parallel_loop3A_676 = vector.shape_cast %parallel_loop3A_675 : vector<16x1xi32> to vector<16xi32>
        %parallel_loop3A_677 = tpu.dynamic_gather %parallel_loop3A_617[%parallel_loop3A_676] in [0] : vector<16xf32>, vector<16xi32> -> vector<16xf32>
        %parallel_loop3A_678 = arith.index_cast %parallel_loop3A_597 : i32 to index
        %parallel_loop3A_679 = arith.constant 64 : index
        %parallel_loop3A_680 = tpu.vector_load %arg11[%parallel_loop3A_678, %parallel_loop3A_679] {strides = array<i32>} : memref<100x144xf32, #tpu.memory_space<vmem>>, vector<1x16xf32>,
        %parallel_loop3A_681 = vector.shape_cast %parallel_loop3A_680 : vector<1x16xf32> to vector<16xf32>
        %parallel_loop3A_682 = arith.mulf %parallel_loop3A_681, %parallel_loop3A_677 : vector<16xf32>
        %parallel_loop3A_683 = arith.index_cast %parallel_loop3A_597 : i32 to index
        %parallel_loop3A_684 = arith.constant 64 : index
        %parallel_loop3A_685 = tpu.vector_load %arg11[%parallel_loop3A_683, %parallel_loop3A_684] {strides = array<i32>} : memref<100x144xf32, #tpu.memory_space<vmem>>, vector<1x16xf32>,
        %parallel_loop3A_686 = vector.shape_cast %parallel_loop3A_685 : vector<1x16xf32> to vector<16xf32>
        %parallel_loop3A_687 = vector.shape_cast %parallel_loop3A_682 : vector<16xf32> to vector<1x16xf32>
        tpu.vector_store %arg11[%parallel_loop3A_683, %parallel_loop3A_684], %parallel_loop3A_687 {strides = array<i32>} : memref<100x144xf32, #tpu.memory_space<vmem>>, vector<1x16xf32>,
        %parallel_loop3A_688 = vector.shape_cast %broadcast_in_dim3A_49 : vector<16xi32> to vector<16x1xi32>
        %parallel_loop3A_689 = vector.shape_cast %parallel_loop3A_688 : vector<16x1xi32> to vector<16xi32>
        %parallel_loop3A_690 = tpu.dynamic_gather %parallel_loop3A_617[%parallel_loop3A_689] in [0] : vector<16xf32>, vector<16xi32> -> vector<16xf32>
        %parallel_loop3A_691 = arith.index_cast %parallel_loop3A_597 : i32 to index
        %parallel_loop3A_692 = arith.constant 80 : index
        %parallel_loop3A_693 = tpu.vector_load %arg11[%parallel_loop3A_691, %parallel_loop3A_692] {strides = array<i32>} : memref<100x144xf32, #tpu.memory_space<vmem>>, vector<1x16xf32>,
        %parallel_loop3A_694 = vector.shape_cast %parallel_loop3A_693 : vector<1x16xf32> to vector<16xf32>
        %parallel_loop3A_695 = arith.mulf %parallel_loop3A_694, %parallel_loop3A_690 : vector<16xf32>
        %parallel_loop3A_696 = arith.index_cast %parallel_loop3A_597 : i32 to index
        %parallel_loop3A_697 = arith.constant 80 : index
        %parallel_loop3A_698 = tpu.vector_load %arg11[%parallel_loop3A_696, %parallel_loop3A_697] {strides = array<i32>} : memref<100x144xf32, #tpu.memory_space<vmem>>, vector<1x16xf32>,
        %parallel_loop3A_699 = vector.shape_cast %parallel_loop3A_698 : vector<1x16xf32> to vector<16xf32>
        %parallel_loop3A_700 = vector.shape_cast %parallel_loop3A_695 : vector<16xf32> to vector<1x16xf32>
        tpu.vector_store %arg11[%parallel_loop3A_696, %parallel_loop3A_697], %parallel_loop3A_700 {strides = array<i32>} : memref<100x144xf32, #tpu.memory_space<vmem>>, vector<1x16xf32>,
        %parallel_loop3A_701 = vector.shape_cast %broadcast_in_dim3A_51 : vector<16xi32> to vector<16x1xi32>
        %parallel_loop3A_702 = vector.shape_cast %parallel_loop3A_701 : vector<16x1xi32> to vector<16xi32>
        %parallel_loop3A_703 = tpu.dynamic_gather %parallel_loop3A_617[%parallel_loop3A_702] in [0] : vector<16xf32>, vector<16xi32> -> vector<16xf32>
        %parallel_loop3A_704 = arith.index_cast %parallel_loop3A_597 : i32 to index
        %parallel_loop3A_705 = arith.constant 96 : index
        %parallel_loop3A_706 = tpu.vector_load %arg11[%parallel_loop3A_704, %parallel_loop3A_705] {strides = array<i32>} : memref<100x144xf32, #tpu.memory_space<vmem>>, vector<1x16xf32>,
        %parallel_loop3A_707 = vector.shape_cast %parallel_loop3A_706 : vector<1x16xf32> to vector<16xf32>
        %parallel_loop3A_708 = arith.mulf %parallel_loop3A_707, %parallel_loop3A_703 : vector<16xf32>
        %parallel_loop3A_709 = arith.index_cast %parallel_loop3A_597 : i32 to index
        %parallel_loop3A_710 = arith.constant 96 : index
        %parallel_loop3A_711 = tpu.vector_load %arg11[%parallel_loop3A_709, %parallel_loop3A_710] {strides = array<i32>} : memref<100x144xf32, #tpu.memory_space<vmem>>, vector<1x16xf32>,
        %parallel_loop3A_712 = vector.shape_cast %parallel_loop3A_711 : vector<1x16xf32> to vector<16xf32>
        %parallel_loop3A_713 = vector.shape_cast %parallel_loop3A_708 : vector<16xf32> to vector<1x16xf32>
        tpu.vector_store %arg11[%parallel_loop3A_709, %parallel_loop3A_710], %parallel_loop3A_713 {strides = array<i32>} : memref<100x144xf32, #tpu.memory_space<vmem>>, vector<1x16xf32>,
        %parallel_loop3A_714 = vector.shape_cast %broadcast_in_dim3A_53 : vector<16xi32> to vector<16x1xi32>
        %parallel_loop3A_715 = vector.shape_cast %parallel_loop3A_714 : vector<16x1xi32> to vector<16xi32>
        %parallel_loop3A_716 = tpu.dynamic_gather %parallel_loop3A_617[%parallel_loop3A_715] in [0] : vector<16xf32>, vector<16xi32> -> vector<16xf32>
        %parallel_loop3A_717 = arith.index_cast %parallel_loop3A_597 : i32 to index
        %parallel_loop3A_718 = arith.constant 112 : index
        %parallel_loop3A_719 = tpu.vector_load %arg11[%parallel_loop3A_717, %parallel_loop3A_718] {strides = array<i32>} : memref<100x144xf32, #tpu.memory_space<vmem>>, vector<1x16xf32>,
        %parallel_loop3A_720 = vector.shape_cast %parallel_loop3A_719 : vector<1x16xf32> to vector<16xf32>
        %parallel_loop3A_721 = arith.mulf %parallel_loop3A_720, %parallel_loop3A_716 : vector<16xf32>
        %parallel_loop3A_722 = arith.index_cast %parallel_loop3A_597 : i32 to index
        %parallel_loop3A_723 = arith.constant 112 : index
        %parallel_loop3A_724 = tpu.vector_load %arg11[%parallel_loop3A_722, %parallel_loop3A_723] {strides = array<i32>} : memref<100x144xf32, #tpu.memory_space<vmem>>, vector<1x16xf32>,
        %parallel_loop3A_725 = vector.shape_cast %parallel_loop3A_724 : vector<1x16xf32> to vector<16xf32>
        %parallel_loop3A_726 = vector.shape_cast %parallel_loop3A_721 : vector<16xf32> to vector<1x16xf32>
        tpu.vector_store %arg11[%parallel_loop3A_722, %parallel_loop3A_723], %parallel_loop3A_726 {strides = array<i32>} : memref<100x144xf32, #tpu.memory_space<vmem>>, vector<1x16xf32>,
      } {sc.loop_unroll_factor = 2 : i64, sc.parallel_access}
      %dma_start3A_300 = arith.constant 50 : i32
      %dma_start3A_301 = arith.constant 0 : i32
      %dma_start3A_302 = tpu.memref_slice %arg11[%dma_start3A_300, %dma_start3A_301] : memref<100x144xf32, #tpu.memory_space<vmem>> -> memref<50x144xf32, #tpu.memory_space<vmem>>
      %dma_start3A_303 = arith.constant 0 : i32
      %dma_start3A_304 = arith.constant 0 : i32
      %dma_start3A_305 = tpu.memref_slice %arg20[%dma_start3A_303, %dma_start3A_304] : memref<10000x144xf32, #tpu.memory_space<vmem_shared>> -> memref<10000x144xf32, #tpu.memory_space<vmem_shared>>
      tpu.enqueue_indirect_dma source(%dma_start3A_302 : memref<50x144xf32, #tpu.memory_space<vmem>>) target(%dma_start3A_305 : memref<10000x144xf32, #tpu.memory_space<vmem_shared>>) offsets(%arg16 : memref<50xi32, #tpu.memory_space<vmem>>) semaphore(%arg23 : memref<!tpu.dma_semaphore, #tpu.memory_space<semaphore_mem>>) {add = true}
      %dma_wait3A_306 = arith.constant 0 : i32
      %dma_wait3A_307 = arith.constant 0 : i32
      %dma_wait3A_308 = tpu.memref_slice %arg11[%dma_wait3A_306, %dma_wait3A_307] : memref<100x144xf32, #tpu.memory_space<vmem>> -> memref<50x144xf32, #tpu.memory_space<vmem>>
      %dma_wait3A_309 = arith.constant 0 : i32
      %dma_wait3A_310 = arith.constant 0 : i32
      %dma_wait3A_311 = tpu.memref_slice %arg20[%dma_wait3A_309, %dma_wait3A_310] : memref<10000x144xf32, #tpu.memory_space<vmem_shared>> -> memref<10000x144xf32, #tpu.memory_space<vmem_shared>>
      tpu.wait_indirect_dma semaphore(%arg23 : memref<!tpu.dma_semaphore, #tpu.memory_space<semaphore_mem>>) src(%dma_wait3A_308 : memref<50x144xf32, #tpu.memory_space<vmem>>) dst(%dma_wait3A_311 : memref<10000x144xf32, #tpu.memory_space<vmem_shared>>)
      %dma_wait3A_312 = arith.constant 50 : i32
      %dma_wait3A_313 = arith.constant 0 : i32
      %dma_wait3A_314 = tpu.memref_slice %arg11[%dma_wait3A_312, %dma_wait3A_313] : memref<100x144xf32, #tpu.memory_space<vmem>> -> memref<50x144xf32, #tpu.memory_space<vmem>>
      %dma_wait3A_315 = arith.constant 0 : i32
      %dma_wait3A_316 = arith.constant 0 : i32
      %dma_wait3A_317 = tpu.memref_slice %arg20[%dma_wait3A_315, %dma_wait3A_316] : memref<10000x144xf32, #tpu.memory_space<vmem_shared>> -> memref<10000x144xf32, #tpu.memory_space<vmem_shared>>
      tpu.wait_indirect_dma semaphore(%arg23 : memref<!tpu.dma_semaphore, #tpu.memory_space<semaphore_mem>>) src(%dma_wait3A_314 : memref<50x144xf32, #tpu.memory_space<vmem>>) dst(%dma_wait3A_317 : memref<10000x144xf32, #tpu.memory_space<vmem_shared>>)
      %add3A_318 = arith.constant 0 : i32
      %add3A_319 = arith.addi %add3A, %add3A_318 : i32
      %dma_wait3A_320 = arith.constant 0 : i32
      %dma_wait3A_321 = tpu.memref_slice %arg2[%add3A_319, %dma_wait3A_320] : memref<3200x224xi32, #tpu.memory_space<hbm>> -> memref<1x224xi32, #tpu.memory_space<hbm>>
      %dma_wait3A_322 = tpu.memref_squeeze %dma_wait3A_321 : memref<1x224xi32, #tpu.memory_space<hbm>> -> memref<224xi32, #tpu.memory_space<hbm>>
      %dma_wait3A_323 = arith.constant 0 : i32
      %dma_wait3A_324 = tpu.memref_slice %arg2[%add3A_319, %dma_wait3A_323] : memref<3200x224xi32, #tpu.memory_space<hbm>> -> memref<1x224xi32, #tpu.memory_space<hbm>>
      %dma_wait3A_325 = tpu.memref_squeeze %dma_wait3A_324 : memref<1x224xi32, #tpu.memory_space<hbm>> -> memref<224xi32, #tpu.memory_space<hbm>>
      tpu.wait_dma2 semaphore(%arg26 : memref<!tpu.dma_semaphore, #tpu.memory_space<semaphore_mem>>) src(%dma_wait3A_325 : memref<224xi32, #tpu.memory_space<hbm>>) dst(%arg8 : memref<224xi32, #tpu.memory_space<vmem>>)
      %get3A_326 = arith.constant 112 : index
      %get3A_327 = tpu.vector_load %arg8[%get3A_326] {strides = array<i32>} : memref<224xi32, #tpu.memory_space<vmem>>, vector<16xi32>,
      %get3A_328 = vector.shape_cast %get3A_327 : vector<16xi32> to vector<16xi32>
      %swap3A_329 = arith.constant 0 : index
      %swap3A_330 = tpu.vector_load %arg15[%swap3A_329] {strides = array<i32>} : memref<50xi32, #tpu.memory_space<vmem>>, vector<16xi32>,
      %swap3A_331 = vector.shape_cast %swap3A_330 : vector<16xi32> to vector<16xi32>
      %swap3A_332 = vector.shape_cast %get3A_328 : vector<16xi32> to vector<16xi32>
      tpu.vector_store %arg15[%swap3A_329], %swap3A_332 {strides = array<i32>} : memref<50xi32, #tpu.memory_space<vmem>>, vector<16xi32>,
      %get3A_333 = arith.constant 162 : index
      %get3A_334 = tpu.vector_load %arg8[%get3A_333] {strides = array<i32>} : memref<224xi32, #tpu.memory_space<vmem>>, vector<16xi32>,
      %get3A_335 = vector.shape_cast %get3A_334 : vector<16xi32> to vector<16xi32>
      %swap3A_336 = arith.constant 0 : index
      %swap3A_337 = tpu.vector_load %arg16[%swap3A_336] {strides = array<i32>} : memref<50xi32, #tpu.memory_space<vmem>>, vector<16xi32>,
      %swap3A_338 = vector.shape_cast %swap3A_337 : vector<16xi32> to vector<16xi32>
      %swap3A_339 = vector.shape_cast %get3A_335 : vector<16xi32> to vector<16xi32>
      tpu.vector_store %arg16[%swap3A_336], %swap3A_339 {strides = array<i32>} : memref<50xi32, #tpu.memory_space<vmem>>, vector<16xi32>,
      %get3A_340 = arith.constant 128 : index
      %get3A_341 = tpu.vector_load %arg8[%get3A_340] {strides = array<i32>} : memref<224xi32, #tpu.memory_space<vmem>>, vector<16xi32>,
      %get3A_342 = vector.shape_cast %get3A_341 : vector<16xi32> to vector<16xi32>
      %swap3A_343 = arith.constant 16 : index
      %swap3A_344 = tpu.vector_load %arg15[%swap3A_343] {strides = array<i32>} : memref<50xi32, #tpu.memory_space<vmem>>, vector<16xi32>,
      %swap3A_345 = vector.shape_cast %swap3A_344 : vector<16xi32> to vector<16xi32>
      %swap3A_346 = vector.shape_cast %get3A_342 : vector<16xi32> to vector<16xi32>
      tpu.vector_store %arg15[%swap3A_343], %swap3A_346 {strides = array<i32>} : memref<50xi32, #tpu.memory_space<vmem>>, vector<16xi32>,
      %get3A_347 = arith.constant 178 : index
      %get3A_348 = tpu.vector_load %arg8[%get3A_347] {strides = array<i32>} : memref<224xi32, #tpu.memory_space<vmem>>, vector<16xi32>,
      %get3A_349 = vector.shape_cast %get3A_348 : vector<16xi32> to vector<16xi32>
      %swap3A_350 = arith.constant 16 : index
      %swap3A_351 = tpu.vector_load %arg16[%swap3A_350] {strides = array<i32>} : memref<50xi32, #tpu.memory_space<vmem>>, vector<16xi32>,
      %swap3A_352 = vector.shape_cast %swap3A_351 : vector<16xi32> to vector<16xi32>
      %swap3A_353 = vector.shape_cast %get3A_349 : vector<16xi32> to vector<16xi32>
      tpu.vector_store %arg16[%swap3A_350], %swap3A_353 {strides = array<i32>} : memref<50xi32, #tpu.memory_space<vmem>>, vector<16xi32>,
      %get3A_354 = arith.constant 144 : index
      %get3A_355 = tpu.vector_load %arg8[%get3A_354] {strides = array<i32>} : memref<224xi32, #tpu.memory_space<vmem>>, vector<16xi32>,
      %get3A_356 = vector.shape_cast %get3A_355 : vector<16xi32> to vector<16xi32>
      %swap3A_357 = arith.constant 32 : index
      %swap3A_358 = tpu.vector_load %arg15[%swap3A_357] {strides = array<i32>} : memref<50xi32, #tpu.memory_space<vmem>>, vector<16xi32>,
      %swap3A_359 = vector.shape_cast %swap3A_358 : vector<16xi32> to vector<16xi32>
      %swap3A_360 = vector.shape_cast %get3A_356 : vector<16xi32> to vector<16xi32>
      tpu.vector_store %arg15[%swap3A_357], %swap3A_360 {strides = array<i32>} : memref<50xi32, #tpu.memory_space<vmem>>, vector<16xi32>,
      %get3A_361 = arith.constant 194 : index
      %get3A_362 = tpu.vector_load %arg8[%get3A_361] {strides = array<i32>} : memref<224xi32, #tpu.memory_space<vmem>>, vector<16xi32>,
      %get3A_363 = vector.shape_cast %get3A_362 : vector<16xi32> to vector<16xi32>
      %swap3A_364 = arith.constant 32 : index
      %swap3A_365 = tpu.vector_load %arg16[%swap3A_364] {strides = array<i32>} : memref<50xi32, #tpu.memory_space<vmem>>, vector<16xi32>,
      %swap3A_366 = vector.shape_cast %swap3A_365 : vector<16xi32> to vector<16xi32>
      %swap3A_367 = vector.shape_cast %get3A_363 : vector<16xi32> to vector<16xi32>
      tpu.vector_store %arg16[%swap3A_364], %swap3A_367 {strides = array<i32>} : memref<50xi32, #tpu.memory_space<vmem>>, vector<16xi32>,
      %get3A_368 = arith.constant 146 : index
      %get3A_369 = tpu.vector_load %arg8[%get3A_368] {strides = array<i32>} : memref<224xi32, #tpu.memory_space<vmem>>, vector<16xi32>,
      %get3A_370 = vector.shape_cast %get3A_369 : vector<16xi32> to vector<16xi32>
      %swap3A_371 = arith.constant 34 : index
      %swap3A_372 = tpu.vector_load %arg15[%swap3A_371] {strides = array<i32>} : memref<50xi32, #tpu.memory_space<vmem>>, vector<16xi32>,
      %swap3A_373 = vector.shape_cast %swap3A_372 : vector<16xi32> to vector<16xi32>
      %swap3A_374 = vector.shape_cast %get3A_370 : vector<16xi32> to vector<16xi32>
      tpu.vector_store %arg15[%swap3A_371], %swap3A_374 {strides = array<i32>} : memref<50xi32, #tpu.memory_space<vmem>>, vector<16xi32>,
      %get3A_375 = arith.constant 196 : index
      %get3A_376 = tpu.vector_load %arg8[%get3A_375] {strides = array<i32>} : memref<224xi32, #tpu.memory_space<vmem>>, vector<16xi32>,
      %get3A_377 = vector.shape_cast %get3A_376 : vector<16xi32> to vector<16xi32>
      %swap3A_378 = arith.constant 34 : index
      %swap3A_379 = tpu.vector_load %arg16[%swap3A_378] {strides = array<i32>} : memref<50xi32, #tpu.memory_space<vmem>>, vector<16xi32>,
      %swap3A_380 = vector.shape_cast %swap3A_379 : vector<16xi32> to vector<16xi32>
      %swap3A_381 = vector.shape_cast %get3A_377 : vector<16xi32> to vector<16xi32>
      tpu.vector_store %arg16[%swap3A_378], %swap3A_381 {strides = array<i32>} : memref<50xi32, #tpu.memory_space<vmem>>, vector<16xi32>,
      %dma_start3A_382 = arith.constant 0 : i32
      %dma_start3A_383 = tpu.memref_slice %arg8[%dma_start3A_382] : memref<224xi32, #tpu.memory_space<vmem>> -> memref<100xi32, #tpu.memory_space<vmem>>
      %dma_start3A_384 = arith.constant 0 : i32
      %dma_start3A_385 = arith.constant 0 : i32
      %dma_start3A_386 = tpu.memref_slice %arg4[%dma_start3A_384, %dma_start3A_385] : memref<10000x144xf32, #tpu.memory_space<hbm>> -> memref<10000x144xf32, #tpu.memory_space<hbm>>
      tpu.enqueue_indirect_dma source(%dma_start3A_386 : memref<10000x144xf32, #tpu.memory_space<hbm>>) target(%arg11 : memref<100x144xf32, #tpu.memory_space<vmem>>) offsets(%dma_start3A_383 : memref<100xi32, #tpu.memory_space<vmem>>) semaphore(%arg21 : memref<!tpu.dma_semaphore, #tpu.memory_space<semaphore_mem>>)
      %dma_start3A_387 = arith.constant 112 : i32
      %dma_start3A_388 = tpu.memref_slice %arg8[%dma_start3A_387] : memref<224xi32, #tpu.memory_space<vmem>> -> memref<100xi32, #tpu.memory_space<vmem>>
      %dma_start3A_389 = arith.constant 0 : i32
      %dma_start3A_390 = arith.constant 0 : i32
      %dma_start3A_391 = tpu.memref_slice %arg3[%dma_start3A_389, %dma_start3A_390] : memref<10000x16xf32, #tpu.memory_space<hbm>> -> memref<10000x16xf32, #tpu.memory_space<hbm>>
      tpu.enqueue_indirect_dma source(%dma_start3A_391 : memref<10000x16xf32, #tpu.memory_space<hbm>>) target(%arg13 : memref<100x16xf32, #tpu.memory_space<vmem>>) offsets(%dma_start3A_388 : memref<100xi32, #tpu.memory_space<vmem>>) semaphore(%arg21 : memref<!tpu.dma_semaphore, #tpu.memory_space<semaphore_mem>>)
      %add3A_392 = arith.constant 5 : i32
      %add3A_393 = arith.addi %mul3A_274, %add3A_392 : i32
      %dma_wait3A_394 = arith.constant 0 : i32
      %dma_wait3A_395 = tpu.memref_slice %arg9[%dma_wait3A_394] : memref<224xi32, #tpu.memory_space<vmem>> -> memref<100xi32, #tpu.memory_space<vmem>>
      %dma_wait3A_396 = arith.constant 0 : i32
      %dma_wait3A_397 = arith.constant 0 : i32
      %dma_wait3A_398 = tpu.memref_slice %arg4[%dma_wait3A_396, %dma_wait3A_397] : memref<10000x144xf32, #tpu.memory_space<hbm>> -> memref<10000x144xf32, #tpu.memory_space<hbm>>
      tpu.wait_indirect_dma semaphore(%arg22 : memref<!tpu.dma_semaphore, #tpu.memory_space<semaphore_mem>>) src(%dma_wait3A_398 : memref<10000x144xf32, #tpu.memory_space<hbm>>) dst(%arg12 : memref<100x144xf32, #tpu.memory_space<vmem>>)
      %dma_wait3A_399 = arith.constant 112 : i32
      %dma_wait3A_400 = tpu.memref_slice %arg9[%dma_wait3A_399] : memref<224xi32, #tpu.memory_space<vmem>> -> memref<100xi32, #tpu.memory_space<vmem>>
      %dma_wait3A_401 = arith.constant 0 : i32
      %dma_wait3A_402 = arith.constant 0 : i32
      %dma_wait3A_403 = tpu.memref_slice %arg3[%dma_wait3A_401, %dma_wait3A_402] : memref<10000x16xf32, #tpu.memory_space<hbm>> -> memref<10000x16xf32, #tpu.memory_space<hbm>>
      tpu.wait_indirect_dma semaphore(%arg22 : memref<!tpu.dma_semaphore, #tpu.memory_space<semaphore_mem>>) src(%dma_wait3A_403 : memref<10000x16xf32, #tpu.memory_space<hbm>>) dst(%arg14 : memref<100x16xf32, #tpu.memory_space<vmem>>)
      %lt3A_404 = arith.constant 100 : i32
      %lt3A_405 = arith.cmpi slt, %add3A_393, %lt3A_404 : i32
      %convert_element_type3A_406 = arith.extui %lt3A_405 : i1 to i32
      %cond3A_407 = arith.constant 0 : i32
      %cond3A_408 = arith.cmpi ne, %convert_element_type3A_406, %cond3A_407 : i32
      scf.if %cond3A_408 {
        %mul3A_597 = arith.constant 32 : i32
        %mul3A_598 = arith.muli %add3A_393, %mul3A_597 : i32
        %add3A_599 = arith.addi %add3A, %mul3A_598 : i32
        %dma_start3A_600 = arith.constant 0 : i32
        %dma_start3A_601 = tpu.memref_slice %arg2[%add3A_599, %dma_start3A_600] : memref<3200x224xi32, #tpu.memory_space<hbm>> -> memref<1x224xi32, #tpu.memory_space<hbm>>
        %dma_start3A_602 = tpu.memref_squeeze %dma_start3A_601 : memref<1x224xi32, #tpu.memory_space<hbm>> -> memref<224xi32, #tpu.memory_space<hbm>>
        %dma_start3A_603 = arith.constant 0 : i32
        %dma_start3A_604 = tpu.memref_slice %arg2[%add3A_599, %dma_start3A_603] : memref<3200x224xi32, #tpu.memory_space<hbm>> -> memref<1x224xi32, #tpu.memory_space<hbm>>
        %dma_start3A_605 = tpu.memref_squeeze %dma_start3A_604 : memref<1x224xi32, #tpu.memory_space<hbm>> -> memref<224xi32, #tpu.memory_space<hbm>>
        tpu.enqueue_dma source(%dma_start3A_605 : memref<224xi32, #tpu.memory_space<hbm>>) target(%arg9 : memref<224xi32, #tpu.memory_space<vmem>>) target_semaphore(%arg27 : memref<!tpu.dma_semaphore, #tpu.memory_space<semaphore_mem>>)
      } else {
      }
      %parallel_loop3A_409 = arith.constant 0 : i32
      %parallel_loop3A_410 = arith.constant 50 : i32
      %parallel_loop3A_411 = arith.constant 1 : i32
      scf.for %parallel_loop3A_597 = %parallel_loop3A_409 to %parallel_loop3A_410 step %parallel_loop3A_411  : i32 {
        %parallel_loop3A_598 = arith.index_cast %parallel_loop3A_597 : i32 to index
        %parallel_loop3A_599 = arith.constant 0 : index
        %parallel_loop3A_600 = tpu.vector_load %arg14[%parallel_loop3A_598, %parallel_loop3A_599] {strides = array<i32>} : memref<100x16xf32, #tpu.memory_space<vmem>>, vector<1x16xf32>,
        %parallel_loop3A_601 = vector.shape_cast %parallel_loop3A_600 : vector<1x16xf32> to vector<16xf32>
        %parallel_loop3A_602 = arith.index_cast %parallel_loop3A_597 : i32 to index
        %parallel_loop3A_603 = arith.constant 128 : index
        %parallel_loop3A_604 = tpu.vector_load %arg12[%parallel_loop3A_602, %parallel_loop3A_603] {strides = array<i32>} : memref<100x144xf32, #tpu.memory_space<vmem>>, vector<1x16xf32>,
        %parallel_loop3A_605 = vector.shape_cast %parallel_loop3A_604 : vector<1x16xf32> to vector<16xf32>
        %parallel_loop3A_606 = arith.addf %parallel_loop3A_601, %parallel_loop3A_605 : vector<16xf32>
        %parallel_loop3A_607 = arith.constant 2.000000e-01 : f32
        %parallel_loop3A_608 = vector.broadcast %parallel_loop3A_607 : f32 to vector<16xf32>
        %parallel_loop3A_609 = arith.mulf %parallel_loop3A_608, %parallel_loop3A_606 : vector<16xf32>
        %parallel_loop3A_610 = arith.maximumf %parallel_loop3A_606, %parallel_loop3A_609 : vector<16xf32>
        %parallel_loop3A_611 = arith.addf %parallel_loop3A_601, %get3A_37 : vector<16xf32>
        %parallel_loop3A_612 = arith.constant 2.000000e-01 : f32
        %parallel_loop3A_613 = vector.broadcast %parallel_loop3A_612 : f32 to vector<16xf32>
        %parallel_loop3A_614 = arith.mulf %parallel_loop3A_613, %parallel_loop3A_611 : vector<16xf32>
        %parallel_loop3A_615 = arith.maximumf %parallel_loop3A_611, %parallel_loop3A_614 : vector<16xf32>
        %parallel_loop3A_616 = arith.subf %parallel_loop3A_610, %parallel_loop3A_615 : vector<16xf32>
        %parallel_loop3A_617 = math.exp %parallel_loop3A_616 : vector<16xf32>
        %parallel_loop3A_618 = arith.index_cast %parallel_loop3A_597 : i32 to index
        %parallel_loop3A_619 = arith.constant 128 : index
        %parallel_loop3A_620 = tpu.vector_load %arg12[%parallel_loop3A_618, %parallel_loop3A_619] {strides = array<i32>} : memref<100x144xf32, #tpu.memory_space<vmem>>, vector<1x16xf32>,
        %parallel_loop3A_621 = vector.shape_cast %parallel_loop3A_620 : vector<1x16xf32> to vector<16xf32>
        %parallel_loop3A_622 = vector.shape_cast %parallel_loop3A_617 : vector<16xf32> to vector<1x16xf32>
        tpu.vector_store %arg12[%parallel_loop3A_618, %parallel_loop3A_619], %parallel_loop3A_622 {strides = array<i32>} : memref<100x144xf32, #tpu.memory_space<vmem>>, vector<1x16xf32>,
        %parallel_loop3A_623 = vector.shape_cast %broadcast_in_dim3A_39 : vector<16xi32> to vector<16x1xi32>
        %parallel_loop3A_624 = vector.shape_cast %parallel_loop3A_623 : vector<16x1xi32> to vector<16xi32>
        %parallel_loop3A_625 = tpu.dynamic_gather %parallel_loop3A_617[%parallel_loop3A_624] in [0] : vector<16xf32>, vector<16xi32> -> vector<16xf32>
        %parallel_loop3A_626 = arith.index_cast %parallel_loop3A_597 : i32 to index
        %parallel_loop3A_627 = arith.constant 0 : index
        %parallel_loop3A_628 = tpu.vector_load %arg12[%parallel_loop3A_626, %parallel_loop3A_627] {strides = array<i32>} : memref<100x144xf32, #tpu.memory_space<vmem>>, vector<1x16xf32>,
        %parallel_loop3A_629 = vector.shape_cast %parallel_loop3A_628 : vector<1x16xf32> to vector<16xf32>
        %parallel_loop3A_630 = arith.mulf %parallel_loop3A_629, %parallel_loop3A_625 : vector<16xf32>
        %parallel_loop3A_631 = arith.index_cast %parallel_loop3A_597 : i32 to index
        %parallel_loop3A_632 = arith.constant 0 : index
        %parallel_loop3A_633 = tpu.vector_load %arg12[%parallel_loop3A_631, %parallel_loop3A_632] {strides = array<i32>} : memref<100x144xf32, #tpu.memory_space<vmem>>, vector<1x16xf32>,
        %parallel_loop3A_634 = vector.shape_cast %parallel_loop3A_633 : vector<1x16xf32> to vector<16xf32>
        %parallel_loop3A_635 = vector.shape_cast %parallel_loop3A_630 : vector<16xf32> to vector<1x16xf32>
        tpu.vector_store %arg12[%parallel_loop3A_631, %parallel_loop3A_632], %parallel_loop3A_635 {strides = array<i32>} : memref<100x144xf32, #tpu.memory_space<vmem>>, vector<1x16xf32>,
        %parallel_loop3A_636 = vector.shape_cast %broadcast_in_dim3A_41 : vector<16xi32> to vector<16x1xi32>
        %parallel_loop3A_637 = vector.shape_cast %parallel_loop3A_636 : vector<16x1xi32> to vector<16xi32>
        %parallel_loop3A_638 = tpu.dynamic_gather %parallel_loop3A_617[%parallel_loop3A_637] in [0] : vector<16xf32>, vector<16xi32> -> vector<16xf32>
        %parallel_loop3A_639 = arith.index_cast %parallel_loop3A_597 : i32 to index
        %parallel_loop3A_640 = arith.constant 16 : index
        %parallel_loop3A_641 = tpu.vector_load %arg12[%parallel_loop3A_639, %parallel_loop3A_640] {strides = array<i32>} : memref<100x144xf32, #tpu.memory_space<vmem>>, vector<1x16xf32>,
        %parallel_loop3A_642 = vector.shape_cast %parallel_loop3A_641 : vector<1x16xf32> to vector<16xf32>
        %parallel_loop3A_643 = arith.mulf %parallel_loop3A_642, %parallel_loop3A_638 : vector<16xf32>
        %parallel_loop3A_644 = arith.index_cast %parallel_loop3A_597 : i32 to index
        %parallel_loop3A_645 = arith.constant 16 : index
        %parallel_loop3A_646 = tpu.vector_load %arg12[%parallel_loop3A_644, %parallel_loop3A_645] {strides = array<i32>} : memref<100x144xf32, #tpu.memory_space<vmem>>, vector<1x16xf32>,
        %parallel_loop3A_647 = vector.shape_cast %parallel_loop3A_646 : vector<1x16xf32> to vector<16xf32>
        %parallel_loop3A_648 = vector.shape_cast %parallel_loop3A_643 : vector<16xf32> to vector<1x16xf32>
        tpu.vector_store %arg12[%parallel_loop3A_644, %parallel_loop3A_645], %parallel_loop3A_648 {strides = array<i32>} : memref<100x144xf32, #tpu.memory_space<vmem>>, vector<1x16xf32>,
        %parallel_loop3A_649 = vector.shape_cast %broadcast_in_dim3A_43 : vector<16xi32> to vector<16x1xi32>
        %parallel_loop3A_650 = vector.shape_cast %parallel_loop3A_649 : vector<16x1xi32> to vector<16xi32>
        %parallel_loop3A_651 = tpu.dynamic_gather %parallel_loop3A_617[%parallel_loop3A_650] in [0] : vector<16xf32>, vector<16xi32> -> vector<16xf32>
        %parallel_loop3A_652 = arith.index_cast %parallel_loop3A_597 : i32 to index
        %parallel_loop3A_653 = arith.constant 32 : index
        %parallel_loop3A_654 = tpu.vector_load %arg12[%parallel_loop3A_652, %parallel_loop3A_653] {strides = array<i32>} : memref<100x144xf32, #tpu.memory_space<vmem>>, vector<1x16xf32>,
        %parallel_loop3A_655 = vector.shape_cast %parallel_loop3A_654 : vector<1x16xf32> to vector<16xf32>
        %parallel_loop3A_656 = arith.mulf %parallel_loop3A_655, %parallel_loop3A_651 : vector<16xf32>
        %parallel_loop3A_657 = arith.index_cast %parallel_loop3A_597 : i32 to index
        %parallel_loop3A_658 = arith.constant 32 : index
        %parallel_loop3A_659 = tpu.vector_load %arg12[%parallel_loop3A_657, %parallel_loop3A_658] {strides = array<i32>} : memref<100x144xf32, #tpu.memory_space<vmem>>, vector<1x16xf32>,
        %parallel_loop3A_660 = vector.shape_cast %parallel_loop3A_659 : vector<1x16xf32> to vector<16xf32>
        %parallel_loop3A_661 = vector.shape_cast %parallel_loop3A_656 : vector<16xf32> to vector<1x16xf32>
        tpu.vector_store %arg12[%parallel_loop3A_657, %parallel_loop3A_658], %parallel_loop3A_661 {strides = array<i32>} : memref<100x144xf32, #tpu.memory_space<vmem>>, vector<1x16xf32>,
        %parallel_loop3A_662 = vector.shape_cast %broadcast_in_dim3A_45 : vector<16xi32> to vector<16x1xi32>
        %parallel_loop3A_663 = vector.shape_cast %parallel_loop3A_662 : vector<16x1xi32> to vector<16xi32>
        %parallel_loop3A_664 = tpu.dynamic_gather %parallel_loop3A_617[%parallel_loop3A_663] in [0] : vector<16xf32>, vector<16xi32> -> vector<16xf32>
        %parallel_loop3A_665 = arith.index_cast %parallel_loop3A_597 : i32 to index
        %parallel_loop3A_666 = arith.constant 48 : index
        %parallel_loop3A_667 = tpu.vector_load %arg12[%parallel_loop3A_665, %parallel_loop3A_666] {strides = array<i32>} : memref<100x144xf32, #tpu.memory_space<vmem>>, vector<1x16xf32>,
        %parallel_loop3A_668 = vector.shape_cast %parallel_loop3A_667 : vector<1x16xf32> to vector<16xf32>
        %parallel_loop3A_669 = arith.mulf %parallel_loop3A_668, %parallel_loop3A_664 : vector<16xf32>
        %parallel_loop3A_670 = arith.index_cast %parallel_loop3A_597 : i32 to index
        %parallel_loop3A_671 = arith.constant 48 : index
        %parallel_loop3A_672 = tpu.vector_load %arg12[%parallel_loop3A_670, %parallel_loop3A_671] {strides = array<i32>} : memref<100x144xf32, #tpu.memory_space<vmem>>, vector<1x16xf32>,
        %parallel_loop3A_673 = vector.shape_cast %parallel_loop3A_672 : vector<1x16xf32> to vector<16xf32>
        %parallel_loop3A_674 = vector.shape_cast %parallel_loop3A_669 : vector<16xf32> to vector<1x16xf32>
        tpu.vector_store %arg12[%parallel_loop3A_670, %parallel_loop3A_671], %parallel_loop3A_674 {strides = array<i32>} : memref<100x144xf32, #tpu.memory_space<vmem>>, vector<1x16xf32>,
        %parallel_loop3A_675 = vector.shape_cast %broadcast_in_dim3A_47 : vector<16xi32> to vector<16x1xi32>
        %parallel_loop3A_676 = vector.shape_cast %parallel_loop3A_675 : vector<16x1xi32> to vector<16xi32>
        %parallel_loop3A_677 = tpu.dynamic_gather %parallel_loop3A_617[%parallel_loop3A_676] in [0] : vector<16xf32>, vector<16xi32> -> vector<16xf32>
        %parallel_loop3A_678 = arith.index_cast %parallel_loop3A_597 : i32 to index
        %parallel_loop3A_679 = arith.constant 64 : index
        %parallel_loop3A_680 = tpu.vector_load %arg12[%parallel_loop3A_678, %parallel_loop3A_679] {strides = array<i32>} : memref<100x144xf32, #tpu.memory_space<vmem>>, vector<1x16xf32>,
        %parallel_loop3A_681 = vector.shape_cast %parallel_loop3A_680 : vector<1x16xf32> to vector<16xf32>
        %parallel_loop3A_682 = arith.mulf %parallel_loop3A_681, %parallel_loop3A_677 : vector<16xf32>
        %parallel_loop3A_683 = arith.index_cast %parallel_loop3A_597 : i32 to index
        %parallel_loop3A_684 = arith.constant 64 : index
        %parallel_loop3A_685 = tpu.vector_load %arg12[%parallel_loop3A_683, %parallel_loop3A_684] {strides = array<i32>} : memref<100x144xf32, #tpu.memory_space<vmem>>, vector<1x16xf32>,
        %parallel_loop3A_686 = vector.shape_cast %parallel_loop3A_685 : vector<1x16xf32> to vector<16xf32>
        %parallel_loop3A_687 = vector.shape_cast %parallel_loop3A_682 : vector<16xf32> to vector<1x16xf32>
        tpu.vector_store %arg12[%parallel_loop3A_683, %parallel_loop3A_684], %parallel_loop3A_687 {strides = array<i32>} : memref<100x144xf32, #tpu.memory_space<vmem>>, vector<1x16xf32>,
        %parallel_loop3A_688 = vector.shape_cast %broadcast_in_dim3A_49 : vector<16xi32> to vector<16x1xi32>
        %parallel_loop3A_689 = vector.shape_cast %parallel_loop3A_688 : vector<16x1xi32> to vector<16xi32>
        %parallel_loop3A_690 = tpu.dynamic_gather %parallel_loop3A_617[%parallel_loop3A_689] in [0] : vector<16xf32>, vector<16xi32> -> vector<16xf32>
        %parallel_loop3A_691 = arith.index_cast %parallel_loop3A_597 : i32 to index
        %parallel_loop3A_692 = arith.constant 80 : index
        %parallel_loop3A_693 = tpu.vector_load %arg12[%parallel_loop3A_691, %parallel_loop3A_692] {strides = array<i32>} : memref<100x144xf32, #tpu.memory_space<vmem>>, vector<1x16xf32>,
        %parallel_loop3A_694 = vector.shape_cast %parallel_loop3A_693 : vector<1x16xf32> to vector<16xf32>
        %parallel_loop3A_695 = arith.mulf %parallel_loop3A_694, %parallel_loop3A_690 : vector<16xf32>
        %parallel_loop3A_696 = arith.index_cast %parallel_loop3A_597 : i32 to index
        %parallel_loop3A_697 = arith.constant 80 : index
        %parallel_loop3A_698 = tpu.vector_load %arg12[%parallel_loop3A_696, %parallel_loop3A_697] {strides = array<i32>} : memref<100x144xf32, #tpu.memory_space<vmem>>, vector<1x16xf32>,
        %parallel_loop3A_699 = vector.shape_cast %parallel_loop3A_698 : vector<1x16xf32> to vector<16xf32>
        %parallel_loop3A_700 = vector.shape_cast %parallel_loop3A_695 : vector<16xf32> to vector<1x16xf32>
        tpu.vector_store %arg12[%parallel_loop3A_696, %parallel_loop3A_697], %parallel_loop3A_700 {strides = array<i32>} : memref<100x144xf32, #tpu.memory_space<vmem>>, vector<1x16xf32>,
        %parallel_loop3A_701 = vector.shape_cast %broadcast_in_dim3A_51 : vector<16xi32> to vector<16x1xi32>
        %parallel_loop3A_702 = vector.shape_cast %parallel_loop3A_701 : vector<16x1xi32> to vector<16xi32>
        %parallel_loop3A_703 = tpu.dynamic_gather %parallel_loop3A_617[%parallel_loop3A_702] in [0] : vector<16xf32>, vector<16xi32> -> vector<16xf32>
        %parallel_loop3A_704 = arith.index_cast %parallel_loop3A_597 : i32 to index
        %parallel_loop3A_705 = arith.constant 96 : index
        %parallel_loop3A_706 = tpu.vector_load %arg12[%parallel_loop3A_704, %parallel_loop3A_705] {strides = array<i32>} : memref<100x144xf32, #tpu.memory_space<vmem>>, vector<1x16xf32>,
        %parallel_loop3A_707 = vector.shape_cast %parallel_loop3A_706 : vector<1x16xf32> to vector<16xf32>
        %parallel_loop3A_708 = arith.mulf %parallel_loop3A_707, %parallel_loop3A_703 : vector<16xf32>
        %parallel_loop3A_709 = arith.index_cast %parallel_loop3A_597 : i32 to index
        %parallel_loop3A_710 = arith.constant 96 : index
        %parallel_loop3A_711 = tpu.vector_load %arg12[%parallel_loop3A_709, %parallel_loop3A_710] {strides = array<i32>} : memref<100x144xf32, #tpu.memory_space<vmem>>, vector<1x16xf32>,
        %parallel_loop3A_712 = vector.shape_cast %parallel_loop3A_711 : vector<1x16xf32> to vector<16xf32>
        %parallel_loop3A_713 = vector.shape_cast %parallel_loop3A_708 : vector<16xf32> to vector<1x16xf32>
        tpu.vector_store %arg12[%parallel_loop3A_709, %parallel_loop3A_710], %parallel_loop3A_713 {strides = array<i32>} : memref<100x144xf32, #tpu.memory_space<vmem>>, vector<1x16xf32>,
        %parallel_loop3A_714 = vector.shape_cast %broadcast_in_dim3A_53 : vector<16xi32> to vector<16x1xi32>
        %parallel_loop3A_715 = vector.shape_cast %parallel_loop3A_714 : vector<16x1xi32> to vector<16xi32>
        %parallel_loop3A_716 = tpu.dynamic_gather %parallel_loop3A_617[%parallel_loop3A_715] in [0] : vector<16xf32>, vector<16xi32> -> vector<16xf32>
        %parallel_loop3A_717 = arith.index_cast %parallel_loop3A_597 : i32 to index
        %parallel_loop3A_718 = arith.constant 112 : index
        %parallel_loop3A_719 = tpu.vector_load %arg12[%parallel_loop3A_717, %parallel_loop3A_718] {strides = array<i32>} : memref<100x144xf32, #tpu.memory_space<vmem>>, vector<1x16xf32>,
        %parallel_loop3A_720 = vector.shape_cast %parallel_loop3A_719 : vector<1x16xf32> to vector<16xf32>
        %parallel_loop3A_721 = arith.mulf %parallel_loop3A_720, %parallel_loop3A_716 : vector<16xf32>
        %parallel_loop3A_722 = arith.index_cast %parallel_loop3A_597 : i32 to index
        %parallel_loop3A_723 = arith.constant 112 : index
        %parallel_loop3A_724 = tpu.vector_load %arg12[%parallel_loop3A_722, %parallel_loop3A_723] {strides = array<i32>} : memref<100x144xf32, #tpu.memory_space<vmem>>, vector<1x16xf32>,
        %parallel_loop3A_725 = vector.shape_cast %parallel_loop3A_724 : vector<1x16xf32> to vector<16xf32>
        %parallel_loop3A_726 = vector.shape_cast %parallel_loop3A_721 : vector<16xf32> to vector<1x16xf32>
        tpu.vector_store %arg12[%parallel_loop3A_722, %parallel_loop3A_723], %parallel_loop3A_726 {strides = array<i32>} : memref<100x144xf32, #tpu.memory_space<vmem>>, vector<1x16xf32>,
      } {sc.loop_unroll_factor = 2 : i64, sc.parallel_access}
      %dma_start3A_412 = arith.constant 0 : i32
      %dma_start3A_413 = arith.constant 0 : i32
      %dma_start3A_414 = tpu.memref_slice %arg12[%dma_start3A_412, %dma_start3A_413] : memref<100x144xf32, #tpu.memory_space<vmem>> -> memref<50x144xf32, #tpu.memory_space<vmem>>
      %dma_start3A_415 = arith.constant 0 : i32
      %dma_start3A_416 = arith.constant 0 : i32
      %dma_start3A_417 = tpu.memref_slice %arg20[%dma_start3A_415, %dma_start3A_416] : memref<10000x144xf32, #tpu.memory_space<vmem_shared>> -> memref<10000x144xf32, #tpu.memory_space<vmem_shared>>
      tpu.enqueue_indirect_dma source(%dma_start3A_414 : memref<50x144xf32, #tpu.memory_space<vmem>>) target(%dma_start3A_417 : memref<10000x144xf32, #tpu.memory_space<vmem_shared>>) offsets(%arg17 : memref<50xi32, #tpu.memory_space<vmem>>) semaphore(%arg24 : memref<!tpu.dma_semaphore, #tpu.memory_space<semaphore_mem>>) {add = true}
      %parallel_loop3A_418 = arith.constant 50 : i32
      %parallel_loop3A_419 = arith.constant 100 : i32
      %parallel_loop3A_420 = arith.constant 1 : i32
      scf.for %parallel_loop3A_597 = %parallel_loop3A_418 to %parallel_loop3A_419 step %parallel_loop3A_420  : i32 {
        %parallel_loop3A_598 = arith.index_cast %parallel_loop3A_597 : i32 to index
        %parallel_loop3A_599 = arith.constant 0 : index
        %parallel_loop3A_600 = tpu.vector_load %arg14[%parallel_loop3A_598, %parallel_loop3A_599] {strides = array<i32>} : memref<100x16xf32, #tpu.memory_space<vmem>>, vector<1x16xf32>,
        %parallel_loop3A_601 = vector.shape_cast %parallel_loop3A_600 : vector<1x16xf32> to vector<16xf32>
        %parallel_loop3A_602 = arith.index_cast %parallel_loop3A_597 : i32 to index
        %parallel_loop3A_603 = arith.constant 128 : index
        %parallel_loop3A_604 = tpu.vector_load %arg12[%parallel_loop3A_602, %parallel_loop3A_603] {strides = array<i32>} : memref<100x144xf32, #tpu.memory_space<vmem>>, vector<1x16xf32>,
        %parallel_loop3A_605 = vector.shape_cast %parallel_loop3A_604 : vector<1x16xf32> to vector<16xf32>
        %parallel_loop3A_606 = arith.addf %parallel_loop3A_601, %parallel_loop3A_605 : vector<16xf32>
        %parallel_loop3A_607 = arith.constant 2.000000e-01 : f32
        %parallel_loop3A_608 = vector.broadcast %parallel_loop3A_607 : f32 to vector<16xf32>
        %parallel_loop3A_609 = arith.mulf %parallel_loop3A_608, %parallel_loop3A_606 : vector<16xf32>
        %parallel_loop3A_610 = arith.maximumf %parallel_loop3A_606, %parallel_loop3A_609 : vector<16xf32>
        %parallel_loop3A_611 = arith.addf %parallel_loop3A_601, %get3A_37 : vector<16xf32>
        %parallel_loop3A_612 = arith.constant 2.000000e-01 : f32
        %parallel_loop3A_613 = vector.broadcast %parallel_loop3A_612 : f32 to vector<16xf32>
        %parallel_loop3A_614 = arith.mulf %parallel_loop3A_613, %parallel_loop3A_611 : vector<16xf32>
        %parallel_loop3A_615 = arith.maximumf %parallel_loop3A_611, %parallel_loop3A_614 : vector<16xf32>
        %parallel_loop3A_616 = arith.subf %parallel_loop3A_610, %parallel_loop3A_615 : vector<16xf32>
        %parallel_loop3A_617 = math.exp %parallel_loop3A_616 : vector<16xf32>
        %parallel_loop3A_618 = arith.index_cast %parallel_loop3A_597 : i32 to index
        %parallel_loop3A_619 = arith.constant 128 : index
        %parallel_loop3A_620 = tpu.vector_load %arg12[%parallel_loop3A_618, %parallel_loop3A_619] {strides = array<i32>} : memref<100x144xf32, #tpu.memory_space<vmem>>, vector<1x16xf32>,
        %parallel_loop3A_621 = vector.shape_cast %parallel_loop3A_620 : vector<1x16xf32> to vector<16xf32>
        %parallel_loop3A_622 = vector.shape_cast %parallel_loop3A_617 : vector<16xf32> to vector<1x16xf32>
        tpu.vector_store %arg12[%parallel_loop3A_618, %parallel_loop3A_619], %parallel_loop3A_622 {strides = array<i32>} : memref<100x144xf32, #tpu.memory_space<vmem>>, vector<1x16xf32>,
        %parallel_loop3A_623 = vector.shape_cast %broadcast_in_dim3A_39 : vector<16xi32> to vector<16x1xi32>
        %parallel_loop3A_624 = vector.shape_cast %parallel_loop3A_623 : vector<16x1xi32> to vector<16xi32>
        %parallel_loop3A_625 = tpu.dynamic_gather %parallel_loop3A_617[%parallel_loop3A_624] in [0] : vector<16xf32>, vector<16xi32> -> vector<16xf32>
        %parallel_loop3A_626 = arith.index_cast %parallel_loop3A_597 : i32 to index
        %parallel_loop3A_627 = arith.constant 0 : index
        %parallel_loop3A_628 = tpu.vector_load %arg12[%parallel_loop3A_626, %parallel_loop3A_627] {strides = array<i32>} : memref<100x144xf32, #tpu.memory_space<vmem>>, vector<1x16xf32>,
        %parallel_loop3A_629 = vector.shape_cast %parallel_loop3A_628 : vector<1x16xf32> to vector<16xf32>
        %parallel_loop3A_630 = arith.mulf %parallel_loop3A_629, %parallel_loop3A_625 : vector<16xf32>
        %parallel_loop3A_631 = arith.index_cast %parallel_loop3A_597 : i32 to index
        %parallel_loop3A_632 = arith.constant 0 : index
        %parallel_loop3A_633 = tpu.vector_load %arg12[%parallel_loop3A_631, %parallel_loop3A_632] {strides = array<i32>} : memref<100x144xf32, #tpu.memory_space<vmem>>, vector<1x16xf32>,
        %parallel_loop3A_634 = vector.shape_cast %parallel_loop3A_633 : vector<1x16xf32> to vector<16xf32>
        %parallel_loop3A_635 = vector.shape_cast %parallel_loop3A_630 : vector<16xf32> to vector<1x16xf32>
        tpu.vector_store %arg12[%parallel_loop3A_631, %parallel_loop3A_632], %parallel_loop3A_635 {strides = array<i32>} : memref<100x144xf32, #tpu.memory_space<vmem>>, vector<1x16xf32>,
        %parallel_loop3A_636 = vector.shape_cast %broadcast_in_dim3A_41 : vector<16xi32> to vector<16x1xi32>
        %parallel_loop3A_637 = vector.shape_cast %parallel_loop3A_636 : vector<16x1xi32> to vector<16xi32>
        %parallel_loop3A_638 = tpu.dynamic_gather %parallel_loop3A_617[%parallel_loop3A_637] in [0] : vector<16xf32>, vector<16xi32> -> vector<16xf32>
        %parallel_loop3A_639 = arith.index_cast %parallel_loop3A_597 : i32 to index
        %parallel_loop3A_640 = arith.constant 16 : index
        %parallel_loop3A_641 = tpu.vector_load %arg12[%parallel_loop3A_639, %parallel_loop3A_640] {strides = array<i32>} : memref<100x144xf32, #tpu.memory_space<vmem>>, vector<1x16xf32>,
        %parallel_loop3A_642 = vector.shape_cast %parallel_loop3A_641 : vector<1x16xf32> to vector<16xf32>
        %parallel_loop3A_643 = arith.mulf %parallel_loop3A_642, %parallel_loop3A_638 : vector<16xf32>
        %parallel_loop3A_644 = arith.index_cast %parallel_loop3A_597 : i32 to index
        %parallel_loop3A_645 = arith.constant 16 : index
        %parallel_loop3A_646 = tpu.vector_load %arg12[%parallel_loop3A_644, %parallel_loop3A_645] {strides = array<i32>} : memref<100x144xf32, #tpu.memory_space<vmem>>, vector<1x16xf32>,
        %parallel_loop3A_647 = vector.shape_cast %parallel_loop3A_646 : vector<1x16xf32> to vector<16xf32>
        %parallel_loop3A_648 = vector.shape_cast %parallel_loop3A_643 : vector<16xf32> to vector<1x16xf32>
        tpu.vector_store %arg12[%parallel_loop3A_644, %parallel_loop3A_645], %parallel_loop3A_648 {strides = array<i32>} : memref<100x144xf32, #tpu.memory_space<vmem>>, vector<1x16xf32>,
        %parallel_loop3A_649 = vector.shape_cast %broadcast_in_dim3A_43 : vector<16xi32> to vector<16x1xi32>
        %parallel_loop3A_650 = vector.shape_cast %parallel_loop3A_649 : vector<16x1xi32> to vector<16xi32>
        %parallel_loop3A_651 = tpu.dynamic_gather %parallel_loop3A_617[%parallel_loop3A_650] in [0] : vector<16xf32>, vector<16xi32> -> vector<16xf32>
        %parallel_loop3A_652 = arith.index_cast %parallel_loop3A_597 : i32 to index
        %parallel_loop3A_653 = arith.constant 32 : index
        %parallel_loop3A_654 = tpu.vector_load %arg12[%parallel_loop3A_652, %parallel_loop3A_653] {strides = array<i32>} : memref<100x144xf32, #tpu.memory_space<vmem>>, vector<1x16xf32>,
        %parallel_loop3A_655 = vector.shape_cast %parallel_loop3A_654 : vector<1x16xf32> to vector<16xf32>
        %parallel_loop3A_656 = arith.mulf %parallel_loop3A_655, %parallel_loop3A_651 : vector<16xf32>
        %parallel_loop3A_657 = arith.index_cast %parallel_loop3A_597 : i32 to index
        %parallel_loop3A_658 = arith.constant 32 : index
        %parallel_loop3A_659 = tpu.vector_load %arg12[%parallel_loop3A_657, %parallel_loop3A_658] {strides = array<i32>} : memref<100x144xf32, #tpu.memory_space<vmem>>, vector<1x16xf32>,
        %parallel_loop3A_660 = vector.shape_cast %parallel_loop3A_659 : vector<1x16xf32> to vector<16xf32>
        %parallel_loop3A_661 = vector.shape_cast %parallel_loop3A_656 : vector<16xf32> to vector<1x16xf32>
        tpu.vector_store %arg12[%parallel_loop3A_657, %parallel_loop3A_658], %parallel_loop3A_661 {strides = array<i32>} : memref<100x144xf32, #tpu.memory_space<vmem>>, vector<1x16xf32>,
        %parallel_loop3A_662 = vector.shape_cast %broadcast_in_dim3A_45 : vector<16xi32> to vector<16x1xi32>
        %parallel_loop3A_663 = vector.shape_cast %parallel_loop3A_662 : vector<16x1xi32> to vector<16xi32>
        %parallel_loop3A_664 = tpu.dynamic_gather %parallel_loop3A_617[%parallel_loop3A_663] in [0] : vector<16xf32>, vector<16xi32> -> vector<16xf32>
        %parallel_loop3A_665 = arith.index_cast %parallel_loop3A_597 : i32 to index
        %parallel_loop3A_666 = arith.constant 48 : index
        %parallel_loop3A_667 = tpu.vector_load %arg12[%parallel_loop3A_665, %parallel_loop3A_666] {strides = array<i32>} : memref<100x144xf32, #tpu.memory_space<vmem>>, vector<1x16xf32>,
        %parallel_loop3A_668 = vector.shape_cast %parallel_loop3A_667 : vector<1x16xf32> to vector<16xf32>
        %parallel_loop3A_669 = arith.mulf %parallel_loop3A_668, %parallel_loop3A_664 : vector<16xf32>
        %parallel_loop3A_670 = arith.index_cast %parallel_loop3A_597 : i32 to index
        %parallel_loop3A_671 = arith.constant 48 : index
        %parallel_loop3A_672 = tpu.vector_load %arg12[%parallel_loop3A_670, %parallel_loop3A_671] {strides = array<i32>} : memref<100x144xf32, #tpu.memory_space<vmem>>, vector<1x16xf32>,
        %parallel_loop3A_673 = vector.shape_cast %parallel_loop3A_672 : vector<1x16xf32> to vector<16xf32>
        %parallel_loop3A_674 = vector.shape_cast %parallel_loop3A_669 : vector<16xf32> to vector<1x16xf32>
        tpu.vector_store %arg12[%parallel_loop3A_670, %parallel_loop3A_671], %parallel_loop3A_674 {strides = array<i32>} : memref<100x144xf32, #tpu.memory_space<vmem>>, vector<1x16xf32>,
        %parallel_loop3A_675 = vector.shape_cast %broadcast_in_dim3A_47 : vector<16xi32> to vector<16x1xi32>
        %parallel_loop3A_676 = vector.shape_cast %parallel_loop3A_675 : vector<16x1xi32> to vector<16xi32>
        %parallel_loop3A_677 = tpu.dynamic_gather %parallel_loop3A_617[%parallel_loop3A_676] in [0] : vector<16xf32>, vector<16xi32> -> vector<16xf32>
        %parallel_loop3A_678 = arith.index_cast %parallel_loop3A_597 : i32 to index
        %parallel_loop3A_679 = arith.constant 64 : index
        %parallel_loop3A_680 = tpu.vector_load %arg12[%parallel_loop3A_678, %parallel_loop3A_679] {strides = array<i32>} : memref<100x144xf32, #tpu.memory_space<vmem>>, vector<1x16xf32>,
        %parallel_loop3A_681 = vector.shape_cast %parallel_loop3A_680 : vector<1x16xf32> to vector<16xf32>
        %parallel_loop3A_682 = arith.mulf %parallel_loop3A_681, %parallel_loop3A_677 : vector<16xf32>
        %parallel_loop3A_683 = arith.index_cast %parallel_loop3A_597 : i32 to index
        %parallel_loop3A_684 = arith.constant 64 : index
        %parallel_loop3A_685 = tpu.vector_load %arg12[%parallel_loop3A_683, %parallel_loop3A_684] {strides = array<i32>} : memref<100x144xf32, #tpu.memory_space<vmem>>, vector<1x16xf32>,
        %parallel_loop3A_686 = vector.shape_cast %parallel_loop3A_685 : vector<1x16xf32> to vector<16xf32>
        %parallel_loop3A_687 = vector.shape_cast %parallel_loop3A_682 : vector<16xf32> to vector<1x16xf32>
        tpu.vector_store %arg12[%parallel_loop3A_683, %parallel_loop3A_684], %parallel_loop3A_687 {strides = array<i32>} : memref<100x144xf32, #tpu.memory_space<vmem>>, vector<1x16xf32>,
        %parallel_loop3A_688 = vector.shape_cast %broadcast_in_dim3A_49 : vector<16xi32> to vector<16x1xi32>
        %parallel_loop3A_689 = vector.shape_cast %parallel_loop3A_688 : vector<16x1xi32> to vector<16xi32>
        %parallel_loop3A_690 = tpu.dynamic_gather %parallel_loop3A_617[%parallel_loop3A_689] in [0] : vector<16xf32>, vector<16xi32> -> vector<16xf32>
        %parallel_loop3A_691 = arith.index_cast %parallel_loop3A_597 : i32 to index
        %parallel_loop3A_692 = arith.constant 80 : index
        %parallel_loop3A_693 = tpu.vector_load %arg12[%parallel_loop3A_691, %parallel_loop3A_692] {strides = array<i32>} : memref<100x144xf32, #tpu.memory_space<vmem>>, vector<1x16xf32>,
        %parallel_loop3A_694 = vector.shape_cast %parallel_loop3A_693 : vector<1x16xf32> to vector<16xf32>
        %parallel_loop3A_695 = arith.mulf %parallel_loop3A_694, %parallel_loop3A_690 : vector<16xf32>
        %parallel_loop3A_696 = arith.index_cast %parallel_loop3A_597 : i32 to index
        %parallel_loop3A_697 = arith.constant 80 : index
        %parallel_loop3A_698 = tpu.vector_load %arg12[%parallel_loop3A_696, %parallel_loop3A_697] {strides = array<i32>} : memref<100x144xf32, #tpu.memory_space<vmem>>, vector<1x16xf32>,
        %parallel_loop3A_699 = vector.shape_cast %parallel_loop3A_698 : vector<1x16xf32> to vector<16xf32>
        %parallel_loop3A_700 = vector.shape_cast %parallel_loop3A_695 : vector<16xf32> to vector<1x16xf32>
        tpu.vector_store %arg12[%parallel_loop3A_696, %parallel_loop3A_697], %parallel_loop3A_700 {strides = array<i32>} : memref<100x144xf32, #tpu.memory_space<vmem>>, vector<1x16xf32>,
        %parallel_loop3A_701 = vector.shape_cast %broadcast_in_dim3A_51 : vector<16xi32> to vector<16x1xi32>
        %parallel_loop3A_702 = vector.shape_cast %parallel_loop3A_701 : vector<16x1xi32> to vector<16xi32>
        %parallel_loop3A_703 = tpu.dynamic_gather %parallel_loop3A_617[%parallel_loop3A_702] in [0] : vector<16xf32>, vector<16xi32> -> vector<16xf32>
        %parallel_loop3A_704 = arith.index_cast %parallel_loop3A_597 : i32 to index
        %parallel_loop3A_705 = arith.constant 96 : index
        %parallel_loop3A_706 = tpu.vector_load %arg12[%parallel_loop3A_704, %parallel_loop3A_705] {strides = array<i32>} : memref<100x144xf32, #tpu.memory_space<vmem>>, vector<1x16xf32>,
        %parallel_loop3A_707 = vector.shape_cast %parallel_loop3A_706 : vector<1x16xf32> to vector<16xf32>
        %parallel_loop3A_708 = arith.mulf %parallel_loop3A_707, %parallel_loop3A_703 : vector<16xf32>
        %parallel_loop3A_709 = arith.index_cast %parallel_loop3A_597 : i32 to index
        %parallel_loop3A_710 = arith.constant 96 : index
        %parallel_loop3A_711 = tpu.vector_load %arg12[%parallel_loop3A_709, %parallel_loop3A_710] {strides = array<i32>} : memref<100x144xf32, #tpu.memory_space<vmem>>, vector<1x16xf32>,
        %parallel_loop3A_712 = vector.shape_cast %parallel_loop3A_711 : vector<1x16xf32> to vector<16xf32>
        %parallel_loop3A_713 = vector.shape_cast %parallel_loop3A_708 : vector<16xf32> to vector<1x16xf32>
        tpu.vector_store %arg12[%parallel_loop3A_709, %parallel_loop3A_710], %parallel_loop3A_713 {strides = array<i32>} : memref<100x144xf32, #tpu.memory_space<vmem>>, vector<1x16xf32>,
        %parallel_loop3A_714 = vector.shape_cast %broadcast_in_dim3A_53 : vector<16xi32> to vector<16x1xi32>
        %parallel_loop3A_715 = vector.shape_cast %parallel_loop3A_714 : vector<16x1xi32> to vector<16xi32>
        %parallel_loop3A_716 = tpu.dynamic_gather %parallel_loop3A_617[%parallel_loop3A_715] in [0] : vector<16xf32>, vector<16xi32> -> vector<16xf32>
        %parallel_loop3A_717 = arith.index_cast %parallel_loop3A_597 : i32 to index
        %parallel_loop3A_718 = arith.constant 112 : index
        %parallel_loop3A_719 = tpu.vector_load %arg12[%parallel_loop3A_717, %parallel_loop3A_718] {strides = array<i32>} : memref<100x144xf32, #tpu.memory_space<vmem>>, vector<1x16xf32>,
        %parallel_loop3A_720 = vector.shape_cast %parallel_loop3A_719 : vector<1x16xf32> to vector<16xf32>
        %parallel_loop3A_721 = arith.mulf %parallel_loop3A_720, %parallel_loop3A_716 : vector<16xf32>
        %parallel_loop3A_722 = arith.index_cast %parallel_loop3A_597 : i32 to index
        %parallel_loop3A_723 = arith.constant 112 : index
        %parallel_loop3A_724 = tpu.vector_load %arg12[%parallel_loop3A_722, %parallel_loop3A_723] {strides = array<i32>} : memref<100x144xf32, #tpu.memory_space<vmem>>, vector<1x16xf32>,
        %parallel_loop3A_725 = vector.shape_cast %parallel_loop3A_724 : vector<1x16xf32> to vector<16xf32>
        %parallel_loop3A_726 = vector.shape_cast %parallel_loop3A_721 : vector<16xf32> to vector<1x16xf32>
        tpu.vector_store %arg12[%parallel_loop3A_722, %parallel_loop3A_723], %parallel_loop3A_726 {strides = array<i32>} : memref<100x144xf32, #tpu.memory_space<vmem>>, vector<1x16xf32>,
      } {sc.loop_unroll_factor = 2 : i64, sc.parallel_access}
      %dma_start3A_421 = arith.constant 50 : i32
      %dma_start3A_422 = arith.constant 0 : i32
      %dma_start3A_423 = tpu.memref_slice %arg12[%dma_start3A_421, %dma_start3A_422] : memref<100x144xf32, #tpu.memory_space<vmem>> -> memref<50x144xf32, #tpu.memory_space<vmem>>
      %dma_start3A_424 = arith.constant 0 : i32
      %dma_start3A_425 = arith.constant 0 : i32
      %dma_start3A_426 = tpu.memref_slice %arg20[%dma_start3A_424, %dma_start3A_425] : memref<10000x144xf32, #tpu.memory_space<vmem_shared>> -> memref<10000x144xf32, #tpu.memory_space<vmem_shared>>
      tpu.enqueue_indirect_dma source(%dma_start3A_423 : memref<50x144xf32, #tpu.memory_space<vmem>>) target(%dma_start3A_426 : memref<10000x144xf32, #tpu.memory_space<vmem_shared>>) offsets(%arg18 : memref<50xi32, #tpu.memory_space<vmem>>) semaphore(%arg24 : memref<!tpu.dma_semaphore, #tpu.memory_space<semaphore_mem>>) {add = true}
      %dma_wait3A_427 = arith.constant 0 : i32
      %dma_wait3A_428 = arith.constant 0 : i32
      %dma_wait3A_429 = tpu.memref_slice %arg12[%dma_wait3A_427, %dma_wait3A_428] : memref<100x144xf32, #tpu.memory_space<vmem>> -> memref<50x144xf32, #tpu.memory_space<vmem>>
      %dma_wait3A_430 = arith.constant 0 : i32
      %dma_wait3A_431 = arith.constant 0 : i32
      %dma_wait3A_432 = tpu.memref_slice %arg20[%dma_wait3A_430, %dma_wait3A_431] : memref<10000x144xf32, #tpu.memory_space<vmem_shared>> -> memref<10000x144xf32, #tpu.memory_space<vmem_shared>>
      tpu.wait_indirect_dma semaphore(%arg24 : memref<!tpu.dma_semaphore, #tpu.memory_space<semaphore_mem>>) src(%dma_wait3A_429 : memref<50x144xf32, #tpu.memory_space<vmem>>) dst(%dma_wait3A_432 : memref<10000x144xf32, #tpu.memory_space<vmem_shared>>)
      %dma_wait3A_433 = arith.constant 50 : i32
      %dma_wait3A_434 = arith.constant 0 : i32
      %dma_wait3A_435 = tpu.memref_slice %arg12[%dma_wait3A_433, %dma_wait3A_434] : memref<100x144xf32, #tpu.memory_space<vmem>> -> memref<50x144xf32, #tpu.memory_space<vmem>>
      %dma_wait3A_436 = arith.constant 0 : i32
      %dma_wait3A_437 = arith.constant 0 : i32
      %dma_wait3A_438 = tpu.memref_slice %arg20[%dma_wait3A_436, %dma_wait3A_437] : memref<10000x144xf32, #tpu.memory_space<vmem_shared>> -> memref<10000x144xf32, #tpu.memory_space<vmem_shared>>
      tpu.wait_indirect_dma semaphore(%arg24 : memref<!tpu.dma_semaphore, #tpu.memory_space<semaphore_mem>>) src(%dma_wait3A_435 : memref<50x144xf32, #tpu.memory_space<vmem>>) dst(%dma_wait3A_438 : memref<10000x144xf32, #tpu.memory_space<vmem_shared>>)
      %add3A_439 = arith.constant 0 : i32
      %add3A_440 = arith.addi %add3A, %add3A_439 : i32
      %dma_wait3A_441 = arith.constant 0 : i32
      %dma_wait3A_442 = tpu.memref_slice %arg2[%add3A_440, %dma_wait3A_441] : memref<3200x224xi32, #tpu.memory_space<hbm>> -> memref<1x224xi32, #tpu.memory_space<hbm>>
      %dma_wait3A_443 = tpu.memref_squeeze %dma_wait3A_442 : memref<1x224xi32, #tpu.memory_space<hbm>> -> memref<224xi32, #tpu.memory_space<hbm>>
      %dma_wait3A_444 = arith.constant 0 : i32
      %dma_wait3A_445 = tpu.memref_slice %arg2[%add3A_440, %dma_wait3A_444] : memref<3200x224xi32, #tpu.memory_space<hbm>> -> memref<1x224xi32, #tpu.memory_space<hbm>>
      %dma_wait3A_446 = tpu.memref_squeeze %dma_wait3A_445 : memref<1x224xi32, #tpu.memory_space<hbm>> -> memref<224xi32, #tpu.memory_space<hbm>>
      tpu.wait_dma2 semaphore(%arg28 : memref<!tpu.dma_semaphore, #tpu.memory_space<semaphore_mem>>) src(%dma_wait3A_446 : memref<224xi32, #tpu.memory_space<hbm>>) dst(%arg10 : memref<224xi32, #tpu.memory_space<vmem>>)
      %get3A_447 = arith.constant 112 : index
      %get3A_448 = tpu.vector_load %arg10[%get3A_447] {strides = array<i32>} : memref<224xi32, #tpu.memory_space<vmem>>, vector<16xi32>,
      %get3A_449 = vector.shape_cast %get3A_448 : vector<16xi32> to vector<16xi32>
      %swap3A_450 = arith.constant 0 : index
      %swap3A_451 = tpu.vector_load %arg17[%swap3A_450] {strides = array<i32>} : memref<50xi32, #tpu.memory_space<vmem>>, vector<16xi32>,
      %swap3A_452 = vector.shape_cast %swap3A_451 : vector<16xi32> to vector<16xi32>
      %swap3A_453 = vector.shape_cast %get3A_449 : vector<16xi32> to vector<16xi32>
      tpu.vector_store %arg17[%swap3A_450], %swap3A_453 {strides = array<i32>} : memref<50xi32, #tpu.memory_space<vmem>>, vector<16xi32>,
      %get3A_454 = arith.constant 162 : index
      %get3A_455 = tpu.vector_load %arg10[%get3A_454] {strides = array<i32>} : memref<224xi32, #tpu.memory_space<vmem>>, vector<16xi32>,
      %get3A_456 = vector.shape_cast %get3A_455 : vector<16xi32> to vector<16xi32>
      %swap3A_457 = arith.constant 0 : index
      %swap3A_458 = tpu.vector_load %arg18[%swap3A_457] {strides = array<i32>} : memref<50xi32, #tpu.memory_space<vmem>>, vector<16xi32>,
      %swap3A_459 = vector.shape_cast %swap3A_458 : vector<16xi32> to vector<16xi32>
      %swap3A_460 = vector.shape_cast %get3A_456 : vector<16xi32> to vector<16xi32>
      tpu.vector_store %arg18[%swap3A_457], %swap3A_460 {strides = array<i32>} : memref<50xi32, #tpu.memory_space<vmem>>, vector<16xi32>,
      %get3A_461 = arith.constant 128 : index
      %get3A_462 = tpu.vector_load %arg10[%get3A_461] {strides = array<i32>} : memref<224xi32, #tpu.memory_space<vmem>>, vector<16xi32>,
      %get3A_463 = vector.shape_cast %get3A_462 : vector<16xi32> to vector<16xi32>
      %swap3A_464 = arith.constant 16 : index
      %swap3A_465 = tpu.vector_load %arg17[%swap3A_464] {strides = array<i32>} : memref<50xi32, #tpu.memory_space<vmem>>, vector<16xi32>,
      %swap3A_466 = vector.shape_cast %swap3A_465 : vector<16xi32> to vector<16xi32>
      %swap3A_467 = vector.shape_cast %get3A_463 : vector<16xi32> to vector<16xi32>
      tpu.vector_store %arg17[%swap3A_464], %swap3A_467 {strides = array<i32>} : memref<50xi32, #tpu.memory_space<vmem>>, vector<16xi32>,
      %get3A_468 = arith.constant 178 : index
      %get3A_469 = tpu.vector_load %arg10[%get3A_468] {strides = array<i32>} : memref<224xi32, #tpu.memory_space<vmem>>, vector<16xi32>,
      %get3A_470 = vector.shape_cast %get3A_469 : vector<16xi32> to vector<16xi32>
      %swap3A_471 = arith.constant 16 : index
      %swap3A_472 = tpu.vector_load %arg18[%swap3A_471] {strides = array<i32>} : memref<50xi32, #tpu.memory_space<vmem>>, vector<16xi32>,
      %swap3A_473 = vector.shape_cast %swap3A_472 : vector<16xi32> to vector<16xi32>
      %swap3A_474 = vector.shape_cast %get3A_470 : vector<16xi32> to vector<16xi32>
      tpu.vector_store %arg18[%swap3A_471], %swap3A_474 {strides = array<i32>} : memref<50xi32, #tpu.memory_space<vmem>>, vector<16xi32>,
      %get3A_475 = arith.constant 144 : index
      %get3A_476 = tpu.vector_load %arg10[%get3A_475] {strides = array<i32>} : memref<224xi32, #tpu.memory_space<vmem>>, vector<16xi32>,
      %get3A_477 = vector.shape_cast %get3A_476 : vector<16xi32> to vector<16xi32>
      %swap3A_478 = arith.constant 32 : index
      %swap3A_479 = tpu.vector_load %arg17[%swap3A_478] {strides = array<i32>} : memref<50xi32, #tpu.memory_space<vmem>>, vector<16xi32>,
      %swap3A_480 = vector.shape_cast %swap3A_479 : vector<16xi32> to vector<16xi32>
      %swap3A_481 = vector.shape_cast %get3A_477 : vector<16xi32> to vector<16xi32>
      tpu.vector_store %arg17[%swap3A_478], %swap3A_481 {strides = array<i32>} : memref<50xi32, #tpu.memory_space<vmem>>, vector<16xi32>,
      %get3A_482 = arith.constant 194 : index
      %get3A_483 = tpu.vector_load %arg10[%get3A_482] {strides = array<i32>} : memref<224xi32, #tpu.memory_space<vmem>>, vector<16xi32>,
      %get3A_484 = vector.shape_cast %get3A_483 : vector<16xi32> to vector<16xi32>
      %swap3A_485 = arith.constant 32 : index
      %swap3A_486 = tpu.vector_load %arg18[%swap3A_485] {strides = array<i32>} : memref<50xi32, #tpu.memory_space<vmem>>, vector<16xi32>,
      %swap3A_487 = vector.shape_cast %swap3A_486 : vector<16xi32> to vector<16xi32>
      %swap3A_488 = vector.shape_cast %get3A_484 : vector<16xi32> to vector<16xi32>
      tpu.vector_store %arg18[%swap3A_485], %swap3A_488 {strides = array<i32>} : memref<50xi32, #tpu.memory_space<vmem>>, vector<16xi32>,
      %get3A_489 = arith.constant 146 : index
      %get3A_490 = tpu.vector_load %arg10[%get3A_489] {strides = array<i32>} : memref<224xi32, #tpu.memory_space<vmem>>, vector<16xi32>,
      %get3A_491 = vector.shape_cast %get3A_490 : vector<16xi32> to vector<16xi32>
      %swap3A_492 = arith.constant 34 : index
      %swap3A_493 = tpu.vector_load %arg17[%swap3A_492] {strides = array<i32>} : memref<50xi32, #tpu.memory_space<vmem>>, vector<16xi32>,
      %swap3A_494 = vector.shape_cast %swap3A_493 : vector<16xi32> to vector<16xi32>
      %swap3A_495 = vector.shape_cast %get3A_491 : vector<16xi32> to vector<16xi32>
      tpu.vector_store %arg17[%swap3A_492], %swap3A_495 {strides = array<i32>} : memref<50xi32, #tpu.memory_space<vmem>>, vector<16xi32>,
      %get3A_496 = arith.constant 196 : index
      %get3A_497 = tpu.vector_load %arg10[%get3A_496] {strides = array<i32>} : memref<224xi32, #tpu.memory_space<vmem>>, vector<16xi32>,
      %get3A_498 = vector.shape_cast %get3A_497 : vector<16xi32> to vector<16xi32>
      %swap3A_499 = arith.constant 34 : index
      %swap3A_500 = tpu.vector_load %arg18[%swap3A_499] {strides = array<i32>} : memref<50xi32, #tpu.memory_space<vmem>>, vector<16xi32>,
      %swap3A_501 = vector.shape_cast %swap3A_500 : vector<16xi32> to vector<16xi32>
      %swap3A_502 = vector.shape_cast %get3A_498 : vector<16xi32> to vector<16xi32>
      tpu.vector_store %arg18[%swap3A_499], %swap3A_502 {strides = array<i32>} : memref<50xi32, #tpu.memory_space<vmem>>, vector<16xi32>,
      %dma_start3A_503 = arith.constant 0 : i32
      %dma_start3A_504 = tpu.memref_slice %arg10[%dma_start3A_503] : memref<224xi32, #tpu.memory_space<vmem>> -> memref<100xi32, #tpu.memory_space<vmem>>
      %dma_start3A_505 = arith.constant 0 : i32
      %dma_start3A_506 = arith.constant 0 : i32
      %dma_start3A_507 = tpu.memref_slice %arg4[%dma_start3A_505, %dma_start3A_506] : memref<10000x144xf32, #tpu.memory_space<hbm>> -> memref<10000x144xf32, #tpu.memory_space<hbm>>
      tpu.enqueue_indirect_dma source(%dma_start3A_507 : memref<10000x144xf32, #tpu.memory_space<hbm>>) target(%arg12 : memref<100x144xf32, #tpu.memory_space<vmem>>) offsets(%dma_start3A_504 : memref<100xi32, #tpu.memory_space<vmem>>) semaphore(%arg22 : memref<!tpu.dma_semaphore, #tpu.memory_space<semaphore_mem>>)
      %dma_start3A_508 = arith.constant 112 : i32
      %dma_start3A_509 = tpu.memref_slice %arg10[%dma_start3A_508] : memref<224xi32, #tpu.memory_space<vmem>> -> memref<100xi32, #tpu.memory_space<vmem>>
      %dma_start3A_510 = arith.constant 0 : i32
      %dma_start3A_511 = arith.constant 0 : i32
      %dma_start3A_512 = tpu.memref_slice %arg3[%dma_start3A_510, %dma_start3A_511] : memref<10000x16xf32, #tpu.memory_space<hbm>> -> memref<10000x16xf32, #tpu.memory_space<hbm>>
      tpu.enqueue_indirect_dma source(%dma_start3A_512 : memref<10000x16xf32, #tpu.memory_space<hbm>>) target(%arg14 : memref<100x16xf32, #tpu.memory_space<vmem>>) offsets(%dma_start3A_509 : memref<100xi32, #tpu.memory_space<vmem>>) semaphore(%arg22 : memref<!tpu.dma_semaphore, #tpu.memory_space<semaphore_mem>>)
      %add3A_513 = arith.constant 6 : i32
      %add3A_514 = arith.addi %mul3A_274, %add3A_513 : i32
      %dma_wait3A_515 = arith.constant 0 : i32
      %dma_wait3A_516 = tpu.memref_slice %arg8[%dma_wait3A_515] : memref<224xi32, #tpu.memory_space<vmem>> -> memref<100xi32, #tpu.memory_space<vmem>>
      %dma_wait3A_517 = arith.constant 0 : i32
      %dma_wait3A_518 = arith.constant 0 : i32
      %dma_wait3A_519 = tpu.memref_slice %arg4[%dma_wait3A_517, %dma_wait3A_518] : memref<10000x144xf32, #tpu.memory_space<hbm>> -> memref<10000x144xf32, #tpu.memory_space<hbm>>
      tpu.wait_indirect_dma semaphore(%arg21 : memref<!tpu.dma_semaphore, #tpu.memory_space<semaphore_mem>>) src(%dma_wait3A_519 : memref<10000x144xf32, #tpu.memory_space<hbm>>) dst(%arg11 : memref<100x144xf32, #tpu.memory_space<vmem>>)
      %dma_wait3A_520 = arith.constant 112 : i32
      %dma_wait3A_521 = tpu.memref_slice %arg8[%dma_wait3A_520] : memref<224xi32, #tpu.memory_space<vmem>> -> memref<100xi32, #tpu.memory_space<vmem>>
      %dma_wait3A_522 = arith.constant 0 : i32
      %dma_wait3A_523 = arith.constant 0 : i32
      %dma_wait3A_524 = tpu.memref_slice %arg3[%dma_wait3A_522, %dma_wait3A_523] : memref<10000x16xf32, #tpu.memory_space<hbm>> -> memref<10000x16xf32, #tpu.memory_space<hbm>>
      tpu.wait_indirect_dma semaphore(%arg21 : memref<!tpu.dma_semaphore, #tpu.memory_space<semaphore_mem>>) src(%dma_wait3A_524 : memref<10000x16xf32, #tpu.memory_space<hbm>>) dst(%arg13 : memref<100x16xf32, #tpu.memory_space<vmem>>)
      %lt3A_525 = arith.constant 100 : i32
      %lt3A_526 = arith.cmpi slt, %add3A_514, %lt3A_525 : i32
      %convert_element_type3A_527 = arith.extui %lt3A_526 : i1 to i32
      %cond3A_528 = arith.constant 0 : i32
      %cond3A_529 = arith.cmpi ne, %convert_element_type3A_527, %cond3A_528 : i32
      scf.if %cond3A_529 {
        %mul3A_597 = arith.constant 32 : i32
        %mul3A_598 = arith.muli %add3A_514, %mul3A_597 : i32
        %add3A_599 = arith.addi %add3A, %mul3A_598 : i32
        %dma_start3A_600 = arith.constant 0 : i32
        %dma_start3A_601 = tpu.memref_slice %arg2[%add3A_599, %dma_start3A_600] : memref<3200x224xi32, #tpu.memory_space<hbm>> -> memref<1x224xi32, #tpu.memory_space<hbm>>
        %dma_start3A_602 = tpu.memref_squeeze %dma_start3A_601 : memref<1x224xi32, #tpu.memory_space<hbm>> -> memref<224xi32, #tpu.memory_space<hbm>>
        %dma_start3A_603 = arith.constant 0 : i32
        %dma_start3A_604 = tpu.memref_slice %arg2[%add3A_599, %dma_start3A_603] : memref<3200x224xi32, #tpu.memory_space<hbm>> -> memref<1x224xi32, #tpu.memory_space<hbm>>
        %dma_start3A_605 = tpu.memref_squeeze %dma_start3A_604 : memref<1x224xi32, #tpu.memory_space<hbm>> -> memref<224xi32, #tpu.memory_space<hbm>>
        tpu.enqueue_dma source(%dma_start3A_605 : memref<224xi32, #tpu.memory_space<hbm>>) target(%arg8 : memref<224xi32, #tpu.memory_space<vmem>>) target_semaphore(%arg26 : memref<!tpu.dma_semaphore, #tpu.memory_space<semaphore_mem>>)
      } else {
      }
      %parallel_loop3A_530 = arith.constant 0 : i32
      %parallel_loop3A_531 = arith.constant 50 : i32
      %parallel_loop3A_532 = arith.constant 1 : i32
      scf.for %parallel_loop3A_597 = %parallel_loop3A_530 to %parallel_loop3A_531 step %parallel_loop3A_532  : i32 {
        %parallel_loop3A_598 = arith.index_cast %parallel_loop3A_597 : i32 to index
        %parallel_loop3A_599 = arith.constant 0 : index
        %parallel_loop3A_600 = tpu.vector_load %arg13[%parallel_loop3A_598, %parallel_loop3A_599] {strides = array<i32>} : memref<100x16xf32, #tpu.memory_space<vmem>>, vector<1x16xf32>,
        %parallel_loop3A_601 = vector.shape_cast %parallel_loop3A_600 : vector<1x16xf32> to vector<16xf32>
        %parallel_loop3A_602 = arith.index_cast %parallel_loop3A_597 : i32 to index
        %parallel_loop3A_603 = arith.constant 128 : index
        %parallel_loop3A_604 = tpu.vector_load %arg11[%parallel_loop3A_602, %parallel_loop3A_603] {strides = array<i32>} : memref<100x144xf32, #tpu.memory_space<vmem>>, vector<1x16xf32>,
        %parallel_loop3A_605 = vector.shape_cast %parallel_loop3A_604 : vector<1x16xf32> to vector<16xf32>
        %parallel_loop3A_606 = arith.addf %parallel_loop3A_601, %parallel_loop3A_605 : vector<16xf32>
        %parallel_loop3A_607 = arith.constant 2.000000e-01 : f32
        %parallel_loop3A_608 = vector.broadcast %parallel_loop3A_607 : f32 to vector<16xf32>
        %parallel_loop3A_609 = arith.mulf %parallel_loop3A_608, %parallel_loop3A_606 : vector<16xf32>
        %parallel_loop3A_610 = arith.maximumf %parallel_loop3A_606, %parallel_loop3A_609 : vector<16xf32>
        %parallel_loop3A_611 = arith.addf %parallel_loop3A_601, %get3A_37 : vector<16xf32>
        %parallel_loop3A_612 = arith.constant 2.000000e-01 : f32
        %parallel_loop3A_613 = vector.broadcast %parallel_loop3A_612 : f32 to vector<16xf32>
        %parallel_loop3A_614 = arith.mulf %parallel_loop3A_613, %parallel_loop3A_611 : vector<16xf32>
        %parallel_loop3A_615 = arith.maximumf %parallel_loop3A_611, %parallel_loop3A_614 : vector<16xf32>
        %parallel_loop3A_616 = arith.subf %parallel_loop3A_610, %parallel_loop3A_615 : vector<16xf32>
        %parallel_loop3A_617 = math.exp %parallel_loop3A_616 : vector<16xf32>
        %parallel_loop3A_618 = arith.index_cast %parallel_loop3A_597 : i32 to index
        %parallel_loop3A_619 = arith.constant 128 : index
        %parallel_loop3A_620 = tpu.vector_load %arg11[%parallel_loop3A_618, %parallel_loop3A_619] {strides = array<i32>} : memref<100x144xf32, #tpu.memory_space<vmem>>, vector<1x16xf32>,
        %parallel_loop3A_621 = vector.shape_cast %parallel_loop3A_620 : vector<1x16xf32> to vector<16xf32>
        %parallel_loop3A_622 = vector.shape_cast %parallel_loop3A_617 : vector<16xf32> to vector<1x16xf32>
        tpu.vector_store %arg11[%parallel_loop3A_618, %parallel_loop3A_619], %parallel_loop3A_622 {strides = array<i32>} : memref<100x144xf32, #tpu.memory_space<vmem>>, vector<1x16xf32>,
        %parallel_loop3A_623 = vector.shape_cast %broadcast_in_dim3A_39 : vector<16xi32> to vector<16x1xi32>
        %parallel_loop3A_624 = vector.shape_cast %parallel_loop3A_623 : vector<16x1xi32> to vector<16xi32>
        %parallel_loop3A_625 = tpu.dynamic_gather %parallel_loop3A_617[%parallel_loop3A_624] in [0] : vector<16xf32>, vector<16xi32> -> vector<16xf32>
        %parallel_loop3A_626 = arith.index_cast %parallel_loop3A_597 : i32 to index
        %parallel_loop3A_627 = arith.constant 0 : index
        %parallel_loop3A_628 = tpu.vector_load %arg11[%parallel_loop3A_626, %parallel_loop3A_627] {strides = array<i32>} : memref<100x144xf32, #tpu.memory_space<vmem>>, vector<1x16xf32>,
        %parallel_loop3A_629 = vector.shape_cast %parallel_loop3A_628 : vector<1x16xf32> to vector<16xf32>
        %parallel_loop3A_630 = arith.mulf %parallel_loop3A_629, %parallel_loop3A_625 : vector<16xf32>
        %parallel_loop3A_631 = arith.index_cast %parallel_loop3A_597 : i32 to index
        %parallel_loop3A_632 = arith.constant 0 : index
        %parallel_loop3A_633 = tpu.vector_load %arg11[%parallel_loop3A_631, %parallel_loop3A_632] {strides = array<i32>} : memref<100x144xf32, #tpu.memory_space<vmem>>, vector<1x16xf32>,
        %parallel_loop3A_634 = vector.shape_cast %parallel_loop3A_633 : vector<1x16xf32> to vector<16xf32>
        %parallel_loop3A_635 = vector.shape_cast %parallel_loop3A_630 : vector<16xf32> to vector<1x16xf32>
        tpu.vector_store %arg11[%parallel_loop3A_631, %parallel_loop3A_632], %parallel_loop3A_635 {strides = array<i32>} : memref<100x144xf32, #tpu.memory_space<vmem>>, vector<1x16xf32>,
        %parallel_loop3A_636 = vector.shape_cast %broadcast_in_dim3A_41 : vector<16xi32> to vector<16x1xi32>
        %parallel_loop3A_637 = vector.shape_cast %parallel_loop3A_636 : vector<16x1xi32> to vector<16xi32>
        %parallel_loop3A_638 = tpu.dynamic_gather %parallel_loop3A_617[%parallel_loop3A_637] in [0] : vector<16xf32>, vector<16xi32> -> vector<16xf32>
        %parallel_loop3A_639 = arith.index_cast %parallel_loop3A_597 : i32 to index
        %parallel_loop3A_640 = arith.constant 16 : index
        %parallel_loop3A_641 = tpu.vector_load %arg11[%parallel_loop3A_639, %parallel_loop3A_640] {strides = array<i32>} : memref<100x144xf32, #tpu.memory_space<vmem>>, vector<1x16xf32>,
        %parallel_loop3A_642 = vector.shape_cast %parallel_loop3A_641 : vector<1x16xf32> to vector<16xf32>
        %parallel_loop3A_643 = arith.mulf %parallel_loop3A_642, %parallel_loop3A_638 : vector<16xf32>
        %parallel_loop3A_644 = arith.index_cast %parallel_loop3A_597 : i32 to index
        %parallel_loop3A_645 = arith.constant 16 : index
        %parallel_loop3A_646 = tpu.vector_load %arg11[%parallel_loop3A_644, %parallel_loop3A_645] {strides = array<i32>} : memref<100x144xf32, #tpu.memory_space<vmem>>, vector<1x16xf32>,
        %parallel_loop3A_647 = vector.shape_cast %parallel_loop3A_646 : vector<1x16xf32> to vector<16xf32>
        %parallel_loop3A_648 = vector.shape_cast %parallel_loop3A_643 : vector<16xf32> to vector<1x16xf32>
        tpu.vector_store %arg11[%parallel_loop3A_644, %parallel_loop3A_645], %parallel_loop3A_648 {strides = array<i32>} : memref<100x144xf32, #tpu.memory_space<vmem>>, vector<1x16xf32>,
        %parallel_loop3A_649 = vector.shape_cast %broadcast_in_dim3A_43 : vector<16xi32> to vector<16x1xi32>
        %parallel_loop3A_650 = vector.shape_cast %parallel_loop3A_649 : vector<16x1xi32> to vector<16xi32>
        %parallel_loop3A_651 = tpu.dynamic_gather %parallel_loop3A_617[%parallel_loop3A_650] in [0] : vector<16xf32>, vector<16xi32> -> vector<16xf32>
        %parallel_loop3A_652 = arith.index_cast %parallel_loop3A_597 : i32 to index
        %parallel_loop3A_653 = arith.constant 32 : index
        %parallel_loop3A_654 = tpu.vector_load %arg11[%parallel_loop3A_652, %parallel_loop3A_653] {strides = array<i32>} : memref<100x144xf32, #tpu.memory_space<vmem>>, vector<1x16xf32>,
        %parallel_loop3A_655 = vector.shape_cast %parallel_loop3A_654 : vector<1x16xf32> to vector<16xf32>
        %parallel_loop3A_656 = arith.mulf %parallel_loop3A_655, %parallel_loop3A_651 : vector<16xf32>
        %parallel_loop3A_657 = arith.index_cast %parallel_loop3A_597 : i32 to index
        %parallel_loop3A_658 = arith.constant 32 : index
        %parallel_loop3A_659 = tpu.vector_load %arg11[%parallel_loop3A_657, %parallel_loop3A_658] {strides = array<i32>} : memref<100x144xf32, #tpu.memory_space<vmem>>, vector<1x16xf32>,
        %parallel_loop3A_660 = vector.shape_cast %parallel_loop3A_659 : vector<1x16xf32> to vector<16xf32>
        %parallel_loop3A_661 = vector.shape_cast %parallel_loop3A_656 : vector<16xf32> to vector<1x16xf32>
        tpu.vector_store %arg11[%parallel_loop3A_657, %parallel_loop3A_658], %parallel_loop3A_661 {strides = array<i32>} : memref<100x144xf32, #tpu.memory_space<vmem>>, vector<1x16xf32>,
        %parallel_loop3A_662 = vector.shape_cast %broadcast_in_dim3A_45 : vector<16xi32> to vector<16x1xi32>
        %parallel_loop3A_663 = vector.shape_cast %parallel_loop3A_662 : vector<16x1xi32> to vector<16xi32>
        %parallel_loop3A_664 = tpu.dynamic_gather %parallel_loop3A_617[%parallel_loop3A_663] in [0] : vector<16xf32>, vector<16xi32> -> vector<16xf32>
        %parallel_loop3A_665 = arith.index_cast %parallel_loop3A_597 : i32 to index
        %parallel_loop3A_666 = arith.constant 48 : index
        %parallel_loop3A_667 = tpu.vector_load %arg11[%parallel_loop3A_665, %parallel_loop3A_666] {strides = array<i32>} : memref<100x144xf32, #tpu.memory_space<vmem>>, vector<1x16xf32>,
        %parallel_loop3A_668 = vector.shape_cast %parallel_loop3A_667 : vector<1x16xf32> to vector<16xf32>
        %parallel_loop3A_669 = arith.mulf %parallel_loop3A_668, %parallel_loop3A_664 : vector<16xf32>
        %parallel_loop3A_670 = arith.index_cast %parallel_loop3A_597 : i32 to index
        %parallel_loop3A_671 = arith.constant 48 : index
        %parallel_loop3A_672 = tpu.vector_load %arg11[%parallel_loop3A_670, %parallel_loop3A_671] {strides = array<i32>} : memref<100x144xf32, #tpu.memory_space<vmem>>, vector<1x16xf32>,
        %parallel_loop3A_673 = vector.shape_cast %parallel_loop3A_672 : vector<1x16xf32> to vector<16xf32>
        %parallel_loop3A_674 = vector.shape_cast %parallel_loop3A_669 : vector<16xf32> to vector<1x16xf32>
        tpu.vector_store %arg11[%parallel_loop3A_670, %parallel_loop3A_671], %parallel_loop3A_674 {strides = array<i32>} : memref<100x144xf32, #tpu.memory_space<vmem>>, vector<1x16xf32>,
        %parallel_loop3A_675 = vector.shape_cast %broadcast_in_dim3A_47 : vector<16xi32> to vector<16x1xi32>
        %parallel_loop3A_676 = vector.shape_cast %parallel_loop3A_675 : vector<16x1xi32> to vector<16xi32>
        %parallel_loop3A_677 = tpu.dynamic_gather %parallel_loop3A_617[%parallel_loop3A_676] in [0] : vector<16xf32>, vector<16xi32> -> vector<16xf32>
        %parallel_loop3A_678 = arith.index_cast %parallel_loop3A_597 : i32 to index
        %parallel_loop3A_679 = arith.constant 64 : index
        %parallel_loop3A_680 = tpu.vector_load %arg11[%parallel_loop3A_678, %parallel_loop3A_679] {strides = array<i32>} : memref<100x144xf32, #tpu.memory_space<vmem>>, vector<1x16xf32>,
        %parallel_loop3A_681 = vector.shape_cast %parallel_loop3A_680 : vector<1x16xf32> to vector<16xf32>
        %parallel_loop3A_682 = arith.mulf %parallel_loop3A_681, %parallel_loop3A_677 : vector<16xf32>
        %parallel_loop3A_683 = arith.index_cast %parallel_loop3A_597 : i32 to index
        %parallel_loop3A_684 = arith.constant 64 : index
        %parallel_loop3A_685 = tpu.vector_load %arg11[%parallel_loop3A_683, %parallel_loop3A_684] {strides = array<i32>} : memref<100x144xf32, #tpu.memory_space<vmem>>, vector<1x16xf32>,
        %parallel_loop3A_686 = vector.shape_cast %parallel_loop3A_685 : vector<1x16xf32> to vector<16xf32>
        %parallel_loop3A_687 = vector.shape_cast %parallel_loop3A_682 : vector<16xf32> to vector<1x16xf32>
        tpu.vector_store %arg11[%parallel_loop3A_683, %parallel_loop3A_684], %parallel_loop3A_687 {strides = array<i32>} : memref<100x144xf32, #tpu.memory_space<vmem>>, vector<1x16xf32>,
        %parallel_loop3A_688 = vector.shape_cast %broadcast_in_dim3A_49 : vector<16xi32> to vector<16x1xi32>
        %parallel_loop3A_689 = vector.shape_cast %parallel_loop3A_688 : vector<16x1xi32> to vector<16xi32>
        %parallel_loop3A_690 = tpu.dynamic_gather %parallel_loop3A_617[%parallel_loop3A_689] in [0] : vector<16xf32>, vector<16xi32> -> vector<16xf32>
        %parallel_loop3A_691 = arith.index_cast %parallel_loop3A_597 : i32 to index
        %parallel_loop3A_692 = arith.constant 80 : index
        %parallel_loop3A_693 = tpu.vector_load %arg11[%parallel_loop3A_691, %parallel_loop3A_692] {strides = array<i32>} : memref<100x144xf32, #tpu.memory_space<vmem>>, vector<1x16xf32>,
        %parallel_loop3A_694 = vector.shape_cast %parallel_loop3A_693 : vector<1x16xf32> to vector<16xf32>
        %parallel_loop3A_695 = arith.mulf %parallel_loop3A_694, %parallel_loop3A_690 : vector<16xf32>
        %parallel_loop3A_696 = arith.index_cast %parallel_loop3A_597 : i32 to index
        %parallel_loop3A_697 = arith.constant 80 : index
        %parallel_loop3A_698 = tpu.vector_load %arg11[%parallel_loop3A_696, %parallel_loop3A_697] {strides = array<i32>} : memref<100x144xf32, #tpu.memory_space<vmem>>, vector<1x16xf32>,
        %parallel_loop3A_699 = vector.shape_cast %parallel_loop3A_698 : vector<1x16xf32> to vector<16xf32>
        %parallel_loop3A_700 = vector.shape_cast %parallel_loop3A_695 : vector<16xf32> to vector<1x16xf32>
        tpu.vector_store %arg11[%parallel_loop3A_696, %parallel_loop3A_697], %parallel_loop3A_700 {strides = array<i32>} : memref<100x144xf32, #tpu.memory_space<vmem>>, vector<1x16xf32>,
        %parallel_loop3A_701 = vector.shape_cast %broadcast_in_dim3A_51 : vector<16xi32> to vector<16x1xi32>
        %parallel_loop3A_702 = vector.shape_cast %parallel_loop3A_701 : vector<16x1xi32> to vector<16xi32>
        %parallel_loop3A_703 = tpu.dynamic_gather %parallel_loop3A_617[%parallel_loop3A_702] in [0] : vector<16xf32>, vector<16xi32> -> vector<16xf32>
        %parallel_loop3A_704 = arith.index_cast %parallel_loop3A_597 : i32 to index
        %parallel_loop3A_705 = arith.constant 96 : index
        %parallel_loop3A_706 = tpu.vector_load %arg11[%parallel_loop3A_704, %parallel_loop3A_705] {strides = array<i32>} : memref<100x144xf32, #tpu.memory_space<vmem>>, vector<1x16xf32>,
        %parallel_loop3A_707 = vector.shape_cast %parallel_loop3A_706 : vector<1x16xf32> to vector<16xf32>
        %parallel_loop3A_708 = arith.mulf %parallel_loop3A_707, %parallel_loop3A_703 : vector<16xf32>
        %parallel_loop3A_709 = arith.index_cast %parallel_loop3A_597 : i32 to index
        %parallel_loop3A_710 = arith.constant 96 : index
        %parallel_loop3A_711 = tpu.vector_load %arg11[%parallel_loop3A_709, %parallel_loop3A_710] {strides = array<i32>} : memref<100x144xf32, #tpu.memory_space<vmem>>, vector<1x16xf32>,
        %parallel_loop3A_712 = vector.shape_cast %parallel_loop3A_711 : vector<1x16xf32> to vector<16xf32>
        %parallel_loop3A_713 = vector.shape_cast %parallel_loop3A_708 : vector<16xf32> to vector<1x16xf32>
        tpu.vector_store %arg11[%parallel_loop3A_709, %parallel_loop3A_710], %parallel_loop3A_713 {strides = array<i32>} : memref<100x144xf32, #tpu.memory_space<vmem>>, vector<1x16xf32>,
        %parallel_loop3A_714 = vector.shape_cast %broadcast_in_dim3A_53 : vector<16xi32> to vector<16x1xi32>
        %parallel_loop3A_715 = vector.shape_cast %parallel_loop3A_714 : vector<16x1xi32> to vector<16xi32>
        %parallel_loop3A_716 = tpu.dynamic_gather %parallel_loop3A_617[%parallel_loop3A_715] in [0] : vector<16xf32>, vector<16xi32> -> vector<16xf32>
        %parallel_loop3A_717 = arith.index_cast %parallel_loop3A_597 : i32 to index
        %parallel_loop3A_718 = arith.constant 112 : index
        %parallel_loop3A_719 = tpu.vector_load %arg11[%parallel_loop3A_717, %parallel_loop3A_718] {strides = array<i32>} : memref<100x144xf32, #tpu.memory_space<vmem>>, vector<1x16xf32>,
        %parallel_loop3A_720 = vector.shape_cast %parallel_loop3A_719 : vector<1x16xf32> to vector<16xf32>
        %parallel_loop3A_721 = arith.mulf %parallel_loop3A_720, %parallel_loop3A_716 : vector<16xf32>
        %parallel_loop3A_722 = arith.index_cast %parallel_loop3A_597 : i32 to index
        %parallel_loop3A_723 = arith.constant 112 : index
        %parallel_loop3A_724 = tpu.vector_load %arg11[%parallel_loop3A_722, %parallel_loop3A_723] {strides = array<i32>} : memref<100x144xf32, #tpu.memory_space<vmem>>, vector<1x16xf32>,
        %parallel_loop3A_725 = vector.shape_cast %parallel_loop3A_724 : vector<1x16xf32> to vector<16xf32>
        %parallel_loop3A_726 = vector.shape_cast %parallel_loop3A_721 : vector<16xf32> to vector<1x16xf32>
        tpu.vector_store %arg11[%parallel_loop3A_722, %parallel_loop3A_723], %parallel_loop3A_726 {strides = array<i32>} : memref<100x144xf32, #tpu.memory_space<vmem>>, vector<1x16xf32>,
      } {sc.loop_unroll_factor = 2 : i64, sc.parallel_access}
      %dma_start3A_533 = arith.constant 0 : i32
      %dma_start3A_534 = arith.constant 0 : i32
      %dma_start3A_535 = tpu.memref_slice %arg11[%dma_start3A_533, %dma_start3A_534] : memref<100x144xf32, #tpu.memory_space<vmem>> -> memref<50x144xf32, #tpu.memory_space<vmem>>
      %dma_start3A_536 = arith.constant 0 : i32
      %dma_start3A_537 = arith.constant 0 : i32
      %dma_start3A_538 = tpu.memref_slice %arg20[%dma_start3A_536, %dma_start3A_537] : memref<10000x144xf32, #tpu.memory_space<vmem_shared>> -> memref<10000x144xf32, #tpu.memory_space<vmem_shared>>
      tpu.enqueue_indirect_dma source(%dma_start3A_535 : memref<50x144xf32, #tpu.memory_space<vmem>>) target(%dma_start3A_538 : memref<10000x144xf32, #tpu.memory_space<vmem_shared>>) offsets(%arg15 : memref<50xi32, #tpu.memory_space<vmem>>) semaphore(%arg23 : memref<!tpu.dma_semaphore, #tpu.memory_space<semaphore_mem>>) {add = true}
      %parallel_loop3A_539 = arith.constant 50 : i32
      %parallel_loop3A_540 = arith.constant 100 : i32
      %parallel_loop3A_541 = arith.constant 1 : i32
      scf.for %parallel_loop3A_597 = %parallel_loop3A_539 to %parallel_loop3A_540 step %parallel_loop3A_541  : i32 {
        %parallel_loop3A_598 = arith.index_cast %parallel_loop3A_597 : i32 to index
        %parallel_loop3A_599 = arith.constant 0 : index
        %parallel_loop3A_600 = tpu.vector_load %arg13[%parallel_loop3A_598, %parallel_loop3A_599] {strides = array<i32>} : memref<100x16xf32, #tpu.memory_space<vmem>>, vector<1x16xf32>,
        %parallel_loop3A_601 = vector.shape_cast %parallel_loop3A_600 : vector<1x16xf32> to vector<16xf32>
        %parallel_loop3A_602 = arith.index_cast %parallel_loop3A_597 : i32 to index
        %parallel_loop3A_603 = arith.constant 128 : index
        %parallel_loop3A_604 = tpu.vector_load %arg11[%parallel_loop3A_602, %parallel_loop3A_603] {strides = array<i32>} : memref<100x144xf32, #tpu.memory_space<vmem>>, vector<1x16xf32>,
        %parallel_loop3A_605 = vector.shape_cast %parallel_loop3A_604 : vector<1x16xf32> to vector<16xf32>
        %parallel_loop3A_606 = arith.addf %parallel_loop3A_601, %parallel_loop3A_605 : vector<16xf32>
        %parallel_loop3A_607 = arith.constant 2.000000e-01 : f32
        %parallel_loop3A_608 = vector.broadcast %parallel_loop3A_607 : f32 to vector<16xf32>
        %parallel_loop3A_609 = arith.mulf %parallel_loop3A_608, %parallel_loop3A_606 : vector<16xf32>
        %parallel_loop3A_610 = arith.maximumf %parallel_loop3A_606, %parallel_loop3A_609 : vector<16xf32>
        %parallel_loop3A_611 = arith.addf %parallel_loop3A_601, %get3A_37 : vector<16xf32>
        %parallel_loop3A_612 = arith.constant 2.000000e-01 : f32
        %parallel_loop3A_613 = vector.broadcast %parallel_loop3A_612 : f32 to vector<16xf32>
        %parallel_loop3A_614 = arith.mulf %parallel_loop3A_613, %parallel_loop3A_611 : vector<16xf32>
        %parallel_loop3A_615 = arith.maximumf %parallel_loop3A_611, %parallel_loop3A_614 : vector<16xf32>
        %parallel_loop3A_616 = arith.subf %parallel_loop3A_610, %parallel_loop3A_615 : vector<16xf32>
        %parallel_loop3A_617 = math.exp %parallel_loop3A_616 : vector<16xf32>
        %parallel_loop3A_618 = arith.index_cast %parallel_loop3A_597 : i32 to index
        %parallel_loop3A_619 = arith.constant 128 : index
        %parallel_loop3A_620 = tpu.vector_load %arg11[%parallel_loop3A_618, %parallel_loop3A_619] {strides = array<i32>} : memref<100x144xf32, #tpu.memory_space<vmem>>, vector<1x16xf32>,
        %parallel_loop3A_621 = vector.shape_cast %parallel_loop3A_620 : vector<1x16xf32> to vector<16xf32>
        %parallel_loop3A_622 = vector.shape_cast %parallel_loop3A_617 : vector<16xf32> to vector<1x16xf32>
        tpu.vector_store %arg11[%parallel_loop3A_618, %parallel_loop3A_619], %parallel_loop3A_622 {strides = array<i32>} : memref<100x144xf32, #tpu.memory_space<vmem>>, vector<1x16xf32>,
        %parallel_loop3A_623 = vector.shape_cast %broadcast_in_dim3A_39 : vector<16xi32> to vector<16x1xi32>
        %parallel_loop3A_624 = vector.shape_cast %parallel_loop3A_623 : vector<16x1xi32> to vector<16xi32>
        %parallel_loop3A_625 = tpu.dynamic_gather %parallel_loop3A_617[%parallel_loop3A_624] in [0] : vector<16xf32>, vector<16xi32> -> vector<16xf32>
        %parallel_loop3A_626 = arith.index_cast %parallel_loop3A_597 : i32 to index
        %parallel_loop3A_627 = arith.constant 0 : index
        %parallel_loop3A_628 = tpu.vector_load %arg11[%parallel_loop3A_626, %parallel_loop3A_627] {strides = array<i32>} : memref<100x144xf32, #tpu.memory_space<vmem>>, vector<1x16xf32>,
        %parallel_loop3A_629 = vector.shape_cast %parallel_loop3A_628 : vector<1x16xf32> to vector<16xf32>
        %parallel_loop3A_630 = arith.mulf %parallel_loop3A_629, %parallel_loop3A_625 : vector<16xf32>
        %parallel_loop3A_631 = arith.index_cast %parallel_loop3A_597 : i32 to index
        %parallel_loop3A_632 = arith.constant 0 : index
        %parallel_loop3A_633 = tpu.vector_load %arg11[%parallel_loop3A_631, %parallel_loop3A_632] {strides = array<i32>} : memref<100x144xf32, #tpu.memory_space<vmem>>, vector<1x16xf32>,
        %parallel_loop3A_634 = vector.shape_cast %parallel_loop3A_633 : vector<1x16xf32> to vector<16xf32>
        %parallel_loop3A_635 = vector.shape_cast %parallel_loop3A_630 : vector<16xf32> to vector<1x16xf32>
        tpu.vector_store %arg11[%parallel_loop3A_631, %parallel_loop3A_632], %parallel_loop3A_635 {strides = array<i32>} : memref<100x144xf32, #tpu.memory_space<vmem>>, vector<1x16xf32>,
        %parallel_loop3A_636 = vector.shape_cast %broadcast_in_dim3A_41 : vector<16xi32> to vector<16x1xi32>
        %parallel_loop3A_637 = vector.shape_cast %parallel_loop3A_636 : vector<16x1xi32> to vector<16xi32>
        %parallel_loop3A_638 = tpu.dynamic_gather %parallel_loop3A_617[%parallel_loop3A_637] in [0] : vector<16xf32>, vector<16xi32> -> vector<16xf32>
        %parallel_loop3A_639 = arith.index_cast %parallel_loop3A_597 : i32 to index
        %parallel_loop3A_640 = arith.constant 16 : index
        %parallel_loop3A_641 = tpu.vector_load %arg11[%parallel_loop3A_639, %parallel_loop3A_640] {strides = array<i32>} : memref<100x144xf32, #tpu.memory_space<vmem>>, vector<1x16xf32>,
        %parallel_loop3A_642 = vector.shape_cast %parallel_loop3A_641 : vector<1x16xf32> to vector<16xf32>
        %parallel_loop3A_643 = arith.mulf %parallel_loop3A_642, %parallel_loop3A_638 : vector<16xf32>
        %parallel_loop3A_644 = arith.index_cast %parallel_loop3A_597 : i32 to index
        %parallel_loop3A_645 = arith.constant 16 : index
        %parallel_loop3A_646 = tpu.vector_load %arg11[%parallel_loop3A_644, %parallel_loop3A_645] {strides = array<i32>} : memref<100x144xf32, #tpu.memory_space<vmem>>, vector<1x16xf32>,
        %parallel_loop3A_647 = vector.shape_cast %parallel_loop3A_646 : vector<1x16xf32> to vector<16xf32>
        %parallel_loop3A_648 = vector.shape_cast %parallel_loop3A_643 : vector<16xf32> to vector<1x16xf32>
        tpu.vector_store %arg11[%parallel_loop3A_644, %parallel_loop3A_645], %parallel_loop3A_648 {strides = array<i32>} : memref<100x144xf32, #tpu.memory_space<vmem>>, vector<1x16xf32>,
        %parallel_loop3A_649 = vector.shape_cast %broadcast_in_dim3A_43 : vector<16xi32> to vector<16x1xi32>
        %parallel_loop3A_650 = vector.shape_cast %parallel_loop3A_649 : vector<16x1xi32> to vector<16xi32>
        %parallel_loop3A_651 = tpu.dynamic_gather %parallel_loop3A_617[%parallel_loop3A_650] in [0] : vector<16xf32>, vector<16xi32> -> vector<16xf32>
        %parallel_loop3A_652 = arith.index_cast %parallel_loop3A_597 : i32 to index
        %parallel_loop3A_653 = arith.constant 32 : index
        %parallel_loop3A_654 = tpu.vector_load %arg11[%parallel_loop3A_652, %parallel_loop3A_653] {strides = array<i32>} : memref<100x144xf32, #tpu.memory_space<vmem>>, vector<1x16xf32>,
        %parallel_loop3A_655 = vector.shape_cast %parallel_loop3A_654 : vector<1x16xf32> to vector<16xf32>
        %parallel_loop3A_656 = arith.mulf %parallel_loop3A_655, %parallel_loop3A_651 : vector<16xf32>
        %parallel_loop3A_657 = arith.index_cast %parallel_loop3A_597 : i32 to index
        %parallel_loop3A_658 = arith.constant 32 : index
        %parallel_loop3A_659 = tpu.vector_load %arg11[%parallel_loop3A_657, %parallel_loop3A_658] {strides = array<i32>} : memref<100x144xf32, #tpu.memory_space<vmem>>, vector<1x16xf32>,
        %parallel_loop3A_660 = vector.shape_cast %parallel_loop3A_659 : vector<1x16xf32> to vector<16xf32>
        %parallel_loop3A_661 = vector.shape_cast %parallel_loop3A_656 : vector<16xf32> to vector<1x16xf32>
        tpu.vector_store %arg11[%parallel_loop3A_657, %parallel_loop3A_658], %parallel_loop3A_661 {strides = array<i32>} : memref<100x144xf32, #tpu.memory_space<vmem>>, vector<1x16xf32>,
        %parallel_loop3A_662 = vector.shape_cast %broadcast_in_dim3A_45 : vector<16xi32> to vector<16x1xi32>
        %parallel_loop3A_663 = vector.shape_cast %parallel_loop3A_662 : vector<16x1xi32> to vector<16xi32>
        %parallel_loop3A_664 = tpu.dynamic_gather %parallel_loop3A_617[%parallel_loop3A_663] in [0] : vector<16xf32>, vector<16xi32> -> vector<16xf32>
        %parallel_loop3A_665 = arith.index_cast %parallel_loop3A_597 : i32 to index
        %parallel_loop3A_666 = arith.constant 48 : index
        %parallel_loop3A_667 = tpu.vector_load %arg11[%parallel_loop3A_665, %parallel_loop3A_666] {strides = array<i32>} : memref<100x144xf32, #tpu.memory_space<vmem>>, vector<1x16xf32>,
        %parallel_loop3A_668 = vector.shape_cast %parallel_loop3A_667 : vector<1x16xf32> to vector<16xf32>
        %parallel_loop3A_669 = arith.mulf %parallel_loop3A_668, %parallel_loop3A_664 : vector<16xf32>
        %parallel_loop3A_670 = arith.index_cast %parallel_loop3A_597 : i32 to index
        %parallel_loop3A_671 = arith.constant 48 : index
        %parallel_loop3A_672 = tpu.vector_load %arg11[%parallel_loop3A_670, %parallel_loop3A_671] {strides = array<i32>} : memref<100x144xf32, #tpu.memory_space<vmem>>, vector<1x16xf32>,
        %parallel_loop3A_673 = vector.shape_cast %parallel_loop3A_672 : vector<1x16xf32> to vector<16xf32>
        %parallel_loop3A_674 = vector.shape_cast %parallel_loop3A_669 : vector<16xf32> to vector<1x16xf32>
        tpu.vector_store %arg11[%parallel_loop3A_670, %parallel_loop3A_671], %parallel_loop3A_674 {strides = array<i32>} : memref<100x144xf32, #tpu.memory_space<vmem>>, vector<1x16xf32>,
        %parallel_loop3A_675 = vector.shape_cast %broadcast_in_dim3A_47 : vector<16xi32> to vector<16x1xi32>
        %parallel_loop3A_676 = vector.shape_cast %parallel_loop3A_675 : vector<16x1xi32> to vector<16xi32>
        %parallel_loop3A_677 = tpu.dynamic_gather %parallel_loop3A_617[%parallel_loop3A_676] in [0] : vector<16xf32>, vector<16xi32> -> vector<16xf32>
        %parallel_loop3A_678 = arith.index_cast %parallel_loop3A_597 : i32 to index
        %parallel_loop3A_679 = arith.constant 64 : index
        %parallel_loop3A_680 = tpu.vector_load %arg11[%parallel_loop3A_678, %parallel_loop3A_679] {strides = array<i32>} : memref<100x144xf32, #tpu.memory_space<vmem>>, vector<1x16xf32>,
        %parallel_loop3A_681 = vector.shape_cast %parallel_loop3A_680 : vector<1x16xf32> to vector<16xf32>
        %parallel_loop3A_682 = arith.mulf %parallel_loop3A_681, %parallel_loop3A_677 : vector<16xf32>
        %parallel_loop3A_683 = arith.index_cast %parallel_loop3A_597 : i32 to index
        %parallel_loop3A_684 = arith.constant 64 : index
        %parallel_loop3A_685 = tpu.vector_load %arg11[%parallel_loop3A_683, %parallel_loop3A_684] {strides = array<i32>} : memref<100x144xf32, #tpu.memory_space<vmem>>, vector<1x16xf32>,
        %parallel_loop3A_686 = vector.shape_cast %parallel_loop3A_685 : vector<1x16xf32> to vector<16xf32>
        %parallel_loop3A_687 = vector.shape_cast %parallel_loop3A_682 : vector<16xf32> to vector<1x16xf32>
        tpu.vector_store %arg11[%parallel_loop3A_683, %parallel_loop3A_684], %parallel_loop3A_687 {strides = array<i32>} : memref<100x144xf32, #tpu.memory_space<vmem>>, vector<1x16xf32>,
        %parallel_loop3A_688 = vector.shape_cast %broadcast_in_dim3A_49 : vector<16xi32> to vector<16x1xi32>
        %parallel_loop3A_689 = vector.shape_cast %parallel_loop3A_688 : vector<16x1xi32> to vector<16xi32>
        %parallel_loop3A_690 = tpu.dynamic_gather %parallel_loop3A_617[%parallel_loop3A_689] in [0] : vector<16xf32>, vector<16xi32> -> vector<16xf32>
        %parallel_loop3A_691 = arith.index_cast %parallel_loop3A_597 : i32 to index
        %parallel_loop3A_692 = arith.constant 80 : index
        %parallel_loop3A_693 = tpu.vector_load %arg11[%parallel_loop3A_691, %parallel_loop3A_692] {strides = array<i32>} : memref<100x144xf32, #tpu.memory_space<vmem>>, vector<1x16xf32>,
        %parallel_loop3A_694 = vector.shape_cast %parallel_loop3A_693 : vector<1x16xf32> to vector<16xf32>
        %parallel_loop3A_695 = arith.mulf %parallel_loop3A_694, %parallel_loop3A_690 : vector<16xf32>
        %parallel_loop3A_696 = arith.index_cast %parallel_loop3A_597 : i32 to index
        %parallel_loop3A_697 = arith.constant 80 : index
        %parallel_loop3A_698 = tpu.vector_load %arg11[%parallel_loop3A_696, %parallel_loop3A_697] {strides = array<i32>} : memref<100x144xf32, #tpu.memory_space<vmem>>, vector<1x16xf32>,
        %parallel_loop3A_699 = vector.shape_cast %parallel_loop3A_698 : vector<1x16xf32> to vector<16xf32>
        %parallel_loop3A_700 = vector.shape_cast %parallel_loop3A_695 : vector<16xf32> to vector<1x16xf32>
        tpu.vector_store %arg11[%parallel_loop3A_696, %parallel_loop3A_697], %parallel_loop3A_700 {strides = array<i32>} : memref<100x144xf32, #tpu.memory_space<vmem>>, vector<1x16xf32>,
        %parallel_loop3A_701 = vector.shape_cast %broadcast_in_dim3A_51 : vector<16xi32> to vector<16x1xi32>
        %parallel_loop3A_702 = vector.shape_cast %parallel_loop3A_701 : vector<16x1xi32> to vector<16xi32>
        %parallel_loop3A_703 = tpu.dynamic_gather %parallel_loop3A_617[%parallel_loop3A_702] in [0] : vector<16xf32>, vector<16xi32> -> vector<16xf32>
        %parallel_loop3A_704 = arith.index_cast %parallel_loop3A_597 : i32 to index
        %parallel_loop3A_705 = arith.constant 96 : index
        %parallel_loop3A_706 = tpu.vector_load %arg11[%parallel_loop3A_704, %parallel_loop3A_705] {strides = array<i32>} : memref<100x144xf32, #tpu.memory_space<vmem>>, vector<1x16xf32>,
        %parallel_loop3A_707 = vector.shape_cast %parallel_loop3A_706 : vector<1x16xf32> to vector<16xf32>
        %parallel_loop3A_708 = arith.mulf %parallel_loop3A_707, %parallel_loop3A_703 : vector<16xf32>
        %parallel_loop3A_709 = arith.index_cast %parallel_loop3A_597 : i32 to index
        %parallel_loop3A_710 = arith.constant 96 : index
        %parallel_loop3A_711 = tpu.vector_load %arg11[%parallel_loop3A_709, %parallel_loop3A_710] {strides = array<i32>} : memref<100x144xf32, #tpu.memory_space<vmem>>, vector<1x16xf32>,
        %parallel_loop3A_712 = vector.shape_cast %parallel_loop3A_711 : vector<1x16xf32> to vector<16xf32>
        %parallel_loop3A_713 = vector.shape_cast %parallel_loop3A_708 : vector<16xf32> to vector<1x16xf32>
        tpu.vector_store %arg11[%parallel_loop3A_709, %parallel_loop3A_710], %parallel_loop3A_713 {strides = array<i32>} : memref<100x144xf32, #tpu.memory_space<vmem>>, vector<1x16xf32>,
        %parallel_loop3A_714 = vector.shape_cast %broadcast_in_dim3A_53 : vector<16xi32> to vector<16x1xi32>
        %parallel_loop3A_715 = vector.shape_cast %parallel_loop3A_714 : vector<16x1xi32> to vector<16xi32>
        %parallel_loop3A_716 = tpu.dynamic_gather %parallel_loop3A_617[%parallel_loop3A_715] in [0] : vector<16xf32>, vector<16xi32> -> vector<16xf32>
        %parallel_loop3A_717 = arith.index_cast %parallel_loop3A_597 : i32 to index
        %parallel_loop3A_718 = arith.constant 112 : index
        %parallel_loop3A_719 = tpu.vector_load %arg11[%parallel_loop3A_717, %parallel_loop3A_718] {strides = array<i32>} : memref<100x144xf32, #tpu.memory_space<vmem>>, vector<1x16xf32>,
        %parallel_loop3A_720 = vector.shape_cast %parallel_loop3A_719 : vector<1x16xf32> to vector<16xf32>
        %parallel_loop3A_721 = arith.mulf %parallel_loop3A_720, %parallel_loop3A_716 : vector<16xf32>
        %parallel_loop3A_722 = arith.index_cast %parallel_loop3A_597 : i32 to index
        %parallel_loop3A_723 = arith.constant 112 : index
        %parallel_loop3A_724 = tpu.vector_load %arg11[%parallel_loop3A_722, %parallel_loop3A_723] {strides = array<i32>} : memref<100x144xf32, #tpu.memory_space<vmem>>, vector<1x16xf32>,
        %parallel_loop3A_725 = vector.shape_cast %parallel_loop3A_724 : vector<1x16xf32> to vector<16xf32>
        %parallel_loop3A_726 = vector.shape_cast %parallel_loop3A_721 : vector<16xf32> to vector<1x16xf32>
        tpu.vector_store %arg11[%parallel_loop3A_722, %parallel_loop3A_723], %parallel_loop3A_726 {strides = array<i32>} : memref<100x144xf32, #tpu.memory_space<vmem>>, vector<1x16xf32>,
      } {sc.loop_unroll_factor = 2 : i64, sc.parallel_access}
      %dma_start3A_542 = arith.constant 50 : i32
      %dma_start3A_543 = arith.constant 0 : i32
      %dma_start3A_544 = tpu.memref_slice %arg11[%dma_start3A_542, %dma_start3A_543] : memref<100x144xf32, #tpu.memory_space<vmem>> -> memref<50x144xf32, #tpu.memory_space<vmem>>
      %dma_start3A_545 = arith.constant 0 : i32
      %dma_start3A_546 = arith.constant 0 : i32
      %dma_start3A_547 = tpu.memref_slice %arg20[%dma_start3A_545, %dma_start3A_546] : memref<10000x144xf32, #tpu.memory_space<vmem_shared>> -> memref<10000x144xf32, #tpu.memory_space<vmem_shared>>
      tpu.enqueue_indirect_dma source(%dma_start3A_544 : memref<50x144xf32, #tpu.memory_space<vmem>>) target(%dma_start3A_547 : memref<10000x144xf32, #tpu.memory_space<vmem_shared>>) offsets(%arg16 : memref<50xi32, #tpu.memory_space<vmem>>) semaphore(%arg23 : memref<!tpu.dma_semaphore, #tpu.memory_space<semaphore_mem>>) {add = true}
      %add3A_548 = arith.constant 4 : i32
      %add3A_549 = arith.addi %mul3A_274, %add3A_548 : i32
      %lt3A_550 = arith.constant 100 : i32
      %lt3A_551 = arith.cmpi slt, %add3A_549, %lt3A_550 : i32
      %convert_element_type3A_552 = arith.extui %lt3A_551 : i1 to i32
      %cond3A_553 = arith.constant 0 : i32
      %cond3A_554 = arith.cmpi ne, %convert_element_type3A_552, %cond3A_553 : i32
      scf.if %cond3A_554 {
        %dma_wait3A_597 = arith.constant 0 : i32
        %dma_wait3A_598 = arith.constant 0 : i32
        %dma_wait3A_599 = tpu.memref_slice %arg11[%dma_wait3A_597, %dma_wait3A_598] : memref<100x144xf32, #tpu.memory_space<vmem>> -> memref<50x144xf32, #tpu.memory_space<vmem>>
        %dma_wait3A_600 = arith.constant 0 : i32
        %dma_wait3A_601 = arith.constant 0 : i32
        %dma_wait3A_602 = tpu.memref_slice %arg20[%dma_wait3A_600, %dma_wait3A_601] : memref<10000x144xf32, #tpu.memory_space<vmem_shared>> -> memref<10000x144xf32, #tpu.memory_space<vmem_shared>>
        tpu.wait_indirect_dma semaphore(%arg23 : memref<!tpu.dma_semaphore, #tpu.memory_space<semaphore_mem>>) src(%dma_wait3A_599 : memref<50x144xf32, #tpu.memory_space<vmem>>) dst(%dma_wait3A_602 : memref<10000x144xf32, #tpu.memory_space<vmem_shared>>)
        %dma_wait3A_603 = arith.constant 50 : i32
        %dma_wait3A_604 = arith.constant 0 : i32
        %dma_wait3A_605 = tpu.memref_slice %arg11[%dma_wait3A_603, %dma_wait3A_604] : memref<100x144xf32, #tpu.memory_space<vmem>> -> memref<50x144xf32, #tpu.memory_space<vmem>>
        %dma_wait3A_606 = arith.constant 0 : i32
        %dma_wait3A_607 = arith.constant 0 : i32
        %dma_wait3A_608 = tpu.memref_slice %arg20[%dma_wait3A_606, %dma_wait3A_607] : memref<10000x144xf32, #tpu.memory_space<vmem_shared>> -> memref<10000x144xf32, #tpu.memory_space<vmem_shared>>
        tpu.wait_indirect_dma semaphore(%arg23 : memref<!tpu.dma_semaphore, #tpu.memory_space<semaphore_mem>>) src(%dma_wait3A_605 : memref<50x144xf32, #tpu.memory_space<vmem>>) dst(%dma_wait3A_608 : memref<10000x144xf32, #tpu.memory_space<vmem_shared>>)
        %add3A_609 = arith.constant 0 : i32
        %add3A_610 = arith.addi %add3A, %add3A_609 : i32
        %dma_wait3A_611 = arith.constant 0 : i32
        %dma_wait3A_612 = tpu.memref_slice %arg2[%add3A_610, %dma_wait3A_611] : memref<3200x224xi32, #tpu.memory_space<hbm>> -> memref<1x224xi32, #tpu.memory_space<hbm>>
        %dma_wait3A_613 = tpu.memref_squeeze %dma_wait3A_612 : memref<1x224xi32, #tpu.memory_space<hbm>> -> memref<224xi32, #tpu.memory_space<hbm>>
        %dma_wait3A_614 = arith.constant 0 : i32
        %dma_wait3A_615 = tpu.memref_slice %arg2[%add3A_610, %dma_wait3A_614] : memref<3200x224xi32, #tpu.memory_space<hbm>> -> memref<1x224xi32, #tpu.memory_space<hbm>>
        %dma_wait3A_616 = tpu.memref_squeeze %dma_wait3A_615 : memref<1x224xi32, #tpu.memory_space<hbm>> -> memref<224xi32, #tpu.memory_space<hbm>>
        tpu.wait_dma2 semaphore(%arg25 : memref<!tpu.dma_semaphore, #tpu.memory_space<semaphore_mem>>) src(%dma_wait3A_616 : memref<224xi32, #tpu.memory_space<hbm>>) dst(%arg7 : memref<224xi32, #tpu.memory_space<vmem>>)
        %get3A_617 = arith.constant 112 : index
        %get3A_618 = tpu.vector_load %arg7[%get3A_617] {strides = array<i32>} : memref<224xi32, #tpu.memory_space<vmem>>, vector<16xi32>,
        %get3A_619 = vector.shape_cast %get3A_618 : vector<16xi32> to vector<16xi32>
        %swap3A_620 = arith.constant 0 : index
        %swap3A_621 = tpu.vector_load %arg15[%swap3A_620] {strides = array<i32>} : memref<50xi32, #tpu.memory_space<vmem>>, vector<16xi32>,
        %swap3A_622 = vector.shape_cast %swap3A_621 : vector<16xi32> to vector<16xi32>
        %swap3A_623 = vector.shape_cast %get3A_619 : vector<16xi32> to vector<16xi32>
        tpu.vector_store %arg15[%swap3A_620], %swap3A_623 {strides = array<i32>} : memref<50xi32, #tpu.memory_space<vmem>>, vector<16xi32>,
        %get3A_624 = arith.constant 162 : index
        %get3A_625 = tpu.vector_load %arg7[%get3A_624] {strides = array<i32>} : memref<224xi32, #tpu.memory_space<vmem>>, vector<16xi32>,
        %get3A_626 = vector.shape_cast %get3A_625 : vector<16xi32> to vector<16xi32>
        %swap3A_627 = arith.constant 0 : index
        %swap3A_628 = tpu.vector_load %arg16[%swap3A_627] {strides = array<i32>} : memref<50xi32, #tpu.memory_space<vmem>>, vector<16xi32>,
        %swap3A_629 = vector.shape_cast %swap3A_628 : vector<16xi32> to vector<16xi32>
        %swap3A_630 = vector.shape_cast %get3A_626 : vector<16xi32> to vector<16xi32>
        tpu.vector_store %arg16[%swap3A_627], %swap3A_630 {strides = array<i32>} : memref<50xi32, #tpu.memory_space<vmem>>, vector<16xi32>,
        %get3A_631 = arith.constant 128 : index
        %get3A_632 = tpu.vector_load %arg7[%get3A_631] {strides = array<i32>} : memref<224xi32, #tpu.memory_space<vmem>>, vector<16xi32>,
        %get3A_633 = vector.shape_cast %get3A_632 : vector<16xi32> to vector<16xi32>
        %swap3A_634 = arith.constant 16 : index
        %swap3A_635 = tpu.vector_load %arg15[%swap3A_634] {strides = array<i32>} : memref<50xi32, #tpu.memory_space<vmem>>, vector<16xi32>,
        %swap3A_636 = vector.shape_cast %swap3A_635 : vector<16xi32> to vector<16xi32>
        %swap3A_637 = vector.shape_cast %get3A_633 : vector<16xi32> to vector<16xi32>
        tpu.vector_store %arg15[%swap3A_634], %swap3A_637 {strides = array<i32>} : memref<50xi32, #tpu.memory_space<vmem>>, vector<16xi32>,
        %get3A_638 = arith.constant 178 : index
        %get3A_639 = tpu.vector_load %arg7[%get3A_638] {strides = array<i32>} : memref<224xi32, #tpu.memory_space<vmem>>, vector<16xi32>,
        %get3A_640 = vector.shape_cast %get3A_639 : vector<16xi32> to vector<16xi32>
        %swap3A_641 = arith.constant 16 : index
        %swap3A_642 = tpu.vector_load %arg16[%swap3A_641] {strides = array<i32>} : memref<50xi32, #tpu.memory_space<vmem>>, vector<16xi32>,
        %swap3A_643 = vector.shape_cast %swap3A_642 : vector<16xi32> to vector<16xi32>
        %swap3A_644 = vector.shape_cast %get3A_640 : vector<16xi32> to vector<16xi32>
        tpu.vector_store %arg16[%swap3A_641], %swap3A_644 {strides = array<i32>} : memref<50xi32, #tpu.memory_space<vmem>>, vector<16xi32>,
        %get3A_645 = arith.constant 144 : index
        %get3A_646 = tpu.vector_load %arg7[%get3A_645] {strides = array<i32>} : memref<224xi32, #tpu.memory_space<vmem>>, vector<16xi32>,
        %get3A_647 = vector.shape_cast %get3A_646 : vector<16xi32> to vector<16xi32>
        %swap3A_648 = arith.constant 32 : index
        %swap3A_649 = tpu.vector_load %arg15[%swap3A_648] {strides = array<i32>} : memref<50xi32, #tpu.memory_space<vmem>>, vector<16xi32>,
        %swap3A_650 = vector.shape_cast %swap3A_649 : vector<16xi32> to vector<16xi32>
        %swap3A_651 = vector.shape_cast %get3A_647 : vector<16xi32> to vector<16xi32>
        tpu.vector_store %arg15[%swap3A_648], %swap3A_651 {strides = array<i32>} : memref<50xi32, #tpu.memory_space<vmem>>, vector<16xi32>,
        %get3A_652 = arith.constant 194 : index
        %get3A_653 = tpu.vector_load %arg7[%get3A_652] {strides = array<i32>} : memref<224xi32, #tpu.memory_space<vmem>>, vector<16xi32>,
        %get3A_654 = vector.shape_cast %get3A_653 : vector<16xi32> to vector<16xi32>
        %swap3A_655 = arith.constant 32 : index
        %swap3A_656 = tpu.vector_load %arg16[%swap3A_655] {strides = array<i32>} : memref<50xi32, #tpu.memory_space<vmem>>, vector<16xi32>,
        %swap3A_657 = vector.shape_cast %swap3A_656 : vector<16xi32> to vector<16xi32>
        %swap3A_658 = vector.shape_cast %get3A_654 : vector<16xi32> to vector<16xi32>
        tpu.vector_store %arg16[%swap3A_655], %swap3A_658 {strides = array<i32>} : memref<50xi32, #tpu.memory_space<vmem>>, vector<16xi32>,
        %get3A_659 = arith.constant 146 : index
        %get3A_660 = tpu.vector_load %arg7[%get3A_659] {strides = array<i32>} : memref<224xi32, #tpu.memory_space<vmem>>, vector<16xi32>,
        %get3A_661 = vector.shape_cast %get3A_660 : vector<16xi32> to vector<16xi32>
        %swap3A_662 = arith.constant 34 : index
        %swap3A_663 = tpu.vector_load %arg15[%swap3A_662] {strides = array<i32>} : memref<50xi32, #tpu.memory_space<vmem>>, vector<16xi32>,
        %swap3A_664 = vector.shape_cast %swap3A_663 : vector<16xi32> to vector<16xi32>
        %swap3A_665 = vector.shape_cast %get3A_661 : vector<16xi32> to vector<16xi32>
        tpu.vector_store %arg15[%swap3A_662], %swap3A_665 {strides = array<i32>} : memref<50xi32, #tpu.memory_space<vmem>>, vector<16xi32>,
        %get3A_666 = arith.constant 196 : index
        %get3A_667 = tpu.vector_load %arg7[%get3A_666] {strides = array<i32>} : memref<224xi32, #tpu.memory_space<vmem>>, vector<16xi32>,
        %get3A_668 = vector.shape_cast %get3A_667 : vector<16xi32> to vector<16xi32>
        %swap3A_669 = arith.constant 34 : index
        %swap3A_670 = tpu.vector_load %arg16[%swap3A_669] {strides = array<i32>} : memref<50xi32, #tpu.memory_space<vmem>>, vector<16xi32>,
        %swap3A_671 = vector.shape_cast %swap3A_670 : vector<16xi32> to vector<16xi32>
        %swap3A_672 = vector.shape_cast %get3A_668 : vector<16xi32> to vector<16xi32>
        tpu.vector_store %arg16[%swap3A_669], %swap3A_672 {strides = array<i32>} : memref<50xi32, #tpu.memory_space<vmem>>, vector<16xi32>,
        %dma_start3A_673 = arith.constant 0 : i32
        %dma_start3A_674 = tpu.memref_slice %arg7[%dma_start3A_673] : memref<224xi32, #tpu.memory_space<vmem>> -> memref<100xi32, #tpu.memory_space<vmem>>
        %dma_start3A_675 = arith.constant 0 : i32
        %dma_start3A_676 = arith.constant 0 : i32
        %dma_start3A_677 = tpu.memref_slice %arg4[%dma_start3A_675, %dma_start3A_676] : memref<10000x144xf32, #tpu.memory_space<hbm>> -> memref<10000x144xf32, #tpu.memory_space<hbm>>
        tpu.enqueue_indirect_dma source(%dma_start3A_677 : memref<10000x144xf32, #tpu.memory_space<hbm>>) target(%arg11 : memref<100x144xf32, #tpu.memory_space<vmem>>) offsets(%dma_start3A_674 : memref<100xi32, #tpu.memory_space<vmem>>) semaphore(%arg21 : memref<!tpu.dma_semaphore, #tpu.memory_space<semaphore_mem>>)
        %dma_start3A_678 = arith.constant 112 : i32
        %dma_start3A_679 = tpu.memref_slice %arg7[%dma_start3A_678] : memref<224xi32, #tpu.memory_space<vmem>> -> memref<100xi32, #tpu.memory_space<vmem>>
        %dma_start3A_680 = arith.constant 0 : i32
        %dma_start3A_681 = arith.constant 0 : i32
        %dma_start3A_682 = tpu.memref_slice %arg3[%dma_start3A_680, %dma_start3A_681] : memref<10000x16xf32, #tpu.memory_space<hbm>> -> memref<10000x16xf32, #tpu.memory_space<hbm>>
        tpu.enqueue_indirect_dma source(%dma_start3A_682 : memref<10000x16xf32, #tpu.memory_space<hbm>>) target(%arg13 : memref<100x16xf32, #tpu.memory_space<vmem>>) offsets(%dma_start3A_679 : memref<100xi32, #tpu.memory_space<vmem>>) semaphore(%arg21 : memref<!tpu.dma_semaphore, #tpu.memory_space<semaphore_mem>>)
      } else {
      }
      %add3A_555 = arith.constant 7 : i32
      %add3A_556 = arith.addi %mul3A_274, %add3A_555 : i32
      %dma_wait3A_557 = arith.constant 0 : i32
      %dma_wait3A_558 = tpu.memref_slice %arg10[%dma_wait3A_557] : memref<224xi32, #tpu.memory_space<vmem>> -> memref<100xi32, #tpu.memory_space<vmem>>
      %dma_wait3A_559 = arith.constant 0 : i32
      %dma_wait3A_560 = arith.constant 0 : i32
      %dma_wait3A_561 = tpu.memref_slice %arg4[%dma_wait3A_559, %dma_wait3A_560] : memref<10000x144xf32, #tpu.memory_space<hbm>> -> memref<10000x144xf32, #tpu.memory_space<hbm>>
      tpu.wait_indirect_dma semaphore(%arg22 : memref<!tpu.dma_semaphore, #tpu.memory_space<semaphore_mem>>) src(%dma_wait3A_561 : memref<10000x144xf32, #tpu.memory_space<hbm>>) dst(%arg12 : memref<100x144xf32, #tpu.memory_space<vmem>>)
      %dma_wait3A_562 = arith.constant 112 : i32
      %dma_wait3A_563 = tpu.memref_slice %arg10[%dma_wait3A_562] : memref<224xi32, #tpu.memory_space<vmem>> -> memref<100xi32, #tpu.memory_space<vmem>>
      %dma_wait3A_564 = arith.constant 0 : i32
      %dma_wait3A_565 = arith.constant 0 : i32
      %dma_wait3A_566 = tpu.memref_slice %arg3[%dma_wait3A_564, %dma_wait3A_565] : memref<10000x16xf32, #tpu.memory_space<hbm>> -> memref<10000x16xf32, #tpu.memory_space<hbm>>
      tpu.wait_indirect_dma semaphore(%arg22 : memref<!tpu.dma_semaphore, #tpu.memory_space<semaphore_mem>>) src(%dma_wait3A_566 : memref<10000x16xf32, #tpu.memory_space<hbm>>) dst(%arg14 : memref<100x16xf32, #tpu.memory_space<vmem>>)
      %lt3A_567 = arith.constant 100 : i32
      %lt3A_568 = arith.cmpi slt, %add3A_556, %lt3A_567 : i32
      %convert_element_type3A_569 = arith.extui %lt3A_568 : i1 to i32
      %cond3A_570 = arith.constant 0 : i32
      %cond3A_571 = arith.cmpi ne, %convert_element_type3A_569, %cond3A_570 : i32
      scf.if %cond3A_571 {
        %mul3A_597 = arith.constant 32 : i32
        %mul3A_598 = arith.muli %add3A_556, %mul3A_597 : i32
        %add3A_599 = arith.addi %add3A, %mul3A_598 : i32
        %dma_start3A_600 = arith.constant 0 : i32
        %dma_start3A_601 = tpu.memref_slice %arg2[%add3A_599, %dma_start3A_600] : memref<3200x224xi32, #tpu.memory_space<hbm>> -> memref<1x224xi32, #tpu.memory_space<hbm>>
        %dma_start3A_602 = tpu.memref_squeeze %dma_start3A_601 : memref<1x224xi32, #tpu.memory_space<hbm>> -> memref<224xi32, #tpu.memory_space<hbm>>
        %dma_start3A_603 = arith.constant 0 : i32
        %dma_start3A_604 = tpu.memref_slice %arg2[%add3A_599, %dma_start3A_603] : memref<3200x224xi32, #tpu.memory_space<hbm>> -> memref<1x224xi32, #tpu.memory_space<hbm>>
        %dma_start3A_605 = tpu.memref_squeeze %dma_start3A_604 : memref<1x224xi32, #tpu.memory_space<hbm>> -> memref<224xi32, #tpu.memory_space<hbm>>
        tpu.enqueue_dma source(%dma_start3A_605 : memref<224xi32, #tpu.memory_space<hbm>>) target(%arg10 : memref<224xi32, #tpu.memory_space<vmem>>) target_semaphore(%arg28 : memref<!tpu.dma_semaphore, #tpu.memory_space<semaphore_mem>>)
      } else {
      }
      %parallel_loop3A_572 = arith.constant 0 : i32
      %parallel_loop3A_573 = arith.constant 50 : i32
      %parallel_loop3A_574 = arith.constant 1 : i32
      scf.for %parallel_loop3A_597 = %parallel_loop3A_572 to %parallel_loop3A_573 step %parallel_loop3A_574  : i32 {
        %parallel_loop3A_598 = arith.index_cast %parallel_loop3A_597 : i32 to index
        %parallel_loop3A_599 = arith.constant 0 : index
        %parallel_loop3A_600 = tpu.vector_load %arg14[%parallel_loop3A_598, %parallel_loop3A_599] {strides = array<i32>} : memref<100x16xf32, #tpu.memory_space<vmem>>, vector<1x16xf32>,
        %parallel_loop3A_601 = vector.shape_cast %parallel_loop3A_600 : vector<1x16xf32> to vector<16xf32>
        %parallel_loop3A_602 = arith.index_cast %parallel_loop3A_597 : i32 to index
        %parallel_loop3A_603 = arith.constant 128 : index
        %parallel_loop3A_604 = tpu.vector_load %arg12[%parallel_loop3A_602, %parallel_loop3A_603] {strides = array<i32>} : memref<100x144xf32, #tpu.memory_space<vmem>>, vector<1x16xf32>,
        %parallel_loop3A_605 = vector.shape_cast %parallel_loop3A_604 : vector<1x16xf32> to vector<16xf32>
        %parallel_loop3A_606 = arith.addf %parallel_loop3A_601, %parallel_loop3A_605 : vector<16xf32>
        %parallel_loop3A_607 = arith.constant 2.000000e-01 : f32
        %parallel_loop3A_608 = vector.broadcast %parallel_loop3A_607 : f32 to vector<16xf32>
        %parallel_loop3A_609 = arith.mulf %parallel_loop3A_608, %parallel_loop3A_606 : vector<16xf32>
        %parallel_loop3A_610 = arith.maximumf %parallel_loop3A_606, %parallel_loop3A_609 : vector<16xf32>
        %parallel_loop3A_611 = arith.addf %parallel_loop3A_601, %get3A_37 : vector<16xf32>
        %parallel_loop3A_612 = arith.constant 2.000000e-01 : f32
        %parallel_loop3A_613 = vector.broadcast %parallel_loop3A_612 : f32 to vector<16xf32>
        %parallel_loop3A_614 = arith.mulf %parallel_loop3A_613, %parallel_loop3A_611 : vector<16xf32>
        %parallel_loop3A_615 = arith.maximumf %parallel_loop3A_611, %parallel_loop3A_614 : vector<16xf32>
        %parallel_loop3A_616 = arith.subf %parallel_loop3A_610, %parallel_loop3A_615 : vector<16xf32>
        %parallel_loop3A_617 = math.exp %parallel_loop3A_616 : vector<16xf32>
        %parallel_loop3A_618 = arith.index_cast %parallel_loop3A_597 : i32 to index
        %parallel_loop3A_619 = arith.constant 128 : index
        %parallel_loop3A_620 = tpu.vector_load %arg12[%parallel_loop3A_618, %parallel_loop3A_619] {strides = array<i32>} : memref<100x144xf32, #tpu.memory_space<vmem>>, vector<1x16xf32>,
        %parallel_loop3A_621 = vector.shape_cast %parallel_loop3A_620 : vector<1x16xf32> to vector<16xf32>
        %parallel_loop3A_622 = vector.shape_cast %parallel_loop3A_617 : vector<16xf32> to vector<1x16xf32>
        tpu.vector_store %arg12[%parallel_loop3A_618, %parallel_loop3A_619], %parallel_loop3A_622 {strides = array<i32>} : memref<100x144xf32, #tpu.memory_space<vmem>>, vector<1x16xf32>,
        %parallel_loop3A_623 = vector.shape_cast %broadcast_in_dim3A_39 : vector<16xi32> to vector<16x1xi32>
        %parallel_loop3A_624 = vector.shape_cast %parallel_loop3A_623 : vector<16x1xi32> to vector<16xi32>
        %parallel_loop3A_625 = tpu.dynamic_gather %parallel_loop3A_617[%parallel_loop3A_624] in [0] : vector<16xf32>, vector<16xi32> -> vector<16xf32>
        %parallel_loop3A_626 = arith.index_cast %parallel_loop3A_597 : i32 to index
        %parallel_loop3A_627 = arith.constant 0 : index
        %parallel_loop3A_628 = tpu.vector_load %arg12[%parallel_loop3A_626, %parallel_loop3A_627] {strides = array<i32>} : memref<100x144xf32, #tpu.memory_space<vmem>>, vector<1x16xf32>,
        %parallel_loop3A_629 = vector.shape_cast %parallel_loop3A_628 : vector<1x16xf32> to vector<16xf32>
        %parallel_loop3A_630 = arith.mulf %parallel_loop3A_629, %parallel_loop3A_625 : vector<16xf32>
        %parallel_loop3A_631 = arith.index_cast %parallel_loop3A_597 : i32 to index
        %parallel_loop3A_632 = arith.constant 0 : index
        %parallel_loop3A_633 = tpu.vector_load %arg12[%parallel_loop3A_631, %parallel_loop3A_632] {strides = array<i32>} : memref<100x144xf32, #tpu.memory_space<vmem>>, vector<1x16xf32>,
        %parallel_loop3A_634 = vector.shape_cast %parallel_loop3A_633 : vector<1x16xf32> to vector<16xf32>
        %parallel_loop3A_635 = vector.shape_cast %parallel_loop3A_630 : vector<16xf32> to vector<1x16xf32>
        tpu.vector_store %arg12[%parallel_loop3A_631, %parallel_loop3A_632], %parallel_loop3A_635 {strides = array<i32>} : memref<100x144xf32, #tpu.memory_space<vmem>>, vector<1x16xf32>,
        %parallel_loop3A_636 = vector.shape_cast %broadcast_in_dim3A_41 : vector<16xi32> to vector<16x1xi32>
        %parallel_loop3A_637 = vector.shape_cast %parallel_loop3A_636 : vector<16x1xi32> to vector<16xi32>
        %parallel_loop3A_638 = tpu.dynamic_gather %parallel_loop3A_617[%parallel_loop3A_637] in [0] : vector<16xf32>, vector<16xi32> -> vector<16xf32>
        %parallel_loop3A_639 = arith.index_cast %parallel_loop3A_597 : i32 to index
        %parallel_loop3A_640 = arith.constant 16 : index
        %parallel_loop3A_641 = tpu.vector_load %arg12[%parallel_loop3A_639, %parallel_loop3A_640] {strides = array<i32>} : memref<100x144xf32, #tpu.memory_space<vmem>>, vector<1x16xf32>,
        %parallel_loop3A_642 = vector.shape_cast %parallel_loop3A_641 : vector<1x16xf32> to vector<16xf32>
        %parallel_loop3A_643 = arith.mulf %parallel_loop3A_642, %parallel_loop3A_638 : vector<16xf32>
        %parallel_loop3A_644 = arith.index_cast %parallel_loop3A_597 : i32 to index
        %parallel_loop3A_645 = arith.constant 16 : index
        %parallel_loop3A_646 = tpu.vector_load %arg12[%parallel_loop3A_644, %parallel_loop3A_645] {strides = array<i32>} : memref<100x144xf32, #tpu.memory_space<vmem>>, vector<1x16xf32>,
        %parallel_loop3A_647 = vector.shape_cast %parallel_loop3A_646 : vector<1x16xf32> to vector<16xf32>
        %parallel_loop3A_648 = vector.shape_cast %parallel_loop3A_643 : vector<16xf32> to vector<1x16xf32>
        tpu.vector_store %arg12[%parallel_loop3A_644, %parallel_loop3A_645], %parallel_loop3A_648 {strides = array<i32>} : memref<100x144xf32, #tpu.memory_space<vmem>>, vector<1x16xf32>,
        %parallel_loop3A_649 = vector.shape_cast %broadcast_in_dim3A_43 : vector<16xi32> to vector<16x1xi32>
        %parallel_loop3A_650 = vector.shape_cast %parallel_loop3A_649 : vector<16x1xi32> to vector<16xi32>
        %parallel_loop3A_651 = tpu.dynamic_gather %parallel_loop3A_617[%parallel_loop3A_650] in [0] : vector<16xf32>, vector<16xi32> -> vector<16xf32>
        %parallel_loop3A_652 = arith.index_cast %parallel_loop3A_597 : i32 to index
        %parallel_loop3A_653 = arith.constant 32 : index
        %parallel_loop3A_654 = tpu.vector_load %arg12[%parallel_loop3A_652, %parallel_loop3A_653] {strides = array<i32>} : memref<100x144xf32, #tpu.memory_space<vmem>>, vector<1x16xf32>,
        %parallel_loop3A_655 = vector.shape_cast %parallel_loop3A_654 : vector<1x16xf32> to vector<16xf32>
        %parallel_loop3A_656 = arith.mulf %parallel_loop3A_655, %parallel_loop3A_651 : vector<16xf32>
        %parallel_loop3A_657 = arith.index_cast %parallel_loop3A_597 : i32 to index
        %parallel_loop3A_658 = arith.constant 32 : index
        %parallel_loop3A_659 = tpu.vector_load %arg12[%parallel_loop3A_657, %parallel_loop3A_658] {strides = array<i32>} : memref<100x144xf32, #tpu.memory_space<vmem>>, vector<1x16xf32>,
        %parallel_loop3A_660 = vector.shape_cast %parallel_loop3A_659 : vector<1x16xf32> to vector<16xf32>
        %parallel_loop3A_661 = vector.shape_cast %parallel_loop3A_656 : vector<16xf32> to vector<1x16xf32>
        tpu.vector_store %arg12[%parallel_loop3A_657, %parallel_loop3A_658], %parallel_loop3A_661 {strides = array<i32>} : memref<100x144xf32, #tpu.memory_space<vmem>>, vector<1x16xf32>,
        %parallel_loop3A_662 = vector.shape_cast %broadcast_in_dim3A_45 : vector<16xi32> to vector<16x1xi32>
        %parallel_loop3A_663 = vector.shape_cast %parallel_loop3A_662 : vector<16x1xi32> to vector<16xi32>
        %parallel_loop3A_664 = tpu.dynamic_gather %parallel_loop3A_617[%parallel_loop3A_663] in [0] : vector<16xf32>, vector<16xi32> -> vector<16xf32>
        %parallel_loop3A_665 = arith.index_cast %parallel_loop3A_597 : i32 to index
        %parallel_loop3A_666 = arith.constant 48 : index
        %parallel_loop3A_667 = tpu.vector_load %arg12[%parallel_loop3A_665, %parallel_loop3A_666] {strides = array<i32>} : memref<100x144xf32, #tpu.memory_space<vmem>>, vector<1x16xf32>,
        %parallel_loop3A_668 = vector.shape_cast %parallel_loop3A_667 : vector<1x16xf32> to vector<16xf32>
        %parallel_loop3A_669 = arith.mulf %parallel_loop3A_668, %parallel_loop3A_664 : vector<16xf32>
        %parallel_loop3A_670 = arith.index_cast %parallel_loop3A_597 : i32 to index
        %parallel_loop3A_671 = arith.constant 48 : index
        %parallel_loop3A_672 = tpu.vector_load %arg12[%parallel_loop3A_670, %parallel_loop3A_671] {strides = array<i32>} : memref<100x144xf32, #tpu.memory_space<vmem>>, vector<1x16xf32>,
        %parallel_loop3A_673 = vector.shape_cast %parallel_loop3A_672 : vector<1x16xf32> to vector<16xf32>
        %parallel_loop3A_674 = vector.shape_cast %parallel_loop3A_669 : vector<16xf32> to vector<1x16xf32>
        tpu.vector_store %arg12[%parallel_loop3A_670, %parallel_loop3A_671], %parallel_loop3A_674 {strides = array<i32>} : memref<100x144xf32, #tpu.memory_space<vmem>>, vector<1x16xf32>,
        %parallel_loop3A_675 = vector.shape_cast %broadcast_in_dim3A_47 : vector<16xi32> to vector<16x1xi32>
        %parallel_loop3A_676 = vector.shape_cast %parallel_loop3A_675 : vector<16x1xi32> to vector<16xi32>
        %parallel_loop3A_677 = tpu.dynamic_gather %parallel_loop3A_617[%parallel_loop3A_676] in [0] : vector<16xf32>, vector<16xi32> -> vector<16xf32>
        %parallel_loop3A_678 = arith.index_cast %parallel_loop3A_597 : i32 to index
        %parallel_loop3A_679 = arith.constant 64 : index
        %parallel_loop3A_680 = tpu.vector_load %arg12[%parallel_loop3A_678, %parallel_loop3A_679] {strides = array<i32>} : memref<100x144xf32, #tpu.memory_space<vmem>>, vector<1x16xf32>,
        %parallel_loop3A_681 = vector.shape_cast %parallel_loop3A_680 : vector<1x16xf32> to vector<16xf32>
        %parallel_loop3A_682 = arith.mulf %parallel_loop3A_681, %parallel_loop3A_677 : vector<16xf32>
        %parallel_loop3A_683 = arith.index_cast %parallel_loop3A_597 : i32 to index
        %parallel_loop3A_684 = arith.constant 64 : index
        %parallel_loop3A_685 = tpu.vector_load %arg12[%parallel_loop3A_683, %parallel_loop3A_684] {strides = array<i32>} : memref<100x144xf32, #tpu.memory_space<vmem>>, vector<1x16xf32>,
        %parallel_loop3A_686 = vector.shape_cast %parallel_loop3A_685 : vector<1x16xf32> to vector<16xf32>
        %parallel_loop3A_687 = vector.shape_cast %parallel_loop3A_682 : vector<16xf32> to vector<1x16xf32>
        tpu.vector_store %arg12[%parallel_loop3A_683, %parallel_loop3A_684], %parallel_loop3A_687 {strides = array<i32>} : memref<100x144xf32, #tpu.memory_space<vmem>>, vector<1x16xf32>,
        %parallel_loop3A_688 = vector.shape_cast %broadcast_in_dim3A_49 : vector<16xi32> to vector<16x1xi32>
        %parallel_loop3A_689 = vector.shape_cast %parallel_loop3A_688 : vector<16x1xi32> to vector<16xi32>
        %parallel_loop3A_690 = tpu.dynamic_gather %parallel_loop3A_617[%parallel_loop3A_689] in [0] : vector<16xf32>, vector<16xi32> -> vector<16xf32>
        %parallel_loop3A_691 = arith.index_cast %parallel_loop3A_597 : i32 to index
        %parallel_loop3A_692 = arith.constant 80 : index
        %parallel_loop3A_693 = tpu.vector_load %arg12[%parallel_loop3A_691, %parallel_loop3A_692] {strides = array<i32>} : memref<100x144xf32, #tpu.memory_space<vmem>>, vector<1x16xf32>,
        %parallel_loop3A_694 = vector.shape_cast %parallel_loop3A_693 : vector<1x16xf32> to vector<16xf32>
        %parallel_loop3A_695 = arith.mulf %parallel_loop3A_694, %parallel_loop3A_690 : vector<16xf32>
        %parallel_loop3A_696 = arith.index_cast %parallel_loop3A_597 : i32 to index
        %parallel_loop3A_697 = arith.constant 80 : index
        %parallel_loop3A_698 = tpu.vector_load %arg12[%parallel_loop3A_696, %parallel_loop3A_697] {strides = array<i32>} : memref<100x144xf32, #tpu.memory_space<vmem>>, vector<1x16xf32>,
        %parallel_loop3A_699 = vector.shape_cast %parallel_loop3A_698 : vector<1x16xf32> to vector<16xf32>
        %parallel_loop3A_700 = vector.shape_cast %parallel_loop3A_695 : vector<16xf32> to vector<1x16xf32>
        tpu.vector_store %arg12[%parallel_loop3A_696, %parallel_loop3A_697], %parallel_loop3A_700 {strides = array<i32>} : memref<100x144xf32, #tpu.memory_space<vmem>>, vector<1x16xf32>,
        %parallel_loop3A_701 = vector.shape_cast %broadcast_in_dim3A_51 : vector<16xi32> to vector<16x1xi32>
        %parallel_loop3A_702 = vector.shape_cast %parallel_loop3A_701 : vector<16x1xi32> to vector<16xi32>
        %parallel_loop3A_703 = tpu.dynamic_gather %parallel_loop3A_617[%parallel_loop3A_702] in [0] : vector<16xf32>, vector<16xi32> -> vector<16xf32>
        %parallel_loop3A_704 = arith.index_cast %parallel_loop3A_597 : i32 to index
        %parallel_loop3A_705 = arith.constant 96 : index
        %parallel_loop3A_706 = tpu.vector_load %arg12[%parallel_loop3A_704, %parallel_loop3A_705] {strides = array<i32>} : memref<100x144xf32, #tpu.memory_space<vmem>>, vector<1x16xf32>,
        %parallel_loop3A_707 = vector.shape_cast %parallel_loop3A_706 : vector<1x16xf32> to vector<16xf32>
        %parallel_loop3A_708 = arith.mulf %parallel_loop3A_707, %parallel_loop3A_703 : vector<16xf32>
        %parallel_loop3A_709 = arith.index_cast %parallel_loop3A_597 : i32 to index
        %parallel_loop3A_710 = arith.constant 96 : index
        %parallel_loop3A_711 = tpu.vector_load %arg12[%parallel_loop3A_709, %parallel_loop3A_710] {strides = array<i32>} : memref<100x144xf32, #tpu.memory_space<vmem>>, vector<1x16xf32>,
        %parallel_loop3A_712 = vector.shape_cast %parallel_loop3A_711 : vector<1x16xf32> to vector<16xf32>
        %parallel_loop3A_713 = vector.shape_cast %parallel_loop3A_708 : vector<16xf32> to vector<1x16xf32>
        tpu.vector_store %arg12[%parallel_loop3A_709, %parallel_loop3A_710], %parallel_loop3A_713 {strides = array<i32>} : memref<100x144xf32, #tpu.memory_space<vmem>>, vector<1x16xf32>,
        %parallel_loop3A_714 = vector.shape_cast %broadcast_in_dim3A_53 : vector<16xi32> to vector<16x1xi32>
        %parallel_loop3A_715 = vector.shape_cast %parallel_loop3A_714 : vector<16x1xi32> to vector<16xi32>
        %parallel_loop3A_716 = tpu.dynamic_gather %parallel_loop3A_617[%parallel_loop3A_715] in [0] : vector<16xf32>, vector<16xi32> -> vector<16xf32>
        %parallel_loop3A_717 = arith.index_cast %parallel_loop3A_597 : i32 to index
        %parallel_loop3A_718 = arith.constant 112 : index
        %parallel_loop3A_719 = tpu.vector_load %arg12[%parallel_loop3A_717, %parallel_loop3A_718] {strides = array<i32>} : memref<100x144xf32, #tpu.memory_space<vmem>>, vector<1x16xf32>,
        %parallel_loop3A_720 = vector.shape_cast %parallel_loop3A_719 : vector<1x16xf32> to vector<16xf32>
        %parallel_loop3A_721 = arith.mulf %parallel_loop3A_720, %parallel_loop3A_716 : vector<16xf32>
        %parallel_loop3A_722 = arith.index_cast %parallel_loop3A_597 : i32 to index
        %parallel_loop3A_723 = arith.constant 112 : index
        %parallel_loop3A_724 = tpu.vector_load %arg12[%parallel_loop3A_722, %parallel_loop3A_723] {strides = array<i32>} : memref<100x144xf32, #tpu.memory_space<vmem>>, vector<1x16xf32>,
        %parallel_loop3A_725 = vector.shape_cast %parallel_loop3A_724 : vector<1x16xf32> to vector<16xf32>
        %parallel_loop3A_726 = vector.shape_cast %parallel_loop3A_721 : vector<16xf32> to vector<1x16xf32>
        tpu.vector_store %arg12[%parallel_loop3A_722, %parallel_loop3A_723], %parallel_loop3A_726 {strides = array<i32>} : memref<100x144xf32, #tpu.memory_space<vmem>>, vector<1x16xf32>,
      } {sc.loop_unroll_factor = 2 : i64, sc.parallel_access}
      %dma_start3A_575 = arith.constant 0 : i32
      %dma_start3A_576 = arith.constant 0 : i32
      %dma_start3A_577 = tpu.memref_slice %arg12[%dma_start3A_575, %dma_start3A_576] : memref<100x144xf32, #tpu.memory_space<vmem>> -> memref<50x144xf32, #tpu.memory_space<vmem>>
      %dma_start3A_578 = arith.constant 0 : i32
      %dma_start3A_579 = arith.constant 0 : i32
      %dma_start3A_580 = tpu.memref_slice %arg20[%dma_start3A_578, %dma_start3A_579] : memref<10000x144xf32, #tpu.memory_space<vmem_shared>> -> memref<10000x144xf32, #tpu.memory_space<vmem_shared>>
      tpu.enqueue_indirect_dma source(%dma_start3A_577 : memref<50x144xf32, #tpu.memory_space<vmem>>) target(%dma_start3A_580 : memref<10000x144xf32, #tpu.memory_space<vmem_shared>>) offsets(%arg17 : memref<50xi32, #tpu.memory_space<vmem>>) semaphore(%arg24 : memref<!tpu.dma_semaphore, #tpu.memory_space<semaphore_mem>>) {add = true}
      %parallel_loop3A_581 = arith.constant 50 : i32
      %parallel_loop3A_582 = arith.constant 100 : i32
      %parallel_loop3A_583 = arith.constant 1 : i32
      scf.for %parallel_loop3A_597 = %parallel_loop3A_581 to %parallel_loop3A_582 step %parallel_loop3A_583  : i32 {
        %parallel_loop3A_598 = arith.index_cast %parallel_loop3A_597 : i32 to index
        %parallel_loop3A_599 = arith.constant 0 : index
        %parallel_loop3A_600 = tpu.vector_load %arg14[%parallel_loop3A_598, %parallel_loop3A_599] {strides = array<i32>} : memref<100x16xf32, #tpu.memory_space<vmem>>, vector<1x16xf32>,
        %parallel_loop3A_601 = vector.shape_cast %parallel_loop3A_600 : vector<1x16xf32> to vector<16xf32>
        %parallel_loop3A_602 = arith.index_cast %parallel_loop3A_597 : i32 to index
        %parallel_loop3A_603 = arith.constant 128 : index
        %parallel_loop3A_604 = tpu.vector_load %arg12[%parallel_loop3A_602, %parallel_loop3A_603] {strides = array<i32>} : memref<100x144xf32, #tpu.memory_space<vmem>>, vector<1x16xf32>,
        %parallel_loop3A_605 = vector.shape_cast %parallel_loop3A_604 : vector<1x16xf32> to vector<16xf32>
        %parallel_loop3A_606 = arith.addf %parallel_loop3A_601, %parallel_loop3A_605 : vector<16xf32>
        %parallel_loop3A_607 = arith.constant 2.000000e-01 : f32
        %parallel_loop3A_608 = vector.broadcast %parallel_loop3A_607 : f32 to vector<16xf32>
        %parallel_loop3A_609 = arith.mulf %parallel_loop3A_608, %parallel_loop3A_606 : vector<16xf32>
        %parallel_loop3A_610 = arith.maximumf %parallel_loop3A_606, %parallel_loop3A_609 : vector<16xf32>
        %parallel_loop3A_611 = arith.addf %parallel_loop3A_601, %get3A_37 : vector<16xf32>
        %parallel_loop3A_612 = arith.constant 2.000000e-01 : f32
        %parallel_loop3A_613 = vector.broadcast %parallel_loop3A_612 : f32 to vector<16xf32>
        %parallel_loop3A_614 = arith.mulf %parallel_loop3A_613, %parallel_loop3A_611 : vector<16xf32>
        %parallel_loop3A_615 = arith.maximumf %parallel_loop3A_611, %parallel_loop3A_614 : vector<16xf32>
        %parallel_loop3A_616 = arith.subf %parallel_loop3A_610, %parallel_loop3A_615 : vector<16xf32>
        %parallel_loop3A_617 = math.exp %parallel_loop3A_616 : vector<16xf32>
        %parallel_loop3A_618 = arith.index_cast %parallel_loop3A_597 : i32 to index
        %parallel_loop3A_619 = arith.constant 128 : index
        %parallel_loop3A_620 = tpu.vector_load %arg12[%parallel_loop3A_618, %parallel_loop3A_619] {strides = array<i32>} : memref<100x144xf32, #tpu.memory_space<vmem>>, vector<1x16xf32>,
        %parallel_loop3A_621 = vector.shape_cast %parallel_loop3A_620 : vector<1x16xf32> to vector<16xf32>
        %parallel_loop3A_622 = vector.shape_cast %parallel_loop3A_617 : vector<16xf32> to vector<1x16xf32>
        tpu.vector_store %arg12[%parallel_loop3A_618, %parallel_loop3A_619], %parallel_loop3A_622 {strides = array<i32>} : memref<100x144xf32, #tpu.memory_space<vmem>>, vector<1x16xf32>,
        %parallel_loop3A_623 = vector.shape_cast %broadcast_in_dim3A_39 : vector<16xi32> to vector<16x1xi32>
        %parallel_loop3A_624 = vector.shape_cast %parallel_loop3A_623 : vector<16x1xi32> to vector<16xi32>
        %parallel_loop3A_625 = tpu.dynamic_gather %parallel_loop3A_617[%parallel_loop3A_624] in [0] : vector<16xf32>, vector<16xi32> -> vector<16xf32>
        %parallel_loop3A_626 = arith.index_cast %parallel_loop3A_597 : i32 to index
        %parallel_loop3A_627 = arith.constant 0 : index
        %parallel_loop3A_628 = tpu.vector_load %arg12[%parallel_loop3A_626, %parallel_loop3A_627] {strides = array<i32>} : memref<100x144xf32, #tpu.memory_space<vmem>>, vector<1x16xf32>,
        %parallel_loop3A_629 = vector.shape_cast %parallel_loop3A_628 : vector<1x16xf32> to vector<16xf32>
        %parallel_loop3A_630 = arith.mulf %parallel_loop3A_629, %parallel_loop3A_625 : vector<16xf32>
        %parallel_loop3A_631 = arith.index_cast %parallel_loop3A_597 : i32 to index
        %parallel_loop3A_632 = arith.constant 0 : index
        %parallel_loop3A_633 = tpu.vector_load %arg12[%parallel_loop3A_631, %parallel_loop3A_632] {strides = array<i32>} : memref<100x144xf32, #tpu.memory_space<vmem>>, vector<1x16xf32>,
        %parallel_loop3A_634 = vector.shape_cast %parallel_loop3A_633 : vector<1x16xf32> to vector<16xf32>
        %parallel_loop3A_635 = vector.shape_cast %parallel_loop3A_630 : vector<16xf32> to vector<1x16xf32>
        tpu.vector_store %arg12[%parallel_loop3A_631, %parallel_loop3A_632], %parallel_loop3A_635 {strides = array<i32>} : memref<100x144xf32, #tpu.memory_space<vmem>>, vector<1x16xf32>,
        %parallel_loop3A_636 = vector.shape_cast %broadcast_in_dim3A_41 : vector<16xi32> to vector<16x1xi32>
        %parallel_loop3A_637 = vector.shape_cast %parallel_loop3A_636 : vector<16x1xi32> to vector<16xi32>
        %parallel_loop3A_638 = tpu.dynamic_gather %parallel_loop3A_617[%parallel_loop3A_637] in [0] : vector<16xf32>, vector<16xi32> -> vector<16xf32>
        %parallel_loop3A_639 = arith.index_cast %parallel_loop3A_597 : i32 to index
        %parallel_loop3A_640 = arith.constant 16 : index
        %parallel_loop3A_641 = tpu.vector_load %arg12[%parallel_loop3A_639, %parallel_loop3A_640] {strides = array<i32>} : memref<100x144xf32, #tpu.memory_space<vmem>>, vector<1x16xf32>,
        %parallel_loop3A_642 = vector.shape_cast %parallel_loop3A_641 : vector<1x16xf32> to vector<16xf32>
        %parallel_loop3A_643 = arith.mulf %parallel_loop3A_642, %parallel_loop3A_638 : vector<16xf32>
        %parallel_loop3A_644 = arith.index_cast %parallel_loop3A_597 : i32 to index
        %parallel_loop3A_645 = arith.constant 16 : index
        %parallel_loop3A_646 = tpu.vector_load %arg12[%parallel_loop3A_644, %parallel_loop3A_645] {strides = array<i32>} : memref<100x144xf32, #tpu.memory_space<vmem>>, vector<1x16xf32>,
        %parallel_loop3A_647 = vector.shape_cast %parallel_loop3A_646 : vector<1x16xf32> to vector<16xf32>
        %parallel_loop3A_648 = vector.shape_cast %parallel_loop3A_643 : vector<16xf32> to vector<1x16xf32>
        tpu.vector_store %arg12[%parallel_loop3A_644, %parallel_loop3A_645], %parallel_loop3A_648 {strides = array<i32>} : memref<100x144xf32, #tpu.memory_space<vmem>>, vector<1x16xf32>,
        %parallel_loop3A_649 = vector.shape_cast %broadcast_in_dim3A_43 : vector<16xi32> to vector<16x1xi32>
        %parallel_loop3A_650 = vector.shape_cast %parallel_loop3A_649 : vector<16x1xi32> to vector<16xi32>
        %parallel_loop3A_651 = tpu.dynamic_gather %parallel_loop3A_617[%parallel_loop3A_650] in [0] : vector<16xf32>, vector<16xi32> -> vector<16xf32>
        %parallel_loop3A_652 = arith.index_cast %parallel_loop3A_597 : i32 to index
        %parallel_loop3A_653 = arith.constant 32 : index
        %parallel_loop3A_654 = tpu.vector_load %arg12[%parallel_loop3A_652, %parallel_loop3A_653] {strides = array<i32>} : memref<100x144xf32, #tpu.memory_space<vmem>>, vector<1x16xf32>,
        %parallel_loop3A_655 = vector.shape_cast %parallel_loop3A_654 : vector<1x16xf32> to vector<16xf32>
        %parallel_loop3A_656 = arith.mulf %parallel_loop3A_655, %parallel_loop3A_651 : vector<16xf32>
        %parallel_loop3A_657 = arith.index_cast %parallel_loop3A_597 : i32 to index
        %parallel_loop3A_658 = arith.constant 32 : index
        %parallel_loop3A_659 = tpu.vector_load %arg12[%parallel_loop3A_657, %parallel_loop3A_658] {strides = array<i32>} : memref<100x144xf32, #tpu.memory_space<vmem>>, vector<1x16xf32>,
        %parallel_loop3A_660 = vector.shape_cast %parallel_loop3A_659 : vector<1x16xf32> to vector<16xf32>
        %parallel_loop3A_661 = vector.shape_cast %parallel_loop3A_656 : vector<16xf32> to vector<1x16xf32>
        tpu.vector_store %arg12[%parallel_loop3A_657, %parallel_loop3A_658], %parallel_loop3A_661 {strides = array<i32>} : memref<100x144xf32, #tpu.memory_space<vmem>>, vector<1x16xf32>,
        %parallel_loop3A_662 = vector.shape_cast %broadcast_in_dim3A_45 : vector<16xi32> to vector<16x1xi32>
        %parallel_loop3A_663 = vector.shape_cast %parallel_loop3A_662 : vector<16x1xi32> to vector<16xi32>
        %parallel_loop3A_664 = tpu.dynamic_gather %parallel_loop3A_617[%parallel_loop3A_663] in [0] : vector<16xf32>, vector<16xi32> -> vector<16xf32>
        %parallel_loop3A_665 = arith.index_cast %parallel_loop3A_597 : i32 to index
        %parallel_loop3A_666 = arith.constant 48 : index
        %parallel_loop3A_667 = tpu.vector_load %arg12[%parallel_loop3A_665, %parallel_loop3A_666] {strides = array<i32>} : memref<100x144xf32, #tpu.memory_space<vmem>>, vector<1x16xf32>,
        %parallel_loop3A_668 = vector.shape_cast %parallel_loop3A_667 : vector<1x16xf32> to vector<16xf32>
        %parallel_loop3A_669 = arith.mulf %parallel_loop3A_668, %parallel_loop3A_664 : vector<16xf32>
        %parallel_loop3A_670 = arith.index_cast %parallel_loop3A_597 : i32 to index
        %parallel_loop3A_671 = arith.constant 48 : index
        %parallel_loop3A_672 = tpu.vector_load %arg12[%parallel_loop3A_670, %parallel_loop3A_671] {strides = array<i32>} : memref<100x144xf32, #tpu.memory_space<vmem>>, vector<1x16xf32>,
        %parallel_loop3A_673 = vector.shape_cast %parallel_loop3A_672 : vector<1x16xf32> to vector<16xf32>
        %parallel_loop3A_674 = vector.shape_cast %parallel_loop3A_669 : vector<16xf32> to vector<1x16xf32>
        tpu.vector_store %arg12[%parallel_loop3A_670, %parallel_loop3A_671], %parallel_loop3A_674 {strides = array<i32>} : memref<100x144xf32, #tpu.memory_space<vmem>>, vector<1x16xf32>,
        %parallel_loop3A_675 = vector.shape_cast %broadcast_in_dim3A_47 : vector<16xi32> to vector<16x1xi32>
        %parallel_loop3A_676 = vector.shape_cast %parallel_loop3A_675 : vector<16x1xi32> to vector<16xi32>
        %parallel_loop3A_677 = tpu.dynamic_gather %parallel_loop3A_617[%parallel_loop3A_676] in [0] : vector<16xf32>, vector<16xi32> -> vector<16xf32>
        %parallel_loop3A_678 = arith.index_cast %parallel_loop3A_597 : i32 to index
        %parallel_loop3A_679 = arith.constant 64 : index
        %parallel_loop3A_680 = tpu.vector_load %arg12[%parallel_loop3A_678, %parallel_loop3A_679] {strides = array<i32>} : memref<100x144xf32, #tpu.memory_space<vmem>>, vector<1x16xf32>,
        %parallel_loop3A_681 = vector.shape_cast %parallel_loop3A_680 : vector<1x16xf32> to vector<16xf32>
        %parallel_loop3A_682 = arith.mulf %parallel_loop3A_681, %parallel_loop3A_677 : vector<16xf32>
        %parallel_loop3A_683 = arith.index_cast %parallel_loop3A_597 : i32 to index
        %parallel_loop3A_684 = arith.constant 64 : index
        %parallel_loop3A_685 = tpu.vector_load %arg12[%parallel_loop3A_683, %parallel_loop3A_684] {strides = array<i32>} : memref<100x144xf32, #tpu.memory_space<vmem>>, vector<1x16xf32>,
        %parallel_loop3A_686 = vector.shape_cast %parallel_loop3A_685 : vector<1x16xf32> to vector<16xf32>
        %parallel_loop3A_687 = vector.shape_cast %parallel_loop3A_682 : vector<16xf32> to vector<1x16xf32>
        tpu.vector_store %arg12[%parallel_loop3A_683, %parallel_loop3A_684], %parallel_loop3A_687 {strides = array<i32>} : memref<100x144xf32, #tpu.memory_space<vmem>>, vector<1x16xf32>,
        %parallel_loop3A_688 = vector.shape_cast %broadcast_in_dim3A_49 : vector<16xi32> to vector<16x1xi32>
        %parallel_loop3A_689 = vector.shape_cast %parallel_loop3A_688 : vector<16x1xi32> to vector<16xi32>
        %parallel_loop3A_690 = tpu.dynamic_gather %parallel_loop3A_617[%parallel_loop3A_689] in [0] : vector<16xf32>, vector<16xi32> -> vector<16xf32>
        %parallel_loop3A_691 = arith.index_cast %parallel_loop3A_597 : i32 to index
        %parallel_loop3A_692 = arith.constant 80 : index
        %parallel_loop3A_693 = tpu.vector_load %arg12[%parallel_loop3A_691, %parallel_loop3A_692] {strides = array<i32>} : memref<100x144xf32, #tpu.memory_space<vmem>>, vector<1x16xf32>,
        %parallel_loop3A_694 = vector.shape_cast %parallel_loop3A_693 : vector<1x16xf32> to vector<16xf32>
        %parallel_loop3A_695 = arith.mulf %parallel_loop3A_694, %parallel_loop3A_690 : vector<16xf32>
        %parallel_loop3A_696 = arith.index_cast %parallel_loop3A_597 : i32 to index
        %parallel_loop3A_697 = arith.constant 80 : index
        %parallel_loop3A_698 = tpu.vector_load %arg12[%parallel_loop3A_696, %parallel_loop3A_697] {strides = array<i32>} : memref<100x144xf32, #tpu.memory_space<vmem>>, vector<1x16xf32>,
        %parallel_loop3A_699 = vector.shape_cast %parallel_loop3A_698 : vector<1x16xf32> to vector<16xf32>
        %parallel_loop3A_700 = vector.shape_cast %parallel_loop3A_695 : vector<16xf32> to vector<1x16xf32>
        tpu.vector_store %arg12[%parallel_loop3A_696, %parallel_loop3A_697], %parallel_loop3A_700 {strides = array<i32>} : memref<100x144xf32, #tpu.memory_space<vmem>>, vector<1x16xf32>,
        %parallel_loop3A_701 = vector.shape_cast %broadcast_in_dim3A_51 : vector<16xi32> to vector<16x1xi32>
        %parallel_loop3A_702 = vector.shape_cast %parallel_loop3A_701 : vector<16x1xi32> to vector<16xi32>
        %parallel_loop3A_703 = tpu.dynamic_gather %parallel_loop3A_617[%parallel_loop3A_702] in [0] : vector<16xf32>, vector<16xi32> -> vector<16xf32>
        %parallel_loop3A_704 = arith.index_cast %parallel_loop3A_597 : i32 to index
        %parallel_loop3A_705 = arith.constant 96 : index
        %parallel_loop3A_706 = tpu.vector_load %arg12[%parallel_loop3A_704, %parallel_loop3A_705] {strides = array<i32>} : memref<100x144xf32, #tpu.memory_space<vmem>>, vector<1x16xf32>,
        %parallel_loop3A_707 = vector.shape_cast %parallel_loop3A_706 : vector<1x16xf32> to vector<16xf32>
        %parallel_loop3A_708 = arith.mulf %parallel_loop3A_707, %parallel_loop3A_703 : vector<16xf32>
        %parallel_loop3A_709 = arith.index_cast %parallel_loop3A_597 : i32 to index
        %parallel_loop3A_710 = arith.constant 96 : index
        %parallel_loop3A_711 = tpu.vector_load %arg12[%parallel_loop3A_709, %parallel_loop3A_710] {strides = array<i32>} : memref<100x144xf32, #tpu.memory_space<vmem>>, vector<1x16xf32>,
        %parallel_loop3A_712 = vector.shape_cast %parallel_loop3A_711 : vector<1x16xf32> to vector<16xf32>
        %parallel_loop3A_713 = vector.shape_cast %parallel_loop3A_708 : vector<16xf32> to vector<1x16xf32>
        tpu.vector_store %arg12[%parallel_loop3A_709, %parallel_loop3A_710], %parallel_loop3A_713 {strides = array<i32>} : memref<100x144xf32, #tpu.memory_space<vmem>>, vector<1x16xf32>,
        %parallel_loop3A_714 = vector.shape_cast %broadcast_in_dim3A_53 : vector<16xi32> to vector<16x1xi32>
        %parallel_loop3A_715 = vector.shape_cast %parallel_loop3A_714 : vector<16x1xi32> to vector<16xi32>
        %parallel_loop3A_716 = tpu.dynamic_gather %parallel_loop3A_617[%parallel_loop3A_715] in [0] : vector<16xf32>, vector<16xi32> -> vector<16xf32>
        %parallel_loop3A_717 = arith.index_cast %parallel_loop3A_597 : i32 to index
        %parallel_loop3A_718 = arith.constant 112 : index
        %parallel_loop3A_719 = tpu.vector_load %arg12[%parallel_loop3A_717, %parallel_loop3A_718] {strides = array<i32>} : memref<100x144xf32, #tpu.memory_space<vmem>>, vector<1x16xf32>,
        %parallel_loop3A_720 = vector.shape_cast %parallel_loop3A_719 : vector<1x16xf32> to vector<16xf32>
        %parallel_loop3A_721 = arith.mulf %parallel_loop3A_720, %parallel_loop3A_716 : vector<16xf32>
        %parallel_loop3A_722 = arith.index_cast %parallel_loop3A_597 : i32 to index
        %parallel_loop3A_723 = arith.constant 112 : index
        %parallel_loop3A_724 = tpu.vector_load %arg12[%parallel_loop3A_722, %parallel_loop3A_723] {strides = array<i32>} : memref<100x144xf32, #tpu.memory_space<vmem>>, vector<1x16xf32>,
        %parallel_loop3A_725 = vector.shape_cast %parallel_loop3A_724 : vector<1x16xf32> to vector<16xf32>
        %parallel_loop3A_726 = vector.shape_cast %parallel_loop3A_721 : vector<16xf32> to vector<1x16xf32>
        tpu.vector_store %arg12[%parallel_loop3A_722, %parallel_loop3A_723], %parallel_loop3A_726 {strides = array<i32>} : memref<100x144xf32, #tpu.memory_space<vmem>>, vector<1x16xf32>,
      } {sc.loop_unroll_factor = 2 : i64, sc.parallel_access}
      %dma_start3A_584 = arith.constant 50 : i32
      %dma_start3A_585 = arith.constant 0 : i32
      %dma_start3A_586 = tpu.memref_slice %arg12[%dma_start3A_584, %dma_start3A_585] : memref<100x144xf32, #tpu.memory_space<vmem>> -> memref<50x144xf32, #tpu.memory_space<vmem>>
      %dma_start3A_587 = arith.constant 0 : i32
      %dma_start3A_588 = arith.constant 0 : i32
      %dma_start3A_589 = tpu.memref_slice %arg20[%dma_start3A_587, %dma_start3A_588] : memref<10000x144xf32, #tpu.memory_space<vmem_shared>> -> memref<10000x144xf32, #tpu.memory_space<vmem_shared>>
      tpu.enqueue_indirect_dma source(%dma_start3A_586 : memref<50x144xf32, #tpu.memory_space<vmem>>) target(%dma_start3A_589 : memref<10000x144xf32, #tpu.memory_space<vmem_shared>>) offsets(%arg18 : memref<50xi32, #tpu.memory_space<vmem>>) semaphore(%arg24 : memref<!tpu.dma_semaphore, #tpu.memory_space<semaphore_mem>>) {add = true}
      %add3A_590 = arith.constant 5 : i32
      %add3A_591 = arith.addi %mul3A_274, %add3A_590 : i32
      %lt3A_592 = arith.constant 100 : i32
      %lt3A_593 = arith.cmpi slt, %add3A_591, %lt3A_592 : i32
      %convert_element_type3A_594 = arith.extui %lt3A_593 : i1 to i32
      %cond3A_595 = arith.constant 0 : i32
      %cond3A_596 = arith.cmpi ne, %convert_element_type3A_594, %cond3A_595 : i32
      scf.if %cond3A_596 {
        %dma_wait3A_597 = arith.constant 0 : i32
        %dma_wait3A_598 = arith.constant 0 : i32
        %dma_wait3A_599 = tpu.memref_slice %arg12[%dma_wait3A_597, %dma_wait3A_598] : memref<100x144xf32, #tpu.memory_space<vmem>> -> memref<50x144xf32, #tpu.memory_space<vmem>>
        %dma_wait3A_600 = arith.constant 0 : i32
        %dma_wait3A_601 = arith.constant 0 : i32
        %dma_wait3A_602 = tpu.memref_slice %arg20[%dma_wait3A_600, %dma_wait3A_601] : memref<10000x144xf32, #tpu.memory_space<vmem_shared>> -> memref<10000x144xf32, #tpu.memory_space<vmem_shared>>
        tpu.wait_indirect_dma semaphore(%arg24 : memref<!tpu.dma_semaphore, #tpu.memory_space<semaphore_mem>>) src(%dma_wait3A_599 : memref<50x144xf32, #tpu.memory_space<vmem>>) dst(%dma_wait3A_602 : memref<10000x144xf32, #tpu.memory_space<vmem_shared>>)
        %dma_wait3A_603 = arith.constant 50 : i32
        %dma_wait3A_604 = arith.constant 0 : i32
        %dma_wait3A_605 = tpu.memref_slice %arg12[%dma_wait3A_603, %dma_wait3A_604] : memref<100x144xf32, #tpu.memory_space<vmem>> -> memref<50x144xf32, #tpu.memory_space<vmem>>
        %dma_wait3A_606 = arith.constant 0 : i32
        %dma_wait3A_607 = arith.constant 0 : i32
        %dma_wait3A_608 = tpu.memref_slice %arg20[%dma_wait3A_606, %dma_wait3A_607] : memref<10000x144xf32, #tpu.memory_space<vmem_shared>> -> memref<10000x144xf32, #tpu.memory_space<vmem_shared>>
        tpu.wait_indirect_dma semaphore(%arg24 : memref<!tpu.dma_semaphore, #tpu.memory_space<semaphore_mem>>) src(%dma_wait3A_605 : memref<50x144xf32, #tpu.memory_space<vmem>>) dst(%dma_wait3A_608 : memref<10000x144xf32, #tpu.memory_space<vmem_shared>>)
        %add3A_609 = arith.constant 0 : i32
        %add3A_610 = arith.addi %add3A, %add3A_609 : i32
        %dma_wait3A_611 = arith.constant 0 : i32
        %dma_wait3A_612 = tpu.memref_slice %arg2[%add3A_610, %dma_wait3A_611] : memref<3200x224xi32, #tpu.memory_space<hbm>> -> memref<1x224xi32, #tpu.memory_space<hbm>>
        %dma_wait3A_613 = tpu.memref_squeeze %dma_wait3A_612 : memref<1x224xi32, #tpu.memory_space<hbm>> -> memref<224xi32, #tpu.memory_space<hbm>>
        %dma_wait3A_614 = arith.constant 0 : i32
        %dma_wait3A_615 = tpu.memref_slice %arg2[%add3A_610, %dma_wait3A_614] : memref<3200x224xi32, #tpu.memory_space<hbm>> -> memref<1x224xi32, #tpu.memory_space<hbm>>
        %dma_wait3A_616 = tpu.memref_squeeze %dma_wait3A_615 : memref<1x224xi32, #tpu.memory_space<hbm>> -> memref<224xi32, #tpu.memory_space<hbm>>
        tpu.wait_dma2 semaphore(%arg27 : memref<!tpu.dma_semaphore, #tpu.memory_space<semaphore_mem>>) src(%dma_wait3A_616 : memref<224xi32, #tpu.memory_space<hbm>>) dst(%arg9 : memref<224xi32, #tpu.memory_space<vmem>>)
        %get3A_617 = arith.constant 112 : index
        %get3A_618 = tpu.vector_load %arg9[%get3A_617] {strides = array<i32>} : memref<224xi32, #tpu.memory_space<vmem>>, vector<16xi32>,
        %get3A_619 = vector.shape_cast %get3A_618 : vector<16xi32> to vector<16xi32>
        %swap3A_620 = arith.constant 0 : index
        %swap3A_621 = tpu.vector_load %arg17[%swap3A_620] {strides = array<i32>} : memref<50xi32, #tpu.memory_space<vmem>>, vector<16xi32>,
        %swap3A_622 = vector.shape_cast %swap3A_621 : vector<16xi32> to vector<16xi32>
        %swap3A_623 = vector.shape_cast %get3A_619 : vector<16xi32> to vector<16xi32>
        tpu.vector_store %arg17[%swap3A_620], %swap3A_623 {strides = array<i32>} : memref<50xi32, #tpu.memory_space<vmem>>, vector<16xi32>,
        %get3A_624 = arith.constant 162 : index
        %get3A_625 = tpu.vector_load %arg9[%get3A_624] {strides = array<i32>} : memref<224xi32, #tpu.memory_space<vmem>>, vector<16xi32>,
        %get3A_626 = vector.shape_cast %get3A_625 : vector<16xi32> to vector<16xi32>
        %swap3A_627 = arith.constant 0 : index
        %swap3A_628 = tpu.vector_load %arg18[%swap3A_627] {strides = array<i32>} : memref<50xi32, #tpu.memory_space<vmem>>, vector<16xi32>,
        %swap3A_629 = vector.shape_cast %swap3A_628 : vector<16xi32> to vector<16xi32>
        %swap3A_630 = vector.shape_cast %get3A_626 : vector<16xi32> to vector<16xi32>
        tpu.vector_store %arg18[%swap3A_627], %swap3A_630 {strides = array<i32>} : memref<50xi32, #tpu.memory_space<vmem>>, vector<16xi32>,
        %get3A_631 = arith.constant 128 : index
        %get3A_632 = tpu.vector_load %arg9[%get3A_631] {strides = array<i32>} : memref<224xi32, #tpu.memory_space<vmem>>, vector<16xi32>,
        %get3A_633 = vector.shape_cast %get3A_632 : vector<16xi32> to vector<16xi32>
        %swap3A_634 = arith.constant 16 : index
        %swap3A_635 = tpu.vector_load %arg17[%swap3A_634] {strides = array<i32>} : memref<50xi32, #tpu.memory_space<vmem>>, vector<16xi32>,
        %swap3A_636 = vector.shape_cast %swap3A_635 : vector<16xi32> to vector<16xi32>
        %swap3A_637 = vector.shape_cast %get3A_633 : vector<16xi32> to vector<16xi32>
        tpu.vector_store %arg17[%swap3A_634], %swap3A_637 {strides = array<i32>} : memref<50xi32, #tpu.memory_space<vmem>>, vector<16xi32>,
        %get3A_638 = arith.constant 178 : index
        %get3A_639 = tpu.vector_load %arg9[%get3A_638] {strides = array<i32>} : memref<224xi32, #tpu.memory_space<vmem>>, vector<16xi32>,
        %get3A_640 = vector.shape_cast %get3A_639 : vector<16xi32> to vector<16xi32>
        %swap3A_641 = arith.constant 16 : index
        %swap3A_642 = tpu.vector_load %arg18[%swap3A_641] {strides = array<i32>} : memref<50xi32, #tpu.memory_space<vmem>>, vector<16xi32>,
        %swap3A_643 = vector.shape_cast %swap3A_642 : vector<16xi32> to vector<16xi32>
        %swap3A_644 = vector.shape_cast %get3A_640 : vector<16xi32> to vector<16xi32>
        tpu.vector_store %arg18[%swap3A_641], %swap3A_644 {strides = array<i32>} : memref<50xi32, #tpu.memory_space<vmem>>, vector<16xi32>,
        %get3A_645 = arith.constant 144 : index
        %get3A_646 = tpu.vector_load %arg9[%get3A_645] {strides = array<i32>} : memref<224xi32, #tpu.memory_space<vmem>>, vector<16xi32>,
        %get3A_647 = vector.shape_cast %get3A_646 : vector<16xi32> to vector<16xi32>
        %swap3A_648 = arith.constant 32 : index
        %swap3A_649 = tpu.vector_load %arg17[%swap3A_648] {strides = array<i32>} : memref<50xi32, #tpu.memory_space<vmem>>, vector<16xi32>,
        %swap3A_650 = vector.shape_cast %swap3A_649 : vector<16xi32> to vector<16xi32>
        %swap3A_651 = vector.shape_cast %get3A_647 : vector<16xi32> to vector<16xi32>
        tpu.vector_store %arg17[%swap3A_648], %swap3A_651 {strides = array<i32>} : memref<50xi32, #tpu.memory_space<vmem>>, vector<16xi32>,
        %get3A_652 = arith.constant 194 : index
        %get3A_653 = tpu.vector_load %arg9[%get3A_652] {strides = array<i32>} : memref<224xi32, #tpu.memory_space<vmem>>, vector<16xi32>,
        %get3A_654 = vector.shape_cast %get3A_653 : vector<16xi32> to vector<16xi32>
        %swap3A_655 = arith.constant 32 : index
        %swap3A_656 = tpu.vector_load %arg18[%swap3A_655] {strides = array<i32>} : memref<50xi32, #tpu.memory_space<vmem>>, vector<16xi32>,
        %swap3A_657 = vector.shape_cast %swap3A_656 : vector<16xi32> to vector<16xi32>
        %swap3A_658 = vector.shape_cast %get3A_654 : vector<16xi32> to vector<16xi32>
        tpu.vector_store %arg18[%swap3A_655], %swap3A_658 {strides = array<i32>} : memref<50xi32, #tpu.memory_space<vmem>>, vector<16xi32>,
        %get3A_659 = arith.constant 146 : index
        %get3A_660 = tpu.vector_load %arg9[%get3A_659] {strides = array<i32>} : memref<224xi32, #tpu.memory_space<vmem>>, vector<16xi32>,
        %get3A_661 = vector.shape_cast %get3A_660 : vector<16xi32> to vector<16xi32>
        %swap3A_662 = arith.constant 34 : index
        %swap3A_663 = tpu.vector_load %arg17[%swap3A_662] {strides = array<i32>} : memref<50xi32, #tpu.memory_space<vmem>>, vector<16xi32>,
        %swap3A_664 = vector.shape_cast %swap3A_663 : vector<16xi32> to vector<16xi32>
        %swap3A_665 = vector.shape_cast %get3A_661 : vector<16xi32> to vector<16xi32>
        tpu.vector_store %arg17[%swap3A_662], %swap3A_665 {strides = array<i32>} : memref<50xi32, #tpu.memory_space<vmem>>, vector<16xi32>,
        %get3A_666 = arith.constant 196 : index
        %get3A_667 = tpu.vector_load %arg9[%get3A_666] {strides = array<i32>} : memref<224xi32, #tpu.memory_space<vmem>>, vector<16xi32>,
        %get3A_668 = vector.shape_cast %get3A_667 : vector<16xi32> to vector<16xi32>
        %swap3A_669 = arith.constant 34 : index
        %swap3A_670 = tpu.vector_load %arg18[%swap3A_669] {strides = array<i32>} : memref<50xi32, #tpu.memory_space<vmem>>, vector<16xi32>,
        %swap3A_671 = vector.shape_cast %swap3A_670 : vector<16xi32> to vector<16xi32>
        %swap3A_672 = vector.shape_cast %get3A_668 : vector<16xi32> to vector<16xi32>
        tpu.vector_store %arg18[%swap3A_669], %swap3A_672 {strides = array<i32>} : memref<50xi32, #tpu.memory_space<vmem>>, vector<16xi32>,
        %dma_start3A_673 = arith.constant 0 : i32
        %dma_start3A_674 = tpu.memref_slice %arg9[%dma_start3A_673] : memref<224xi32, #tpu.memory_space<vmem>> -> memref<100xi32, #tpu.memory_space<vmem>>
        %dma_start3A_675 = arith.constant 0 : i32
        %dma_start3A_676 = arith.constant 0 : i32
        %dma_start3A_677 = tpu.memref_slice %arg4[%dma_start3A_675, %dma_start3A_676] : memref<10000x144xf32, #tpu.memory_space<hbm>> -> memref<10000x144xf32, #tpu.memory_space<hbm>>
        tpu.enqueue_indirect_dma source(%dma_start3A_677 : memref<10000x144xf32, #tpu.memory_space<hbm>>) target(%arg12 : memref<100x144xf32, #tpu.memory_space<vmem>>) offsets(%dma_start3A_674 : memref<100xi32, #tpu.memory_space<vmem>>) semaphore(%arg22 : memref<!tpu.dma_semaphore, #tpu.memory_space<semaphore_mem>>)
        %dma_start3A_678 = arith.constant 112 : i32
        %dma_start3A_679 = tpu.memref_slice %arg9[%dma_start3A_678] : memref<224xi32, #tpu.memory_space<vmem>> -> memref<100xi32, #tpu.memory_space<vmem>>
        %dma_start3A_680 = arith.constant 0 : i32
        %dma_start3A_681 = arith.constant 0 : i32
        %dma_start3A_682 = tpu.memref_slice %arg3[%dma_start3A_680, %dma_start3A_681] : memref<10000x16xf32, #tpu.memory_space<hbm>> -> memref<10000x16xf32, #tpu.memory_space<hbm>>
        tpu.enqueue_indirect_dma source(%dma_start3A_682 : memref<10000x16xf32, #tpu.memory_space<hbm>>) target(%arg14 : memref<100x16xf32, #tpu.memory_space<vmem>>) offsets(%dma_start3A_679 : memref<100xi32, #tpu.memory_space<vmem>>) semaphore(%arg22 : memref<!tpu.dma_semaphore, #tpu.memory_space<semaphore_mem>>)
      } else {
      }
    }
    %scan3A_236 = arith.constant 25 : i32
    %dma_wait3A_237 = arith.constant 0 : i32
    %dma_wait3A_238 = arith.constant 0 : i32
    %dma_wait3A_239 = tpu.memref_slice %arg11[%dma_wait3A_237, %dma_wait3A_238] : memref<100x144xf32, #tpu.memory_space<vmem>> -> memref<50x144xf32, #tpu.memory_space<vmem>>
    %dma_wait3A_240 = arith.constant 0 : i32
    %dma_wait3A_241 = arith.constant 0 : i32
    %dma_wait3A_242 = tpu.memref_slice %arg20[%dma_wait3A_240, %dma_wait3A_241] : memref<10000x144xf32, #tpu.memory_space<vmem_shared>> -> memref<10000x144xf32, #tpu.memory_space<vmem_shared>>
    tpu.wait_indirect_dma semaphore(%arg23 : memref<!tpu.dma_semaphore, #tpu.memory_space<semaphore_mem>>) src(%dma_wait3A_239 : memref<50x144xf32, #tpu.memory_space<vmem>>) dst(%dma_wait3A_242 : memref<10000x144xf32, #tpu.memory_space<vmem_shared>>)
    %dma_wait3A_243 = arith.constant 50 : i32
    %dma_wait3A_244 = arith.constant 0 : i32
    %dma_wait3A_245 = tpu.memref_slice %arg11[%dma_wait3A_243, %dma_wait3A_244] : memref<100x144xf32, #tpu.memory_space<vmem>> -> memref<50x144xf32, #tpu.memory_space<vmem>>
    %dma_wait3A_246 = arith.constant 0 : i32
    %dma_wait3A_247 = arith.constant 0 : i32
    %dma_wait3A_248 = tpu.memref_slice %arg20[%dma_wait3A_246, %dma_wait3A_247] : memref<10000x144xf32, #tpu.memory_space<vmem_shared>> -> memref<10000x144xf32, #tpu.memory_space<vmem_shared>>
    tpu.wait_indirect_dma semaphore(%arg23 : memref<!tpu.dma_semaphore, #tpu.memory_space<semaphore_mem>>) src(%dma_wait3A_245 : memref<50x144xf32, #tpu.memory_space<vmem>>) dst(%dma_wait3A_248 : memref<10000x144xf32, #tpu.memory_space<vmem_shared>>)
    %dma_wait3A_249 = arith.constant 0 : i32
    %dma_wait3A_250 = arith.constant 0 : i32
    %dma_wait3A_251 = tpu.memref_slice %arg12[%dma_wait3A_249, %dma_wait3A_250] : memref<100x144xf32, #tpu.memory_space<vmem>> -> memref<50x144xf32, #tpu.memory_space<vmem>>
    %dma_wait3A_252 = arith.constant 0 : i32
    %dma_wait3A_253 = arith.constant 0 : i32
    %dma_wait3A_254 = tpu.memref_slice %arg20[%dma_wait3A_252, %dma_wait3A_253] : memref<10000x144xf32, #tpu.memory_space<vmem_shared>> -> memref<10000x144xf32, #tpu.memory_space<vmem_shared>>
    tpu.wait_indirect_dma semaphore(%arg24 : memref<!tpu.dma_semaphore, #tpu.memory_space<semaphore_mem>>) src(%dma_wait3A_251 : memref<50x144xf32, #tpu.memory_space<vmem>>) dst(%dma_wait3A_254 : memref<10000x144xf32, #tpu.memory_space<vmem_shared>>)
    %dma_wait3A_255 = arith.constant 50 : i32
    %dma_wait3A_256 = arith.constant 0 : i32
    %dma_wait3A_257 = tpu.memref_slice %arg12[%dma_wait3A_255, %dma_wait3A_256] : memref<100x144xf32, #tpu.memory_space<vmem>> -> memref<50x144xf32, #tpu.memory_space<vmem>>
    %dma_wait3A_258 = arith.constant 0 : i32
    %dma_wait3A_259 = arith.constant 0 : i32
    %dma_wait3A_260 = tpu.memref_slice %arg20[%dma_wait3A_258, %dma_wait3A_259] : memref<10000x144xf32, #tpu.memory_space<vmem_shared>> -> memref<10000x144xf32, #tpu.memory_space<vmem_shared>>
    tpu.wait_indirect_dma semaphore(%arg24 : memref<!tpu.dma_semaphore, #tpu.memory_space<semaphore_mem>>) src(%dma_wait3A_257 : memref<50x144xf32, #tpu.memory_space<vmem>>) dst(%dma_wait3A_260 : memref<10000x144xf32, #tpu.memory_space<vmem_shared>>)
    %barrier3A_261 = arith.constant 0 : index
    tpu.barrier barrier_id(%barrier3A_261)
    %while3A_262 = arith.constant 0 : i32
    %while3A_263 = arith.constant 0 : i32
    %while3A_264 = arith.subi %select_n3A, %while3A_263 : i32
    %while3A_265 = arith.addi %while3A_263, %while3A_264 : i32
    %while3A_266 = arith.constant 1 : i32
    %while3A_267 = arith.divsi %while3A_264, %while3A_266 : i32
    %while3A_268 = arith.muli %while3A_267, %while3A_266 : i32
    %while3A_269 = arith.addi %while3A_263, %while3A_268 : i32
    %while3A_270 = arith.constant 1 : i32
    scf.for %while3A_272 = %while3A_263 to %while3A_269 step %while3A_270  : i32 {
      %mul3A_273 = arith.constant 16 : i32
      %mul3A_274 = arith.muli %while3A_272, %mul3A_273 : i32
      %add3A_275 = arith.addi %arg1, %mul3A_274 : i32
      %mul3A_276 = arith.constant 16 : i32
      %mul3A_277 = arith.muli %add3A_275, %mul3A_276 : i32
      "tpu.region"() ({
        %run_scoped3A = tpu.sem_alloc : memref<!tpu.dma_semaphore, #tpu.memory_space<semaphore_mem>>
        %dma_start3A_278 = arith.constant 0 : i32
        %dma_start3A_279 = tpu.memref_slice %arg6[%arg0, %mul3A_277, %dma_start3A_278] : memref<2x10000x144xf32, #tpu.memory_space<hbm>> -> memref<1x16x144xf32, #tpu.memory_space<hbm>>
        %dma_start3A_280 = tpu.memref_squeeze %dma_start3A_279 : memref<1x16x144xf32, #tpu.memory_space<hbm>> -> memref<16x144xf32, #tpu.memory_space<hbm>>
        %dma_start3A_281 = arith.constant 0 : i32
        %dma_start3A_282 = tpu.memref_slice %arg20[%mul3A_277, %dma_start3A_281] : memref<10000x144xf32, #tpu.memory_space<vmem_shared>> -> memref<16x144xf32, #tpu.memory_space<vmem_shared>>
        tpu.enqueue_dma source(%dma_start3A_282 : memref<16x144xf32, #tpu.memory_space<vmem_shared>>) target(%dma_start3A_280 : memref<16x144xf32, #tpu.memory_space<hbm>>) target_semaphore(%run_scoped3A : memref<!tpu.dma_semaphore, #tpu.memory_space<semaphore_mem>>)
        %dma_wait3A_283 = arith.constant 0 : i32
        %dma_wait3A_284 = tpu.memref_slice %arg6[%arg0, %mul3A_277, %dma_wait3A_283] : memref<2x10000x144xf32, #tpu.memory_space<hbm>> -> memref<1x16x144xf32, #tpu.memory_space<hbm>>
        %dma_wait3A_285 = tpu.memref_squeeze %dma_wait3A_284 : memref<1x16x144xf32, #tpu.memory_space<hbm>> -> memref<16x144xf32, #tpu.memory_space<hbm>>
        %dma_wait3A_286 = arith.constant 0 : i32
        %dma_wait3A_287 = tpu.memref_slice %arg20[%mul3A_277, %dma_wait3A_286] : memref<10000x144xf32, #tpu.memory_space<vmem_shared>> -> memref<16x144xf32, #tpu.memory_space<vmem_shared>>
        tpu.wait_dma2 semaphore(%run_scoped3A : memref<!tpu.dma_semaphore, #tpu.memory_space<semaphore_mem>>) src(%dma_wait3A_287 : memref<16x144xf32, #tpu.memory_space<vmem_shared>>) dst(%dma_wait3A_285 : memref<16x144xf32, #tpu.memory_space<hbm>>)
        tpu.yield
      }) : () -> ()
    }
    %while3A_271 = arith.constant 1 : i32
    scf.for %while3A_272 = %while3A_269 to %while3A_265 step %while3A_271  : i32 {
      %mul3A_273 = arith.constant 16 : i32
      %mul3A_274 = arith.muli %while3A_272, %mul3A_273 : i32
      %add3A_275 = arith.addi %arg1, %mul3A_274 : i32
      %mul3A_276 = arith.constant 16 : i32
      %mul3A_277 = arith.muli %add3A_275, %mul3A_276 : i32
      "tpu.region"() ({
        %run_scoped3A = tpu.sem_alloc : memref<!tpu.dma_semaphore, #tpu.memory_space<semaphore_mem>>
        %dma_start3A_278 = arith.constant 0 : i32
        %dma_start3A_279 = tpu.memref_slice %arg6[%arg0, %mul3A_277, %dma_start3A_278] : memref<2x10000x144xf32, #tpu.memory_space<hbm>> -> memref<1x16x144xf32, #tpu.memory_space<hbm>>
        %dma_start3A_280 = tpu.memref_squeeze %dma_start3A_279 : memref<1x16x144xf32, #tpu.memory_space<hbm>> -> memref<16x144xf32, #tpu.memory_space<hbm>>
        %dma_start3A_281 = arith.constant 0 : i32
        %dma_start3A_282 = tpu.memref_slice %arg20[%mul3A_277, %dma_start3A_281] : memref<10000x144xf32, #tpu.memory_space<vmem_shared>> -> memref<16x144xf32, #tpu.memory_space<vmem_shared>>
        tpu.enqueue_dma source(%dma_start3A_282 : memref<16x144xf32, #tpu.memory_space<vmem_shared>>) target(%dma_start3A_280 : memref<16x144xf32, #tpu.memory_space<hbm>>) target_semaphore(%run_scoped3A : memref<!tpu.dma_semaphore, #tpu.memory_space<semaphore_mem>>)
        %dma_wait3A_283 = arith.constant 0 : i32
        %dma_wait3A_284 = tpu.memref_slice %arg6[%arg0, %mul3A_277, %dma_wait3A_283] : memref<2x10000x144xf32, #tpu.memory_space<hbm>> -> memref<1x16x144xf32, #tpu.memory_space<hbm>>
        %dma_wait3A_285 = tpu.memref_squeeze %dma_wait3A_284 : memref<1x16x144xf32, #tpu.memory_space<hbm>> -> memref<16x144xf32, #tpu.memory_space<hbm>>
        %dma_wait3A_286 = arith.constant 0 : i32
        %dma_wait3A_287 = tpu.memref_slice %arg20[%mul3A_277, %dma_wait3A_286] : memref<10000x144xf32, #tpu.memory_space<vmem_shared>> -> memref<16x144xf32, #tpu.memory_space<vmem_shared>>
        tpu.wait_dma2 semaphore(%run_scoped3A : memref<!tpu.dma_semaphore, #tpu.memory_space<semaphore_mem>>) src(%dma_wait3A_287 : memref<16x144xf32, #tpu.memory_space<vmem_shared>>) dst(%dma_wait3A_285 : memref<16x144xf32, #tpu.memory_space<hbm>>)
        tpu.yield
      }) : () -> ()
    }
    return
  }
}

module attributes {stable_mosaic.version = 14 : i64} {
  func.func @_k1_body(%arg0: i32, %arg1: memref<10000x128xf32, #tpu.memory_space<vmem>>, %arg2: memref<128x128xf32, #tpu.memory_space<vmem>>, %arg3: memref<128x16xf32, #tpu.memory_space<vmem>>, %arg4: memref<128x16xf32, #tpu.memory_space<vmem>>, %arg5: memref<10000x144xf32, #tpu.memory_space<vmem>>, %arg6: memref<10000x16xf32, #tpu.memory_space<vmem>>, %arg7: memref<1x16xf32, #tpu.memory_space<vmem>>) attributes {dimension_semantics = [#tpu.dimension_semantics<arbitrary>], iteration_bounds = array<i64: 1>, scalar_prefetch = 0 : i64, scratch_operands = 0 : i64, tpu.core_type = #tpu.core_type<tc>, window_params = [{transform_indices = @transform_0, window_bounds = array<i64: 10000, 128>}, {pipeline_mode = #tpu.pipeline_mode<synchronous>, transform_indices = @transform_1, window_bounds = array<i64: 128, 128>}, {pipeline_mode = #tpu.pipeline_mode<synchronous>, transform_indices = @transform_2, window_bounds = array<i64: 128, 16>}, {pipeline_mode = #tpu.pipeline_mode<synchronous>, transform_indices = @transform_3, window_bounds = array<i64: 128, 16>}, {transform_indices = @transform_4, window_bounds = array<i64: 10000, 144>}, {transform_indices = @transform_5, window_bounds = array<i64: 10000, 16>}, {pipeline_mode = #tpu.pipeline_mode<synchronous>, transform_indices = @transform_6, window_bounds = array<i64: 1, 16>}]} {
    %get3A = arith.constant 0 : index
    %get3A_0 = arith.constant 0 : index
    %get3A_1 = vector.load %arg1[%get3A, %get3A_0] : memref<10000x128xf32, #tpu.memory_space<vmem>>, vector<10000x128xf32>
    %get3A_2 = arith.constant 0 : index
    %get3A_3 = arith.constant 0 : index
    %get3A_4 = vector.load %arg2[%get3A_2, %get3A_3] : memref<128x128xf32, #tpu.memory_space<vmem>>, vector<128x128xf32>
    %dot_general3A = arith.constant dense<0.000000e+00> : vector<10000x128xf32>
    %dot_general3A_5 = tpu.matmul %get3A_1, %get3A_4, %dot_general3A {dimension_numbers = #tpu.dot_dimension_numbers<[1], [0], [0], [1], [0, 0, 1, 1], [], []>, precision = #tpu.contract_precision<fp32>, transpose_lhs_hint = false} : vector<10000x128xf32>, vector<128x128xf32>, vector<10000x128xf32> -> vector<10000x128xf32>
    %get3A_6 = arith.constant 0 : index
    %get3A_7 = arith.constant 0 : index
    %get3A_8 = vector.load %arg3[%get3A_6, %get3A_7] : memref<128x16xf32, #tpu.memory_space<vmem>>, vector<128x16xf32>
    %dot_general3A_9 = arith.constant dense<0.000000e+00> : vector<10000x16xf32>
    %dot_general3A_10 = tpu.matmul %dot_general3A_5, %get3A_8, %dot_general3A_9 {dimension_numbers = #tpu.dot_dimension_numbers<[1], [0], [0], [1], [0, 0, 1, 1], [], []>, precision = #tpu.contract_precision<fp32>, transpose_lhs_hint = false} : vector<10000x128xf32>, vector<128x16xf32>, vector<10000x16xf32> -> vector<10000x16xf32>
    %swap3A = arith.constant 0 : index
    %swap3A_11 = arith.constant 0 : index
    %swap3A_12 = vector.load %arg6[%swap3A, %swap3A_11] : memref<10000x16xf32, #tpu.memory_space<vmem>>, vector<10000x16xf32>
    tpu.vector_store %arg6[%swap3A, %swap3A_11], %dot_general3A_10 {strides = array<i32>} : memref<10000x16xf32, #tpu.memory_space<vmem>>, vector<10000x16xf32>,
    %get3A_13 = arith.constant 0 : index
    %get3A_14 = arith.constant 0 : index
    %get3A_15 = vector.load %arg4[%get3A_13, %get3A_14] : memref<128x16xf32, #tpu.memory_space<vmem>>, vector<128x16xf32>
    %dot_general3A_16 = arith.constant dense<0.000000e+00> : vector<10000x16xf32>
    %dot_general3A_17 = tpu.matmul %dot_general3A_5, %get3A_15, %dot_general3A_16 {dimension_numbers = #tpu.dot_dimension_numbers<[1], [0], [0], [1], [0, 0, 1, 1], [], []>, precision = #tpu.contract_precision<fp32>, transpose_lhs_hint = false} : vector<10000x128xf32>, vector<128x16xf32>, vector<10000x16xf32> -> vector<10000x16xf32>
    %concatenate3A = tpu.concatenate %dot_general3A_5, %dot_general3A_17 in 1 : vector<10000x128xf32>, vector<10000x16xf32> -> vector<10000x144xf32>
    %swap3A_18 = arith.constant 0 : index
    %swap3A_19 = arith.constant 0 : index
    %swap3A_20 = vector.load %arg5[%swap3A_18, %swap3A_19] : memref<10000x144xf32, #tpu.memory_space<vmem>>, vector<10000x144xf32>
    tpu.vector_store %arg5[%swap3A_18, %swap3A_19], %concatenate3A {strides = array<i32>} : memref<10000x144xf32, #tpu.memory_space<vmem>>, vector<10000x144xf32>,
    %reduce_max3A = arith.constant dense<0xFF800000> : vector<16xf32>
    %reduce_max3A_21 = vector.multi_reduction <maximumf>, %dot_general3A_17, %reduce_max3A [0] : vector<10000x16xf32> to vector<16xf32>
    %broadcast_in_dim3A = vector.shape_cast %reduce_max3A_21 : vector<16xf32> to vector<1x16xf32>
    %eq3A = arith.constant 0 : i32
    %eq3A_22 = arith.cmpi eq, %arg0, %eq3A : i32
    %convert_element_type3A = arith.extui %eq3A_22 : i1 to i32
    %cond3A = arith.constant 0 : i32
    %cond3A_23 = arith.cmpi ne, %convert_element_type3A, %cond3A : i32
    scf.if %cond3A_23 {
      %swap3A_28 = arith.constant 0 : index
      %swap3A_29 = arith.constant 0 : index
      %swap3A_30 = vector.load %arg7[%swap3A_28, %swap3A_29] : memref<1x16xf32, #tpu.memory_space<vmem>>, vector<1x16xf32>
      tpu.vector_store %arg7[%swap3A_28, %swap3A_29], %broadcast_in_dim3A {strides = array<i32>} : memref<1x16xf32, #tpu.memory_space<vmem>>, vector<1x16xf32>,
    } else {
    }
    %gt3A = arith.constant 0 : i32
    %gt3A_24 = arith.cmpi sgt, %arg0, %gt3A : i32
    %convert_element_type3A_25 = arith.extui %gt3A_24 : i1 to i32
    %cond3A_26 = arith.constant 0 : i32
    %cond3A_27 = arith.cmpi ne, %convert_element_type3A_25, %cond3A_26 : i32
    scf.if %cond3A_27 {
      %get3A_28 = arith.constant 0 : index
      %get3A_29 = arith.constant 0 : index
      %get3A_30 = vector.load %arg7[%get3A_28, %get3A_29] : memref<1x16xf32, #tpu.memory_space<vmem>>, vector<1x16xf32>
      %max3A = arith.maximumf %get3A_30, %broadcast_in_dim3A : vector<1x16xf32>
      %swap3A_31 = arith.constant 0 : index
      %swap3A_32 = arith.constant 0 : index
      %swap3A_33 = vector.load %arg7[%swap3A_31, %swap3A_32] : memref<1x16xf32, #tpu.memory_space<vmem>>, vector<1x16xf32>
      tpu.vector_store %arg7[%swap3A_31, %swap3A_32], %max3A {strides = array<i32>} : memref<1x16xf32, #tpu.memory_space<vmem>>, vector<1x16xf32>,
    } else {
    }
    return
  }
  func.func @transform_0(%arg0: i32) -> (i32, i32) {
    %c0_i32 = arith.constant 0 : i32
    %c0_i32_0 = arith.constant 0 : i32
    return %arg0, %c0_i32 : i32, i32
  }
  func.func @transform_1(%arg0: i32) -> (i32, i32) {
    %c0_i32 = arith.constant 0 : i32
    %c0_i32_0 = arith.constant 0 : i32
    %c0_i32_1 = arith.constant 0 : i32
    return %c0_i32, %c0_i32_0 : i32, i32
  }
  func.func @transform_2(%arg0: i32) -> (i32, i32) {
    %c0_i32 = arith.constant 0 : i32
    %c0_i32_0 = arith.constant 0 : i32
    %c0_i32_1 = arith.constant 0 : i32
    return %c0_i32, %c0_i32_0 : i32, i32
  }
  func.func @transform_3(%arg0: i32) -> (i32, i32) {
    %c0_i32 = arith.constant 0 : i32
    %c0_i32_0 = arith.constant 0 : i32
    %c0_i32_1 = arith.constant 0 : i32
    return %c0_i32, %c0_i32_0 : i32, i32
  }
  func.func @transform_4(%arg0: i32) -> (i32, i32) {
    %c0_i32 = arith.constant 0 : i32
    %c0_i32_0 = arith.constant 0 : i32
    return %arg0, %c0_i32 : i32, i32
  }
  func.func @transform_5(%arg0: i32) -> (i32, i32) {
    %c0_i32 = arith.constant 0 : i32
    %c0_i32_0 = arith.constant 0 : i32
    return %arg0, %c0_i32 : i32, i32
  }
  func.func @transform_6(%arg0: i32) -> (i32, i32) {
    %c0_i32 = arith.constant 0 : i32
    %c0_i32_0 = arith.constant 0 : i32
    %c0_i32_1 = arith.constant 0 : i32
    return %c0_i32, %c0_i32_0 : i32, i32
  }
}

module attributes {stable_mosaic.version = 14 : i64} {
  func.func @_k3_body(%arg0: i32, %arg1: memref<10000x144xf32, #tpu.memory_space<vmem>>, %arg2: memref<10000x144xf32, #tpu.memory_space<vmem>>, %arg3: memref<16x128xf32, #tpu.memory_space<vmem>>, %arg4: memref<1x128xf32, #tpu.memory_space<vmem>>, %arg5: memref<10000x128xf32, #tpu.memory_space<vmem>>) attributes {dimension_semantics = [#tpu.dimension_semantics<arbitrary>], iteration_bounds = array<i64: 1>, scalar_prefetch = 0 : i64, scratch_operands = 0 : i64, tpu.core_type = #tpu.core_type<tc>, window_params = [{transform_indices = @transform_0, window_bounds = array<i64: 10000, 144>}, {transform_indices = @transform_1, window_bounds = array<i64: 10000, 144>}, {pipeline_mode = #tpu.pipeline_mode<synchronous>, transform_indices = @transform_2, window_bounds = array<i64: 16, 128>}, {pipeline_mode = #tpu.pipeline_mode<synchronous>, transform_indices = @transform_3, window_bounds = array<i64: 1, 128>}, {transform_indices = @transform_4, window_bounds = array<i64: 10000, 128>}]} {
    %get3A = arith.constant 0 : index
    %get3A_0 = arith.constant 0 : index
    %get3A_1 = vector.load %arg1[%get3A, %get3A_0] : memref<10000x144xf32, #tpu.memory_space<vmem>>, vector<10000x144xf32>
    %get3A_2 = arith.constant 0 : index
    %get3A_3 = arith.constant 0 : index
    %get3A_4 = vector.load %arg2[%get3A_2, %get3A_3] : memref<10000x144xf32, #tpu.memory_space<vmem>>, vector<10000x144xf32>
    %add3A = arith.addf %get3A_1, %get3A_4 : vector<10000x144xf32>
    %slice3A = vector.extract_strided_slice %add3A {offsets = [0, 0], sizes = [10000, 128], strides = [1, 1]} : vector<10000x144xf32> to vector<10000x128xf32>
    %slice3A_5 = vector.extract_strided_slice %add3A {offsets = [0, 128], sizes = [10000, 16], strides = [1, 1]} : vector<10000x144xf32> to vector<10000x16xf32>
    %get3A_6 = arith.constant 0 : index
    %get3A_7 = arith.constant 0 : index
    %get3A_8 = vector.load %arg3[%get3A_6, %get3A_7] : memref<16x128xf32, #tpu.memory_space<vmem>>, vector<16x128xf32>
    %dot_general3A = arith.constant dense<0.000000e+00> : vector<10000x128xf32>
    %dot_general3A_9 = tpu.matmul %slice3A_5, %get3A_8, %dot_general3A {dimension_numbers = #tpu.dot_dimension_numbers<[1], [0], [0], [1], [0, 0, 1, 1], [], []>, precision = #tpu.contract_precision<fp32>, transpose_lhs_hint = false} : vector<10000x16xf32>, vector<16x128xf32>, vector<10000x128xf32> -> vector<10000x128xf32>
    %add3A_10 = arith.constant 1.000000e-07 : f32
    %add3A_11 = vector.broadcast %add3A_10 : f32 to vector<10000x128xf32>
    %add3A_12 = arith.addf %dot_general3A_9, %add3A_11 : vector<10000x128xf32>
    %div3A = arith.divf %slice3A, %add3A_12 : vector<10000x128xf32>
    %get3A_13 = arith.constant 0 : index
    %get3A_14 = arith.constant 0 : index
    %get3A_15 = vector.load %arg4[%get3A_13, %get3A_14] : memref<1x128xf32, #tpu.memory_space<vmem>>, vector<1x128xf32>
    %add3A_16 = vector.broadcast %get3A_15 : vector<1x128xf32> to vector<10000x128xf32>
    %add3A_17 = arith.addf %div3A, %add3A_16 : vector<10000x128xf32>
    %gt3A = arith.constant 0.000000e+00 : f32
    %gt3A_18 = vector.broadcast %gt3A : f32 to vector<10000x128xf32>
    %gt3A_19 = arith.cmpf ogt, %add3A_17, %gt3A_18 : vector<10000x128xf32>
    %min3A = arith.constant 0.000000e+00 : f32
    %min3A_20 = vector.broadcast %min3A : f32 to vector<10000x128xf32>
    %min3A_21 = arith.minimumf %add3A_17, %min3A_20 : vector<10000x128xf32>
    %exp3A = math.exp %min3A_21 : vector<10000x128xf32>
    %sub3A = arith.constant 1.000000e+00 : f32
    %sub3A_22 = vector.broadcast %sub3A : f32 to vector<10000x128xf32>
    %sub3A_23 = arith.subf %exp3A, %sub3A_22 : vector<10000x128xf32>
    %select_n3A = arith.select %gt3A_19, %add3A_17, %sub3A_23 : vector<10000x128xi1>, vector<10000x128xf32>
    %swap3A = arith.constant 0 : index
    %swap3A_24 = arith.constant 0 : index
    %swap3A_25 = vector.load %arg5[%swap3A, %swap3A_24] : memref<10000x128xf32, #tpu.memory_space<vmem>>, vector<10000x128xf32>
    tpu.vector_store %arg5[%swap3A, %swap3A_24], %select_n3A {strides = array<i32>} : memref<10000x128xf32, #tpu.memory_space<vmem>>, vector<10000x128xf32>,
    return
  }
  func.func @transform_0(%arg0: i32) -> (i32, i32) {
    %c0_i32 = arith.constant 0 : i32
    %c0_i32_0 = arith.constant 0 : i32
    return %arg0, %c0_i32 : i32, i32
  }
  func.func @transform_1(%arg0: i32) -> (i32, i32) {
    %c0_i32 = arith.constant 0 : i32
    %c0_i32_0 = arith.constant 0 : i32
    return %arg0, %c0_i32 : i32, i32
  }
  func.func @transform_2(%arg0: i32) -> (i32, i32) {
    %c0_i32 = arith.constant 0 : i32
    %c0_i32_0 = arith.constant 0 : i32
    %c0_i32_1 = arith.constant 0 : i32
    return %c0_i32, %c0_i32_0 : i32, i32
  }
  func.func @transform_3(%arg0: i32) -> (i32, i32) {
    %c0_i32 = arith.constant 0 : i32
    %c0_i32_0 = arith.constant 0 : i32
    %c0_i32_1 = arith.constant 0 : i32
    return %c0_i32, %c0_i32_0 : i32, i32
  }
  func.func @transform_4(%arg0: i32) -> (i32, i32) {
    %c0_i32 = arith.constant 0 : i32
    %c0_i32_0 = arith.constant 0 : i32
    return %arg0, %c0_i32 : i32, i32
  }
}

</mosaic_0001>

<sc_bundles>
// kernel: kernel.6.cloned.1.call-start
scs
__scs_entry_jumppad:
0x0: {  	(pc) =	sbr.rel $0x88, $3  }
0x1: {  	(tag) =	ssettag $0x0;
	lr =	simm.s32 $0x1  }
0x2: {  	[smem:$0x3F9B] =	sst lr;
	_ =	strace $0xD0000000  }
0x3: {  	_ = 	snop  }
0x4: {  	_ = 	snop  }
0x5: {  	_ = 	snop  }
0x6: {  	_ = 	snop  }
0x7: {  	_ = 	snop  }
__scs_overlays_trampoline_lowered:
0x8: {  	[smem:$0x3FAA] =	sst s0  }
0x9: {  	[smem:$0x3FAB] =	sst s1  }
0xa: {  	[smem:$0x3FAC] =	sst s2  }
0xb: {  	[smem:$0x3FAD] =	sst s3  }
0xc: {  	[smem:$0x3FAE] =	sst s4  }
0xd: {  	[smem:$0x3FAF] =	sst s5  }
0xe: {  	[smem:$0x3FB0] =	sst s6  }
0xf: {  	[smem:$0x3FB1] =	sst s7  }
0x10: {  	[smem:$0x3FB2] =	sst s8  }
0x11: {  	[smem:$0x3FB3] =	sst s9;
	s0 =	simm.s32 @!p0 $0x0  }
0x12: {  	s1 =	sld [smem:$0x3F99];
	s0 =	simm.s32 @p0 $0x1  }
0x13: {  	[smem:$0x3FB4] =	sst s0;
	s0 =	simm.s32 @!p1 $0x0  }
0x14: {  	s2 =	sld [smem:$0x3F98];
	s0 =	simm.s32 @p1 $0x1  }
0x15: {  	[smem:$0x3FB5] =	sst s0;
	s0 =	simm.s32 @!p2 $0x0  }
0x16: {  	s3 =	sld [smem:$0x3FDB];
	s0 =	simm.s32 @p2 $0x1  }
0x17: {  	s4 =	simm.s32 $0x1BF5;
	[smem:$0x3FB7] =	sst s0  }
0x18: {  	s0 =	sld [smem:$0x3F9A];
	_ =	swait.ge [sflag:s4], $0x0  }
0x19: {  	s7 =	sld [smem:$0x3F9B]  }
0x1a: {  	s8 =	sadd.s32 $0xFFFFE003, lr  }
0x1b: {  	s9 =	sadd.s32 $0xFFFFFEF7, lr;
	s5 =	simm.s32 $0xFFFFFFFF;
	p2 =	slt.u32 s8, $0xFFFFF086  }
0x1c: {  	p1 =	slt.u32 s9, $0xF7A;
	s5 =	simm.s32 @!p2 $0x0  }
0x1d: {  	s5 =	simm.s32 @p1 $0x1;
	p0 =	seq.s32 s7, s2  }
0x1e: {  	s7 =	smul.u32 @!p0 $0xF7A, s2;
	p2 =	seq.s32 @!p0 s5, $0x0  }
0x1f: {  	s9 =	smul.u32 $0xF7A, s1;
	s8 =	simm.s32 @!p0 $0x1BF5;
	p2 =	por !p2, p0  }
0x20: {  	[sflag:s8] =	ssyncset.s32 @!p0 $0xFFFFF086;
	s6 =	sadd.s32 @!p0 s3, s7;
	s7 =	simm.s32 @!p0 $0x108  }
0x21: {  	s3 =	sadd.s32 s3, s9;
	s6 =	sadd.s32 @!p0 $0x88, s6;
	s7 =	simm.s32 @p2 $0x1082  }
0x22: {  	[simem:s7], [sflag:s8] =	dma.local @!p0 [hbm:s6], $0xF7A  }
0x23: {  	s9 =	sor.u32 $0xD0000000, s2;
	s6 =	simm.s32 $0x108;
	_ =	swait.ge @!p0 [sflag:s8], $0x0  }
0x24: {  	s3 =	sadd.s32 $0x88, s3;
	s6 =	simm.s32 @!p1 $0x1082;
	[sflag:s4] =	ssyncset.s32 $0xFFFFF086  }
0x25: {  	[simem:s6], [sflag:s4] =	dma.local [hbm:s3], $0xF7A  }
0x26: {  	[smem:$0x3F9B] =	sst s1;
	(tag) =	ssettag s2;
	_ =	strace s9  }
0x27: {  	s1 =	sld [smem:$0x3FAB]  }
0x28: {  	s2 =	sld [smem:$0x3FAC]  }
0x29: {  	s4 =	sld [smem:$0x3FAE]  }
0x2a: {  	p0 =	seq.s32 s5, $0x0;
	s5 =	sld [smem:$0x3FAF]  }
0x2b: {  	s6 =	sld [smem:$0x3FB0]  }
0x2c: {  	s7 =	sld [smem:$0x3FB1]  }
0x2d: {  	s3 =	simm.s32 $0x108;
	s8 =	sld [smem:$0x3FB2]  }
0x2e: {  	s3 =	simm.s32 @!p0 $0x1082;
	s9 =	sld [smem:$0x3FB3]  }
0x2f: {  	lr =	sadd.s32 s0, s3;
	s0 =	sld [smem:$0x3FAA]  }
0x30: {  	s3 =	sld [smem:$0x3FAD]  }
0x31: {  	[smem:$0x3FB6] =	sst s10  }
0x32: {  	s10 =	sld [smem:$0x3FB4];
	_ =	sdelay $0x3  }
0x33: {  	p0 =	seq.s32 s10, $0x1;
	s10 =	sld [smem:$0x3FB6];
	_ =	sdelay $0x3  }
0x34: {  	[smem:$0x3FB6] =	sst s10  }
0x35: {  	s10 =	sld [smem:$0x3FB5];
	_ =	sdelay $0x3  }
0x36: {  	p1 =	seq.s32 s10, $0x1;
	s10 =	sld [smem:$0x3FB6];
	_ =	sdelay $0x3  }
0x37: {  	[smem:$0x3FB6] =	sst s10  }
0x38: {  	s10 =	sld [smem:$0x3FB7]  }
0x39: {  	_ = 	snop;
	(pc) =	sbr.ind lr, $3  }
0x3a: {  	_ = 	snop  }
0x3b: {  	_ = 	snop  }
0x3c: {  	p2 =	seq.s32 s10, $0x1;
	s10 =	sld [smem:$0x3FB6]  }
0x3d: {  	_ =	shalt  }
0x3e: {  	_ =	shalt  }
0x3f: {  	_ =	shalt  }
0x40: {  	_ =	shalt  }
0x41: {  	_ =	shalt  }
0x42: {  	_ =	shalt  }
0x43: {  	_ =	shalt  }
0x44: {  	_ =	shalt  }
0x45: {  	_ =	shalt  }
0x46: {  	_ =	shalt  }
0x47: {  	_ =	shalt  }
0x48: {  	_ =	shalt  }
0x49: {  	_ =	shalt  }
0x4a: {  	_ =	shalt  }
0x4b: {  	_ =	shalt  }
0x4c: {  	_ =	shalt  }
0x4d: {  	_ =	shalt  }
0x4e: {  	_ =	shalt  }
0x4f: {  	_ =	shalt  }
0x50: {  	_ =	shalt  }
0x51: {  	_ =	shalt  }
0x52: {  	_ =	shalt  }
0x53: {  	_ =	shalt  }
0x54: {  	_ =	shalt  }
0x55: {  	_ =	shalt  }
0x56: {  	_ =	shalt  }
0x57: {  	_ =	shalt  }
0x58: {  	_ =	shalt  }
0x59: {  	_ =	shalt  }
0x5a: {  	_ =	shalt  }
0x5b: {  	_ =	shalt  }
0x5c: {  	_ =	shalt  }
0x5d: {  	_ =	shalt  }
0x5e: {  	_ =	shalt  }
0x5f: {  	_ =	shalt  }
0x60: {  	_ =	shalt  }
0x61: {  	_ =	shalt  }
0x62: {  	_ =	shalt  }
0x63: {  	_ =	shalt  }
0x64: {  	_ =	shalt  }
0x65: {  	_ =	shalt  }
0x66: {  	_ =	shalt  }
0x67: {  	_ =	shalt  }
0x68: {  	_ =	shalt  }
0x69: {  	_ =	shalt  }
0x6a: {  	_ =	shalt  }
0x6b: {  	_ =	shalt  }
0x6c: {  	_ =	shalt  }
0x6d: {  	_ =	shalt  }
0x6e: {  	_ =	shalt  }
0x6f: {  	_ =	shalt  }
0x70: {  	_ =	shalt  }
0x71: {  	_ =	shalt  }
0x72: {  	_ =	shalt  }
0x73: {  	_ =	shalt  }
0x74: {  	_ =	shalt  }
0x75: {  	_ =	shalt  }
0x76: {  	_ =	shalt  }
0x77: {  	_ =	shalt  }
0x78: {  	_ =	shalt  }
0x79: {  	_ =	shalt  }
0x7a: {  	_ =	shalt  }
0x7b: {  	_ =	shalt  }
0x7c: {  	_ =	shalt  }
0x7d: {  	_ =	shalt  }
0x7e: {  	_ =	shalt  }
0x7f: {  	_ =	shalt  }
0x80: {  	_ =	shalt  }
0x81: {  	_ =	shalt  }
0x82: {  	_ =	shalt  }
0x83: {  	_ =	shalt  }
0x84: {  	_ =	shalt  }
0x85: {  	_ =	shalt  }
0x86: {  	_ =	shalt  }
0x87: {  	_ =	shalt  }
.Lfunc_end0:
.L_simem_size_0:
called_computation_lowered:
.L_overlay_start_0:
0x88: {  	s2 =	sld [smem:$0x3FD9]  }
0x89: {  	s3 =	sld [smem:$0x3FFE];
	_ =	sdelay $0x1  }
0x8a: {  	s1 =	srdreg.scid  }
0x8b: {  	s0 =	sand.u32 $0x1, s1  }
0x8c: {  	s17 =	sshll.u32 s0, $0xA;
	s2 =	sadd.s32 s3, s2  }
0x8d: {  	s2 =	sadd.s32 s2, s17  }
0x8e: {  	[smem:$0x3FC2] =	sst s2  }
0x8f: {  	_ = 	snop  }
0x90: {  	s2 =	sld [smem:$0x3FD0];
	(tm) =	ssettm $0x1  }
0x91: {  	s18 =	sld [smem:$0x3FFB];
	_ =	sdelay $0x3  }
0x92: {  	_ =	strace s18  }
0x93: {  	s3 =	sld [smem:$0x3FFC];
	_ =	sdelay $0x3  }
0x94: {  	_ =	strace s3  }
0x95: {  	s3 =	sld [smem:$0x3FFD];
	_ =	sdelay $0x3  }
0x96: {  	_ =	strace s3  }
0x97: {  	_ =	strace $0x8FFFFFFF  }
0x98: {  	s19 =	sld [smem:$0x3FDB];
	_ =	sdelay $0x1  }
0x99: {  	s4 =	simm.s32 $_scs_section_size  }
0x9a: {  	s5 =	simm.s32 $_size__tile_overlayer_lowered;
	s6 =	simm.s32 $_tile_overlayer_lowered  }
0x9b: {  	s22 =	simm.s32 $0x1BFF;
	s21 =	sshll.u32 s6, $0x1;
	s3 =	sadd.s32 s4, s19  }
0x9c: {  	s7 =	simm.s32 $0x0;
	s20 =	sshll.u32 s5, $0x1;
	s5 =	sadd.s32 s21, s3  }
0x9d: {  	[timem:s7], [sflag:s22] =	dma.local [hbm:s5], s20  }
0x9e: {  	_ =	swait.ge [sflag:s22], s20  }
0x9f: {  	s4 =	ssub.s32 $0x0, s20;
	[sflag:s22] =	ssyncset.done $0x0  }
0xa0: {  	[sflag:s22] =	ssyncadd.s32 s4;
	_ =	sdelay $0x1  }
0xa1: {  	s23 =	simm.s32 $0x1B8B  }
0xa2: {  	_ =	swait.ge [sflag:s23], $0x1  }
0xa3: {  	[sflag:s23] =	ssyncset.done $0x0  }
0xa4: {  	s25 =	simm.s32 $0x1B8E;
	s24 =	sld [smem:$0x3FFE];
	[sflag:s23] =	ssyncadd.s32 $0xFFFFFFFF  }
0xa5: {  	s26 =	simm.s32 $execute0_lowered;
	[smem:$0x3FD2] =	sst s25  }
0xa6: {  	s5 =	sshll.u32 s26, $0x1;
	_ =	strace $0x80000046;
	[dreg:$0x1] =	wrdreg $0xFFFFFFFF  }
0xa7: {  	s28 =	simm.s32 $_size_execute0_lowered;
	s3 =	sadd.s32 s3, s5;
	[dreg:$0x0] =	wrdreg $0x0  }
0xa8: {  	s5 =	sshll.u32 s28, $0x1;
	[dreg:$0x2] =	wrdreg s3  }
0xa9: {  	[dreg:$0x3] =	wrdreg s5  }
0xaa: {  	[dreg:$0x4] =	wrdreg $0xC0  }
0xab: {  	_ =	task [dreg:s7], $0x5FFFF  }
0xac: {  	[dreg:$0x1] =	wrdreg $0xFFFFFFFF  }
0xad: {  	[dreg:$0x0] =	wrdreg $0x60  }
0xae: {  	[dreg:$0x2] =	wrdreg s2  }
0xaf: {  	[dreg:$0x3] =	wrdreg s24  }
0xb0: {  	[dreg:$0x4] =	wrdreg $0x81700  }
0xb1: {  	[dreg:$0x5] =	wrdreg $0x9  }
0xb2: {  	_ =	task.clear_ibuf [dreg:s7], $0x6FFFF;
	_ =	strace $0x90000046  }
0xb3: {  	s29 =	simm.s32 $0x9;
	_ =	strace $0x80000048  }
0xb4: {  	_ =	swait.ge [sflag:s29], $0x1  }
0xb5: {  	[sflag:s29] =	ssyncadd.s32 $0xFFFFFFFF  }
0xb6: {  	_ =	strace $0x90000048  }
0xb7: {  	_ =	sfence  }
0xb8: {  	s30 =	sld [smem:$0x0];
	_ =	sdelay $0x2  }
0xb9: {  	s31 =	sshll.u32 s1, $0xD;
	s1 =	sshrl.u32 s1, $0x2  }
0xba: {  	s3 =	sand.u32 $0x4000, s31;
	s1 =	sadd.s32 s1, s30  }
0xbb: {  	s0 =	sor.u32 s3, s0;
	s1 =	sshll.u32 s1, $0x11  }
0xbc: {  	s0 =	sor.u32 s1, s0  }
0xbd: {  	s0 =	sadd.s32 $0x8F2B, s0  }
0xbe: {  	[sflag:s0] =	ssyncadd.remote.s32 $0x1  }
0xbf: {  	_ =	sfence.sel $0xFFFF  }
0xc0: {  	[dreg:$0x0] =	wrdreg $0xFFFFFFFF;
	(pc) =	sbr.abs _section_cstart, $3  }
0xc1: {  	[dreg:$0x1] =	wrdreg $0xFFFFFFFF  }
0xc2: {  	_ =	task.clear_ibuf [dreg:s7], $0x2FFFF;
	_ =	strace $0x9FFFFFFF  }
0xc3: {  	(tm) =	ssettm $0x7FFFFFFF  }
tec
execute0_lowered:
.L_overlay_start_1:
0x0: {  	(tag) =	ssettag $0x1  }
0x1: {  	s1 =	rddreg [dreg:$0x0]  }
0x2: {  	s0 =	rddreg [dreg:$0x1]  }
0x3: {  	s2 =	rddreg [dreg:$0x2];
	s4 =	simm.s32 $0x0  }
0x4: {  	s3 =	srdreg.scid;
	s10 =	stileid.u32;
	s28 =	simm.s32 $0x64  }
0x5: {  	s31 =	simm.s32 $0x7;
	s29 =	simm.s32 $0x7A40;
	s11 =	simm.s32 $0x3  }
0x6: {  	s12 =	simm.s32 $0x6;
	[smem:$0x7FF] =	sst s4;
	s3 =	sand.u32 $0x1, s3  }
0x7: {  	s7 =	smul.u32 $0x900, s10;
	s5 =	sadd.s32 $0x2D000, s0;
	s6 =	sadd.s32 $0x1000, s0  }
0x8: {  	s8 =	sshll.u32 s10, $0x1;
	s9 =	sadd.s32 $0xE00, s0;
	s22 =	smul.u32 $0x2400, s10  }
0x9: {  	s18 =	ssub.s32 $0x280, s10;
	s10 =	simm.s32 $0x1FA0;
	s14 =	smul.u32 $0x15F900, s3  }
0xa: {  	_ =	strace $0x80000047;
	[dreg:$0x4] =	wrdreg s9;
	s15 =	sor.u32 s3, s8  }
0xb: {  	s3 =	ssub.s32 $0x2, s3;
	s9 =	simm.s32 $0x80B8;
	s8 =	smul.u32 $0xE0, s15  }
0xc: {  	s16 =	sshrl.u32 s3, $0x1;
	s17 =	smul.u32 $0x1C, s15;
	s23 =	sor.u32 $0x80, s15  }
0xd: {  	s24 =	sor.u32 $0xA0, s15;
	s25 =	sor.u32 $0xC0, s15;
	[dreg:$0xa] =	wrdreg s23  }
0xe: {  	s26 =	sshrl.u32 s22, $0x2;
	s22 =	simm.s32 $0x4;
	[dreg:$0xb] =	wrdreg s24  }
0xf: {  	s4 =	sadd.s32 s7, s14;
	s3 =	ssub.s32 s3, s16;
	[dreg:$0xc] =	wrdreg s25  }
0x10: {  	s16 =	sor.u32 $0xE0, s15;
	s30 =	sadd.s32 s26, s2;
	s7 =	simm.s32 $0x8080  }
0x11: {  	s26 =	simm.s32 $0x2;
	s14 =	simm.s32 $0x0;
	s4 =	sshrl.u32 s4, $0x3  }
0x12: {  	s8 =	sshrl.u32 s8, $0x3;
	s19 =	sadd.s32 s1, s17;
	[dreg:$0xe] =	wrdreg s30  }
0x13: {  	s3 =	smax.u32 s3, $0x1;
	s0 =	sadd.s32 s4, s0;
	[dreg:$0x6] =	wrdreg s19  }
0x14: {  	s4 =	sshrl.u32 s18, $0x4;
	s20 =	sadd.s32 s1, s8;
	[dreg:$0xd] =	wrdreg s3  }
0x15: {  	s17 =	simm.s32 $0x8;
	[dreg:$0x5] =	wrdreg s4;
	s8 =	sadd.s32 $0x380, s20  }
0x16: {  	s3 =	simm.s32 $0x32;
	s21 =	sadd.s32 $0x700, s20;
	[dreg:$0x7] =	wrdreg s8  }
0x17: {  	s19 =	simm.s32 $0x80F0;
	s4 =	sadd.s32 $0xA80, s20;
	[dreg:$0x8] =	wrdreg s21  }
0x18: {  	v0 =	vimm.f32 $0.0e+00;
	v1 =	vimm.s32 $0x0;
	v2 =	vimm.s32 $0x1;
	s18 =	simm.s32 $0x57E0;
	s0 =	sadd.s32 $0x32000, s0;
	[dreg:$0x9] =	wrdreg s4  }
0x19: {  	v3 =	vimm.s32 $0x2;
	v4 =	vimm.s32 $0x3;
	v5 =	vimm.s32 $0x4;
	s20 =	simm.s32 $0x380;
	[dreg:$0xf] =	wrdreg s0;
	s21 =	simm.s32 $0x9  }
0x1a: {  	v6 =	vimm.s32 $0x5;
	v7 =	vimm.s32 $0x6;
	v8 =	vimm.s32 $0x7;
	s0 =	simm.s32 $0x3BC0;
	s4 =	simm.s32 $0x1;
	s8 =	simm.s32 $0x8128  }
.LBB2_1:
0x1b: {  	s13 =	simm.s32 $0x0  }
0x1c: {  	s13 =	smul.u32 $0x39, s13;
	_ =	sdelay $0x1  }
0x1d: {  	s13 =	sshrl.u32 s13, $0x9  }
0x1e: {  	s30 =	sand.u32 $0x7F, s13  }
0x1f: {  	s13 =	simm.s32 $0x1;
	s15 =	smul.u32 $0x9, s30  }
0x20: {  	s23 =	smul.u32 $0x39, s13  }
0x21: {  	s25 =	smul.u32 $0x240, s30;
	s15 =	ssub.s32 $0x0, s15  }
0x22: {  	[dreg:$0x10] =	wrdreg s14;
	s14 =	simm.s32 $0x2;
	s30 =	sand.u32 $0xFF, s15  }
0x23: {  	s24 =	sshrl.u32 s23, $0x9;
	s15 =	sshrl.u32 s25, $0x2;
	s23 =	sshll.u32 s30, $0x4  }
.LBB2_2:
0x24: {  	s25 =	smul.u32 $0x39, s14;
	s24 =	sand.u32 $0x7F, s24  }
0x25: {  	s15 =	sadd.s32 s23, s15;
	p0 =	sne.s32 s14, $0x8F;
	s23 =	smul.u32 $0x9, s24  }
.Ltmp0:
0x26: {  	[tilespmem:s15+$0x380] =	vst v0;
	(pc) =	sbr.rel @p0 .LBB2_2-.Ltmp0, $4  }
0x27: {  	s15 =	smul.u32 $0x240, s24;
	s24 =	smov.u32 s14  }
0x28: {  	s14 =	sadd.s32 $0x1, s14;
	s13 =	ssub.s32 s13, s23  }
0x29: {  	s23 =	sand.u32 $0xFF, s13;
	s13 =	smov.u32 s24  }
0x2a: {  	s15 =	sshrl.u32 s15, $0x2;
	s24 =	sshrl.u32 s25, $0x9;
	s23 =	sshll.u32 s23, $0x4  }
0x2b: {  	s14 =	sand.u32 $0x7F, s24  }
0x2c: {  	s24 =	smul.u32 $0x9, s14;
	_ =	sdelay $0x1  }
0x2d: {  	s14 =	smul.u32 $0x240, s14;
	s13 =	ssub.s32 s13, s24  }
0x2e: {  	s15 =	sadd.s32 s23, s15;
	s30 =	rddreg [dreg:$0x5];
	s13 =	sand.u32 $0xFF, s13  }
0x2f: {  	p0 =	sne.s32 s30, $0x1;
	s14 =	sshrl.u32 s14, $0x2;
	s13 =	sshll.u32 s13, $0x4  }
.Ltmp1:
0x30: {  	[tilespmem:s15+$0x380] =	vst v0;
	s13 =	sadd.s32 s13, s14;
	(pc) =	sbr.rel @!p0 .LBB2_5-.Ltmp1, $4  }
0x31: {  	s14 =	rddreg [dreg:$0xe];
	[tilespmem:s13+$0x380] =	vst v0  }
0x32: {  	[spmem:s14] =	stream.linear.scatter [tilespmem:s20], [sflag:$0x9], $0x900, $0x38;
	[tilespmem:$0x1E100] =	vst v63  }
0x33: {  	_ =	swait.ge [sflag:s21], $0x900  }
0x34: {  	s13 =	sadd.s32 $0xFFFFFFFF, s30;
	[sflag:s21] =	ssyncset.done $0x0  }
.LBB2_4:
0x35: {  	p1 =	sne.s32 s13, $0x1;
	[sflag:s21] =	ssyncadd.s32 $0xFFFFF700;
	s14 =	sadd.s32 $0x9000, s14  }
.Ltmp2:
0x36: {  	s13 =	sadd.s32 $0xFFFFFFFF, s13;
	(pc) =	sbr.rel @p1 .LBB2_4-.Ltmp2, $4  }
0x37: {  	_ = 	snop  }
0x38: {  	[spmem:s14] =	stream.linear.scatter [tilespmem:s20], [sflag:$0x9], $0x900, $0x38;
	[tilespmem:$0x1E100] =	vst v63  }
0x39: {  	_ =	swait.ge [sflag:s21], $0x900  }
0x3a: {  	[sflag:s21] =	ssyncset.done $0x0  }
.LBB2_5:
0x3b: {  	[sflag:s21] =	ssyncadd.s32 $0xFFFFF700  }
0x3c: {  	[bflag:$0x0] =	sbarrier.arrive $0xFFFF  }
0x3d: {  	s23 =	simm.s32 $0x0;
	s14 =	simm.s32 $0x8160;
	s13 =	rddreg [dreg:$0x4]  }
0x3e: {  	[tilespmem:s14], [sflag:$0x9] =	stream.linear.gather [hbm4b:s13+s23], $0x10, $0x38;
	[tilespmem:$0x1E100] =	vst v63  }
0x3f: {  	_ =	swait.ge [sflag:s21], $0x10  }
0x40: {  	[sflag:s21] =	ssyncset.done $0x0  }
0x41: {  	s14 =	rddreg [dreg:$0x6];
	[sflag:s21] =	ssyncadd.s32 $0xFFFFFFF0  }
0x42: {  	v9 =	vld [tilespmem:$0x8160];
	[tilespmem:s23], [sflag:$0x5] =	stream.linear.gather [hbm4b:s14+s23], $0xE0, $0x38  }
0x43: {  	s15 =	rddreg [dreg:$0x7];
	s14 =	simm.s32 $0x1C0  }
0x44: {  	[tilespmem:s14], [sflag:$0x7] =	stream.linear.gather [hbm4b:s15+s23], $0xE0, $0x38;
	[tilespmem:$0x1E100] =	vst v63  }
0x45: {  	s24 =	rddreg [dreg:$0x8];
	s15 =	simm.s32 $0xE0  }
0x46: {  	[tilespmem:s15], [sflag:$0x6] =	stream.linear.gather [hbm4b:s24+s23], $0xE0, $0x38;
	[tilespmem:$0x1E100] =	vst v63  }
0x47: {  	s30 =	simm.s32 $0x2A0;
	s25 =	rddreg [dreg:$0x9];
	s15 =	simm.s32 $0x5  }
0x48: {  	[tilespmem:s30], [sflag:$0x8] =	stream.linear.gather [hbm4b:s25+s23], $0xE0, $0x38;
	[tilespmem:$0x1E100] =	vst v63  }
0x49: {  	_ =	swait.ge [sflag:s15], $0xE0  }
0x4a: {  	[sflag:s15] =	ssyncset.done $0x0  }
0x4b: {  	[sflag:s15] =	ssyncadd.s32 $0xFFFFFF20  }
0x4c: {  	v10 =	vld [tilespmem:$0x70]  }
0x4d: {  	v11 =	vld [tilespmem:$0xA2]  }
0x4e: {  	v12 =	vld [tilespmem:$0x80]  }
0x4f: {  	v13 =	vld [tilespmem:$0xB2]  }
0x50: {  	v14 =	vld [tilespmem:$0x90]  }
0x51: {  	[tilespmem:$0x8080] =	vst v10;
	v10 =	vld [tilespmem:$0xC2]  }
0x52: {  	[tilespmem:$0x80B8] =	vst v11;
	v11 =	vld [tilespmem:$0x92]  }
0x53: {  	v59 =	vld [tilespmem:$0xC4];
	[tilespmem:$0x8090] =	vst v12  }
0x54: {  	[tilespmem:$0x80C8] =	vst v13  }
0x55: {  	[tilespmem:$0x80A0] =	vst v14  }
0x56: {  	[tilespmem:$0x80D8] =	vst v10  }
0x57: {  	[tilespmem:$0x80A2] =	vst v11  }
0x58: {  	[tilespmem:$0x80DA] =	vst v59  }
0x59: {  	[tilespmem:s20], [sflag:$0x1] =	stream.indirect.gather [hbm4b:s6+s28], $0x90, s23, s28, $0xb8;
	[tilespmem:$0x1E100] =	vst v63  }
0x5a: {  	s24 =	simm.s32 $0x70;
	s25 =	simm.s32 $0x7400  }
0x5b: {  	[tilespmem:s25], [sflag:$0x1] =	stream.indirect.gather [hbm4b:s5+s28], $0x10, s24, s28, $0xb8;
	[tilespmem:$0x1E100] =	vst v63  }
0x5c: {  	_ =	swait.ge [sflag:s31], $0xE0  }
0x5d: {  	[sflag:s31] =	ssyncset.done $0x0  }
0x5e: {  	[sflag:s31] =	ssyncadd.s32 $0xFFFFFF20  }
0x5f: {  	v10 =	vld [tilespmem:$0x230]  }
0x60: {  	v11 =	vld [tilespmem:$0x262]  }
0x61: {  	v60 =	vld [tilespmem:$0x240]  }
0x62: {  	v61 =	vld [tilespmem:$0x272]  }
0x63: {  	v62 =	vld [tilespmem:$0x250]  }
0x64: {  	[tilespmem:$0x80F0] =	vst v10;
	v10 =	vld [tilespmem:$0x282]  }
0x65: {  	[tilespmem:$0x8128] =	vst v11;
	v11 =	vld [tilespmem:$0x252]  }
0x66: {  	v63 =	vld [tilespmem:$0x284];
	[tilespmem:$0x8100] =	vst v60  }
0x67: {  	[tilespmem:$0x8138] =	vst v61  }
0x68: {  	[tilespmem:$0x8110] =	vst v62  }
0x69: {  	[tilespmem:$0x8148] =	vst v10  }
0x6a: {  	[tilespmem:$0x8112] =	vst v11  }
0x6b: {  	[tilespmem:$0x814A] =	vst v63  }
0x6c: {  	[tilespmem:s0], [sflag:$0x2] =	stream.indirect.gather [hbm4b:s6+s28], $0x90, s14, s28, $0xb8;
	[tilespmem:$0x1E100] =	vst v63  }
0x6d: {  	s30 =	simm.s32 $0x230  }
0x6e: {  	[tilespmem:s29], [sflag:$0x2] =	stream.indirect.gather [hbm4b:s5+s28], $0x10, s30, s28, $0xb8;
	[tilespmem:$0x1E100] =	vst v63  }
.LBB2_6:
0x6f: {  	_ =	swait.ge [sflag:s4], $0x3840;
	s24 =	sshll.u32 s23, $0x7  }
0x70: {  	p1 =	seq.s32 s23, $0x18;
	[sflag:s4] =	ssyncset.done $0x0;
	s13 =	rddreg [dreg:$0xa]  }
0x71: {  	[sflag:s4] =	ssyncadd.s32 $0xFFFFC7C0;
	s13 =	sadd.s32 @!p1 s13, s24  }
0x72: {  	_ =	swait.ge [sflag:s4], $0x640;
	s13 =	smul.u32 @!p1 $0x1C, s13  }
0x73: {  	[sflag:s4] =	ssyncset.done $0x0  }
0x74: {  	s14 =	simm.s32 @!p1 $0x0;
	[sflag:s4] =	ssyncadd.s32 $0xFFFFF9C0;
	s13 =	sadd.s32 @!p1 s1, s13  }
0x75: {  	[tilespmem:s14], [sflag:$0x5] =	stream.linear.gather @!p1 [hbm4b:s13+s14], $0xE0, $0x38;
	[tilespmem:$0x1E100] =	vst v63  }
0x76: {  	s14 =	simm.s32 $0x7410  }
0x77: {  	s25 =	simm.s32 $0x410;
	v10 =	vld [tilespmem:s14+$0x0]  }
0x78: {  	v11 =	vld [tilespmem:s25+$0x80];
	_ =	sdelay $0x1  }
0x79: {  	v12 =	vld [tilespmem:s25+$0xFFFFFFF0]  }
0x7a: {  	v13 =	vld [tilespmem:s14+$0xFFFFFFF0];
	_ =	sdelay $0x1  }
0x7b: {  	v33 =	vld [tilespmem:s25+$0xFFFFFF70];
	v11 =	vadd.f32 v11, v10  }
0x7c: {  	v34 =	vld [tilespmem:s25+$0xFFFFFF80];
	v10 =	vadd.f32 v10, v9  }
0x7d: {  	v41 =	vld [tilespmem:s25+$0xFFFFFF90];
	v14 =	vmul.f32 $2.000000030e-01, v11  }
0x7e: {  	v42 =	vld [tilespmem:s25+$0xFFFFFFA0];
	v12 =	vadd.f32 v12, v13;
	v13 =	vadd.f32 v13, v9;
	v15 =	vmul.f32 $2.000000030e-01, v10  }
0x7f: {  	v43 =	vld [tilespmem:s25+$0xFFFFFFB0];
	v11 =	vmax.f32 v11, v14  }
0x80: {  	v44 =	vld [tilespmem:s25+$0xFFFFFFC0];
	v10 =	vmax.f32 v10, v15;
	v14 =	vmul.f32 $2.000000030e-01, v12;
	v15 =	vmul.f32 $2.000000030e-01, v13  }
0x81: {  	v47 =	vld [tilespmem:s25+$0xFFFFFFD0];
	v10 =	vsub.f32 v11, v10  }
0x82: {  	v16 =	vld [tilespmem:s25+$0xFFFFFFE0];
	v11 =	vmax.f32 v12, v14;
	v12 =	vmax.f32 v13, v15  }
0x83: {  	v19 =	vld [tilespmem:s25+$0x0];
	v10 =	vmul.f32 $1.442695020e+00, v10;
	v11 =	vsub.f32 v11, v12  }
0x84: {  	s15 =	simm.s32 $0x7430;
	v17 =	vld [tilespmem:s25+$0x10]  }
0x85: {  	s13 =	simm.s32 $0x530;
	v20 =	vld [tilespmem:s15+$0x0];
	(erf) = vpow2.f32 v10;
	v11 =	vmul.f32 $1.442695020e+00, v11  }
0x86: {  	v21 =	vld [tilespmem:s13+$0x80]  }
0x87: {  	v22 =	vld [tilespmem:s13+$0xFFFFFFF0];
	(erf) = vpow2.f32 v11  }
0x88: {  	v23 =	vld [tilespmem:s15+$0xFFFFFFF0]  }
0x89: {  	v18 =	vld [tilespmem:s25+$0x70]  }
0x8a: {  	v24 =	vld [tilespmem:s25+$0x60]  }
0x8b: {  	v29 =	vadd.f32 v21, v20;
	v30 =	vadd.f32 v20, v9;
	v20 =	vld [tilespmem:s13+$0xFFFFFFA0]  }
0x8c: {  	v21 =	vld [tilespmem:s13+$0xFFFFFFB0]  }
0x8d: {  	v32 =	vadd.f32 v22, v23;
	v22 =	vld [tilespmem:s13+$0xFFFFFFC0]  }
0x8e: {  	v37 =	vadd.f32 v23, v9;
	v23 =	vld [tilespmem:s13+$0xFFFFFFD0];
	v36 =	vmul.f32 $2.000000030e-01, v30;
	v45 =	vpop (erf)  }
0x8f: {  	v38 =	vmul.f32 $2.000000030e-01, v32;
	v13 =	vld [tilespmem:s25+$0x30];
	v28 =	vperm.xlane v45, v8  }
0x90: {  	v14 =	vld [tilespmem:s13+$0xFFFFFF70];
	v27 =	vperm.xlane v45, v1;
	v26 =	vperm.xlane v45, v2;
	v35 =	vpop (erf)  }
0x91: {  	v15 =	vld [tilespmem:s13+$0xFFFFFF80];
	v31 =	vmul.f32 v18, v28;
	v46 =	vperm.xlane v35, v1  }
0x92: {  	v12 =	vld [tilespmem:s25+$0x20];
	v48 =	vperm.xlane v35, v2;
	v28 =	vmul.f32 $2.000000030e-01, v29  }
0x93: {  	v10 =	vld [tilespmem:s25+$0x40];
	v49 =	vperm.xlane v35, v3;
	v50 =	vperm.xlane v35, v4  }
0x94: {  	v11 =	vld [tilespmem:s25+$0x50];
	v51 =	vperm.xlane v35, v5;
	v28 =	vmax.f32 v29, v28;
	v29 =	vmax.f32 v30, v36  }
0x95: {  	v18 =	vld [tilespmem:s13+$0xFFFFFF90];
	v52 =	vperm.xlane v35, v6;
	v30 =	vmul.f32 $2.000000030e-01, v37;
	v36 =	vsub.f32 v28, v29  }
0x96: {  	v32 =	vmax.f32 v32, v38;
	v53 =	vperm.xlane v35, v7;
	v40 =	vperm.xlane v35, v8;
	[tilespmem:s25+$0xFFFFFFF0] =	vst v35;
	v35 =	vld [tilespmem:s13+$0x40]  }
0x97: {  	v25 =	vperm.xlane v45, v3;
	[tilespmem:s25+$0x70] =	vst v31;
	v31 =	vld [tilespmem:s13+$0x30];
	v37 =	vmax.f32 v37, v30;
	v36 =	vmul.f32 $1.442695020e+00, v36  }
0x98: {  	v38 =	vperm.xlane v45, v4;
	v55 =	vmul.f32 v33, v46;
	v28 =	vld [tilespmem:s13+$0xFFFFFFE0];
	v39 =	vsub.f32 v32, v37  }
0x99: {  	v48 =	vmul.f32 v34, v48;
	v29 =	vld [tilespmem:s13+$0x0];
	(erf) = vpow2.f32 v36  }
0x9a: {  	v46 =	vmul.f32 v41, v49;
	v30 =	vld [tilespmem:s13+$0x10];
	v54 =	vmul.f32 $1.442695020e+00, v39  }
0x9b: {  	v43 =	vmul.f32 v43, v51;
	v44 =	vmul.f32 v44, v52;
	v32 =	vld [tilespmem:s13+$0x20]  }
0x9c: {  	[tilespmem:s25+$0x80] =	vst v45;
	v33 =	vld [tilespmem:s13+$0x50];
	v37 =	vperm.xlane v45, v5;
	(erf) = vpow2.f32 v54  }
0x9d: {  	v34 =	vld [tilespmem:s13+$0x60];
	[tilespmem:s25+$0xFFFFFF70] =	vst v55;
	v36 =	vperm.xlane v45, v6;
	v39 =	vperm.xlane v45, v7  }
0x9e: {  	s30 =	simm.s32 $0x530;
	s14 =	simm.s32 $0x2;
	s15 =	simm.s32 $0x7450;
	v41 =	vld [tilespmem:s13+$0x70];
	[tilespmem:s25+$0xFFFFFF80] =	vst v48;
	v45 =	vmul.f32 v42, v50;
	v42 =	vmul.f32 v47, v53  }
.LBB2_7:
0x9f: {  	v47 =	vld [tilespmem:s15+$0x0];
	s13 =	sadd.s32 $0x120, s13;
	[tilespmem:s25+$0xFFFFFF90] =	vst v46;
	v40 =	vmul.f32 v16, v40;
	v46 =	vmul.f32 v19, v27;
	v16 =	vmovc v28;
	v19 =	vmov v29  }
0xa0: {  	s14 =	sadd.s32 $0x2, s14;
	v29 =	vmul.f32 v17, v26;
	v17 =	vmovc v30;
	v28 =	vld [tilespmem:s13+$0x80];
	[tilespmem:s25+$0xFFFFFFA0] =	vst v45;
	v45 =	vmul.f32 v12, v25;
	v12 =	vmov v32  }
0xa1: {  	v37 =	vmul.f32 v10, v37;
	v10 =	vmovc v35;
	p2 =	slt.u32 s14, $0x30;
	v32 =	vmul.f32 v13, v38;
	v13 =	vmov v31;
	v30 =	vld [tilespmem:s13+$0xFFFFFFF0];
	[tilespmem:s25+$0xFFFFFFB0] =	vst v43  }
0xa2: {  	v35 =	vmul.f32 v11, v36;
	v36 =	vmul.f32 v24, v39;
	v11 =	vmov v33;
	v31 =	vld [tilespmem:s15+$0xFFFFFFF0];
	v43 =	vpop (erf);
	[tilespmem:s25+$0xFFFFFFC0] =	vst v44  }
0xa3: {  	v24 =	vmov v34;
	v44 =	vld [tilespmem:s13+$0xFFFFFF70];
	v27 =	vperm.xlane v43, v1;
	v33 =	vperm.xlane v43, v8;
	[tilespmem:s25+$0xFFFFFFD0] =	vst v42  }
0xa4: {  	v26 =	vperm.xlane v43, v2;
	v25 =	vperm.xlane v43, v3;
	v34 =	vld [tilespmem:s13+$0xFFFFFF80];
	[tilespmem:s25+$0xFFFFFFE0] =	vst v40  }
0xa5: {  	v38 =	vadd.f32 v47, v9;
	v42 =	vld [tilespmem:s13+$0xFFFFFF90];
	v28 =	vadd.f32 v28, v47;
	v33 =	vmul.f32 v41, v33;
	v39 =	vpop (erf);
	[tilespmem:s25+$0x0] =	vst v46  }
0xa6: {  	v41 =	vld [tilespmem:s13+$0xFFFFFFA0];
	v46 =	vperm.xlane v39, v1;
	v47 =	vperm.xlane v39, v2;
	[tilespmem:s25+$0x10] =	vst v29  }
0xa7: {  	v40 =	vmul.f32 $2.000000030e-01, v38;
	v29 =	vadd.f32 v30, v31;
	v48 =	vld [tilespmem:s13+$0xFFFFFFB0];
	v30 =	vmul.f32 $2.000000030e-01, v28;
	[tilespmem:s30+$0x70] =	vst v33  }
0xa8: {  	v50 =	vperm.xlane v39, v3;
	v51 =	vperm.xlane v39, v4;
	v31 =	vadd.f32 v31, v9;
	v49 =	vld [tilespmem:s13+$0xFFFFFFC0];
	[tilespmem:s25+$0x20] =	vst v45  }
0xa9: {  	v38 =	vmax.f32 v38, v40;
	v33 =	vmul.f32 $2.000000030e-01, v29;
	v52 =	vld [tilespmem:s13+$0xFFFFFFD0];
	v30 =	vmax.f32 v28, v30;
	[tilespmem:s25+$0x30] =	vst v32  }
0xaa: {  	v53 =	vperm.xlane v39, v5;
	v32 =	vmul.f32 $2.000000030e-01, v31;
	v28 =	vld [tilespmem:s13+$0xFFFFFFE0];
	v30 =	vsub.f32 v30, v38;
	[tilespmem:s25+$0x40] =	vst v37  }
0xab: {  	v54 =	vperm.xlane v39, v6;
	v55 =	vperm.xlane v39, v7;
	v33 =	vmax.f32 v29, v33;
	v29 =	vld [tilespmem:s13+$0x0];
	[tilespmem:s25+$0x50] =	vst v35  }
0xac: {  	v40 =	vperm.xlane v39, v8;
	v31 =	vmax.f32 v31, v32;
	v35 =	vmul.f32 $1.442695020e+00, v30;
	v30 =	vld [tilespmem:s13+$0x10];
	[tilespmem:s25+$0x60] =	vst v36;
	s25 =	smov.u32 s30;
	s30 =	smov.u32 s13  }
0xad: {  	v38 =	vperm.xlane v43, v4;
	v37 =	vperm.xlane v43, v5;
	v33 =	vsub.f32 v33, v31;
	v32 =	vld [tilespmem:s13+$0x20];
	[tilespmem:s25+$0xFFFFFFF0] =	vst v39  }
0xae: {  	v36 =	vperm.xlane v43, v6;
	v31 =	vld [tilespmem:s13+$0x30];
	(erf) = vpow2.f32 v35;
	[tilespmem:s25+$0x80] =	vst v43  }
.Ltmp3:
0xaf: {  	v39 =	vperm.xlane v43, v7;
	v45 =	vmul.f32 $1.442695020e+00, v33;
	v35 =	vld [tilespmem:s13+$0x40];
	(pc) =	sbr.rel @p2 .LBB2_7-.Ltmp3, $4  }
0xb0: {  	v47 =	vmul.f32 v15, v47;
	v15 =	vmovc v34;
	v43 =	vmul.f32 v14, v46;
	v14 =	vmov v44;
	v33 =	vld [tilespmem:s13+$0x50]  }
0xb1: {  	v46 =	vmul.f32 v18, v50;
	v18 =	vmov v42;
	v34 =	vld [tilespmem:s13+$0x60];
	(erf) = vpow2.f32 v45  }
0xb2: {  	v45 =	vmul.f32 v20, v51;
	v20 =	vmovc v41;
	[tilespmem:s25+$0xFFFFFF70] =	vst v43;
	v43 =	vmul.f32 v21, v53;
	v21 =	vmov v48  }
0xb3: {  	s15 =	sadd.s32 $0x20, s15;
	v44 =	vmul.f32 v22, v54;
	v42 =	vmul.f32 v23, v55;
	v22 =	vmovc v49;
	v23 =	vmov v52;
	v41 =	vld [tilespmem:s13+$0x70];
	[tilespmem:s25+$0xFFFFFF80] =	vst v47  }
0xb4: {  	[tilespmem:s25+$0xFFFFFF90] =	vst v46  }
0xb5: {  	[tilespmem:s25+$0xFFFFFFA0] =	vst v45  }
0xb6: {  	[tilespmem:s25+$0xFFFFFFB0] =	vst v43  }
0xb7: {  	v16 =	vmul.f32 v16, v40;
	[tilespmem:s25+$0xFFFFFFC0] =	vst v44  }
0xb8: {  	v19 =	vmul.f32 v19, v27;
	[tilespmem:s25+$0xFFFFFFD0] =	vst v42  }
0xb9: {  	v17 =	vmul.f32 v17, v26;
	[tilespmem:s25+$0xFFFFFFE0] =	vst v16  }
0xba: {  	v12 =	vmul.f32 v12, v25;
	[tilespmem:s25+$0x0] =	vst v19  }
0xbb: {  	v13 =	vmul.f32 v13, v38;
	[tilespmem:s25+$0x10] =	vst v17  }
0xbc: {  	v10 =	vmul.f32 v10, v37;
	[tilespmem:s25+$0x20] =	vst v12  }
0xbd: {  	v11 =	vmul.f32 v11, v36;
	[tilespmem:s25+$0x30] =	vst v13  }
0xbe: {  	v12 =	vmul.f32 v24, v39;
	[tilespmem:s25+$0x40] =	vst v10;
	v56 =	vpop (erf)  }
0xbf: {  	[tilespmem:s25+$0x50] =	vst v11;
	v27 =	vperm.xlane v56, v8;
	v13 =	vpop (erf)  }
0xc0: {  	[tilespmem:s25+$0x60] =	vst v12;
	v10 =	vperm.xlane v13, v1  }
0xc1: {  	[tilespmem:s30+$0x80] =	vst v56;
	v16 =	vmul.f32 v41, v27;
	v11 =	vperm.xlane v13, v2  }
0xc2: {  	v12 =	vperm.xlane v13, v3;
	[tilespmem:s30+$0xFFFFFFF0] =	vst v13;
	v10 =	vmul.f32 v14, v10  }
0xc3: {  	[tilespmem:s30+$0x70] =	vst v16;
	v14 =	vperm.xlane v13, v4;
	v11 =	vmul.f32 v15, v11  }
0xc4: {  	v15 =	vperm.xlane v13, v5;
	v12 =	vmul.f32 v18, v12;
	[tilespmem:s30+$0xFFFFFF70] =	vst v10  }
0xc5: {  	v10 =	vperm.xlane v13, v6;
	v14 =	vmul.f32 v20, v14;
	[tilespmem:s30+$0xFFFFFF80] =	vst v11  }
0xc6: {  	v11 =	vperm.xlane v13, v7;
	v15 =	vmul.f32 v21, v15;
	[tilespmem:s30+$0xFFFFFF90] =	vst v12  }
0xc7: {  	v12 =	vperm.xlane v13, v8;
	v10 =	vmul.f32 v22, v10;
	[tilespmem:s30+$0xFFFFFFA0] =	vst v14  }
0xc8: {  	v13 =	vperm.xlane v56, v1;
	v11 =	vmul.f32 v23, v11;
	[tilespmem:s30+$0xFFFFFFB0] =	vst v15  }
0xc9: {  	v14 =	vperm.xlane v56, v2;
	v12 =	vmul.f32 v28, v12;
	[tilespmem:s30+$0xFFFFFFC0] =	vst v10  }
0xca: {  	v13 =	vmul.f32 v29, v13;
	v10 =	vperm.xlane v56, v3;
	[tilespmem:s30+$0xFFFFFFD0] =	vst v11  }
0xcb: {  	v11 =	vperm.xlane v56, v4;
	v14 =	vmul.f32 v30, v14;
	[tilespmem:s30+$0xFFFFFFE0] =	vst v12  }
0xcc: {  	v12 =	vperm.xlane v56, v5;
	[tilespmem:s30+$0x0] =	vst v13;
	v10 =	vmul.f32 v32, v10  }
0xcd: {  	v13 =	vperm.xlane v56, v6;
	v11 =	vmul.f32 v31, v11;
	[tilespmem:s30+$0x10] =	vst v14  }
0xce: {  	v14 =	vperm.xlane v56, v7;
	v12 =	vmul.f32 v35, v12;
	[tilespmem:s30+$0x20] =	vst v10  }
0xcf: {  	v10 =	vmul.f32 v33, v13;
	[tilespmem:s30+$0x30] =	vst v11  }
0xd0: {  	v11 =	vmul.f32 v34, v14;
	[tilespmem:s30+$0x40] =	vst v12  }
0xd1: {  	[tilespmem:s30+$0x50] =	vst v10  }
0xd2: {  	s13 =	simm.s32 $0x7730;
	[tilespmem:s30+$0x60] =	vst v11  }
0xd3: {  	[spmem:s2] =	stream.indirect.scatter.add.f32 [tilespmem:s20], [sflag:$0x3], $0x90, s7, s3, $0xb8;
	[tilespmem:$0x1E100] =	vst v63  }
0xd4: {  	s25 =	simm.s32 $0x20B0;
	v10 =	vld [tilespmem:s13+$0x0]  }
0xd5: {  	v11 =	vld [tilespmem:s25+$0x0];
	_ =	sdelay $0x1  }
0xd6: {  	v12 =	vld [tilespmem:s25+$0xFFFFFF70]  }
0xd7: {  	v13 =	vld [tilespmem:s13+$0xFFFFFFF0]  }
0xd8: {  	v33 =	vld [tilespmem:s25+$0xFFFFFEF0]  }
0xd9: {  	v34 =	vld [tilespmem:s25+$0xFFFFFF00];
	v11 =	vadd.f32 v11, v10;
	v10 =	vadd.f32 v10, v9  }
0xda: {  	v41 =	vld [tilespmem:s25+$0xFFFFFF10]  }
0xdb: {  	v42 =	vld [tilespmem:s25+$0xFFFFFF20];
	v14 =	vmul.f32 $2.000000030e-01, v11;
	v15 =	vmul.f32 $2.000000030e-01, v10  }
0xdc: {  	v43 =	vld [tilespmem:s25+$0xFFFFFF30];
	v12 =	vadd.f32 v12, v13  }
0xdd: {  	v44 =	vld [tilespmem:s25+$0xFFFFFF40];
	v13 =	vadd.f32 v13, v9;
	v11 =	vmax.f32 v11, v14;
	v10 =	vmax.f32 v10, v15  }
0xde: {  	v47 =	vld [tilespmem:s25+$0xFFFFFF50];
	v10 =	vsub.f32 v11, v10  }
0xdf: {  	v16 =	vld [tilespmem:s25+$0xFFFFFF60];
	v14 =	vmul.f32 $2.000000030e-01, v12;
	v15 =	vmul.f32 $2.000000030e-01, v13  }
0xe0: {  	v19 =	vld [tilespmem:s25+$0xFFFFFF80];
	v10 =	vmul.f32 $1.442695020e+00, v10  }
0xe1: {  	s14 =	simm.s32 $0x7750;
	v17 =	vld [tilespmem:s25+$0xFFFFFF90];
	v11 =	vmax.f32 v12, v14;
	v12 =	vmax.f32 v13, v15  }
0xe2: {  	v20 =	vld [tilespmem:s14+$0x0];
	v11 =	vsub.f32 v11, v12;
	(erf) = vpow2.f32 v10  }
0xe3: {  	s13 =	simm.s32 $0x21D0;
	v23 =	vld [tilespmem:s14+$0xFFFFFFF0]  }
0xe4: {  	v21 =	vld [tilespmem:s13+$0x0];
	v11 =	vmul.f32 $1.442695020e+00, v11  }
0xe5: {  	v22 =	vld [tilespmem:s13+$0xFFFFFF70]  }
0xe6: {  	v18 =	vld [tilespmem:s25+$0xFFFFFFF0];
	(erf) = vpow2.f32 v11  }
0xe7: {  	v24 =	vld [tilespmem:s25+$0xFFFFFFE0]  }
0xe8: {  	v35 =	vld [tilespmem:s13+$0xFFFFFFC0]  }
0xe9: {  	v30 =	vadd.f32 v20, v9;
	v29 =	vadd.f32 v21, v20;
	v20 =	vld [tilespmem:s13+$0xFFFFFF20]  }
0xea: {  	v59 =	vadd.f32 v22, v23;
	v21 =	vld [tilespmem:s13+$0xFFFFFF30]  }
0xeb: {  	v22 =	vld [tilespmem:s13+$0xFFFFFF40];
	v60 =	vmul.f32 $2.000000030e-01, v30;
	v45 =	vpop (erf)  }
0xec: {  	v61 =	vadd.f32 v23, v9;
	v23 =	vld [tilespmem:s13+$0xFFFFFF50];
	v62 =	vmul.f32 $2.000000030e-01, v59;
	v27 =	vperm.xlane v45, v1  }
0xed: {  	v13 =	vld [tilespmem:s25+$0xFFFFFFB0];
	v28 =	vperm.xlane v45, v8;
	v26 =	vperm.xlane v45, v2  }
0xee: {  	v14 =	vld [tilespmem:s13+$0xFFFFFEF0];
	v25 =	vperm.xlane v45, v3;
	v38 =	vperm.xlane v45, v4  }
0xef: {  	v15 =	vld [tilespmem:s13+$0xFFFFFF00];
	v57 =	vpop (erf);
	v31 =	vmul.f32 v18, v28;
	v28 =	vmul.f32 $2.000000030e-01, v29  }
0xf0: {  	v12 =	vld [tilespmem:s25+$0xFFFFFFA0];
	v39 =	vperm.xlane v45, v7;
	v58 =	vperm.xlane v57, v1  }
0xf1: {  	v10 =	vld [tilespmem:s25+$0xFFFFFFC0];
	v48 =	vperm.xlane v57, v2;
	v28 =	vmax.f32 v29, v28;
	v29 =	vmax.f32 v30, v60  }
0xf2: {  	v11 =	vld [tilespmem:s25+$0xFFFFFFD0];
	v49 =	vperm.xlane v57, v3;
	v30 =	vmul.f32 $2.000000030e-01, v61;
	v36 =	vsub.f32 v28, v29  }
0xf3: {  	v32 =	vmax.f32 v59, v62;
	v18 =	vld [tilespmem:s13+$0xFFFFFF10];
	v50 =	vperm.xlane v57, v4;
	v51 =	vperm.xlane v57, v5  }
0xf4: {  	v52 =	vperm.xlane v57, v6;
	[tilespmem:s25+$0xFFFFFFF0] =	vst v31;
	v31 =	vld [tilespmem:s13+$0xFFFFFFB0];
	v37 =	vmax.f32 v61, v30;
	v36 =	vmul.f32 $1.442695020e+00, v36  }
0xf5: {  	v53 =	vperm.xlane v57, v7;
	v40 =	vperm.xlane v57, v8;
	v28 =	vld [tilespmem:s13+$0xFFFFFF60];
	v63 =	vsub.f32 v32, v37  }
0xf6: {  	v55 =	vmul.f32 v33, v58;
	v29 =	vld [tilespmem:s13+$0xFFFFFF80];
	(erf) = vpow2.f32 v36  }
0xf7: {  	v48 =	vmul.f32 v34, v48;
	v30 =	vld [tilespmem:s13+$0xFFFFFF90];
	v54 =	vmul.f32 $1.442695020e+00, v63  }
0xf8: {  	[tilespmem:s25+$0x0] =	vst v45;
	v46 =	vmul.f32 v41, v49;
	v43 =	vmul.f32 v43, v51;
	v32 =	vld [tilespmem:s13+$0xFFFFFFA0]  }
0xf9: {  	[tilespmem:s25+$0xFFFFFF70] =	vst v57;
	v33 =	vld [tilespmem:s13+$0xFFFFFFD0];
	v44 =	vmul.f32 v44, v52;
	(erf) = vpow2.f32 v54  }
0xfa: {  	v34 =	vld [tilespmem:s13+$0xFFFFFFE0];
	[tilespmem:s25+$0xFFFFFEF0] =	vst v55;
	v37 =	vperm.xlane v45, v5;
	v36 =	vperm.xlane v45, v6  }
0xfb: {  	s15 =	simm.s32 $0x7770;
	s30 =	simm.s32 $0x21D0;
	s14 =	simm.s32 $0x34;
	v41 =	vld [tilespmem:s13+$0xFFFFFFF0];
	[tilespmem:s25+$0xFFFFFF00] =	vst v48;
	v45 =	vmul.f32 v42, v50;
	v42 =	vmul.f32 v47, v53  }
.LBB2_9:
0xfc: {  	v47 =	vld [tilespmem:s15+$0x0];
	s13 =	sadd.s32 $0x120, s13;
	[tilespmem:s25+$0xFFFFFF10] =	vst v46;
	v40 =	vmul.f32 v16, v40;
	v46 =	vmul.f32 v19, v27;
	v16 =	vmovc v28;
	v19 =	vmov v29  }
0xfd: {  	s14 =	sadd.s32 $0x2, s14;
	v29 =	vmul.f32 v17, v26;
	v17 =	vmovc v30;
	v28 =	vld [tilespmem:s13+$0x0];
	[tilespmem:s25+$0xFFFFFF20] =	vst v45;
	v45 =	vmul.f32 v12, v25;
	v12 =	vmov v32  }
0xfe: {  	v37 =	vmul.f32 v10, v37;
	v10 =	vmovc v35;
	p2 =	slt.u32 s14, $0x62;
	v32 =	vmul.f32 v13, v38;
	v13 =	vmov v31;
	v30 =	vld [tilespmem:s13+$0xFFFFFF70];
	[tilespmem:s25+$0xFFFFFF30] =	vst v43  }
0xff: {  	v35 =	vmul.f32 v11, v36;
	v36 =	vmul.f32 v24, v39;
	v11 =	vmov v33;
	v31 =	vld [tilespmem:s15+$0xFFFFFFF0];
	v43 =	vpop (erf);
	[tilespmem:s25+$0xFFFFFF40] =	vst v44  }
0x100: {  	v24 =	vmov v34;
	v44 =	vld [tilespmem:s13+$0xFFFFFEF0];
	v27 =	vperm.xlane v43, v1;
	v33 =	vperm.xlane v43, v8;
	[tilespmem:s25+$0xFFFFFF50] =	vst v42  }
0x101: {  	v26 =	vperm.xlane v43, v2;
	v25 =	vperm.xlane v43, v3;
	v34 =	vld [tilespmem:s13+$0xFFFFFF00];
	[tilespmem:s25+$0xFFFFFF60] =	vst v40  }
0x102: {  	v38 =	vadd.f32 v47, v9;
	v42 =	vld [tilespmem:s13+$0xFFFFFF10];
	v28 =	vadd.f32 v28, v47;
	v33 =	vmul.f32 v41, v33;
	v39 =	vpop (erf);
	[tilespmem:s25+$0xFFFFFF80] =	vst v46  }
0x103: {  	v41 =	vld [tilespmem:s13+$0xFFFFFF20];
	v46 =	vperm.xlane v39, v1;
	v47 =	vperm.xlane v39, v2;
	[tilespmem:s25+$0xFFFFFF90] =	vst v29  }
0x104: {  	v40 =	vmul.f32 $2.000000030e-01, v38;
	v29 =	vadd.f32 v30, v31;
	v48 =	vld [tilespmem:s13+$0xFFFFFF30];
	v30 =	vmul.f32 $2.000000030e-01, v28;
	[tilespmem:s30+$0xFFFFFFF0] =	vst v33  }
0x105: {  	v50 =	vperm.xlane v39, v3;
	v51 =	vperm.xlane v39, v4;
	v31 =	vadd.f32 v31, v9;
	v49 =	vld [tilespmem:s13+$0xFFFFFF40];
	[tilespmem:s25+$0xFFFFFFA0] =	vst v45  }
0x106: {  	v38 =	vmax.f32 v38, v40;
	v33 =	vmul.f32 $2.000000030e-01, v29;
	v52 =	vld [tilespmem:s13+$0xFFFFFF50];
	v30 =	vmax.f32 v28, v30;
	[tilespmem:s25+$0xFFFFFFB0] =	vst v32  }
0x107: {  	v53 =	vperm.xlane v39, v5;
	v32 =	vmul.f32 $2.000000030e-01, v31;
	v28 =	vld [tilespmem:s13+$0xFFFFFF60];
	v30 =	vsub.f32 v30, v38;
	[tilespmem:s25+$0xFFFFFFC0] =	vst v37  }
0x108: {  	v54 =	vperm.xlane v39, v6;
	v55 =	vperm.xlane v39, v7;
	v33 =	vmax.f32 v29, v33;
	v29 =	vld [tilespmem:s13+$0xFFFFFF80];
	[tilespmem:s25+$0xFFFFFFD0] =	vst v35  }
0x109: {  	v40 =	vperm.xlane v39, v8;
	v31 =	vmax.f32 v31, v32;
	v35 =	vmul.f32 $1.442695020e+00, v30;
	v30 =	vld [tilespmem:s13+$0xFFFFFF90];
	[tilespmem:s25+$0xFFFFFFE0] =	vst v36;
	s25 =	smov.u32 s30;
	s30 =	smov.u32 s13  }
0x10a: {  	v38 =	vperm.xlane v43, v4;
	v37 =	vperm.xlane v43, v5;
	v33 =	vsub.f32 v33, v31;
	v32 =	vld [tilespmem:s13+$0xFFFFFFA0];
	[tilespmem:s25+$0xFFFFFF70] =	vst v39  }
0x10b: {  	v36 =	vperm.xlane v43, v6;
	v31 =	vld [tilespmem:s13+$0xFFFFFFB0];
	(erf) = vpow2.f32 v35;
	[tilespmem:s25+$0x0] =	vst v43  }
.Ltmp4:
0x10c: {  	v39 =	vperm.xlane v43, v7;
	v45 =	vmul.f32 $1.442695020e+00, v33;
	v35 =	vld [tilespmem:s13+$0xFFFFFFC0];
	(pc) =	sbr.rel @p2 .LBB2_9-.Ltmp4, $4  }
0x10d: {  	v47 =	vmul.f32 v15, v47;
	v15 =	vmovc v34;
	v43 =	vmul.f32 v14, v46;
	v14 =	vmov v44;
	v33 =	vld [tilespmem:s13+$0xFFFFFFD0]  }
0x10e: {  	v46 =	vmul.f32 v18, v50;
	v18 =	vmov v42;
	v34 =	vld [tilespmem:s13+$0xFFFFFFE0];
	(erf) = vpow2.f32 v45  }
0x10f: {  	v45 =	vmul.f32 v20, v51;
	v20 =	vmovc v41;
	[tilespmem:s25+$0xFFFFFEF0] =	vst v43;
	v43 =	vmul.f32 v21, v53;
	v21 =	vmov v48  }
0x110: {  	s15 =	sadd.s32 $0x20, s15;
	v44 =	vmul.f32 v22, v54;
	v42 =	vmul.f32 v23, v55;
	v22 =	vmovc v49;
	v23 =	vmov v52;
	v41 =	vld [tilespmem:s13+$0xFFFFFFF0];
	[tilespmem:s25+$0xFFFFFF00] =	vst v47  }
0x111: {  	[tilespmem:s25+$0xFFFFFF10] =	vst v46  }
0x112: {  	[tilespmem:s25+$0xFFFFFF20] =	vst v45  }
0x113: {  	[tilespmem:s25+$0xFFFFFF30] =	vst v43  }
0x114: {  	v16 =	vmul.f32 v16, v40;
	[tilespmem:s25+$0xFFFFFF40] =	vst v44  }
0x115: {  	v19 =	vmul.f32 v19, v27;
	[tilespmem:s25+$0xFFFFFF50] =	vst v42  }
0x116: {  	v17 =	vmul.f32 v17, v26;
	[tilespmem:s25+$0xFFFFFF60] =	vst v16  }
0x117: {  	v12 =	vmul.f32 v12, v25;
	[tilespmem:s25+$0xFFFFFF80] =	vst v19  }
0x118: {  	v13 =	vmul.f32 v13, v38;
	[tilespmem:s25+$0xFFFFFF90] =	vst v17  }
0x119: {  	v10 =	vmul.f32 v10, v37;
	[tilespmem:s25+$0xFFFFFFA0] =	vst v12  }
0x11a: {  	v11 =	vmul.f32 v11, v36;
	[tilespmem:s25+$0xFFFFFFB0] =	vst v13  }
0x11b: {  	v12 =	vmul.f32 v24, v39;
	[tilespmem:s25+$0xFFFFFFC0] =	vst v10;
	v56 =	vpop (erf)  }
0x11c: {  	[tilespmem:s25+$0xFFFFFFD0] =	vst v11;
	v27 =	vperm.xlane v56, v8;
	v13 =	vpop (erf)  }
0x11d: {  	[tilespmem:s25+$0xFFFFFFE0] =	vst v12;
	v10 =	vperm.xlane v13, v1  }
0x11e: {  	[tilespmem:s30+$0x0] =	vst v56;
	v16 =	vmul.f32 v41, v27;
	v11 =	vperm.xlane v13, v2  }
0x11f: {  	v12 =	vperm.xlane v13, v3;
	[tilespmem:s30+$0xFFFFFF70] =	vst v13;
	v10 =	vmul.f32 v14, v10  }
0x120: {  	[tilespmem:s30+$0xFFFFFFF0] =	vst v16;
	v14 =	vperm.xlane v13, v4;
	v11 =	vmul.f32 v15, v11  }
0x121: {  	v15 =	vperm.xlane v13, v5;
	v12 =	vmul.f32 v18, v12;
	[tilespmem:s30+$0xFFFFFEF0] =	vst v10  }
0x122: {  	v10 =	vperm.xlane v13, v6;
	v14 =	vmul.f32 v20, v14;
	[tilespmem:s30+$0xFFFFFF00] =	vst v11  }
0x123: {  	v11 =	vperm.xlane v13, v7;
	v15 =	vmul.f32 v21, v15;
	[tilespmem:s30+$0xFFFFFF10] =	vst v12  }
0x124: {  	v12 =	vperm.xlane v13, v8;
	v10 =	vmul.f32 v22, v10;
	[tilespmem:s30+$0xFFFFFF20] =	vst v14  }
0x125: {  	v13 =	vperm.xlane v56, v1;
	v11 =	vmul.f32 v23, v11;
	[tilespmem:s30+$0xFFFFFF30] =	vst v15  }
0x126: {  	v14 =	vperm.xlane v56, v2;
	v12 =	vmul.f32 v28, v12;
	[tilespmem:s30+$0xFFFFFF40] =	vst v10  }
0x127: {  	v13 =	vmul.f32 v29, v13;
	v10 =	vperm.xlane v56, v3;
	[tilespmem:s30+$0xFFFFFF50] =	vst v11  }
0x128: {  	v11 =	vperm.xlane v56, v4;
	v14 =	vmul.f32 v30, v14;
	[tilespmem:s30+$0xFFFFFF60] =	vst v12  }
0x129: {  	v12 =	vperm.xlane v56, v5;
	[tilespmem:s30+$0xFFFFFF80] =	vst v13;
	v10 =	vmul.f32 v32, v10  }
0x12a: {  	v13 =	vperm.xlane v56, v6;
	v11 =	vmul.f32 v31, v11;
	[tilespmem:s30+$0xFFFFFF90] =	vst v14  }
0x12b: {  	v14 =	vperm.xlane v56, v7;
	v12 =	vmul.f32 v35, v12;
	[tilespmem:s30+$0xFFFFFFA0] =	vst v10  }
0x12c: {  	v10 =	vmul.f32 v33, v13;
	[tilespmem:s30+$0xFFFFFFB0] =	vst v11  }
0x12d: {  	v11 =	vmul.f32 v34, v14;
	[tilespmem:s30+$0xFFFFFFC0] =	vst v12  }
0x12e: {  	[tilespmem:s30+$0xFFFFFFD0] =	vst v10  }
0x12f: {  	[tilespmem:s30+$0xFFFFFFE0] =	vst v11  }
0x130: {  	[spmem:s2] =	stream.indirect.scatter.add.f32 [tilespmem:s10], [sflag:$0x3], $0x90, s9, s3, $0xb8;
	[tilespmem:$0x1E100] =	vst v63  }
0x131: {  	_ =	swait.ge [sflag:s11], $0x1C20  }
0x132: {  	[sflag:s11] =	ssyncset.done $0x0  }
0x133: {  	[sflag:s11] =	ssyncadd.s32 $0xFFFFE3E0  }
0x134: {  	_ =	swait.ge [sflag:s11], $0x1C20  }
0x135: {  	[sflag:s11] =	ssyncset.done $0x0  }
0x136: {  	[sflag:s11] =	ssyncadd.s32 $0xFFFFE3E0  }
0x137: {  	_ =	swait.ge [sflag:s12], $0xE0  }
0x138: {  	[sflag:s12] =	ssyncset.done $0x0  }
0x139: {  	[sflag:s12] =	ssyncadd.s32 $0xFFFFFF20  }
0x13a: {  	v10 =	vld [tilespmem:$0x150]  }
0x13b: {  	v11 =	vld [tilespmem:$0x182]  }
0x13c: {  	v12 =	vld [tilespmem:$0x160]  }
0x13d: {  	v13 =	vld [tilespmem:$0x192]  }
0x13e: {  	v14 =	vld [tilespmem:$0x170]  }
0x13f: {  	[tilespmem:$0x8080] =	vst v10;
	v10 =	vld [tilespmem:$0x1A2]  }
0x140: {  	[tilespmem:$0x80B8] =	vst v11;
	v11 =	vld [tilespmem:$0x172]  }
0x141: {  	[tilespmem:$0x8090] =	vst v12;
	v12 =	vld [tilespmem:$0x1A4]  }
0x142: {  	[tilespmem:$0x80C8] =	vst v13  }
0x143: {  	[tilespmem:$0x80A0] =	vst v14  }
0x144: {  	[tilespmem:$0x80D8] =	vst v10  }
0x145: {  	[tilespmem:$0x80A2] =	vst v11  }
0x146: {  	s13 =	simm.s32 $0xE0;
	[tilespmem:$0x80DA] =	vst v12  }
0x147: {  	[tilespmem:s20], [sflag:$0x1] =	stream.indirect.gather [hbm4b:s6+s28], $0x90, s13, s28, $0xb8;
	[tilespmem:$0x1E100] =	vst v63  }
0x148: {  	s14 =	simm.s32 $0x150;
	s25 =	simm.s32 $0x7400  }
0x149: {  	[tilespmem:s25], [sflag:$0x1] =	stream.indirect.gather [hbm4b:s5+s28], $0x10, s14, s28, $0xb8;
	[tilespmem:$0x1E100] =	vst v63  }
0x14a: {  	_ =	swait.ge [sflag:s26], $0x3840  }
0x14b: {  	[sflag:s26] =	ssyncset.done $0x0  }
0x14c: {  	[sflag:s26] =	ssyncadd.s32 $0xFFFFC7C0  }
0x14d: {  	_ =	swait.ge [sflag:s26], $0x640  }
0x14e: {  	s13 =	rddreg [dreg:$0xb]  }
0x14f: {  	s13 =	sadd.s32 @!p1 s13, s24  }
0x150: {  	s13 =	smul.u32 @!p1 $0x1C, s13  }
0x151: {  	s15 =	simm.s32 @!p1 $0x1C0;
	[sflag:s26] =	ssyncset.done $0x0  }
0x152: {  	s14 =	simm.s32 @!p1 $0x0;
	[sflag:s26] =	ssyncadd.s32 $0xFFFFF9C0;
	s13 =	sadd.s32 @!p1 s1, s13  }
0x153: {  	[tilespmem:s15], [sflag:$0x7] =	stream.linear.gather @!p1 [hbm4b:s13+s14], $0xE0, $0x38;
	[tilespmem:$0x1E100] =	vst v63  }
0x154: {  	s14 =	simm.s32 $0x7A50  }
0x155: {  	s25 =	simm.s32 $0x3C50;
	v10 =	vld [tilespmem:s14+$0x0]  }
0x156: {  	v11 =	vld [tilespmem:s25+$0x80];
	_ =	sdelay $0x1  }
0x157: {  	v12 =	vld [tilespmem:s25+$0xFFFFFFF0]  }
0x158: {  	v13 =	vld [tilespmem:s14+$0xFFFFFFF0]  }
0x159: {  	v33 =	vld [tilespmem:s25+$0xFFFFFF70]  }
0x15a: {  	v34 =	vld [tilespmem:s25+$0xFFFFFF80];
	v11 =	vadd.f32 v11, v10;
	v10 =	vadd.f32 v10, v9  }
0x15b: {  	v41 =	vld [tilespmem:s25+$0xFFFFFF90]  }
0x15c: {  	v42 =	vld [tilespmem:s25+$0xFFFFFFA0];
	v14 =	vmul.f32 $2.000000030e-01, v11;
	v15 =	vmul.f32 $2.000000030e-01, v10  }
0x15d: {  	v43 =	vld [tilespmem:s25+$0xFFFFFFB0];
	v12 =	vadd.f32 v12, v13  }
0x15e: {  	v44 =	vld [tilespmem:s25+$0xFFFFFFC0];
	v13 =	vadd.f32 v13, v9;
	v11 =	vmax.f32 v11, v14;
	v10 =	vmax.f32 v10, v15  }
0x15f: {  	v47 =	vld [tilespmem:s25+$0xFFFFFFD0];
	v10 =	vsub.f32 v11, v10  }
0x160: {  	v16 =	vld [tilespmem:s25+$0xFFFFFFE0];
	v14 =	vmul.f32 $2.000000030e-01, v12;
	v15 =	vmul.f32 $2.000000030e-01, v13  }
0x161: {  	v19 =	vld [tilespmem:s25+$0x0];
	v10 =	vmul.f32 $1.442695020e+00, v10  }
0x162: {  	s15 =	simm.s32 $0x7A70;
	v17 =	vld [tilespmem:s25+$0x10];
	v11 =	vmax.f32 v12, v14;
	v12 =	vmax.f32 v13, v15  }
0x163: {  	s13 =	simm.s32 $0x3D70;
	v20 =	vld [tilespmem:s15+$0x0];
	v11 =	vsub.f32 v11, v12;
	(erf) = vpow2.f32 v10  }
0x164: {  	v21 =	vld [tilespmem:s13+$0x80]  }
0x165: {  	v22 =	vld [tilespmem:s13+$0xFFFFFFF0];
	v11 =	vmul.f32 $1.442695020e+00, v11  }
0x166: {  	v23 =	vld [tilespmem:s15+$0xFFFFFFF0]  }
0x167: {  	v18 =	vld [tilespmem:s25+$0x70];
	(erf) = vpow2.f32 v11  }
0x168: {  	v24 =	vld [tilespmem:s25+$0x60]  }
0x169: {  	v35 =	vld [tilespmem:s13+$0x40]  }
0x16a: {  	v29 =	vadd.f32 v21, v20;
	v30 =	vadd.f32 v20, v9;
	v20 =	vld [tilespmem:s13+$0xFFFFFFA0]  }
0x16b: {  	v59 =	vadd.f32 v22, v23;
	v21 =	vld [tilespmem:s13+$0xFFFFFFB0]  }
0x16c: {  	v22 =	vld [tilespmem:s13+$0xFFFFFFC0];
	v60 =	vmul.f32 $2.000000030e-01, v30;
	v45 =	vpop (erf)  }
0x16d: {  	v61 =	vadd.f32 v23, v9;
	v23 =	vld [tilespmem:s13+$0xFFFFFFD0];
	v62 =	vmul.f32 $2.000000030e-01, v59;
	v27 =	vperm.xlane v45, v1  }
0x16e: {  	v13 =	vld [tilespmem:s25+$0x30];
	v28 =	vperm.xlane v45, v8;
	v26 =	vperm.xlane v45, v2  }
0x16f: {  	v14 =	vld [tilespmem:s13+$0xFFFFFF70];
	v25 =	vperm.xlane v45, v3;
	v38 =	vperm.xlane v45, v4  }
0x170: {  	v15 =	vld [tilespmem:s13+$0xFFFFFF80];
	v57 =	vpop (erf);
	v31 =	vmul.f32 v18, v28;
	v28 =	vmul.f32 $2.000000030e-01, v29  }
0x171: {  	v12 =	vld [tilespmem:s25+$0x20];
	v39 =	vperm.xlane v45, v7;
	v58 =	vperm.xlane v57, v1  }
0x172: {  	v10 =	vld [tilespmem:s25+$0x40];
	v48 =	vperm.xlane v57, v2;
	v28 =	vmax.f32 v29, v28;
	v29 =	vmax.f32 v30, v60  }
0x173: {  	v11 =	vld [tilespmem:s25+$0x50];
	v49 =	vperm.xlane v57, v3;
	v30 =	vmul.f32 $2.000000030e-01, v61;
	v36 =	vsub.f32 v28, v29  }
0x174: {  	v32 =	vmax.f32 v59, v62;
	v18 =	vld [tilespmem:s13+$0xFFFFFF90];
	v50 =	vperm.xlane v57, v4;
	v51 =	vperm.xlane v57, v5  }
0x175: {  	v52 =	vperm.xlane v57, v6;
	[tilespmem:s25+$0x70] =	vst v31;
	v31 =	vld [tilespmem:s13+$0x30];
	v37 =	vmax.f32 v61, v30;
	v36 =	vmul.f32 $1.442695020e+00, v36  }
0x176: {  	v53 =	vperm.xlane v57, v7;
	v40 =	vperm.xlane v57, v8;
	v28 =	vld [tilespmem:s13+$0xFFFFFFE0];
	v63 =	vsub.f32 v32, v37  }
0x177: {  	v55 =	vmul.f32 v33, v58;
	v29 =	vld [tilespmem:s13+$0x0];
	(erf) = vpow2.f32 v36  }
0x178: {  	v48 =	vmul.f32 v34, v48;
	v30 =	vld [tilespmem:s13+$0x10];
	v54 =	vmul.f32 $1.442695020e+00, v63  }
0x179: {  	[tilespmem:s25+$0x80] =	vst v45;
	v46 =	vmul.f32 v41, v49;
	v43 =	vmul.f32 v43, v51;
	v32 =	vld [tilespmem:s13+$0x20]  }
0x17a: {  	[tilespmem:s25+$0xFFFFFFF0] =	vst v57;
	v33 =	vld [tilespmem:s13+$0x50];
	v44 =	vmul.f32 v44, v52;
	(erf) = vpow2.f32 v54  }
0x17b: {  	v34 =	vld [tilespmem:s13+$0x60];
	[tilespmem:s25+$0xFFFFFF70] =	vst v55;
	v37 =	vperm.xlane v45, v5;
	v36 =	vperm.xlane v45, v6  }
0x17c: {  	s30 =	simm.s32 $0x3D70;
	s14 =	simm.s32 $0x2;
	s15 =	simm.s32 $0x7A90;
	v41 =	vld [tilespmem:s13+$0x70];
	[tilespmem:s25+$0xFFFFFF80] =	vst v48;
	v45 =	vmul.f32 v42, v50;
	v42 =	vmul.f32 v47, v53  }
.LBB2_11:
0x17d: {  	v47 =	vld [tilespmem:s15+$0x0];
	s13 =	sadd.s32 $0x120, s13;
	[tilespmem:s25+$0xFFFFFF90] =	vst v46;
	v40 =	vmul.f32 v16, v40;
	v46 =	vmul.f32 v19, v27;
	v16 =	vmovc v28;
	v19 =	vmov v29  }
0x17e: {  	s14 =	sadd.s32 $0x2, s14;
	v29 =	vmul.f32 v17, v26;
	v17 =	vmovc v30;
	v28 =	vld [tilespmem:s13+$0x80];
	[tilespmem:s25+$0xFFFFFFA0] =	vst v45;
	v45 =	vmul.f32 v12, v25;
	v12 =	vmov v32  }
0x17f: {  	v37 =	vmul.f32 v10, v37;
	v10 =	vmovc v35;
	p2 =	slt.u32 s14, $0x30;
	v32 =	vmul.f32 v13, v38;
	v13 =	vmov v31;
	v30 =	vld [tilespmem:s13+$0xFFFFFFF0];
	[tilespmem:s25+$0xFFFFFFB0] =	vst v43  }
0x180: {  	v35 =	vmul.f32 v11, v36;
	v36 =	vmul.f32 v24, v39;
	v11 =	vmov v33;
	v31 =	vld [tilespmem:s15+$0xFFFFFFF0];
	v43 =	vpop (erf);
	[tilespmem:s25+$0xFFFFFFC0] =	vst v44  }
0x181: {  	v24 =	vmov v34;
	v44 =	vld [tilespmem:s13+$0xFFFFFF70];
	v27 =	vperm.xlane v43, v1;
	v33 =	vperm.xlane v43, v8;
	[tilespmem:s25+$0xFFFFFFD0] =	vst v42  }
0x182: {  	v26 =	vperm.xlane v43, v2;
	v25 =	vperm.xlane v43, v3;
	v34 =	vld [tilespmem:s13+$0xFFFFFF80];
	[tilespmem:s25+$0xFFFFFFE0] =	vst v40  }
0x183: {  	v38 =	vadd.f32 v47, v9;
	v42 =	vld [tilespmem:s13+$0xFFFFFF90];
	v28 =	vadd.f32 v28, v47;
	v33 =	vmul.f32 v41, v33;
	v39 =	vpop (erf);
	[tilespmem:s25+$0x0] =	vst v46  }
0x184: {  	v41 =	vld [tilespmem:s13+$0xFFFFFFA0];
	v46 =	vperm.xlane v39, v1;
	v47 =	vperm.xlane v39, v2;
	[tilespmem:s25+$0x10] =	vst v29  }
0x185: {  	v40 =	vmul.f32 $2.000000030e-01, v38;
	v29 =	vadd.f32 v30, v31;
	v48 =	vld [tilespmem:s13+$0xFFFFFFB0];
	v30 =	vmul.f32 $2.000000030e-01, v28;
	[tilespmem:s30+$0x70] =	vst v33  }
0x186: {  	v50 =	vperm.xlane v39, v3;
	v51 =	vperm.xlane v39, v4;
	v31 =	vadd.f32 v31, v9;
	v49 =	vld [tilespmem:s13+$0xFFFFFFC0];
	[tilespmem:s25+$0x20] =	vst v45  }
0x187: {  	v38 =	vmax.f32 v38, v40;
	v33 =	vmul.f32 $2.000000030e-01, v29;
	v52 =	vld [tilespmem:s13+$0xFFFFFFD0];
	v30 =	vmax.f32 v28, v30;
	[tilespmem:s25+$0x30] =	vst v32  }
0x188: {  	v53 =	vperm.xlane v39, v5;
	v32 =	vmul.f32 $2.000000030e-01, v31;
	v28 =	vld [tilespmem:s13+$0xFFFFFFE0];
	v30 =	vsub.f32 v30, v38;
	[tilespmem:s25+$0x40] =	vst v37  }
0x189: {  	v54 =	vperm.xlane v39, v6;
	v55 =	vperm.xlane v39, v7;
	v33 =	vmax.f32 v29, v33;
	v29 =	vld [tilespmem:s13+$0x0];
	[tilespmem:s25+$0x50] =	vst v35  }
0x18a: {  	v40 =	vperm.xlane v39, v8;
	v31 =	vmax.f32 v31, v32;
	v35 =	vmul.f32 $1.442695020e+00, v30;
	v30 =	vld [tilespmem:s13+$0x10];
	[tilespmem:s25+$0x60] =	vst v36;
	s25 =	smov.u32 s30;
	s30 =	smov.u32 s13  }
0x18b: {  	v38 =	vperm.xlane v43, v4;
	v37 =	vperm.xlane v43, v5;
	v33 =	vsub.f32 v33, v31;
	v32 =	vld [tilespmem:s13+$0x20];
	[tilespmem:s25+$0xFFFFFFF0] =	vst v39  }
0x18c: {  	v36 =	vperm.xlane v43, v6;
	v31 =	vld [tilespmem:s13+$0x30];
	(erf) = vpow2.f32 v35;
	[tilespmem:s25+$0x80] =	vst v43  }
.Ltmp5:
0x18d: {  	v39 =	vperm.xlane v43, v7;
	v45 =	vmul.f32 $1.442695020e+00, v33;
	v35 =	vld [tilespmem:s13+$0x40];
	(pc) =	sbr.rel @p2 .LBB2_11-.Ltmp5, $4  }
0x18e: {  	v47 =	vmul.f32 v15, v47;
	v15 =	vmovc v34;
	v43 =	vmul.f32 v14, v46;
	v14 =	vmov v44;
	v33 =	vld [tilespmem:s13+$0x50]  }
0x18f: {  	v46 =	vmul.f32 v18, v50;
	v18 =	vmov v42;
	v34 =	vld [tilespmem:s13+$0x60];
	(erf) = vpow2.f32 v45  }
0x190: {  	v45 =	vmul.f32 v20, v51;
	v20 =	vmovc v41;
	[tilespmem:s25+$0xFFFFFF70] =	vst v43;
	v43 =	vmul.f32 v21, v53;
	v21 =	vmov v48  }
0x191: {  	s15 =	sadd.s32 $0x20, s15;
	v44 =	vmul.f32 v22, v54;
	v42 =	vmul.f32 v23, v55;
	v22 =	vmovc v49;
	v23 =	vmov v52;
	v41 =	vld [tilespmem:s13+$0x70];
	[tilespmem:s25+$0xFFFFFF80] =	vst v47  }
0x192: {  	[tilespmem:s25+$0xFFFFFF90] =	vst v46  }
0x193: {  	[tilespmem:s25+$0xFFFFFFA0] =	vst v45  }
0x194: {  	[tilespmem:s25+$0xFFFFFFB0] =	vst v43  }
0x195: {  	v16 =	vmul.f32 v16, v40;
	[tilespmem:s25+$0xFFFFFFC0] =	vst v44  }
0x196: {  	v19 =	vmul.f32 v19, v27;
	[tilespmem:s25+$0xFFFFFFD0] =	vst v42  }
0x197: {  	v17 =	vmul.f32 v17, v26;
	[tilespmem:s25+$0xFFFFFFE0] =	vst v16  }
0x198: {  	v12 =	vmul.f32 v12, v25;
	[tilespmem:s25+$0x0] =	vst v19  }
0x199: {  	v13 =	vmul.f32 v13, v38;
	[tilespmem:s25+$0x10] =	vst v17  }
0x19a: {  	v10 =	vmul.f32 v10, v37;
	[tilespmem:s25+$0x20] =	vst v12  }
0x19b: {  	v11 =	vmul.f32 v11, v36;
	[tilespmem:s25+$0x30] =	vst v13  }
0x19c: {  	v12 =	vmul.f32 v24, v39;
	[tilespmem:s25+$0x40] =	vst v10;
	v56 =	vpop (erf)  }
0x19d: {  	[tilespmem:s25+$0x50] =	vst v11;
	v27 =	vperm.xlane v56, v8;
	v13 =	vpop (erf)  }
0x19e: {  	[tilespmem:s25+$0x60] =	vst v12;
	v10 =	vperm.xlane v13, v1  }
0x19f: {  	[tilespmem:s30+$0x80] =	vst v56;
	v16 =	vmul.f32 v41, v27;
	v11 =	vperm.xlane v13, v2  }
0x1a0: {  	v12 =	vperm.xlane v13, v3;
	[tilespmem:s30+$0xFFFFFFF0] =	vst v13;
	v10 =	vmul.f32 v14, v10  }
0x1a1: {  	[tilespmem:s30+$0x70] =	vst v16;
	v14 =	vperm.xlane v13, v4;
	v11 =	vmul.f32 v15, v11  }
0x1a2: {  	v15 =	vperm.xlane v13, v5;
	v12 =	vmul.f32 v18, v12;
	[tilespmem:s30+$0xFFFFFF70] =	vst v10  }
0x1a3: {  	v10 =	vperm.xlane v13, v6;
	v14 =	vmul.f32 v20, v14;
	[tilespmem:s30+$0xFFFFFF80] =	vst v11  }
0x1a4: {  	v11 =	vperm.xlane v13, v7;
	v15 =	vmul.f32 v21, v15;
	[tilespmem:s30+$0xFFFFFF90] =	vst v12  }
0x1a5: {  	v12 =	vperm.xlane v13, v8;
	v10 =	vmul.f32 v22, v10;
	[tilespmem:s30+$0xFFFFFFA0] =	vst v14  }
0x1a6: {  	v13 =	vperm.xlane v56, v1;
	v11 =	vmul.f32 v23, v11;
	[tilespmem:s30+$0xFFFFFFB0] =	vst v15  }
0x1a7: {  	v14 =	vperm.xlane v56, v2;
	v12 =	vmul.f32 v28, v12;
	[tilespmem:s30+$0xFFFFFFC0] =	vst v10  }
0x1a8: {  	v13 =	vmul.f32 v29, v13;
	v10 =	vperm.xlane v56, v3;
	[tilespmem:s30+$0xFFFFFFD0] =	vst v11  }
0x1a9: {  	v11 =	vperm.xlane v56, v4;
	v14 =	vmul.f32 v30, v14;
	[tilespmem:s30+$0xFFFFFFE0] =	vst v12  }
0x1aa: {  	v12 =	vperm.xlane v56, v5;
	[tilespmem:s30+$0x0] =	vst v13;
	v10 =	vmul.f32 v32, v10  }
0x1ab: {  	v13 =	vperm.xlane v56, v6;
	v11 =	vmul.f32 v31, v11;
	[tilespmem:s30+$0x10] =	vst v14  }
0x1ac: {  	v14 =	vperm.xlane v56, v7;
	v12 =	vmul.f32 v35, v12;
	[tilespmem:s30+$0x20] =	vst v10  }
0x1ad: {  	v10 =	vmul.f32 v33, v13;
	[tilespmem:s30+$0x30] =	vst v11  }
0x1ae: {  	v11 =	vmul.f32 v34, v14;
	[tilespmem:s30+$0x40] =	vst v12  }
0x1af: {  	[tilespmem:s30+$0x50] =	vst v10  }
0x1b0: {  	s13 =	simm.s32 $0x7D70;
	[tilespmem:s30+$0x60] =	vst v11  }
0x1b1: {  	[spmem:s2] =	stream.indirect.scatter.add.f32 [tilespmem:s0], [sflag:$0x4], $0x90, s19, s3, $0xb8;
	[tilespmem:$0x1E100] =	vst v63  }
0x1b2: {  	s25 =	simm.s32 $0x58F0;
	v10 =	vld [tilespmem:s13+$0x0]  }
0x1b3: {  	v11 =	vld [tilespmem:s25+$0x0];
	_ =	sdelay $0x1  }
0x1b4: {  	v12 =	vld [tilespmem:s25+$0xFFFFFF70]  }
0x1b5: {  	v13 =	vld [tilespmem:s13+$0xFFFFFFF0]  }
0x1b6: {  	v33 =	vld [tilespmem:s25+$0xFFFFFEF0]  }
0x1b7: {  	v34 =	vld [tilespmem:s25+$0xFFFFFF00];
	v11 =	vadd.f32 v11, v10;
	v10 =	vadd.f32 v10, v9  }
0x1b8: {  	v41 =	vld [tilespmem:s25+$0xFFFFFF10]  }
0x1b9: {  	v42 =	vld [tilespmem:s25+$0xFFFFFF20];
	v14 =	vmul.f32 $2.000000030e-01, v11;
	v15 =	vmul.f32 $2.000000030e-01, v10  }
0x1ba: {  	v43 =	vld [tilespmem:s25+$0xFFFFFF30];
	v12 =	vadd.f32 v12, v13  }
0x1bb: {  	v44 =	vld [tilespmem:s25+$0xFFFFFF40];
	v13 =	vadd.f32 v13, v9;
	v11 =	vmax.f32 v11, v14;
	v10 =	vmax.f32 v10, v15  }
0x1bc: {  	v47 =	vld [tilespmem:s25+$0xFFFFFF50];
	v10 =	vsub.f32 v11, v10  }
0x1bd: {  	v16 =	vld [tilespmem:s25+$0xFFFFFF60];
	v14 =	vmul.f32 $2.000000030e-01, v12;
	v15 =	vmul.f32 $2.000000030e-01, v13  }
0x1be: {  	v19 =	vld [tilespmem:s25+$0xFFFFFF80];
	v10 =	vmul.f32 $1.442695020e+00, v10  }
0x1bf: {  	s14 =	simm.s32 $0x7D90;
	v17 =	vld [tilespmem:s25+$0xFFFFFF90];
	v11 =	vmax.f32 v12, v14;
	v12 =	vmax.f32 v13, v15  }
0x1c0: {  	v20 =	vld [tilespmem:s14+$0x0];
	v11 =	vsub.f32 v11, v12;
	(erf) = vpow2.f32 v10  }
0x1c1: {  	s13 =	simm.s32 $0x5A10;
	v23 =	vld [tilespmem:s14+$0xFFFFFFF0]  }
0x1c2: {  	v21 =	vld [tilespmem:s13+$0x0];
	v11 =	vmul.f32 $1.442695020e+00, v11  }
0x1c3: {  	v22 =	vld [tilespmem:s13+$0xFFFFFF70]  }
0x1c4: {  	v18 =	vld [tilespmem:s25+$0xFFFFFFF0];
	(erf) = vpow2.f32 v11  }
0x1c5: {  	v24 =	vld [tilespmem:s25+$0xFFFFFFE0]  }
0x1c6: {  	v35 =	vld [tilespmem:s13+$0xFFFFFFC0]  }
0x1c7: {  	v30 =	vadd.f32 v20, v9;
	v29 =	vadd.f32 v21, v20;
	v20 =	vld [tilespmem:s13+$0xFFFFFF20]  }
0x1c8: {  	v59 =	vadd.f32 v22, v23;
	v21 =	vld [tilespmem:s13+$0xFFFFFF30]  }
0x1c9: {  	v22 =	vld [tilespmem:s13+$0xFFFFFF40];
	v60 =	vmul.f32 $2.000000030e-01, v30;
	v45 =	vpop (erf)  }
0x1ca: {  	v61 =	vadd.f32 v23, v9;
	v23 =	vld [tilespmem:s13+$0xFFFFFF50];
	v62 =	vmul.f32 $2.000000030e-01, v59;
	v27 =	vperm.xlane v45, v1  }
0x1cb: {  	v13 =	vld [tilespmem:s25+$0xFFFFFFB0];
	v28 =	vperm.xlane v45, v8;
	v26 =	vperm.xlane v45, v2  }
0x1cc: {  	v14 =	vld [tilespmem:s13+$0xFFFFFEF0];
	v25 =	vperm.xlane v45, v3;
	v38 =	vperm.xlane v45, v4  }
0x1cd: {  	v15 =	vld [tilespmem:s13+$0xFFFFFF00];
	v57 =	vpop (erf);
	v31 =	vmul.f32 v18, v28;
	v28 =	vmul.f32 $2.000000030e-01, v29  }
0x1ce: {  	v12 =	vld [tilespmem:s25+$0xFFFFFFA0];
	v39 =	vperm.xlane v45, v7;
	v58 =	vperm.xlane v57, v1  }
0x1cf: {  	v10 =	vld [tilespmem:s25+$0xFFFFFFC0];
	v48 =	vperm.xlane v57, v2;
	v28 =	vmax.f32 v29, v28;
	v29 =	vmax.f32 v30, v60  }
0x1d0: {  	v11 =	vld [tilespmem:s25+$0xFFFFFFD0];
	v49 =	vperm.xlane v57, v3;
	v30 =	vmul.f32 $2.000000030e-01, v61;
	v36 =	vsub.f32 v28, v29  }
0x1d1: {  	v32 =	vmax.f32 v59, v62;
	v18 =	vld [tilespmem:s13+$0xFFFFFF10];
	v50 =	vperm.xlane v57, v4;
	v51 =	vperm.xlane v57, v5  }
0x1d2: {  	v52 =	vperm.xlane v57, v6;
	[tilespmem:s25+$0xFFFFFFF0] =	vst v31;
	v31 =	vld [tilespmem:s13+$0xFFFFFFB0];
	v37 =	vmax.f32 v61, v30;
	v36 =	vmul.f32 $1.442695020e+00, v36  }
0x1d3: {  	v53 =	vperm.xlane v57, v7;
	v40 =	vperm.xlane v57, v8;
	v28 =	vld [tilespmem:s13+$0xFFFFFF60];
	v63 =	vsub.f32 v32, v37  }
0x1d4: {  	v55 =	vmul.f32 v33, v58;
	v29 =	vld [tilespmem:s13+$0xFFFFFF80];
	(erf) = vpow2.f32 v36  }
0x1d5: {  	v48 =	vmul.f32 v34, v48;
	v30 =	vld [tilespmem:s13+$0xFFFFFF90];
	v54 =	vmul.f32 $1.442695020e+00, v63  }
0x1d6: {  	[tilespmem:s25+$0x0] =	vst v45;
	v46 =	vmul.f32 v41, v49;
	v43 =	vmul.f32 v43, v51;
	v32 =	vld [tilespmem:s13+$0xFFFFFFA0]  }
0x1d7: {  	[tilespmem:s25+$0xFFFFFF70] =	vst v57;
	v33 =	vld [tilespmem:s13+$0xFFFFFFD0];
	v44 =	vmul.f32 v44, v52;
	(erf) = vpow2.f32 v54  }
0x1d8: {  	v34 =	vld [tilespmem:s13+$0xFFFFFFE0];
	[tilespmem:s25+$0xFFFFFEF0] =	vst v55;
	v37 =	vperm.xlane v45, v5;
	v36 =	vperm.xlane v45, v6  }
0x1d9: {  	s15 =	simm.s32 $0x7DB0;
	s30 =	simm.s32 $0x5A10;
	s14 =	simm.s32 $0x34;
	v41 =	vld [tilespmem:s13+$0xFFFFFFF0];
	[tilespmem:s25+$0xFFFFFF00] =	vst v48;
	v45 =	vmul.f32 v42, v50;
	v42 =	vmul.f32 v47, v53  }
.LBB2_13:
0x1da: {  	v47 =	vld [tilespmem:s15+$0x0];
	s13 =	sadd.s32 $0x120, s13;
	[tilespmem:s25+$0xFFFFFF10] =	vst v46;
	v40 =	vmul.f32 v16, v40;
	v46 =	vmul.f32 v19, v27;
	v16 =	vmovc v28;
	v19 =	vmov v29  }
0x1db: {  	s14 =	sadd.s32 $0x2, s14;
	v29 =	vmul.f32 v17, v26;
	v17 =	vmovc v30;
	v28 =	vld [tilespmem:s13+$0x0];
	[tilespmem:s25+$0xFFFFFF20] =	vst v45;
	v45 =	vmul.f32 v12, v25;
	v12 =	vmov v32  }
0x1dc: {  	v37 =	vmul.f32 v10, v37;
	v10 =	vmovc v35;
	p2 =	slt.u32 s14, $0x62;
	v32 =	vmul.f32 v13, v38;
	v13 =	vmov v31;
	v30 =	vld [tilespmem:s13+$0xFFFFFF70];
	[tilespmem:s25+$0xFFFFFF30] =	vst v43  }
0x1dd: {  	v35 =	vmul.f32 v11, v36;
	v36 =	vmul.f32 v24, v39;
	v11 =	vmov v33;
	v31 =	vld [tilespmem:s15+$0xFFFFFFF0];
	v43 =	vpop (erf);
	[tilespmem:s25+$0xFFFFFF40] =	vst v44  }
0x1de: {  	v24 =	vmov v34;
	v44 =	vld [tilespmem:s13+$0xFFFFFEF0];
	v27 =	vperm.xlane v43, v1;
	v33 =	vperm.xlane v43, v8;
	[tilespmem:s25+$0xFFFFFF50] =	vst v42  }
0x1df: {  	v26 =	vperm.xlane v43, v2;
	v25 =	vperm.xlane v43, v3;
	v34 =	vld [tilespmem:s13+$0xFFFFFF00];
	[tilespmem:s25+$0xFFFFFF60] =	vst v40  }
0x1e0: {  	v38 =	vadd.f32 v47, v9;
	v42 =	vld [tilespmem:s13+$0xFFFFFF10];
	v28 =	vadd.f32 v28, v47;
	v33 =	vmul.f32 v41, v33;
	v39 =	vpop (erf);
	[tilespmem:s25+$0xFFFFFF80] =	vst v46  }
0x1e1: {  	v41 =	vld [tilespmem:s13+$0xFFFFFF20];
	v46 =	vperm.xlane v39, v1;
	v47 =	vperm.xlane v39, v2;
	[tilespmem:s25+$0xFFFFFF90] =	vst v29  }
0x1e2: {  	v40 =	vmul.f32 $2.000000030e-01, v38;
	v29 =	vadd.f32 v30, v31;
	v48 =	vld [tilespmem:s13+$0xFFFFFF30];
	v30 =	vmul.f32 $2.000000030e-01, v28;
	[tilespmem:s30+$0xFFFFFFF0] =	vst v33  }
0x1e3: {  	v50 =	vperm.xlane v39, v3;
	v51 =	vperm.xlane v39, v4;
	v31 =	vadd.f32 v31, v9;
	v49 =	vld [tilespmem:s13+$0xFFFFFF40];
	[tilespmem:s25+$0xFFFFFFA0] =	vst v45  }
0x1e4: {  	v38 =	vmax.f32 v38, v40;
	v33 =	vmul.f32 $2.000000030e-01, v29;
	v52 =	vld [tilespmem:s13+$0xFFFFFF50];
	v30 =	vmax.f32 v28, v30;
	[tilespmem:s25+$0xFFFFFFB0] =	vst v32  }
0x1e5: {  	v53 =	vperm.xlane v39, v5;
	v32 =	vmul.f32 $2.000000030e-01, v31;
	v28 =	vld [tilespmem:s13+$0xFFFFFF60];
	v30 =	vsub.f32 v30, v38;
	[tilespmem:s25+$0xFFFFFFC0] =	vst v37  }
0x1e6: {  	v54 =	vperm.xlane v39, v6;
	v55 =	vperm.xlane v39, v7;
	v33 =	vmax.f32 v29, v33;
	v29 =	vld [tilespmem:s13+$0xFFFFFF80];
	[tilespmem:s25+$0xFFFFFFD0] =	vst v35  }
0x1e7: {  	v40 =	vperm.xlane v39, v8;
	v31 =	vmax.f32 v31, v32;
	v35 =	vmul.f32 $1.442695020e+00, v30;
	v30 =	vld [tilespmem:s13+$0xFFFFFF90];
	[tilespmem:s25+$0xFFFFFFE0] =	vst v36;
	s25 =	smov.u32 s30;
	s30 =	smov.u32 s13  }
0x1e8: {  	v38 =	vperm.xlane v43, v4;
	v37 =	vperm.xlane v43, v5;
	v33 =	vsub.f32 v33, v31;
	v32 =	vld [tilespmem:s13+$0xFFFFFFA0];
	[tilespmem:s25+$0xFFFFFF70] =	vst v39  }
0x1e9: {  	v36 =	vperm.xlane v43, v6;
	v31 =	vld [tilespmem:s13+$0xFFFFFFB0];
	(erf) = vpow2.f32 v35;
	[tilespmem:s25+$0x0] =	vst v43  }
.Ltmp6:
0x1ea: {  	v39 =	vperm.xlane v43, v7;
	v45 =	vmul.f32 $1.442695020e+00, v33;
	v35 =	vld [tilespmem:s13+$0xFFFFFFC0];
	(pc) =	sbr.rel @p2 .LBB2_13-.Ltmp6, $4  }
0x1eb: {  	v47 =	vmul.f32 v15, v47;
	v15 =	vmovc v34;
	v43 =	vmul.f32 v14, v46;
	v14 =	vmov v44;
	v33 =	vld [tilespmem:s13+$0xFFFFFFD0]  }
0x1ec: {  	v46 =	vmul.f32 v18, v50;
	v18 =	vmov v42;
	v34 =	vld [tilespmem:s13+$0xFFFFFFE0];
	(erf) = vpow2.f32 v45  }
0x1ed: {  	v45 =	vmul.f32 v20, v51;
	v20 =	vmovc v41;
	[tilespmem:s25+$0xFFFFFEF0] =	vst v43;
	v43 =	vmul.f32 v21, v53;
	v21 =	vmov v48  }
0x1ee: {  	s15 =	sadd.s32 $0x20, s15;
	v44 =	vmul.f32 v22, v54;
	v42 =	vmul.f32 v23, v55;
	v22 =	vmovc v49;
	v23 =	vmov v52;
	v41 =	vld [tilespmem:s13+$0xFFFFFFF0];
	[tilespmem:s25+$0xFFFFFF00] =	vst v47  }
0x1ef: {  	[tilespmem:s25+$0xFFFFFF10] =	vst v46  }
0x1f0: {  	[tilespmem:s25+$0xFFFFFF20] =	vst v45  }
0x1f1: {  	[tilespmem:s25+$0xFFFFFF30] =	vst v43  }
0x1f2: {  	v16 =	vmul.f32 v16, v40;
	[tilespmem:s25+$0xFFFFFF40] =	vst v44  }
0x1f3: {  	v19 =	vmul.f32 v19, v27;
	[tilespmem:s25+$0xFFFFFF50] =	vst v42  }
0x1f4: {  	v17 =	vmul.f32 v17, v26;
	[tilespmem:s25+$0xFFFFFF60] =	vst v16  }
0x1f5: {  	v12 =	vmul.f32 v12, v25;
	[tilespmem:s25+$0xFFFFFF80] =	vst v19  }
0x1f6: {  	v13 =	vmul.f32 v13, v38;
	[tilespmem:s25+$0xFFFFFF90] =	vst v17  }
0x1f7: {  	v10 =	vmul.f32 v10, v37;
	[tilespmem:s25+$0xFFFFFFA0] =	vst v12  }
0x1f8: {  	v11 =	vmul.f32 v11, v36;
	[tilespmem:s25+$0xFFFFFFB0] =	vst v13  }
0x1f9: {  	v12 =	vmul.f32 v24, v39;
	[tilespmem:s25+$0xFFFFFFC0] =	vst v10;
	v56 =	vpop (erf)  }
0x1fa: {  	[tilespmem:s25+$0xFFFFFFD0] =	vst v11;
	v27 =	vperm.xlane v56, v8;
	v13 =	vpop (erf)  }
0x1fb: {  	[tilespmem:s25+$0xFFFFFFE0] =	vst v12;
	v10 =	vperm.xlane v13, v1  }
0x1fc: {  	[tilespmem:s30+$0x0] =	vst v56;
	v16 =	vmul.f32 v41, v27;
	v11 =	vperm.xlane v13, v2  }
0x1fd: {  	v12 =	vperm.xlane v13, v3;
	[tilespmem:s30+$0xFFFFFF70] =	vst v13;
	v10 =	vmul.f32 v14, v10  }
0x1fe: {  	[tilespmem:s30+$0xFFFFFFF0] =	vst v16;
	v14 =	vperm.xlane v13, v4;
	v11 =	vmul.f32 v15, v11  }
0x1ff: {  	v15 =	vperm.xlane v13, v5;
	v12 =	vmul.f32 v18, v12;
	[tilespmem:s30+$0xFFFFFEF0] =	vst v10  }
0x200: {  	v10 =	vperm.xlane v13, v6;
	v14 =	vmul.f32 v20, v14;
	[tilespmem:s30+$0xFFFFFF00] =	vst v11  }
0x201: {  	v11 =	vperm.xlane v13, v7;
	v15 =	vmul.f32 v21, v15;
	[tilespmem:s30+$0xFFFFFF10] =	vst v12  }
0x202: {  	v12 =	vperm.xlane v13, v8;
	v10 =	vmul.f32 v22, v10;
	[tilespmem:s30+$0xFFFFFF20] =	vst v14  }
0x203: {  	v13 =	vperm.xlane v56, v1;
	v11 =	vmul.f32 v23, v11;
	[tilespmem:s30+$0xFFFFFF30] =	vst v15  }
0x204: {  	v14 =	vperm.xlane v56, v2;
	v12 =	vmul.f32 v28, v12;
	[tilespmem:s30+$0xFFFFFF40] =	vst v10  }
0x205: {  	v13 =	vmul.f32 v29, v13;
	v10 =	vperm.xlane v56, v3;
	[tilespmem:s30+$0xFFFFFF50] =	vst v11  }
0x206: {  	v11 =	vperm.xlane v56, v4;
	v14 =	vmul.f32 v30, v14;
	[tilespmem:s30+$0xFFFFFF60] =	vst v12  }
0x207: {  	v12 =	vperm.xlane v56, v5;
	[tilespmem:s30+$0xFFFFFF80] =	vst v13;
	v10 =	vmul.f32 v32, v10  }
0x208: {  	v13 =	vperm.xlane v56, v6;
	v11 =	vmul.f32 v31, v11;
	[tilespmem:s30+$0xFFFFFF90] =	vst v14  }
0x209: {  	v14 =	vperm.xlane v56, v7;
	v12 =	vmul.f32 v35, v12;
	[tilespmem:s30+$0xFFFFFFA0] =	vst v10  }
0x20a: {  	v10 =	vmul.f32 v33, v13;
	[tilespmem:s30+$0xFFFFFFB0] =	vst v11  }
0x20b: {  	v11 =	vmul.f32 v34, v14;
	[tilespmem:s30+$0xFFFFFFC0] =	vst v12  }
0x20c: {  	[tilespmem:s30+$0xFFFFFFD0] =	vst v10  }
0x20d: {  	[tilespmem:s30+$0xFFFFFFE0] =	vst v11  }
0x20e: {  	[spmem:s2] =	stream.indirect.scatter.add.f32 [tilespmem:s18], [sflag:$0x4], $0x90, s8, s3, $0xb8;
	[tilespmem:$0x1E100] =	vst v63  }
0x20f: {  	_ =	swait.ge [sflag:s22], $0x1C20  }
0x210: {  	[sflag:s22] =	ssyncset.done $0x0  }
0x211: {  	[sflag:s22] =	ssyncadd.s32 $0xFFFFE3E0  }
0x212: {  	_ =	swait.ge [sflag:s22], $0x1C20  }
0x213: {  	[sflag:s22] =	ssyncset.done $0x0  }
0x214: {  	[sflag:s22] =	ssyncadd.s32 $0xFFFFE3E0  }
0x215: {  	_ =	swait.ge [sflag:s17], $0xE0  }
0x216: {  	[sflag:s17] =	ssyncset.done $0x0  }
0x217: {  	[sflag:s17] =	ssyncadd.s32 $0xFFFFFF20  }
0x218: {  	v10 =	vld [tilespmem:$0x310]  }
0x219: {  	v11 =	vld [tilespmem:$0x342]  }
0x21a: {  	v12 =	vld [tilespmem:$0x320]  }
0x21b: {  	v13 =	vld [tilespmem:$0x352]  }
0x21c: {  	v14 =	vld [tilespmem:$0x330]  }
0x21d: {  	[tilespmem:$0x80F0] =	vst v10;
	v10 =	vld [tilespmem:$0x362]  }
0x21e: {  	[tilespmem:$0x8128] =	vst v11;
	v11 =	vld [tilespmem:$0x332]  }
0x21f: {  	[tilespmem:$0x8100] =	vst v12;
	v12 =	vld [tilespmem:$0x364]  }
0x220: {  	[tilespmem:$0x8138] =	vst v13  }
0x221: {  	[tilespmem:$0x8110] =	vst v14  }
0x222: {  	[tilespmem:$0x8148] =	vst v10  }
0x223: {  	[tilespmem:$0x8112] =	vst v11  }
0x224: {  	s13 =	simm.s32 $0x2A0;
	[tilespmem:$0x814A] =	vst v12  }
0x225: {  	[tilespmem:s0], [sflag:$0x2] =	stream.indirect.gather [hbm4b:s6+s28], $0x90, s13, s28, $0xb8;
	[tilespmem:$0x1E100] =	vst v63  }
0x226: {  	s25 =	simm.s32 $0x310  }
0x227: {  	[tilespmem:s29], [sflag:$0x2] =	stream.indirect.gather [hbm4b:s5+s28], $0x10, s25, s28, $0xb8;
	[tilespmem:$0x1E100] =	vst v63  }
0x228: {  	_ =	swait.ge [sflag:s4], $0x3840  }
0x229: {  	[sflag:s4] =	ssyncset.done $0x0  }
0x22a: {  	[sflag:s4] =	ssyncadd.s32 $0xFFFFC7C0  }
0x22b: {  	_ =	swait.ge [sflag:s4], $0x640  }
0x22c: {  	s13 =	rddreg [dreg:$0xc]  }
0x22d: {  	s13 =	sadd.s32 @!p1 s13, s24  }
0x22e: {  	s13 =	smul.u32 @!p1 $0x1C, s13  }
0x22f: {  	s14 =	simm.s32 @!p1 $0x0;
	[sflag:s4] =	ssyncset.done $0x0  }
0x230: {  	s15 =	simm.s32 @!p1 $0xE0;
	[sflag:s4] =	ssyncadd.s32 $0xFFFFF9C0;
	s13 =	sadd.s32 @!p1 s1, s13  }
0x231: {  	[tilespmem:s15], [sflag:$0x6] =	stream.linear.gather @!p1 [hbm4b:s13+s14], $0xE0, $0x38;
	[tilespmem:$0x1E100] =	vst v63  }
0x232: {  	s14 =	simm.s32 $0x7410  }
0x233: {  	s25 =	simm.s32 $0x410;
	v10 =	vld [tilespmem:s14+$0x0]  }
0x234: {  	v11 =	vld [tilespmem:s25+$0x80];
	_ =	sdelay $0x1  }
0x235: {  	v12 =	vld [tilespmem:s25+$0xFFFFFFF0]  }
0x236: {  	v13 =	vld [tilespmem:s14+$0xFFFFFFF0]  }
0x237: {  	v33 =	vld [tilespmem:s25+$0xFFFFFF70]  }
0x238: {  	v34 =	vld [tilespmem:s25+$0xFFFFFF80];
	v11 =	vadd.f32 v11, v10;
	v10 =	vadd.f32 v10, v9  }
0x239: {  	v41 =	vld [tilespmem:s25+$0xFFFFFF90]  }
0x23a: {  	v42 =	vld [tilespmem:s25+$0xFFFFFFA0];
	v14 =	vmul.f32 $2.000000030e-01, v11;
	v15 =	vmul.f32 $2.000000030e-01, v10  }
0x23b: {  	v43 =	vld [tilespmem:s25+$0xFFFFFFB0];
	v12 =	vadd.f32 v12, v13  }
0x23c: {  	v44 =	vld [tilespmem:s25+$0xFFFFFFC0];
	v13 =	vadd.f32 v13, v9;
	v11 =	vmax.f32 v11, v14;
	v10 =	vmax.f32 v10, v15  }
0x23d: {  	v47 =	vld [tilespmem:s25+$0xFFFFFFD0];
	v10 =	vsub.f32 v11, v10  }
0x23e: {  	v16 =	vld [tilespmem:s25+$0xFFFFFFE0];
	v14 =	vmul.f32 $2.000000030e-01, v12;
	v15 =	vmul.f32 $2.000000030e-01, v13  }
0x23f: {  	v19 =	vld [tilespmem:s25+$0x0];
	v10 =	vmul.f32 $1.442695020e+00, v10  }
0x240: {  	s15 =	simm.s32 $0x7430;
	v17 =	vld [tilespmem:s25+$0x10];
	v11 =	vmax.f32 v12, v14;
	v12 =	vmax.f32 v13, v15  }
0x241: {  	s13 =	simm.s32 $0x530;
	v20 =	vld [tilespmem:s15+$0x0];
	v11 =	vsub.f32 v11, v12;
	(erf) = vpow2.f32 v10  }
0x242: {  	v21 =	vld [tilespmem:s13+$0x80]  }
0x243: {  	v22 =	vld [tilespmem:s13+$0xFFFFFFF0];
	v11 =	vmul.f32 $1.442695020e+00, v11  }
0x244: {  	v23 =	vld [tilespmem:s15+$0xFFFFFFF0]  }
0x245: {  	v18 =	vld [tilespmem:s25+$0x70];
	(erf) = vpow2.f32 v11  }
0x246: {  	v24 =	vld [tilespmem:s25+$0x60]  }
0x247: {  	v35 =	vld [tilespmem:s13+$0x40]  }
0x248: {  	v29 =	vadd.f32 v21, v20;
	v30 =	vadd.f32 v20, v9;
	v20 =	vld [tilespmem:s13+$0xFFFFFFA0]  }
0x249: {  	v59 =	vadd.f32 v22, v23;
	v21 =	vld [tilespmem:s13+$0xFFFFFFB0]  }
0x24a: {  	v22 =	vld [tilespmem:s13+$0xFFFFFFC0];
	v60 =	vmul.f32 $2.000000030e-01, v30;
	v45 =	vpop (erf)  }
0x24b: {  	v61 =	vadd.f32 v23, v9;
	v23 =	vld [tilespmem:s13+$0xFFFFFFD0];
	v62 =	vmul.f32 $2.000000030e-01, v59;
	v27 =	vperm.xlane v45, v1  }
0x24c: {  	v13 =	vld [tilespmem:s25+$0x30];
	v28 =	vperm.xlane v45, v8;
	v26 =	vperm.xlane v45, v2  }
0x24d: {  	v14 =	vld [tilespmem:s13+$0xFFFFFF70];
	v25 =	vperm.xlane v45, v3;
	v38 =	vperm.xlane v45, v4  }
0x24e: {  	v15 =	vld [tilespmem:s13+$0xFFFFFF80];
	v57 =	vpop (erf);
	v31 =	vmul.f32 v18, v28;
	v28 =	vmul.f32 $2.000000030e-01, v29  }
0x24f: {  	v12 =	vld [tilespmem:s25+$0x20];
	v39 =	vperm.xlane v45, v7;
	v58 =	vperm.xlane v57, v1  }
0x250: {  	v10 =	vld [tilespmem:s25+$0x40];
	v48 =	vperm.xlane v57, v2;
	v28 =	vmax.f32 v29, v28;
	v29 =	vmax.f32 v30, v60  }
0x251: {  	v11 =	vld [tilespmem:s25+$0x50];
	v49 =	vperm.xlane v57, v3;
	v30 =	vmul.f32 $2.000000030e-01, v61;
	v36 =	vsub.f32 v28, v29  }
0x252: {  	v32 =	vmax.f32 v59, v62;
	v18 =	vld [tilespmem:s13+$0xFFFFFF90];
	v50 =	vperm.xlane v57, v4;
	v51 =	vperm.xlane v57, v5  }
0x253: {  	v52 =	vperm.xlane v57, v6;
	[tilespmem:s25+$0x70] =	vst v31;
	v31 =	vld [tilespmem:s13+$0x30];
	v37 =	vmax.f32 v61, v30;
	v36 =	vmul.f32 $1.442695020e+00, v36  }
0x254: {  	v53 =	vperm.xlane v57, v7;
	v40 =	vperm.xlane v57, v8;
	v28 =	vld [tilespmem:s13+$0xFFFFFFE0];
	v63 =	vsub.f32 v32, v37  }
0x255: {  	v55 =	vmul.f32 v33, v58;
	v29 =	vld [tilespmem:s13+$0x0];
	(erf) = vpow2.f32 v36  }
0x256: {  	v48 =	vmul.f32 v34, v48;
	v30 =	vld [tilespmem:s13+$0x10];
	v54 =	vmul.f32 $1.442695020e+00, v63  }
0x257: {  	[tilespmem:s25+$0x80] =	vst v45;
	v46 =	vmul.f32 v41, v49;
	v43 =	vmul.f32 v43, v51;
	v32 =	vld [tilespmem:s13+$0x20]  }
0x258: {  	[tilespmem:s25+$0xFFFFFFF0] =	vst v57;
	v33 =	vld [tilespmem:s13+$0x50];
	v44 =	vmul.f32 v44, v52;
	(erf) = vpow2.f32 v54  }
0x259: {  	v34 =	vld [tilespmem:s13+$0x60];
	[tilespmem:s25+$0xFFFFFF70] =	vst v55;
	v37 =	vperm.xlane v45, v5;
	v36 =	vperm.xlane v45, v6  }
0x25a: {  	s30 =	simm.s32 $0x530;
	s14 =	simm.s32 $0x2;
	s15 =	simm.s32 $0x7450;
	v41 =	vld [tilespmem:s13+$0x70];
	[tilespmem:s25+$0xFFFFFF80] =	vst v48;
	v45 =	vmul.f32 v42, v50;
	v42 =	vmul.f32 v47, v53  }
.LBB2_15:
0x25b: {  	v47 =	vld [tilespmem:s15+$0x0];
	s13 =	sadd.s32 $0x120, s13;
	[tilespmem:s25+$0xFFFFFF90] =	vst v46;
	v40 =	vmul.f32 v16, v40;
	v46 =	vmul.f32 v19, v27;
	v16 =	vmovc v28;
	v19 =	vmov v29  }
0x25c: {  	s14 =	sadd.s32 $0x2, s14;
	v29 =	vmul.f32 v17, v26;
	v17 =	vmovc v30;
	v28 =	vld [tilespmem:s13+$0x80];
	[tilespmem:s25+$0xFFFFFFA0] =	vst v45;
	v45 =	vmul.f32 v12, v25;
	v12 =	vmov v32  }
0x25d: {  	v37 =	vmul.f32 v10, v37;
	v10 =	vmovc v35;
	p2 =	slt.u32 s14, $0x30;
	v32 =	vmul.f32 v13, v38;
	v13 =	vmov v31;
	v30 =	vld [tilespmem:s13+$0xFFFFFFF0];
	[tilespmem:s25+$0xFFFFFFB0] =	vst v43  }
0x25e: {  	v35 =	vmul.f32 v11, v36;
	v36 =	vmul.f32 v24, v39;
	v11 =	vmov v33;
	v31 =	vld [tilespmem:s15+$0xFFFFFFF0];
	v43 =	vpop (erf);
	[tilespmem:s25+$0xFFFFFFC0] =	vst v44  }
0x25f: {  	v24 =	vmov v34;
	v44 =	vld [tilespmem:s13+$0xFFFFFF70];
	v27 =	vperm.xlane v43, v1;
	v33 =	vperm.xlane v43, v8;
	[tilespmem:s25+$0xFFFFFFD0] =	vst v42  }
0x260: {  	v26 =	vperm.xlane v43, v2;
	v25 =	vperm.xlane v43, v3;
	v34 =	vld [tilespmem:s13+$0xFFFFFF80];
	[tilespmem:s25+$0xFFFFFFE0] =	vst v40  }
0x261: {  	v38 =	vadd.f32 v47, v9;
	v42 =	vld [tilespmem:s13+$0xFFFFFF90];
	v28 =	vadd.f32 v28, v47;
	v33 =	vmul.f32 v41, v33;
	v39 =	vpop (erf);
	[tilespmem:s25+$0x0] =	vst v46  }
0x262: {  	v41 =	vld [tilespmem:s13+$0xFFFFFFA0];
	v46 =	vperm.xlane v39, v1;
	v47 =	vperm.xlane v39, v2;
	[tilespmem:s25+$0x10] =	vst v29  }
0x263: {  	v40 =	vmul.f32 $2.000000030e-01, v38;
	v29 =	vadd.f32 v30, v31;
	v48 =	vld [tilespmem:s13+$0xFFFFFFB0];
	v30 =	vmul.f32 $2.000000030e-01, v28;
	[tilespmem:s30+$0x70] =	vst v33  }
0x264: {  	v50 =	vperm.xlane v39, v3;
	v51 =	vperm.xlane v39, v4;
	v31 =	vadd.f32 v31, v9;
	v49 =	vld [tilespmem:s13+$0xFFFFFFC0];
	[tilespmem:s25+$0x20] =	vst v45  }
0x265: {  	v38 =	vmax.f32 v38, v40;
	v33 =	vmul.f32 $2.000000030e-01, v29;
	v52 =	vld [tilespmem:s13+$0xFFFFFFD0];
	v30 =	vmax.f32 v28, v30;
	[tilespmem:s25+$0x30] =	vst v32  }
0x266: {  	v53 =	vperm.xlane v39, v5;
	v32 =	vmul.f32 $2.000000030e-01, v31;
	v28 =	vld [tilespmem:s13+$0xFFFFFFE0];
	v30 =	vsub.f32 v30, v38;
	[tilespmem:s25+$0x40] =	vst v37  }
0x267: {  	v54 =	vperm.xlane v39, v6;
	v55 =	vperm.xlane v39, v7;
	v33 =	vmax.f32 v29, v33;
	v29 =	vld [tilespmem:s13+$0x0];
	[tilespmem:s25+$0x50] =	vst v35  }
0x268: {  	v40 =	vperm.xlane v39, v8;
	v31 =	vmax.f32 v31, v32;
	v35 =	vmul.f32 $1.442695020e+00, v30;
	v30 =	vld [tilespmem:s13+$0x10];
	[tilespmem:s25+$0x60] =	vst v36;
	s25 =	smov.u32 s30;
	s30 =	smov.u32 s13  }
0x269: {  	v38 =	vperm.xlane v43, v4;
	v37 =	vperm.xlane v43, v5;
	v33 =	vsub.f32 v33, v31;
	v32 =	vld [tilespmem:s13+$0x20];
	[tilespmem:s25+$0xFFFFFFF0] =	vst v39  }
0x26a: {  	v36 =	vperm.xlane v43, v6;
	v31 =	vld [tilespmem:s13+$0x30];
	(erf) = vpow2.f32 v35;
	[tilespmem:s25+$0x80] =	vst v43  }
.Ltmp7:
0x26b: {  	v39 =	vperm.xlane v43, v7;
	v45 =	vmul.f32 $1.442695020e+00, v33;
	v35 =	vld [tilespmem:s13+$0x40];
	(pc) =	sbr.rel @p2 .LBB2_15-.Ltmp7, $4  }
0x26c: {  	v47 =	vmul.f32 v15, v47;
	v15 =	vmovc v34;
	v43 =	vmul.f32 v14, v46;
	v14 =	vmov v44;
	v33 =	vld [tilespmem:s13+$0x50]  }
0x26d: {  	v46 =	vmul.f32 v18, v50;
	v18 =	vmov v42;
	v34 =	vld [tilespmem:s13+$0x60];
	(erf) = vpow2.f32 v45  }
0x26e: {  	v45 =	vmul.f32 v20, v51;
	v20 =	vmovc v41;
	[tilespmem:s25+$0xFFFFFF70] =	vst v43;
	v43 =	vmul.f32 v21, v53;
	v21 =	vmov v48  }
0x26f: {  	s15 =	sadd.s32 $0x20, s15;
	v44 =	vmul.f32 v22, v54;
	v42 =	vmul.f32 v23, v55;
	v22 =	vmovc v49;
	v23 =	vmov v52;
	v41 =	vld [tilespmem:s13+$0x70];
	[tilespmem:s25+$0xFFFFFF80] =	vst v47  }
0x270: {  	[tilespmem:s25+$0xFFFFFF90] =	vst v46  }
0x271: {  	[tilespmem:s25+$0xFFFFFFA0] =	vst v45  }
0x272: {  	[tilespmem:s25+$0xFFFFFFB0] =	vst v43  }
0x273: {  	v16 =	vmul.f32 v16, v40;
	[tilespmem:s25+$0xFFFFFFC0] =	vst v44  }
0x274: {  	v19 =	vmul.f32 v19, v27;
	[tilespmem:s25+$0xFFFFFFD0] =	vst v42  }
0x275: {  	v17 =	vmul.f32 v17, v26;
	[tilespmem:s25+$0xFFFFFFE0] =	vst v16  }
0x276: {  	v12 =	vmul.f32 v12, v25;
	[tilespmem:s25+$0x0] =	vst v19  }
0x277: {  	v13 =	vmul.f32 v13, v38;
	[tilespmem:s25+$0x10] =	vst v17  }
0x278: {  	v10 =	vmul.f32 v10, v37;
	[tilespmem:s25+$0x20] =	vst v12  }
0x279: {  	v11 =	vmul.f32 v11, v36;
	[tilespmem:s25+$0x30] =	vst v13  }
0x27a: {  	v12 =	vmul.f32 v24, v39;
	[tilespmem:s25+$0x40] =	vst v10;
	v56 =	vpop (erf)  }
0x27b: {  	[tilespmem:s25+$0x50] =	vst v11;
	v27 =	vperm.xlane v56, v8;
	v13 =	vpop (erf)  }
0x27c: {  	[tilespmem:s25+$0x60] =	vst v12;
	v10 =	vperm.xlane v13, v1  }
0x27d: {  	[tilespmem:s30+$0x80] =	vst v56;
	v16 =	vmul.f32 v41, v27;
	v11 =	vperm.xlane v13, v2  }
0x27e: {  	v12 =	vperm.xlane v13, v3;
	[tilespmem:s30+$0xFFFFFFF0] =	vst v13;
	v10 =	vmul.f32 v14, v10  }
0x27f: {  	[tilespmem:s30+$0x70] =	vst v16;
	v14 =	vperm.xlane v13, v4;
	v11 =	vmul.f32 v15, v11  }
0x280: {  	v15 =	vperm.xlane v13, v5;
	v12 =	vmul.f32 v18, v12;
	[tilespmem:s30+$0xFFFFFF70] =	vst v10  }
0x281: {  	v10 =	vperm.xlane v13, v6;
	v14 =	vmul.f32 v20, v14;
	[tilespmem:s30+$0xFFFFFF80] =	vst v11  }
0x282: {  	v11 =	vperm.xlane v13, v7;
	v15 =	vmul.f32 v21, v15;
	[tilespmem:s30+$0xFFFFFF90] =	vst v12  }
0x283: {  	v12 =	vperm.xlane v13, v8;
	v10 =	vmul.f32 v22, v10;
	[tilespmem:s30+$0xFFFFFFA0] =	vst v14  }
0x284: {  	v13 =	vperm.xlane v56, v1;
	v11 =	vmul.f32 v23, v11;
	[tilespmem:s30+$0xFFFFFFB0] =	vst v15  }
0x285: {  	v14 =	vperm.xlane v56, v2;
	v12 =	vmul.f32 v28, v12;
	[tilespmem:s30+$0xFFFFFFC0] =	vst v10  }
0x286: {  	v13 =	vmul.f32 v29, v13;
	v10 =	vperm.xlane v56, v3;
	[tilespmem:s30+$0xFFFFFFD0] =	vst v11  }
0x287: {  	v11 =	vperm.xlane v56, v4;
	v14 =	vmul.f32 v30, v14;
	[tilespmem:s30+$0xFFFFFFE0] =	vst v12  }
0x288: {  	v12 =	vperm.xlane v56, v5;
	[tilespmem:s30+$0x0] =	vst v13;
	v10 =	vmul.f32 v32, v10  }
0x289: {  	v13 =	vperm.xlane v56, v6;
	v11 =	vmul.f32 v31, v11;
	[tilespmem:s30+$0x10] =	vst v14  }
0x28a: {  	v14 =	vperm.xlane v56, v7;
	v12 =	vmul.f32 v35, v12;
	[tilespmem:s30+$0x20] =	vst v10  }
0x28b: {  	v10 =	vmul.f32 v33, v13;
	[tilespmem:s30+$0x30] =	vst v11  }
0x28c: {  	v11 =	vmul.f32 v34, v14;
	[tilespmem:s30+$0x40] =	vst v12  }
0x28d: {  	[tilespmem:s30+$0x50] =	vst v10  }
0x28e: {  	s13 =	simm.s32 $0x7730;
	[tilespmem:s30+$0x60] =	vst v11  }
0x28f: {  	[spmem:s2] =	stream.indirect.scatter.add.f32 [tilespmem:s20], [sflag:$0x3], $0x90, s7, s3, $0xb8;
	[tilespmem:$0x1E100] =	vst v63  }
0x290: {  	s25 =	simm.s32 $0x20B0;
	v10 =	vld [tilespmem:s13+$0x0]  }
0x291: {  	v11 =	vld [tilespmem:s25+$0x0];
	_ =	sdelay $0x1  }
0x292: {  	v12 =	vld [tilespmem:s25+$0xFFFFFF70]  }
0x293: {  	v13 =	vld [tilespmem:s13+$0xFFFFFFF0]  }
0x294: {  	v33 =	vld [tilespmem:s25+$0xFFFFFEF0]  }
0x295: {  	v34 =	vld [tilespmem:s25+$0xFFFFFF00];
	v11 =	vadd.f32 v11, v10;
	v10 =	vadd.f32 v10, v9  }
0x296: {  	v41 =	vld [tilespmem:s25+$0xFFFFFF10]  }
0x297: {  	v42 =	vld [tilespmem:s25+$0xFFFFFF20];
	v14 =	vmul.f32 $2.000000030e-01, v11;
	v15 =	vmul.f32 $2.000000030e-01, v10  }
0x298: {  	v43 =	vld [tilespmem:s25+$0xFFFFFF30];
	v12 =	vadd.f32 v12, v13  }
0x299: {  	v44 =	vld [tilespmem:s25+$0xFFFFFF40];
	v13 =	vadd.f32 v13, v9;
	v11 =	vmax.f32 v11, v14;
	v10 =	vmax.f32 v10, v15  }
0x29a: {  	v47 =	vld [tilespmem:s25+$0xFFFFFF50];
	v10 =	vsub.f32 v11, v10  }
0x29b: {  	v16 =	vld [tilespmem:s25+$0xFFFFFF60];
	v14 =	vmul.f32 $2.000000030e-01, v12;
	v15 =	vmul.f32 $2.000000030e-01, v13  }
0x29c: {  	v19 =	vld [tilespmem:s25+$0xFFFFFF80];
	v10 =	vmul.f32 $1.442695020e+00, v10  }
0x29d: {  	s14 =	simm.s32 $0x7750;
	v17 =	vld [tilespmem:s25+$0xFFFFFF90];
	v11 =	vmax.f32 v12, v14;
	v12 =	vmax.f32 v13, v15  }
0x29e: {  	v20 =	vld [tilespmem:s14+$0x0];
	v11 =	vsub.f32 v11, v12;
	(erf) = vpow2.f32 v10  }
0x29f: {  	s13 =	simm.s32 $0x21D0;
	v23 =	vld [tilespmem:s14+$0xFFFFFFF0]  }
0x2a0: {  	v21 =	vld [tilespmem:s13+$0x0];
	v11 =	vmul.f32 $1.442695020e+00, v11  }
0x2a1: {  	v22 =	vld [tilespmem:s13+$0xFFFFFF70]  }
0x2a2: {  	v18 =	vld [tilespmem:s25+$0xFFFFFFF0];
	(erf) = vpow2.f32 v11  }
0x2a3: {  	v24 =	vld [tilespmem:s25+$0xFFFFFFE0]  }
0x2a4: {  	v35 =	vld [tilespmem:s13+$0xFFFFFFC0]  }
0x2a5: {  	v30 =	vadd.f32 v20, v9;
	v29 =	vadd.f32 v21, v20;
	v20 =	vld [tilespmem:s13+$0xFFFFFF20]  }
0x2a6: {  	v59 =	vadd.f32 v22, v23;
	v21 =	vld [tilespmem:s13+$0xFFFFFF30]  }
0x2a7: {  	v22 =	vld [tilespmem:s13+$0xFFFFFF40];
	v60 =	vmul.f32 $2.000000030e-01, v30;
	v45 =	vpop (erf)  }
0x2a8: {  	v61 =	vadd.f32 v23, v9;
	v23 =	vld [tilespmem:s13+$0xFFFFFF50];
	v62 =	vmul.f32 $2.000000030e-01, v59;
	v27 =	vperm.xlane v45, v1  }
0x2a9: {  	v13 =	vld [tilespmem:s25+$0xFFFFFFB0];
	v28 =	vperm.xlane v45, v8;
	v26 =	vperm.xlane v45, v2  }
0x2aa: {  	v14 =	vld [tilespmem:s13+$0xFFFFFEF0];
	v25 =	vperm.xlane v45, v3;
	v38 =	vperm.xlane v45, v4  }
0x2ab: {  	v15 =	vld [tilespmem:s13+$0xFFFFFF00];
	v57 =	vpop (erf);
	v31 =	vmul.f32 v18, v28;
	v28 =	vmul.f32 $2.000000030e-01, v29  }
0x2ac: {  	v12 =	vld [tilespmem:s25+$0xFFFFFFA0];
	v39 =	vperm.xlane v45, v7;
	v58 =	vperm.xlane v57, v1  }
0x2ad: {  	v10 =	vld [tilespmem:s25+$0xFFFFFFC0];
	v48 =	vperm.xlane v57, v2;
	v28 =	vmax.f32 v29, v28;
	v29 =	vmax.f32 v30, v60  }
0x2ae: {  	v11 =	vld [tilespmem:s25+$0xFFFFFFD0];
	v49 =	vperm.xlane v57, v3;
	v30 =	vmul.f32 $2.000000030e-01, v61;
	v36 =	vsub.f32 v28, v29  }
0x2af: {  	v32 =	vmax.f32 v59, v62;
	v18 =	vld [tilespmem:s13+$0xFFFFFF10];
	v50 =	vperm.xlane v57, v4;
	v51 =	vperm.xlane v57, v5  }
0x2b0: {  	v52 =	vperm.xlane v57, v6;
	[tilespmem:s25+$0xFFFFFFF0] =	vst v31;
	v31 =	vld [tilespmem:s13+$0xFFFFFFB0];
	v37 =	vmax.f32 v61, v30;
	v36 =	vmul.f32 $1.442695020e+00, v36  }
0x2b1: {  	v53 =	vperm.xlane v57, v7;
	v40 =	vperm.xlane v57, v8;
	v28 =	vld [tilespmem:s13+$0xFFFFFF60];
	v63 =	vsub.f32 v32, v37  }
0x2b2: {  	v55 =	vmul.f32 v33, v58;
	v29 =	vld [tilespmem:s13+$0xFFFFFF80];
	(erf) = vpow2.f32 v36  }
0x2b3: {  	v48 =	vmul.f32 v34, v48;
	v30 =	vld [tilespmem:s13+$0xFFFFFF90];
	v54 =	vmul.f32 $1.442695020e+00, v63  }
0x2b4: {  	[tilespmem:s25+$0x0] =	vst v45;
	v46 =	vmul.f32 v41, v49;
	v43 =	vmul.f32 v43, v51;
	v32 =	vld [tilespmem:s13+$0xFFFFFFA0]  }
0x2b5: {  	[tilespmem:s25+$0xFFFFFF70] =	vst v57;
	v33 =	vld [tilespmem:s13+$0xFFFFFFD0];
	v44 =	vmul.f32 v44, v52;
	(erf) = vpow2.f32 v54  }
0x2b6: {  	v34 =	vld [tilespmem:s13+$0xFFFFFFE0];
	[tilespmem:s25+$0xFFFFFEF0] =	vst v55;
	v37 =	vperm.xlane v45, v5;
	v36 =	vperm.xlane v45, v6  }
0x2b7: {  	s15 =	simm.s32 $0x7770;
	s30 =	simm.s32 $0x21D0;
	s14 =	simm.s32 $0x34;
	v41 =	vld [tilespmem:s13+$0xFFFFFFF0];
	[tilespmem:s25+$0xFFFFFF00] =	vst v48;
	v45 =	vmul.f32 v42, v50;
	v42 =	vmul.f32 v47, v53  }
.LBB2_17:
0x2b8: {  	v47 =	vld [tilespmem:s15+$0x0];
	s13 =	sadd.s32 $0x120, s13;
	[tilespmem:s25+$0xFFFFFF10] =	vst v46;
	v40 =	vmul.f32 v16, v40;
	v46 =	vmul.f32 v19, v27;
	v16 =	vmovc v28;
	v19 =	vmov v29  }
0x2b9: {  	s14 =	sadd.s32 $0x2, s14;
	v29 =	vmul.f32 v17, v26;
	v17 =	vmovc v30;
	v28 =	vld [tilespmem:s13+$0x0];
	[tilespmem:s25+$0xFFFFFF20] =	vst v45;
	v45 =	vmul.f32 v12, v25;
	v12 =	vmov v32  }
0x2ba: {  	v37 =	vmul.f32 v10, v37;
	v10 =	vmovc v35;
	p2 =	slt.u32 s14, $0x62;
	v32 =	vmul.f32 v13, v38;
	v13 =	vmov v31;
	v30 =	vld [tilespmem:s13+$0xFFFFFF70];
	[tilespmem:s25+$0xFFFFFF30] =	vst v43  }
0x2bb: {  	v35 =	vmul.f32 v11, v36;
	v36 =	vmul.f32 v24, v39;
	v11 =	vmov v33;
	v31 =	vld [tilespmem:s15+$0xFFFFFFF0];
	v43 =	vpop (erf);
	[tilespmem:s25+$0xFFFFFF40] =	vst v44  }
0x2bc: {  	v24 =	vmov v34;
	v44 =	vld [tilespmem:s13+$0xFFFFFEF0];
	v27 =	vperm.xlane v43, v1;
	v33 =	vperm.xlane v43, v8;
	[tilespmem:s25+$0xFFFFFF50] =	vst v42  }
0x2bd: {  	v26 =	vperm.xlane v43, v2;
	v25 =	vperm.xlane v43, v3;
	v34 =	vld [tilespmem:s13+$0xFFFFFF00];
	[tilespmem:s25+$0xFFFFFF60] =	vst v40  }
0x2be: {  	v38 =	vadd.f32 v47, v9;
	v42 =	vld [tilespmem:s13+$0xFFFFFF10];
	v28 =	vadd.f32 v28, v47;
	v33 =	vmul.f32 v41, v33;
	v39 =	vpop (erf);
	[tilespmem:s25+$0xFFFFFF80] =	vst v46  }
0x2bf: {  	v41 =	vld [tilespmem:s13+$0xFFFFFF20];
	v46 =	vperm.xlane v39, v1;
	v47 =	vperm.xlane v39, v2;
	[tilespmem:s25+$0xFFFFFF90] =	vst v29  }
0x2c0: {  	v40 =	vmul.f32 $2.000000030e-01, v38;
	v29 =	vadd.f32 v30, v31;
	v48 =	vld [tilespmem:s13+$0xFFFFFF30];
	v30 =	vmul.f32 $2.000000030e-01, v28;
	[tilespmem:s30+$0xFFFFFFF0] =	vst v33  }
0x2c1: {  	v50 =	vperm.xlane v39, v3;
	v51 =	vperm.xlane v39, v4;
	v31 =	vadd.f32 v31, v9;
	v49 =	vld [tilespmem:s13+$0xFFFFFF40];
	[tilespmem:s25+$0xFFFFFFA0] =	vst v45  }
0x2c2: {  	v38 =	vmax.f32 v38, v40;
	v33 =	vmul.f32 $2.000000030e-01, v29;
	v52 =	vld [tilespmem:s13+$0xFFFFFF50];
	v30 =	vmax.f32 v28, v30;
	[tilespmem:s25+$0xFFFFFFB0] =	vst v32  }
0x2c3: {  	v53 =	vperm.xlane v39, v5;
	v32 =	vmul.f32 $2.000000030e-01, v31;
	v28 =	vld [tilespmem:s13+$0xFFFFFF60];
	v30 =	vsub.f32 v30, v38;
	[tilespmem:s25+$0xFFFFFFC0] =	vst v37  }
0x2c4: {  	v54 =	vperm.xlane v39, v6;
	v55 =	vperm.xlane v39, v7;
	v33 =	vmax.f32 v29, v33;
	v29 =	vld [tilespmem:s13+$0xFFFFFF80];
	[tilespmem:s25+$0xFFFFFFD0] =	vst v35  }
0x2c5: {  	v40 =	vperm.xlane v39, v8;
	v31 =	vmax.f32 v31, v32;
	v35 =	vmul.f32 $1.442695020e+00, v30;
	v30 =	vld [tilespmem:s13+$0xFFFFFF90];
	[tilespmem:s25+$0xFFFFFFE0] =	vst v36;
	s25 =	smov.u32 s30;
	s30 =	smov.u32 s13  }
0x2c6: {  	v38 =	vperm.xlane v43, v4;
	v37 =	vperm.xlane v43, v5;
	v33 =	vsub.f32 v33, v31;
	v32 =	vld [tilespmem:s13+$0xFFFFFFA0];
	[tilespmem:s25+$0xFFFFFF70] =	vst v39  }
0x2c7: {  	v36 =	vperm.xlane v43, v6;
	v31 =	vld [tilespmem:s13+$0xFFFFFFB0];
	(erf) = vpow2.f32 v35;
	[tilespmem:s25+$0x0] =	vst v43  }
.Ltmp8:
0x2c8: {  	v39 =	vperm.xlane v43, v7;
	v45 =	vmul.f32 $1.442695020e+00, v33;
	v35 =	vld [tilespmem:s13+$0xFFFFFFC0];
	(pc) =	sbr.rel @p2 .LBB2_17-.Ltmp8, $4  }
0x2c9: {  	v47 =	vmul.f32 v15, v47;
	v15 =	vmovc v34;
	v43 =	vmul.f32 v14, v46;
	v14 =	vmov v44;
	v33 =	vld [tilespmem:s13+$0xFFFFFFD0]  }
0x2ca: {  	v46 =	vmul.f32 v18, v50;
	v18 =	vmov v42;
	v34 =	vld [tilespmem:s13+$0xFFFFFFE0];
	(erf) = vpow2.f32 v45  }
0x2cb: {  	v45 =	vmul.f32 v20, v51;
	v20 =	vmovc v41;
	[tilespmem:s25+$0xFFFFFEF0] =	vst v43;
	v43 =	vmul.f32 v21, v53;
	v21 =	vmov v48  }
0x2cc: {  	s15 =	sadd.s32 $0x20, s15;
	v44 =	vmul.f32 v22, v54;
	v42 =	vmul.f32 v23, v55;
	v22 =	vmovc v49;
	v23 =	vmov v52;
	v41 =	vld [tilespmem:s13+$0xFFFFFFF0];
	[tilespmem:s25+$0xFFFFFF00] =	vst v47  }
0x2cd: {  	[tilespmem:s25+$0xFFFFFF10] =	vst v46  }
0x2ce: {  	[tilespmem:s25+$0xFFFFFF20] =	vst v45  }
0x2cf: {  	[tilespmem:s25+$0xFFFFFF30] =	vst v43  }
0x2d0: {  	v16 =	vmul.f32 v16, v40;
	[tilespmem:s25+$0xFFFFFF40] =	vst v44  }
0x2d1: {  	v19 =	vmul.f32 v19, v27;
	[tilespmem:s25+$0xFFFFFF50] =	vst v42  }
0x2d2: {  	v17 =	vmul.f32 v17, v26;
	[tilespmem:s25+$0xFFFFFF60] =	vst v16  }
0x2d3: {  	v12 =	vmul.f32 v12, v25;
	[tilespmem:s25+$0xFFFFFF80] =	vst v19  }
0x2d4: {  	v13 =	vmul.f32 v13, v38;
	[tilespmem:s25+$0xFFFFFF90] =	vst v17  }
0x2d5: {  	v10 =	vmul.f32 v10, v37;
	[tilespmem:s25+$0xFFFFFFA0] =	vst v12  }
0x2d6: {  	v11 =	vmul.f32 v11, v36;
	[tilespmem:s25+$0xFFFFFFB0] =	vst v13  }
0x2d7: {  	v12 =	vmul.f32 v24, v39;
	[tilespmem:s25+$0xFFFFFFC0] =	vst v10;
	v56 =	vpop (erf)  }
0x2d8: {  	[tilespmem:s25+$0xFFFFFFD0] =	vst v11;
	v27 =	vperm.xlane v56, v8;
	v13 =	vpop (erf)  }
0x2d9: {  	[tilespmem:s25+$0xFFFFFFE0] =	vst v12;
	v10 =	vperm.xlane v13, v1  }
0x2da: {  	[tilespmem:s30+$0x0] =	vst v56;
	v16 =	vmul.f32 v41, v27;
	v11 =	vperm.xlane v13, v2  }
0x2db: {  	v12 =	vperm.xlane v13, v3;
	[tilespmem:s30+$0xFFFFFF70] =	vst v13;
	v10 =	vmul.f32 v14, v10  }
0x2dc: {  	[tilespmem:s30+$0xFFFFFFF0] =	vst v16;
	v14 =	vperm.xlane v13, v4;
	v11 =	vmul.f32 v15, v11  }
0x2dd: {  	v15 =	vperm.xlane v13, v5;
	v12 =	vmul.f32 v18, v12;
	[tilespmem:s30+$0xFFFFFEF0] =	vst v10  }
0x2de: {  	v10 =	vperm.xlane v13, v6;
	v14 =	vmul.f32 v20, v14;
	[tilespmem:s30+$0xFFFFFF00] =	vst v11  }
0x2df: {  	v11 =	vperm.xlane v13, v7;
	v15 =	vmul.f32 v21, v15;
	[tilespmem:s30+$0xFFFFFF10] =	vst v12  }
0x2e0: {  	v12 =	vperm.xlane v13, v8;
	v10 =	vmul.f32 v22, v10;
	[tilespmem:s30+$0xFFFFFF20] =	vst v14  }
0x2e1: {  	v13 =	vperm.xlane v56, v1;
	v11 =	vmul.f32 v23, v11;
	[tilespmem:s30+$0xFFFFFF30] =	vst v15  }
0x2e2: {  	v14 =	vperm.xlane v56, v2;
	v12 =	vmul.f32 v28, v12;
	[tilespmem:s30+$0xFFFFFF40] =	vst v10  }
0x2e3: {  	v13 =	vmul.f32 v29, v13;
	v10 =	vperm.xlane v56, v3;
	[tilespmem:s30+$0xFFFFFF50] =	vst v11  }
0x2e4: {  	v11 =	vperm.xlane v56, v4;
	v14 =	vmul.f32 v30, v14;
	[tilespmem:s30+$0xFFFFFF60] =	vst v12  }
0x2e5: {  	v12 =	vperm.xlane v56, v5;
	[tilespmem:s30+$0xFFFFFF80] =	vst v13;
	v10 =	vmul.f32 v32, v10  }
0x2e6: {  	v13 =	vperm.xlane v56, v6;
	v11 =	vmul.f32 v31, v11;
	[tilespmem:s30+$0xFFFFFF90] =	vst v14  }
0x2e7: {  	v14 =	vperm.xlane v56, v7;
	v12 =	vmul.f32 v35, v12;
	[tilespmem:s30+$0xFFFFFFA0] =	vst v10  }
0x2e8: {  	v10 =	vmul.f32 v33, v13;
	[tilespmem:s30+$0xFFFFFFB0] =	vst v11  }
0x2e9: {  	v11 =	vmul.f32 v34, v14;
	[tilespmem:s30+$0xFFFFFFC0] =	vst v12  }
0x2ea: {  	[tilespmem:s30+$0xFFFFFFD0] =	vst v10  }
0x2eb: {  	s13 =	simm.s32 @p1 $0x2;
	[tilespmem:s30+$0xFFFFFFE0] =	vst v11  }
0x2ec: {  	[spmem:s2] =	stream.indirect.scatter.add.f32 [tilespmem:s10], [sflag:$0x3], $0x90, s9, s3, $0xb8;
	[tilespmem:$0x1E100] =	vst v63  }
0x2ed: {  	_ =	swait.ge @p1 [sflag:s13], $0x3840  }
0x2ee: {  	[sflag:s13] =	ssyncset.done @p1 $0x0  }
0x2ef: {  	[sflag:s13] =	ssyncadd.s32 @p1 $0xFFFFC7C0  }
0x2f0: {  	_ =	swait.ge @p1 [sflag:s13], $0x640  }
0x2f1: {  	[sflag:s13] =	ssyncset.done @p1 $0x0  }
0x2f2: {  	[sflag:s13] =	ssyncadd.s32 @p1 $0xFFFFF9C0;
	s13 =	simm.s32 @!p1 $0x3  }
0x2f3: {  	_ =	swait.ge @!p1 [sflag:s13], $0x1C20  }
0x2f4: {  	[sflag:s13] =	ssyncset.done @!p1 $0x0  }
0x2f5: {  	[sflag:s13] =	ssyncadd.s32 @!p1 $0xFFFFE3E0  }
0x2f6: {  	_ =	swait.ge @!p1 [sflag:s13], $0x1C20  }
0x2f7: {  	[sflag:s13] =	ssyncset.done @!p1 $0x0  }
0x2f8: {  	[sflag:s13] =	ssyncadd.s32 @!p1 $0xFFFFE3E0;
	s13 =	simm.s32 @!p1 $0x5  }
0x2f9: {  	_ =	swait.ge @!p1 [sflag:s13], $0xE0  }
0x2fa: {  	[sflag:s13] =	ssyncset.done @!p1 $0x0  }
0x2fb: {  	[sflag:s13] =	ssyncadd.s32 @!p1 $0xFFFFFF20  }
0x2fc: {  	v10 =	vld @!p1 [tilespmem:$0x70]  }
0x2fd: {  	v11 =	vld @!p1 [tilespmem:$0xA2]  }
0x2fe: {  	v12 =	vld @!p1 [tilespmem:$0x80]  }
0x2ff: {  	v13 =	vld @!p1 [tilespmem:$0xB2]  }
0x300: {  	v14 =	vld @!p1 [tilespmem:$0x90]  }
0x301: {  	[tilespmem:$0x8080] =	vst @!p1 v10;
	v10 =	vld @!p1 [tilespmem:$0xC2]  }
0x302: {  	[tilespmem:$0x80B8] =	vst @!p1 v11;
	v11 =	vld @!p1 [tilespmem:$0x92]  }
0x303: {  	[tilespmem:$0x8090] =	vst @!p1 v12;
	v12 =	vld @!p1 [tilespmem:$0xC4]  }
0x304: {  	[tilespmem:$0x80C8] =	vst @!p1 v13  }
0x305: {  	[tilespmem:$0x80A0] =	vst @!p1 v14  }
0x306: {  	[tilespmem:$0x80D8] =	vst @!p1 v10  }
0x307: {  	[tilespmem:$0x80A2] =	vst @!p1 v11  }
0x308: {  	s14 =	simm.s32 @!p1 $0x0;
	s15 =	simm.s32 @!p1 $0x380;
	s13 =	simm.s32 @!p1 $0x64;
	[tilespmem:$0x80DA] =	vst @!p1 v12  }
0x309: {  	[tilespmem:s15], [sflag:$0x1] =	stream.indirect.gather @!p1 [hbm4b:s6+s13], $0x90, s14, s13, $0xb8;
	[tilespmem:$0x1E100] =	vst v63  }
0x30a: {  	s25 =	simm.s32 @!p1 $0x7400;
	s15 =	simm.s32 @!p1 $0x70  }
0x30b: {  	[tilespmem:s25], [sflag:$0x1] =	stream.indirect.gather @!p1 [hbm4b:s5+s13], $0x10, s15, s13, $0xb8;
	[tilespmem:$0x1E100] =	vst v63  }
0x30c: {  	s13 =	simm.s32 @!p1 $0x2  }
0x30d: {  	_ =	swait.ge @!p1 [sflag:s13], $0x3840  }
0x30e: {  	[sflag:s13] =	ssyncset.done @!p1 $0x0  }
0x30f: {  	s15 =	sadd.s32 @!p1 s16, s24;
	[sflag:s13] =	ssyncadd.s32 @!p1 $0xFFFFC7C0  }
0x310: {  	s15 =	smul.u32 @!p1 $0x1C, s15;
	_ =	swait.ge @!p1 [sflag:s13], $0x640  }
0x311: {  	s25 =	simm.s32 $0x7A50;
	[sflag:s13] =	ssyncset.done @!p1 $0x0  }
0x312: {  	[sflag:s13] =	ssyncadd.s32 @!p1 $0xFFFFF9C0;
	s13 =	sadd.s32 @!p1 s1, s15;
	s15 =	simm.s32 @!p1 $0x2A0  }
0x313: {  	[tilespmem:s15], [sflag:$0x8] =	stream.linear.gather @!p1 [hbm4b:s13+s14], $0xE0, $0x38;
	[tilespmem:$0x1E100] =	vst v63  }
0x314: {  	s24 =	simm.s32 $0x3C50;
	v10 =	vld [tilespmem:s25+$0x0]  }
0x315: {  	v11 =	vld [tilespmem:s24+$0x80];
	_ =	sdelay $0x1  }
0x316: {  	v12 =	vld [tilespmem:s24+$0xFFFFFFF0]  }
0x317: {  	v13 =	vld [tilespmem:s25+$0xFFFFFFF0]  }
0x318: {  	v33 =	vld [tilespmem:s24+$0xFFFFFF70]  }
0x319: {  	v34 =	vld [tilespmem:s24+$0xFFFFFF80];
	v11 =	vadd.f32 v11, v10;
	v10 =	vadd.f32 v10, v9  }
0x31a: {  	v41 =	vld [tilespmem:s24+$0xFFFFFF90]  }
0x31b: {  	v42 =	vld [tilespmem:s24+$0xFFFFFFA0];
	v14 =	vmul.f32 $2.000000030e-01, v11;
	v15 =	vmul.f32 $2.000000030e-01, v10  }
0x31c: {  	v43 =	vld [tilespmem:s24+$0xFFFFFFB0];
	v12 =	vadd.f32 v12, v13  }
0x31d: {  	v44 =	vld [tilespmem:s24+$0xFFFFFFC0];
	v13 =	vadd.f32 v13, v9;
	v11 =	vmax.f32 v11, v14;
	v10 =	vmax.f32 v10, v15  }
0x31e: {  	v47 =	vld [tilespmem:s24+$0xFFFFFFD0];
	v10 =	vsub.f32 v11, v10  }
0x31f: {  	v16 =	vld [tilespmem:s24+$0xFFFFFFE0];
	v14 =	vmul.f32 $2.000000030e-01, v12;
	v15 =	vmul.f32 $2.000000030e-01, v13  }
0x320: {  	v19 =	vld [tilespmem:s24+$0x0];
	v10 =	vmul.f32 $1.442695020e+00, v10  }
0x321: {  	s30 =	simm.s32 $0x7A70;
	v17 =	vld [tilespmem:s24+$0x10];
	v11 =	vmax.f32 v12, v14;
	v12 =	vmax.f32 v13, v15  }
0x322: {  	s13 =	simm.s32 $0x3D70;
	v20 =	vld [tilespmem:s30+$0x0];
	v11 =	vsub.f32 v11, v12;
	(erf) = vpow2.f32 v10  }
0x323: {  	v21 =	vld [tilespmem:s13+$0x80]  }
0x324: {  	v22 =	vld [tilespmem:s13+$0xFFFFFFF0];
	v11 =	vmul.f32 $1.442695020e+00, v11  }
0x325: {  	v23 =	vld [tilespmem:s30+$0xFFFFFFF0]  }
0x326: {  	v18 =	vld [tilespmem:s24+$0x70];
	(erf) = vpow2.f32 v11  }
0x327: {  	v24 =	vld [tilespmem:s24+$0x60]  }
0x328: {  	v35 =	vld [tilespmem:s13+$0x40]  }
0x329: {  	v29 =	vadd.f32 v21, v20;
	v30 =	vadd.f32 v20, v9;
	v20 =	vld [tilespmem:s13+$0xFFFFFFA0]  }
0x32a: {  	v59 =	vadd.f32 v22, v23;
	v21 =	vld [tilespmem:s13+$0xFFFFFFB0]  }
0x32b: {  	v22 =	vld [tilespmem:s13+$0xFFFFFFC0];
	v60 =	vmul.f32 $2.000000030e-01, v30;
	v45 =	vpop (erf)  }
0x32c: {  	v61 =	vadd.f32 v23, v9;
	v23 =	vld [tilespmem:s13+$0xFFFFFFD0];
	v62 =	vmul.f32 $2.000000030e-01, v59;
	v27 =	vperm.xlane v45, v1  }
0x32d: {  	v13 =	vld [tilespmem:s24+$0x30];
	v28 =	vperm.xlane v45, v8;
	v26 =	vperm.xlane v45, v2  }
0x32e: {  	v14 =	vld [tilespmem:s13+$0xFFFFFF70];
	v25 =	vperm.xlane v45, v3;
	v38 =	vperm.xlane v45, v4  }
0x32f: {  	v15 =	vld [tilespmem:s13+$0xFFFFFF80];
	v57 =	vpop (erf);
	v31 =	vmul.f32 v18, v28;
	v28 =	vmul.f32 $2.000000030e-01, v29  }
0x330: {  	v12 =	vld [tilespmem:s24+$0x20];
	v39 =	vperm.xlane v45, v7;
	v58 =	vperm.xlane v57, v1  }
0x331: {  	v10 =	vld [tilespmem:s24+$0x40];
	v48 =	vperm.xlane v57, v2;
	v28 =	vmax.f32 v29, v28;
	v29 =	vmax.f32 v30, v60  }
0x332: {  	v11 =	vld [tilespmem:s24+$0x50];
	v49 =	vperm.xlane v57, v3;
	v30 =	vmul.f32 $2.000000030e-01, v61;
	v36 =	vsub.f32 v28, v29  }
0x333: {  	v32 =	vmax.f32 v59, v62;
	v18 =	vld [tilespmem:s13+$0xFFFFFF90];
	v50 =	vperm.xlane v57, v4;
	v51 =	vperm.xlane v57, v5  }
0x334: {  	v52 =	vperm.xlane v57, v6;
	[tilespmem:s24+$0x70] =	vst v31;
	v31 =	vld [tilespmem:s13+$0x30];
	v37 =	vmax.f32 v61, v30;
	v36 =	vmul.f32 $1.442695020e+00, v36  }
0x335: {  	v53 =	vperm.xlane v57, v7;
	v40 =	vperm.xlane v57, v8;
	v28 =	vld [tilespmem:s13+$0xFFFFFFE0];
	v63 =	vsub.f32 v32, v37  }
0x336: {  	v55 =	vmul.f32 v33, v58;
	v29 =	vld [tilespmem:s13+$0x0];
	(erf) = vpow2.f32 v36  }
0x337: {  	v48 =	vmul.f32 v34, v48;
	v30 =	vld [tilespmem:s13+$0x10];
	v54 =	vmul.f32 $1.442695020e+00, v63  }
0x338: {  	[tilespmem:s24+$0x80] =	vst v45;
	v46 =	vmul.f32 v41, v49;
	v43 =	vmul.f32 v43, v51;
	v32 =	vld [tilespmem:s13+$0x20]  }
0x339: {  	[tilespmem:s24+$0xFFFFFFF0] =	vst v57;
	v33 =	vld [tilespmem:s13+$0x50];
	v44 =	vmul.f32 v44, v52;
	(erf) = vpow2.f32 v54  }
0x33a: {  	v34 =	vld [tilespmem:s13+$0x60];
	[tilespmem:s24+$0xFFFFFF70] =	vst v55;
	v37 =	vperm.xlane v45, v5;
	v36 =	vperm.xlane v45, v6  }
0x33b: {  	s14 =	simm.s32 $0x2;
	s15 =	simm.s32 $0x7A90;
	s25 =	simm.s32 $0x3D70;
	v41 =	vld [tilespmem:s13+$0x70];
	[tilespmem:s24+$0xFFFFFF80] =	vst v48;
	v45 =	vmul.f32 v42, v50;
	v42 =	vmul.f32 v47, v53  }
.LBB2_19:
0x33c: {  	v47 =	vld [tilespmem:s15+$0x0];
	s13 =	sadd.s32 $0x120, s13;
	[tilespmem:s24+$0xFFFFFF90] =	vst v46;
	v40 =	vmul.f32 v16, v40;
	v46 =	vmul.f32 v19, v27;
	v16 =	vmovc v28;
	v19 =	vmov v29  }
0x33d: {  	s14 =	sadd.s32 $0x2, s14;
	v29 =	vmul.f32 v17, v26;
	v17 =	vmovc v30;
	v28 =	vld [tilespmem:s13+$0x80];
	[tilespmem:s24+$0xFFFFFFA0] =	vst v45;
	v45 =	vmul.f32 v12, v25;
	v12 =	vmov v32  }
0x33e: {  	v37 =	vmul.f32 v10, v37;
	v10 =	vmovc v35;
	p2 =	slt.u32 s14, $0x30;
	v32 =	vmul.f32 v13, v38;
	v13 =	vmov v31;
	v30 =	vld [tilespmem:s13+$0xFFFFFFF0];
	[tilespmem:s24+$0xFFFFFFB0] =	vst v43  }
0x33f: {  	v35 =	vmul.f32 v11, v36;
	v36 =	vmul.f32 v24, v39;
	v11 =	vmov v33;
	v31 =	vld [tilespmem:s15+$0xFFFFFFF0];
	v43 =	vpop (erf);
	[tilespmem:s24+$0xFFFFFFC0] =	vst v44  }
0x340: {  	v24 =	vmov v34;
	v44 =	vld [tilespmem:s13+$0xFFFFFF70];
	v27 =	vperm.xlane v43, v1;
	v33 =	vperm.xlane v43, v8;
	[tilespmem:s24+$0xFFFFFFD0] =	vst v42  }
0x341: {  	v26 =	vperm.xlane v43, v2;
	v25 =	vperm.xlane v43, v3;
	v34 =	vld [tilespmem:s13+$0xFFFFFF80];
	[tilespmem:s24+$0xFFFFFFE0] =	vst v40  }
0x342: {  	v38 =	vadd.f32 v47, v9;
	v42 =	vld [tilespmem:s13+$0xFFFFFF90];
	v28 =	vadd.f32 v28, v47;
	v33 =	vmul.f32 v41, v33;
	v39 =	vpop (erf);
	[tilespmem:s24+$0x0] =	vst v46  }
0x343: {  	v41 =	vld [tilespmem:s13+$0xFFFFFFA0];
	v46 =	vperm.xlane v39, v1;
	v47 =	vperm.xlane v39, v2;
	[tilespmem:s24+$0x10] =	vst v29  }
0x344: {  	v40 =	vmul.f32 $2.000000030e-01, v38;
	v29 =	vadd.f32 v30, v31;
	v48 =	vld [tilespmem:s13+$0xFFFFFFB0];
	v30 =	vmul.f32 $2.000000030e-01, v28;
	[tilespmem:s25+$0x70] =	vst v33  }
0x345: {  	v50 =	vperm.xlane v39, v3;
	v51 =	vperm.xlane v39, v4;
	v31 =	vadd.f32 v31, v9;
	v49 =	vld [tilespmem:s13+$0xFFFFFFC0];
	[tilespmem:s24+$0x20] =	vst v45  }
0x346: {  	v38 =	vmax.f32 v38, v40;
	v33 =	vmul.f32 $2.000000030e-01, v29;
	v52 =	vld [tilespmem:s13+$0xFFFFFFD0];
	v30 =	vmax.f32 v28, v30;
	[tilespmem:s24+$0x30] =	vst v32  }
0x347: {  	v53 =	vperm.xlane v39, v5;
	v32 =	vmul.f32 $2.000000030e-01, v31;
	v28 =	vld [tilespmem:s13+$0xFFFFFFE0];
	v30 =	vsub.f32 v30, v38;
	[tilespmem:s24+$0x40] =	vst v37  }
0x348: {  	v54 =	vperm.xlane v39, v6;
	v55 =	vperm.xlane v39, v7;
	v33 =	vmax.f32 v29, v33;
	v29 =	vld [tilespmem:s13+$0x0];
	[tilespmem:s24+$0x50] =	vst v35  }
0x349: {  	v40 =	vperm.xlane v39, v8;
	v31 =	vmax.f32 v31, v32;
	v35 =	vmul.f32 $1.442695020e+00, v30;
	v30 =	vld [tilespmem:s13+$0x10];
	[tilespmem:s24+$0x60] =	vst v36;
	s24 =	smov.u32 s25;
	s25 =	smov.u32 s13  }
0x34a: {  	v38 =	vperm.xlane v43, v4;
	v37 =	vperm.xlane v43, v5;
	v33 =	vsub.f32 v33, v31;
	v32 =	vld [tilespmem:s13+$0x20];
	[tilespmem:s24+$0xFFFFFFF0] =	vst v39  }
0x34b: {  	v36 =	vperm.xlane v43, v6;
	v31 =	vld [tilespmem:s13+$0x30];
	(erf) = vpow2.f32 v35;
	[tilespmem:s24+$0x80] =	vst v43  }
.Ltmp9:
0x34c: {  	v39 =	vperm.xlane v43, v7;
	v45 =	vmul.f32 $1.442695020e+00, v33;
	v35 =	vld [tilespmem:s13+$0x40];
	(pc) =	sbr.rel @p2 .LBB2_19-.Ltmp9, $4  }
0x34d: {  	v47 =	vmul.f32 v15, v47;
	v15 =	vmovc v34;
	v43 =	vmul.f32 v14, v46;
	v14 =	vmov v44;
	v33 =	vld [tilespmem:s13+$0x50]  }
0x34e: {  	v46 =	vmul.f32 v18, v50;
	v18 =	vmov v42;
	v34 =	vld [tilespmem:s13+$0x60];
	(erf) = vpow2.f32 v45  }
0x34f: {  	v45 =	vmul.f32 v20, v51;
	v20 =	vmovc v41;
	[tilespmem:s24+$0xFFFFFF70] =	vst v43;
	v43 =	vmul.f32 v21, v53;
	v21 =	vmov v48  }
0x350: {  	s15 =	sadd.s32 $0x20, s15;
	v44 =	vmul.f32 v22, v54;
	v42 =	vmul.f32 v23, v55;
	v22 =	vmovc v49;
	v23 =	vmov v52;
	v41 =	vld [tilespmem:s13+$0x70];
	[tilespmem:s24+$0xFFFFFF80] =	vst v47  }
0x351: {  	[tilespmem:s24+$0xFFFFFF90] =	vst v46  }
0x352: {  	[tilespmem:s24+$0xFFFFFFA0] =	vst v45  }
0x353: {  	[tilespmem:s24+$0xFFFFFFB0] =	vst v43  }
0x354: {  	v16 =	vmul.f32 v16, v40;
	[tilespmem:s24+$0xFFFFFFC0] =	vst v44  }
0x355: {  	v19 =	vmul.f32 v19, v27;
	[tilespmem:s24+$0xFFFFFFD0] =	vst v42  }
0x356: {  	v17 =	vmul.f32 v17, v26;
	[tilespmem:s24+$0xFFFFFFE0] =	vst v16  }
0x357: {  	v12 =	vmul.f32 v12, v25;
	[tilespmem:s24+$0x0] =	vst v19  }
0x358: {  	v13 =	vmul.f32 v13, v38;
	[tilespmem:s24+$0x10] =	vst v17  }
0x359: {  	v10 =	vmul.f32 v10, v37;
	[tilespmem:s24+$0x20] =	vst v12  }
0x35a: {  	v11 =	vmul.f32 v11, v36;
	[tilespmem:s24+$0x30] =	vst v13  }
0x35b: {  	v12 =	vmul.f32 v24, v39;
	[tilespmem:s24+$0x40] =	vst v10;
	v56 =	vpop (erf)  }
0x35c: {  	[tilespmem:s24+$0x50] =	vst v11;
	v27 =	vperm.xlane v56, v8;
	v13 =	vpop (erf)  }
0x35d: {  	[tilespmem:s24+$0x60] =	vst v12;
	v10 =	vperm.xlane v13, v1  }
0x35e: {  	[tilespmem:s25+$0x80] =	vst v56;
	v16 =	vmul.f32 v41, v27;
	v11 =	vperm.xlane v13, v2  }
0x35f: {  	v12 =	vperm.xlane v13, v3;
	[tilespmem:s25+$0xFFFFFFF0] =	vst v13;
	v10 =	vmul.f32 v14, v10  }
0x360: {  	[tilespmem:s25+$0x70] =	vst v16;
	v14 =	vperm.xlane v13, v4;
	v11 =	vmul.f32 v15, v11  }
0x361: {  	v15 =	vperm.xlane v13, v5;
	v12 =	vmul.f32 v18, v12;
	[tilespmem:s25+$0xFFFFFF70] =	vst v10  }
0x362: {  	v10 =	vperm.xlane v13, v6;
	v14 =	vmul.f32 v20, v14;
	[tilespmem:s25+$0xFFFFFF80] =	vst v11  }
0x363: {  	v11 =	vperm.xlane v13, v7;
	v15 =	vmul.f32 v21, v15;
	[tilespmem:s25+$0xFFFFFF90] =	vst v12  }
0x364: {  	v12 =	vperm.xlane v13, v8;
	v10 =	vmul.f32 v22, v10;
	[tilespmem:s25+$0xFFFFFFA0] =	vst v14  }
0x365: {  	v13 =	vperm.xlane v56, v1;
	v11 =	vmul.f32 v23, v11;
	[tilespmem:s25+$0xFFFFFFB0] =	vst v15  }
0x366: {  	v14 =	vperm.xlane v56, v2;
	v12 =	vmul.f32 v28, v12;
	[tilespmem:s25+$0xFFFFFFC0] =	vst v10  }
0x367: {  	v13 =	vmul.f32 v29, v13;
	v10 =	vperm.xlane v56, v3;
	[tilespmem:s25+$0xFFFFFFD0] =	vst v11  }
0x368: {  	v11 =	vperm.xlane v56, v4;
	v14 =	vmul.f32 v30, v14;
	[tilespmem:s25+$0xFFFFFFE0] =	vst v12  }
0x369: {  	v12 =	vperm.xlane v56, v5;
	[tilespmem:s25+$0x0] =	vst v13;
	v10 =	vmul.f32 v32, v10  }
0x36a: {  	v13 =	vperm.xlane v56, v6;
	v11 =	vmul.f32 v31, v11;
	[tilespmem:s25+$0x10] =	vst v14  }
0x36b: {  	v14 =	vperm.xlane v56, v7;
	v12 =	vmul.f32 v35, v12;
	[tilespmem:s25+$0x20] =	vst v10  }
0x36c: {  	v10 =	vmul.f32 v33, v13;
	[tilespmem:s25+$0x30] =	vst v11  }
0x36d: {  	v11 =	vmul.f32 v34, v14;
	[tilespmem:s25+$0x40] =	vst v12  }
0x36e: {  	[tilespmem:s25+$0x50] =	vst v10  }
0x36f: {  	s13 =	simm.s32 $0x7D70;
	[tilespmem:s25+$0x60] =	vst v11  }
0x370: {  	[spmem:s2] =	stream.indirect.scatter.add.f32 [tilespmem:s0], [sflag:$0x4], $0x90, s19, s3, $0xb8;
	[tilespmem:$0x1E100] =	vst v63  }
0x371: {  	s24 =	simm.s32 $0x58F0;
	v10 =	vld [tilespmem:s13+$0x0]  }
0x372: {  	v11 =	vld [tilespmem:s24+$0x0];
	_ =	sdelay $0x1  }
0x373: {  	v12 =	vld [tilespmem:s24+$0xFFFFFF70]  }
0x374: {  	v13 =	vld [tilespmem:s13+$0xFFFFFFF0]  }
0x375: {  	v33 =	vld [tilespmem:s24+$0xFFFFFEF0]  }
0x376: {  	v34 =	vld [tilespmem:s24+$0xFFFFFF00];
	v11 =	vadd.f32 v11, v10;
	v10 =	vadd.f32 v10, v9  }
0x377: {  	v41 =	vld [tilespmem:s24+$0xFFFFFF10]  }
0x378: {  	v42 =	vld [tilespmem:s24+$0xFFFFFF20];
	v14 =	vmul.f32 $2.000000030e-01, v11;
	v15 =	vmul.f32 $2.000000030e-01, v10  }
0x379: {  	v43 =	vld [tilespmem:s24+$0xFFFFFF30];
	v12 =	vadd.f32 v12, v13  }
0x37a: {  	v44 =	vld [tilespmem:s24+$0xFFFFFF40];
	v13 =	vadd.f32 v13, v9;
	v11 =	vmax.f32 v11, v14;
	v10 =	vmax.f32 v10, v15  }
0x37b: {  	v47 =	vld [tilespmem:s24+$0xFFFFFF50];
	v10 =	vsub.f32 v11, v10  }
0x37c: {  	v16 =	vld [tilespmem:s24+$0xFFFFFF60];
	v14 =	vmul.f32 $2.000000030e-01, v12;
	v15 =	vmul.f32 $2.000000030e-01, v13  }
0x37d: {  	v19 =	vld [tilespmem:s24+$0xFFFFFF80];
	v10 =	vmul.f32 $1.442695020e+00, v10  }
0x37e: {  	s14 =	simm.s32 $0x7D90;
	v17 =	vld [tilespmem:s24+$0xFFFFFF90];
	v11 =	vmax.f32 v12, v14;
	v12 =	vmax.f32 v13, v15  }
0x37f: {  	v20 =	vld [tilespmem:s14+$0x0];
	v11 =	vsub.f32 v11, v12;
	(erf) = vpow2.f32 v10  }
0x380: {  	s13 =	simm.s32 $0x5A10;
	v23 =	vld [tilespmem:s14+$0xFFFFFFF0]  }
0x381: {  	v21 =	vld [tilespmem:s13+$0x0];
	v11 =	vmul.f32 $1.442695020e+00, v11  }
0x382: {  	v22 =	vld [tilespmem:s13+$0xFFFFFF70]  }
0x383: {  	v18 =	vld [tilespmem:s24+$0xFFFFFFF0];
	(erf) = vpow2.f32 v11  }
0x384: {  	v24 =	vld [tilespmem:s24+$0xFFFFFFE0]  }
0x385: {  	v35 =	vld [tilespmem:s13+$0xFFFFFFC0]  }
0x386: {  	v30 =	vadd.f32 v20, v9;
	v29 =	vadd.f32 v21, v20;
	v20 =	vld [tilespmem:s13+$0xFFFFFF20]  }
0x387: {  	v59 =	vadd.f32 v22, v23;
	v21 =	vld [tilespmem:s13+$0xFFFFFF30]  }
0x388: {  	v22 =	vld [tilespmem:s13+$0xFFFFFF40];
	v60 =	vmul.f32 $2.000000030e-01, v30;
	v45 =	vpop (erf)  }
0x389: {  	v61 =	vadd.f32 v23, v9;
	v23 =	vld [tilespmem:s13+$0xFFFFFF50];
	v62 =	vmul.f32 $2.000000030e-01, v59;
	v27 =	vperm.xlane v45, v1  }
0x38a: {  	v13 =	vld [tilespmem:s24+$0xFFFFFFB0];
	v28 =	vperm.xlane v45, v8;
	v26 =	vperm.xlane v45, v2  }
0x38b: {  	v14 =	vld [tilespmem:s13+$0xFFFFFEF0];
	v25 =	vperm.xlane v45, v3;
	v38 =	vperm.xlane v45, v4  }
0x38c: {  	v15 =	vld [tilespmem:s13+$0xFFFFFF00];
	v57 =	vpop (erf);
	v31 =	vmul.f32 v18, v28;
	v28 =	vmul.f32 $2.000000030e-01, v29  }
0x38d: {  	v12 =	vld [tilespmem:s24+$0xFFFFFFA0];
	v39 =	vperm.xlane v45, v7;
	v58 =	vperm.xlane v57, v1  }
0x38e: {  	v10 =	vld [tilespmem:s24+$0xFFFFFFC0];
	v48 =	vperm.xlane v57, v2;
	v28 =	vmax.f32 v29, v28;
	v29 =	vmax.f32 v30, v60  }
0x38f: {  	v11 =	vld [tilespmem:s24+$0xFFFFFFD0];
	v49 =	vperm.xlane v57, v3;
	v30 =	vmul.f32 $2.000000030e-01, v61;
	v36 =	vsub.f32 v28, v29  }
0x390: {  	v32 =	vmax.f32 v59, v62;
	v18 =	vld [tilespmem:s13+$0xFFFFFF10];
	v50 =	vperm.xlane v57, v4;
	v51 =	vperm.xlane v57, v5  }
0x391: {  	v52 =	vperm.xlane v57, v6;
	[tilespmem:s24+$0xFFFFFFF0] =	vst v31;
	v31 =	vld [tilespmem:s13+$0xFFFFFFB0];
	v37 =	vmax.f32 v61, v30;
	v36 =	vmul.f32 $1.442695020e+00, v36  }
0x392: {  	v53 =	vperm.xlane v57, v7;
	v40 =	vperm.xlane v57, v8;
	v28 =	vld [tilespmem:s13+$0xFFFFFF60];
	v63 =	vsub.f32 v32, v37  }
0x393: {  	v55 =	vmul.f32 v33, v58;
	v29 =	vld [tilespmem:s13+$0xFFFFFF80];
	(erf) = vpow2.f32 v36  }
0x394: {  	v48 =	vmul.f32 v34, v48;
	v30 =	vld [tilespmem:s13+$0xFFFFFF90];
	v54 =	vmul.f32 $1.442695020e+00, v63  }
0x395: {  	[tilespmem:s24+$0x0] =	vst v45;
	v46 =	vmul.f32 v41, v49;
	v43 =	vmul.f32 v43, v51;
	v32 =	vld [tilespmem:s13+$0xFFFFFFA0]  }
0x396: {  	[tilespmem:s24+$0xFFFFFF70] =	vst v57;
	v33 =	vld [tilespmem:s13+$0xFFFFFFD0];
	v44 =	vmul.f32 v44, v52;
	(erf) = vpow2.f32 v54  }
0x397: {  	v34 =	vld [tilespmem:s13+$0xFFFFFFE0];
	[tilespmem:s24+$0xFFFFFEF0] =	vst v55;
	v37 =	vperm.xlane v45, v5;
	v36 =	vperm.xlane v45, v6  }
0x398: {  	s15 =	simm.s32 $0x7DB0;
	s25 =	simm.s32 $0x5A10;
	s14 =	simm.s32 $0x34;
	v41 =	vld [tilespmem:s13+$0xFFFFFFF0];
	[tilespmem:s24+$0xFFFFFF00] =	vst v48;
	v45 =	vmul.f32 v42, v50;
	v42 =	vmul.f32 v47, v53  }
.LBB2_21:
0x399: {  	v47 =	vld [tilespmem:s15+$0x0];
	s13 =	sadd.s32 $0x120, s13;
	[tilespmem:s24+$0xFFFFFF10] =	vst v46;
	v40 =	vmul.f32 v16, v40;
	v46 =	vmul.f32 v19, v27;
	v16 =	vmovc v28;
	v19 =	vmov v29  }
0x39a: {  	s14 =	sadd.s32 $0x2, s14;
	v29 =	vmul.f32 v17, v26;
	v17 =	vmovc v30;
	v28 =	vld [tilespmem:s13+$0x0];
	[tilespmem:s24+$0xFFFFFF20] =	vst v45;
	v45 =	vmul.f32 v12, v25;
	v12 =	vmov v32  }
0x39b: {  	v37 =	vmul.f32 v10, v37;
	v10 =	vmovc v35;
	p2 =	slt.u32 s14, $0x62;
	v32 =	vmul.f32 v13, v38;
	v13 =	vmov v31;
	v30 =	vld [tilespmem:s13+$0xFFFFFF70];
	[tilespmem:s24+$0xFFFFFF30] =	vst v43  }
0x39c: {  	v35 =	vmul.f32 v11, v36;
	v36 =	vmul.f32 v24, v39;
	v11 =	vmov v33;
	v31 =	vld [tilespmem:s15+$0xFFFFFFF0];
	v43 =	vpop (erf);
	[tilespmem:s24+$0xFFFFFF40] =	vst v44  }
0x39d: {  	v24 =	vmov v34;
	v44 =	vld [tilespmem:s13+$0xFFFFFEF0];
	v27 =	vperm.xlane v43, v1;
	v33 =	vperm.xlane v43, v8;
	[tilespmem:s24+$0xFFFFFF50] =	vst v42  }
0x39e: {  	v26 =	vperm.xlane v43, v2;
	v25 =	vperm.xlane v43, v3;
	v34 =	vld [tilespmem:s13+$0xFFFFFF00];
	[tilespmem:s24+$0xFFFFFF60] =	vst v40  }
0x39f: {  	v38 =	vadd.f32 v47, v9;
	v42 =	vld [tilespmem:s13+$0xFFFFFF10];
	v28 =	vadd.f32 v28, v47;
	v33 =	vmul.f32 v41, v33;
	v39 =	vpop (erf);
	[tilespmem:s24+$0xFFFFFF80] =	vst v46  }
0x3a0: {  	v41 =	vld [tilespmem:s13+$0xFFFFFF20];
	v46 =	vperm.xlane v39, v1;
	v47 =	vperm.xlane v39, v2;
	[tilespmem:s24+$0xFFFFFF90] =	vst v29  }
0x3a1: {  	v40 =	vmul.f32 $2.000000030e-01, v38;
	v29 =	vadd.f32 v30, v31;
	v48 =	vld [tilespmem:s13+$0xFFFFFF30];
	v30 =	vmul.f32 $2.000000030e-01, v28;
	[tilespmem:s25+$0xFFFFFFF0] =	vst v33  }
0x3a2: {  	v50 =	vperm.xlane v39, v3;
	v51 =	vperm.xlane v39, v4;
	v31 =	vadd.f32 v31, v9;
	v49 =	vld [tilespmem:s13+$0xFFFFFF40];
	[tilespmem:s24+$0xFFFFFFA0] =	vst v45  }
0x3a3: {  	v38 =	vmax.f32 v38, v40;
	v33 =	vmul.f32 $2.000000030e-01, v29;
	v52 =	vld [tilespmem:s13+$0xFFFFFF50];
	v30 =	vmax.f32 v28, v30;
	[tilespmem:s24+$0xFFFFFFB0] =	vst v32  }
0x3a4: {  	v53 =	vperm.xlane v39, v5;
	v32 =	vmul.f32 $2.000000030e-01, v31;
	v28 =	vld [tilespmem:s13+$0xFFFFFF60];
	v30 =	vsub.f32 v30, v38;
	[tilespmem:s24+$0xFFFFFFC0] =	vst v37  }
0x3a5: {  	v54 =	vperm.xlane v39, v6;
	v55 =	vperm.xlane v39, v7;
	v33 =	vmax.f32 v29, v33;
	v29 =	vld [tilespmem:s13+$0xFFFFFF80];
	[tilespmem:s24+$0xFFFFFFD0] =	vst v35  }
0x3a6: {  	v40 =	vperm.xlane v39, v8;
	v31 =	vmax.f32 v31, v32;
	v35 =	vmul.f32 $1.442695020e+00, v30;
	v30 =	vld [tilespmem:s13+$0xFFFFFF90];
	[tilespmem:s24+$0xFFFFFFE0] =	vst v36;
	s24 =	smov.u32 s25;
	s25 =	smov.u32 s13  }
0x3a7: {  	v38 =	vperm.xlane v43, v4;
	v37 =	vperm.xlane v43, v5;
	v33 =	vsub.f32 v33, v31;
	v32 =	vld [tilespmem:s13+$0xFFFFFFA0];
	[tilespmem:s24+$0xFFFFFF70] =	vst v39  }
0x3a8: {  	v36 =	vperm.xlane v43, v6;
	v31 =	vld [tilespmem:s13+$0xFFFFFFB0];
	(erf) = vpow2.f32 v35;
	[tilespmem:s24+$0x0] =	vst v43  }
.Ltmp10:
0x3a9: {  	v39 =	vperm.xlane v43, v7;
	v45 =	vmul.f32 $1.442695020e+00, v33;
	v35 =	vld [tilespmem:s13+$0xFFFFFFC0];
	(pc) =	sbr.rel @p2 .LBB2_21-.Ltmp10, $4  }
0x3aa: {  	v47 =	vmul.f32 v15, v47;
	v15 =	vmovc v34;
	v43 =	vmul.f32 v14, v46;
	v14 =	vmov v44;
	v33 =	vld [tilespmem:s13+$0xFFFFFFD0]  }
0x3ab: {  	v46 =	vmul.f32 v18, v50;
	v18 =	vmov v42;
	v34 =	vld [tilespmem:s13+$0xFFFFFFE0];
	(erf) = vpow2.f32 v45  }
0x3ac: {  	v45 =	vmul.f32 v20, v51;
	v20 =	vmovc v41;
	[tilespmem:s24+$0xFFFFFEF0] =	vst v43;
	v43 =	vmul.f32 v21, v53;
	v21 =	vmov v48  }
0x3ad: {  	s15 =	sadd.s32 $0x20, s15;
	v44 =	vmul.f32 v22, v54;
	v42 =	vmul.f32 v23, v55;
	v22 =	vmovc v49;
	v23 =	vmov v52;
	v41 =	vld [tilespmem:s13+$0xFFFFFFF0];
	[tilespmem:s24+$0xFFFFFF00] =	vst v47  }
0x3ae: {  	[tilespmem:s24+$0xFFFFFF10] =	vst v46  }
0x3af: {  	[tilespmem:s24+$0xFFFFFF20] =	vst v45  }
0x3b0: {  	[tilespmem:s24+$0xFFFFFF30] =	vst v43  }
0x3b1: {  	v16 =	vmul.f32 v16, v40;
	[tilespmem:s24+$0xFFFFFF40] =	vst v44  }
0x3b2: {  	v19 =	vmul.f32 v19, v27;
	[tilespmem:s24+$0xFFFFFF50] =	vst v42  }
0x3b3: {  	v17 =	vmul.f32 v17, v26;
	[tilespmem:s24+$0xFFFFFF60] =	vst v16  }
0x3b4: {  	v12 =	vmul.f32 v12, v25;
	[tilespmem:s24+$0xFFFFFF80] =	vst v19  }
0x3b5: {  	v13 =	vmul.f32 v13, v38;
	[tilespmem:s24+$0xFFFFFF90] =	vst v17  }
0x3b6: {  	v10 =	vmul.f32 v10, v37;
	[tilespmem:s24+$0xFFFFFFA0] =	vst v12  }
0x3b7: {  	v11 =	vmul.f32 v11, v36;
	[tilespmem:s24+$0xFFFFFFB0] =	vst v13  }
0x3b8: {  	v53 =	vmul.f32 v24, v39;
	[tilespmem:s24+$0xFFFFFFC0] =	vst v10;
	v50 =	vpop (erf)  }
0x3b9: {  	[tilespmem:s24+$0xFFFFFFD0] =	vst v11;
	v51 =	vperm.xlane v50, v8  }
0x3ba: {  	[tilespmem:s24+$0xFFFFFFE0] =	vst v53;
	v59 =	vperm.xlane v50, v1;
	v54 =	vpop (erf)  }
0x3bb: {  	[tilespmem:s25+$0x0] =	vst v50;
	v52 =	vmul.f32 v41, v51;
	v10 =	vperm.xlane v54, v1  }
0x3bc: {  	v13 =	vmul.f32 v29, v59;
	v11 =	vperm.xlane v54, v2;
	[tilespmem:s25+$0xFFFFFF70] =	vst v54  }
0x3bd: {  	v55 =	vperm.xlane v54, v3;
	[tilespmem:s25+$0xFFFFFFF0] =	vst v52;
	v10 =	vmul.f32 v14, v10  }
0x3be: {  	v56 =	vperm.xlane v54, v4;
	[tilespmem:s25+$0xFFFFFF80] =	vst v13;
	v11 =	vmul.f32 v15, v11  }
0x3bf: {  	v57 =	vperm.xlane v54, v5;
	v12 =	vmul.f32 v18, v55;
	[tilespmem:s25+$0xFFFFFEF0] =	vst v10  }
0x3c0: {  	v58 =	vperm.xlane v54, v8;
	v14 =	vmul.f32 v20, v56;
	[tilespmem:s25+$0xFFFFFF00] =	vst v11  }
0x3c1: {  	v15 =	vmul.f32 v21, v57;
	v10 =	vperm.xlane v54, v6;
	[tilespmem:s25+$0xFFFFFF10] =	vst v12  }
0x3c2: {  	v11 =	vperm.xlane v54, v7;
	[tilespmem:s25+$0xFFFFFF20] =	vst v14;
	v12 =	vmul.f32 v28, v58  }
0x3c3: {  	v60 =	vperm.xlane v50, v2;
	[tilespmem:s25+$0xFFFFFF30] =	vst v15;
	v10 =	vmul.f32 v22, v10  }
0x3c4: {  	v61 =	vperm.xlane v50, v5;
	v11 =	vmul.f32 v23, v11;
	[tilespmem:s25+$0xFFFFFF60] =	vst v12  }
0x3c5: {  	v14 =	vmul.f32 v30, v60;
	[tilespmem:s25+$0xFFFFFF40] =	vst v10;
	v10 =	vperm.xlane v50, v3  }
0x3c6: {  	v12 =	vmul.f32 v35, v61;
	[tilespmem:s25+$0xFFFFFF50] =	vst v11;
	v11 =	vperm.xlane v50, v4  }
0x3c7: {  	v62 =	vperm.xlane v50, v6;
	[tilespmem:s25+$0xFFFFFF90] =	vst v14;
	v10 =	vmul.f32 v32, v10  }
0x3c8: {  	v63 =	vperm.xlane v50, v7;
	[tilespmem:s25+$0xFFFFFFC0] =	vst v12;
	v11 =	vmul.f32 v31, v11  }
.Ltmp11:
0x3c9: {  	[tilespmem:s25+$0xFFFFFFA0] =	vst v10;
	v10 =	vmul.f32 v33, v62;
	(pc) =	sbr.rel @p1 .LBB2_24-.Ltmp11, $4  }
0x3ca: {  	[tilespmem:s25+$0xFFFFFFB0] =	vst v11;
	v11 =	vmul.f32 v34, v63  }
0x3cb: {  	[tilespmem:s25+$0xFFFFFFD0] =	vst v10  }
0x3cc: {  	[tilespmem:s25+$0xFFFFFFE0] =	vst v11  }
0x3cd: {  	[spmem:s2] =	stream.indirect.scatter.add.f32 [tilespmem:s18], [sflag:$0x4], $0x90, s8, s3, $0xb8;
	[tilespmem:$0x1E100] =	vst v63  }
0x3ce: {  	_ =	swait.ge [sflag:s22], $0x1C20  }
0x3cf: {  	[sflag:s22] =	ssyncset.done $0x0  }
0x3d0: {  	[sflag:s22] =	ssyncadd.s32 $0xFFFFE3E0  }
0x3d1: {  	_ =	swait.ge [sflag:s22], $0x1C20  }
0x3d2: {  	[sflag:s22] =	ssyncset.done $0x0  }
0x3d3: {  	[sflag:s22] =	ssyncadd.s32 $0xFFFFE3E0  }
0x3d4: {  	_ =	swait.ge [sflag:s31], $0xE0  }
0x3d5: {  	[sflag:s31] =	ssyncset.done $0x0  }
0x3d6: {  	[sflag:s31] =	ssyncadd.s32 $0xFFFFFF20  }
0x3d7: {  	v10 =	vld [tilespmem:$0x230]  }
0x3d8: {  	v11 =	vld [tilespmem:$0x262]  }
0x3d9: {  	v12 =	vld [tilespmem:$0x240]  }
0x3da: {  	v13 =	vld [tilespmem:$0x272]  }
0x3db: {  	v14 =	vld [tilespmem:$0x250]  }
0x3dc: {  	[tilespmem:$0x80F0] =	vst v10;
	v10 =	vld [tilespmem:$0x282]  }
0x3dd: {  	[tilespmem:$0x8128] =	vst v11;
	v11 =	vld [tilespmem:$0x252]  }
0x3de: {  	v63 =	vld [tilespmem:$0x284];
	[tilespmem:$0x8100] =	vst v12  }
0x3df: {  	[tilespmem:$0x8138] =	vst v13  }
0x3e0: {  	[tilespmem:$0x8110] =	vst v14  }
0x3e1: {  	[tilespmem:$0x8148] =	vst v10  }
.Ltmp12:
0x3e2: {  	[tilespmem:$0x8112] =	vst v11;
	(pc) =	sbr.rel .LBB2_6-.Ltmp12, $4  }
0x3e3: {  	s13 =	simm.s32 $0x1C0;
	[tilespmem:$0x814A] =	vst v63  }
0x3e4: {  	[tilespmem:s0], [sflag:$0x2] =	stream.indirect.gather [hbm4b:s6+s28], $0x90, s13, s28, $0xb8;
	[tilespmem:$0x1E100] =	vst v63  }
0x3e5: {  	s30 =	simm.s32 $0x230;
	s23 =	sadd.s32 $0x1, s23  }
0x3e6: {  	[tilespmem:s29], [sflag:$0x2] =	stream.indirect.gather [hbm4b:s5+s28], $0x10, s30, s28, $0xb8;
	[tilespmem:$0x1E100] =	vst v63  }
.LBB2_24:
0x3e7: {  	_ =	swait.ge [sflag:s11], $0x1C20  }
0x3e8: {  	[sflag:s11] =	ssyncset.done $0x0  }
0x3e9: {  	[sflag:s11] =	ssyncadd.s32 $0xFFFFE3E0  }
0x3ea: {  	_ =	swait.ge [sflag:s11], $0x1C20  }
0x3eb: {  	[sflag:s11] =	ssyncset.done $0x0  }
0x3ec: {  	[sflag:s11] =	ssyncadd.s32 $0xFFFFE3E0  }
0x3ed: {  	_ =	swait.ge [sflag:s22], $0x1C20  }
0x3ee: {  	[sflag:s22] =	ssyncset.done $0x0  }
0x3ef: {  	[sflag:s22] =	ssyncadd.s32 $0xFFFFE3E0  }
0x3f0: {  	_ =	swait.ge [sflag:s22], $0x1C20  }
0x3f1: {  	[sflag:s22] =	ssyncset.done $0x0  }
0x3f2: {  	[sflag:s22] =	ssyncadd.s32 $0xFFFFE3E0  }
0x3f3: {  	s13 =	stileid.u32;
	[bflag:$0x0] =	sbarrier.arrive $0xFFFF  }
.Ltmp13:
0x3f4: {  	s13 =	sshll.u32 s13, $0x6;
	s15 =	rddreg [dreg:$0xe];
	(pc) =	sbr.rel @!p0 .LBB2_26-.Ltmp13, $4  }
0x3f5: {  	s13 =	sor.u32 $0x1C09, s13;
	s23 =	rddreg [dreg:$0xf];
	s14 =	sshrl.u32 s15, $0x3  }
0x3f6: {  	[hbm:s23], [sflag:s13] =	dma.local [spmem:s14], $0x120  }
0x3f7: {  	s14 =	rddreg [dreg:$0x5]  }
0x3f8: {  	s15 =	sadd.s32 $0x9000, s15;
	_ =	swait.ge [sflag:s21], $0x120;
	s14 =	sadd.s32 $0xFFFFFFFF, s14  }
.LBB2_25:
0x3f9: {  	[sflag:s21] =	ssyncset.done $0x0;
	s23 =	sadd.s32 $0x1200, s23;
	p0 =	sne.s32 s14, $0x1  }
.Ltmp14:
0x3fa: {  	s24 =	sshrl.u32 s15, $0x3;
	[sflag:s21] =	ssyncadd.s32 $0xFFFFFEE0;
	(pc) =	sbr.rel @p0 .LBB2_25-.Ltmp14, $3  }
0x3fb: {  	[hbm:s23], [sflag:s13] =	dma.local [spmem:s24], $0x120  }
0x3fc: {  	s14 =	sadd.s32 $0xFFFFFFFF, s14;
	_ =	sdelay $0x1  }
0x3fd: {  	s15 =	sadd.s32 $0x9000, s15;
	_ =	swait.ge [sflag:s21], $0x120  }
.LBB2_26:
0x3fe: {  	s14 =	rddreg [dreg:$0x10]  }
0x3ff: {  	s13 =	rddreg [dreg:$0xd];
	s14 =	sadd.s32 $0x1, s14  }
0x400: {  	p0 =	sne.s32 s14, s13  }
.Ltmp15:
0x401: {  	_ = 	snop;
	(pc) =	sbr.rel @p0 .LBB2_1-.Ltmp15, $3  }
0x402: {  	_ =	sdelay $0x1  }
0x403: {  	[sflag:s21] =	ssyncset.done $0x0  }
0x404: {  	[sflag:s21] =	ssyncadd.s32 $0xFFFFFEE0  }
0x405: {  	_ =	sfence.sel $0x180000  }
0x406: {  	[bflag:$0x0] =	sbarrier.arrive $0xFFFF  }
0x407: {  	_ =	strace $0x90000047  }
0x408: {  	s0 =	stileid.u32;
	[bflag:$0x2] =	sbarrier.arrive $0xFFFF  }
0x409: {  	p0 =	sne.s32 s0, $0x0;
	s0 =	rddreg [dreg:$0x3]  }
0x40a: {  	s0 =	sadd.s32 @!p0 $0x100000, s0  }
0x40b: {  	[sflag:s0] =	ssyncadd.tile.s32 @!p0 $0x1;
	_ =	shalt  }
.Lfunc_end2:
_tile_overlayer_lowered:
.L_overlay_start_2:
0x40c: {  	(tag) =	ssettag $0x2  }
0x40d: {  	s0 =	rddreg [dreg:$0x0];
	s2 =	stileid.u32  }
0x40e: {  	s1 =	rddreg [dreg:$0x1];
	p0 =	sne.s32 s2, $0x0  }
0x40f: {  	s3 =	rddreg [dreg:$0x2];
	[bflag:$0x3] =	sbarrier.arrive $0xFFFF;
	s2 =	simm.s32 @!p0 $0x1C09  }
0x410: {  	[timem:s3], [sflag:s2] =	dma.local @!p0 [hbm:s0], s1  }
0x411: {  	s0 =	simm.s32 @!p0 $0x9  }
0x412: {  	_ =	swait.ge @!p0 [sflag:s0], s1  }
0x413: {  	s1 =	ssub.s32 @!p0 $0x0, s1;
	[sflag:s0] =	ssyncset.done @!p0 $0x0  }
0x414: {  	[sflag:s0] =	ssyncadd.s32 @!p0 s1  }
0x415: {  	[bflag:$0x3] =	sbarrier.arrive $0xFFFF  }
0x416: {  	_ =	shalt  }

</sc_bundles>
